<compile_context>
chip_gen: v7x
topology: tpu7x:2x2x1
jax: 0.10.2.dev20260603
libtpu: 0.0.44.dev20260713+nightly
codegen_flags: <defaults>
</compile_context>

<pallas_src>
import jax
import jax.numpy as jnp
import numpy as np
from jax import lax
from jax.experimental import pallas as pl
from jax.experimental.pallas import tpu as pltpu
from jax.experimental.pallas import tpu_sc as plsc

N = 10000
E = 320000
IN = 128
HID = 256
OUT = 64

NC = 2
NS = 16
NW = NC * NS
K = 128
CPT = 80
E_PAD = NW * CPT * K
N_PAD = 10240
RPS = N_PAD // NS

_mesh = plsc.VectorSubcoreMesh(core_axis_name="c", subcore_axis_name="s")


def _fill_rows(ref, nrows, width, value):
  def body(i, _):
    for k in range(width // 16):
      ref[i, pl.ds(k * 16, 16)] = jnp.full((16,), value, jnp.float32)
    return 0
  lax.fori_loop(0, nrows, body, 0, unroll=2)


def _make_degree_kernel():

  def body(dst_hbm, out_hbm, dst_v, deg_v):
    c = lax.axis_index("c")
    s = lax.axis_index("s")
    wid = c * NS + s
    pltpu.sync_copy(dst_hbm.at[pl.ds(wid * CPT, CPT)], dst_v)

    def zero(i, _):
      deg_v[pl.ds(i * 16, 16)] = jnp.zeros((16,), jnp.float32)
      return 0

    lax.fori_loop(0, N_PAD // 16, zero, 0, unroll=4)
    ones = jnp.ones((16,), jnp.float32)

    def step(r, _):
      for k in range(K // 16):
        idx = dst_v[r, pl.ds(k * 16, 16)]
        plsc.addupdate_scatter(deg_v, [idx], ones)
      return 0

    lax.fori_loop(0, CPT, step, 0)
    pltpu.sync_copy(deg_v, out_hbm.at[c, s])

  return pl.kernel(
      body,
      out_type=jax.ShapeDtypeStruct((NC, NS, N_PAD), jnp.float32),
      mesh=_mesh,
      compiler_params=pltpu.CompilerParams(needs_layout_passes=False),
      scratch_types=[
          pltpu.VMEM((CPT, K), jnp.int32),
          pltpu.VMEM((N_PAD,), jnp.float32),
      ],
  )


def _make_spmm_kernel(D):

  def body(table_hbm, src_hbm, dst_hbm, out_hbm,
           src_v, dst_v, rows_v, acc_sh,
           gs0, gs1, gs2, gs3, ss0, ss1, ss2, ss3):
    c = lax.axis_index("c")
    s = lax.axis_index("s")
    wid = c * NS + s
    gsems = (gs0, gs1, gs2, gs3)
    ssems = (ss0, ss1, ss2, ss3)
    pltpu.sync_copy(src_hbm.at[pl.ds(wid * CPT, CPT)], src_v)
    pltpu.sync_copy(dst_hbm.at[pl.ds(wid * CPT, CPT)], dst_v)
    _fill_rows(rows_v.at[0], K, D, 0.0)
    for t in range(RPS // K):
      pltpu.sync_copy(rows_v.at[0], acc_sh.at[pl.ds(s * RPS + t * K, K)])
    for u in range(4):
      pltpu.async_copy(table_hbm.at[src_v.at[u]], rows_v.at[u], gsems[u])
    plsc.subcore_barrier()

    def step(jj, _):
      for u in range(4):
        j = jj * 4 + u
        pltpu.make_async_copy(table_hbm.at[src_v.at[j]],
                              rows_v.at[u], gsems[u]).wait()
        pltpu.async_copy(rows_v.at[u], acc_sh.at[dst_v.at[j]], ssems[u],
                         add=True)
        u2 = (u + 2) % 4

        @pl.when(jnp.logical_and(j >= 2, j + 2 < CPT))
        def _():
          pltpu.make_async_copy(rows_v.at[u2], acc_sh.at[dst_v.at[0]],
                                ssems[u2]).wait()
          pltpu.async_copy(table_hbm.at[src_v.at[j + 2]], rows_v.at[u2],
                           gsems[u2])
      return 0

    lax.fori_loop(0, CPT // 4, step, 0)
    for u in range(4):
      pltpu.make_async_copy(rows_v.at[u], acc_sh.at[dst_v.at[0]],
                            ssems[u]).wait()
    plsc.subcore_barrier()
    pltpu.sync_copy(acc_sh.at[pl.ds(s * RPS, RPS)],
                    out_hbm.at[c, pl.ds(s * RPS, RPS)])

  return pl.kernel(
      body,
      out_type=jax.ShapeDtypeStruct((NC, N_PAD, D), jnp.float32),
      mesh=_mesh,
      compiler_params=pltpu.CompilerParams(use_tc_tiling_on_sc=False),
      scratch_types=[
          pltpu.VMEM((CPT, K), jnp.int32),
          pltpu.VMEM((CPT, K), jnp.int32),
          pltpu.VMEM((4, K, D), jnp.float32),
          pltpu.VMEM_SHARED((N_PAD, D), jnp.float32),
          pltpu.SemaphoreType.DMA,
          pltpu.SemaphoreType.DMA,
          pltpu.SemaphoreType.DMA,
          pltpu.SemaphoreType.DMA,
          pltpu.SemaphoreType.DMA,
          pltpu.SemaphoreType.DMA,
          pltpu.SemaphoreType.DMA,
          pltpu.SemaphoreType.DMA,
      ],
  )


_degree = _make_degree_kernel()
_spmm = _make_spmm_kernel(OUT)

_BLK = 1024
_GRID = N_PAD // _BLK

_PAD_IDX = N + np.arange(E_PAD - E, dtype=np.int32) % (N_PAD - N)


def _scale_body(degp_ref, x_ref, xsa_ref, xsb_ref, dinv_ref):
  deg = jnp.sum(degp_ref[:], axis=0)[:, None] + 1.0
  dinv = lax.rsqrt(deg)
  dinv_ref[:] = jnp.broadcast_to(dinv, dinv_ref.shape)
  xs = x_ref[:] * dinv
  xsa_ref[:] = xs[:, :OUT]
  xsb_ref[:] = xs[:, OUT:]


_scale = pl.pallas_call(
    _scale_body,
    grid=(_GRID,),
    in_specs=[
        pl.BlockSpec((NW, _BLK), lambda i: (0, i)),
        pl.BlockSpec((_BLK, IN), lambda i: (i, 0)),
    ],
    out_specs=[
        pl.BlockSpec((_BLK, OUT), lambda i: (i, 0)),
        pl.BlockSpec((_BLK, OUT), lambda i: (i, 0)),
        pl.BlockSpec((_BLK, 8), lambda i: (i, 0)),
    ],
    out_shape=[
        jax.ShapeDtypeStruct((N_PAD, OUT), jnp.float32),
        jax.ShapeDtypeStruct((N_PAD, OUT), jnp.float32),
        jax.ShapeDtypeStruct((N_PAD, 8), jnp.float32),
    ],
)


def _dense_body(acca_ref, accb_ref, xsa_ref, xsb_ref, dinv_ref,
                w1_ref, b1_ref, w2_ref, ts_ref):
  dinv = dinv_ref[:, 0:1]
  agga = (acca_ref[0] + acca_ref[1] + xsa_ref[:]) * dinv
  aggb = (accb_ref[0] + accb_ref[1] + xsb_ref[:]) * dinv
  h = (jnp.dot(agga, w1_ref[:OUT], preferred_element_type=jnp.float32)
       + jnp.dot(aggb, w1_ref[OUT:], preferred_element_type=jnp.float32)
       + b1_ref[:])
  h = jnp.maximum(h, 0.0)
  t = jnp.dot(h, w2_ref[:], preferred_element_type=jnp.float32)
  ts_ref[:] = t * dinv


_dense = pl.pallas_call(
    _dense_body,
    grid=(_GRID,),
    in_specs=[
        pl.BlockSpec((NC, _BLK, OUT), lambda i: (0, i, 0)),
        pl.BlockSpec((NC, _BLK, OUT), lambda i: (0, i, 0)),
        pl.BlockSpec((_BLK, OUT), lambda i: (i, 0)),
        pl.BlockSpec((_BLK, OUT), lambda i: (i, 0)),
        pl.BlockSpec((_BLK, 8), lambda i: (i, 0)),
        pl.BlockSpec((IN, HID), lambda i: (0, 0)),
        pl.BlockSpec((1, HID), lambda i: (0, 0)),
        pl.BlockSpec((HID, OUT), lambda i: (0, 0)),
    ],
    out_specs=pl.BlockSpec((_BLK, OUT), lambda i: (i, 0)),
    out_shape=jax.ShapeDtypeStruct((N_PAD, OUT), jnp.float32),
)


def _final_body(acc_ref, ts_ref, dinv_ref, b2_ref, out_ref):
  dinv = dinv_ref[:, 0:1]
  out_ref[:] = (acc_ref[0] + acc_ref[1] + ts_ref[:]) * dinv + b2_ref[:]


_final = pl.pallas_call(
    _final_body,
    grid=(_GRID,),
    in_specs=[
        pl.BlockSpec((NC, _BLK, OUT), lambda i: (0, i, 0)),
        pl.BlockSpec((_BLK, OUT), lambda i: (i, 0)),
        pl.BlockSpec((_BLK, 8), lambda i: (i, 0)),
        pl.BlockSpec((1, OUT), lambda i: (0, 0)),
    ],
    out_specs=pl.BlockSpec((_BLK, OUT), lambda i: (i, 0)),
    out_shape=jax.ShapeDtypeStruct((N_PAD, OUT), jnp.float32),
)


@jax.jit
def kernel(x, edge_index, W1, b1, W2, b2):
  src = edge_index[0]
  dst = edge_index[1]
  pad = jnp.asarray(_PAD_IDX)
  srcp = jnp.concatenate([src, pad]).reshape(NW * CPT, K)
  dstp = jnp.concatenate([dst, pad]).reshape(NW * CPT, K)
  x_pad = jnp.pad(x, ((0, N_PAD - N), (0, 0)))

  degp = _degree(dstp).reshape(NW, N_PAD)
  xsa, xsb, dinv = _scale(degp, x_pad)
  acca = _spmm(xsa, srcp, dstp)
  accb = _spmm(xsb, srcp, dstp)
  ts = _dense(acca, accb, xsa, xsb, dinv, W1, b1.reshape(1, HID), W2)
  acc2 = _spmm(ts, srcp, dstp)
  outp = _final(acc2, ts, dinv, b2.reshape(1, OUT))
  return outp[:N]

# --- scband reference (transcript-rebuilt; emitter-appended) ---
"""Pipeline reference for scband-gcn-8856222564574 (READ-ONLY COPY).

The authoritative reference and input builder live on the scoring server;
editing this copy changes nothing except your own understanding.
"""

import jax, jax.numpy as jnp
import numpy as np

N = 10000
E = 320000
IN = 128
HID = 256
OUT = 64


def _gcn_conv(x, W, b, src, dst):
    n = x.shape[0]
    # add self loops (PyG GCNConv default add_self_loops=True)
    loop = jnp.arange(n, dtype=src.dtype)
    s = jnp.concatenate([src, loop])
    d = jnp.concatenate([dst, loop])
    ew = jnp.ones(s.shape[0], dtype=x.dtype)
    # symmetric normalization: deg computed over dst (col)
    deg = jax.ops.segment_sum(ew, d, num_segments=n)
    dinv = jnp.where(deg > 0, 1.0 / jnp.sqrt(deg), 0.0)
    norm = dinv[s] * dinv[d]
    h = x @ W
    msg = h[s] * norm[:, None]
    out = jax.ops.segment_sum(msg, d, num_segments=n)
    return out + b


def setup_inputs(seed: int = 0):
    key = jax.random.key(seed)
    k1, k2, k3, k4, k5, k6 = jax.random.split(key, 6)
    x = jax.random.normal(k1, (N, IN), dtype=jnp.float32)
    edge_index = jax.random.randint(k2, (2, E), 0, N, dtype=jnp.int32)
    W1 = jax.random.normal(k3, (IN, HID), dtype=jnp.float32) * (1.0 / np.sqrt(IN))
    b1 = jnp.zeros((HID,), dtype=jnp.float32)
    W2 = jax.random.normal(k4, (HID, OUT), dtype=jnp.float32) * (1.0 / np.sqrt(HID))
    b2 = jnp.zeros((OUT,), dtype=jnp.float32)
    return {"x": x, "edge_index": edge_index, "W1": W1, "b1": b1, "W2": W2, "b2": b2}


def reference(x, edge_index, W1, b1, W2, b2):
    # eval mode: dropout(p=0.5, training=False) is identity
    src = edge_index[0]
    dst = edge_index[1]
    h = jax.nn.relu(_gcn_conv(x, W1, b1, src, dst))
    out = _gcn_conv(h, W2, b2, src, dst)
    return out

if __name__ == "__main__":
    import jax
    _d = setup_inputs()
    print(jax.jit(kernel)(*tuple(_d.values())))

</pallas_src>

<mosaic_0001>
#map = affine_map<(d0, d1) -> (0, 0)>
#map1 = affine_map<(d0, d1) -> (0, 0, 0)>
module attributes {stable_mosaic.version = 14 : i64} {
  func.func @body(%arg0: i32, %arg1: i32, %arg2: memref<10240x64xf32, #tpu.memory_space<hbm>>, %arg3: memref<2560x128xi32, #tpu.memory_space<hbm>>, %arg4: memref<2560x128xi32, #tpu.memory_space<hbm>>, %arg5: memref<2x10240x64xf32, #tpu.memory_space<hbm>>, %arg6: memref<80x128xi32, #tpu.memory_space<vmem>>, %arg7: memref<80x128xi32, #tpu.memory_space<vmem>>, %arg8: memref<4x128x64xf32, #tpu.memory_space<vmem>>, %arg9: memref<10240x64xf32, #tpu.memory_space<vmem_shared>>, %arg10: memref<!tpu.dma_semaphore, #tpu.memory_space<semaphore_mem>>, %arg11: memref<!tpu.dma_semaphore, #tpu.memory_space<semaphore_mem>>, %arg12: memref<!tpu.dma_semaphore, #tpu.memory_space<semaphore_mem>>, %arg13: memref<!tpu.dma_semaphore, #tpu.memory_space<semaphore_mem>>, %arg14: memref<!tpu.dma_semaphore, #tpu.memory_space<semaphore_mem>>, %arg15: memref<!tpu.dma_semaphore, #tpu.memory_space<semaphore_mem>>, %arg16: memref<!tpu.dma_semaphore, #tpu.memory_space<semaphore_mem>>, %arg17: memref<!tpu.dma_semaphore, #tpu.memory_space<semaphore_mem>>) attributes {dimension_semantics = [#tpu.dimension_semantics<core_parallel>, #tpu.dimension_semantics<subcore_parallel>], iteration_bounds = array<i64: 2, 16>, scalar_prefetch = 0 : i64, scratch_operands = 12 : i64, tpu.core_type = #tpu.core_type<sc_vector_subcore>, window_params = [{transform_indices = #map}, {transform_indices = #map}, {transform_indices = #map}, {transform_indices = #map1}]} {
    %mul3A = arith.constant 16 : i32
    %mul3A_0 = arith.muli %arg0, %mul3A : i32
    %add3A = arith.addi %mul3A_0, %arg1 : i32
    %mul3A_1 = arith.constant 80 : i32
    %mul3A_2 = arith.muli %add3A, %mul3A_1 : i32
    "tpu.region"() ({
      %run_scoped3A_142 = tpu.sem_alloc : memref<!tpu.dma_semaphore, #tpu.memory_space<semaphore_mem>>
      %dma_start3A_143 = arith.constant 0 : i32
      %dma_start3A_144 = tpu.memref_slice %arg3[%mul3A_2, %dma_start3A_143] : memref<2560x128xi32, #tpu.memory_space<hbm>> -> memref<80x128xi32, #tpu.memory_space<hbm>>
      %dma_start3A_145 = arith.constant 0 : i32
      %dma_start3A_146 = tpu.memref_slice %arg3[%mul3A_2, %dma_start3A_145] : memref<2560x128xi32, #tpu.memory_space<hbm>> -> memref<80x128xi32, #tpu.memory_space<hbm>>
      tpu.enqueue_dma source(%dma_start3A_146 : memref<80x128xi32, #tpu.memory_space<hbm>>) target(%arg6 : memref<80x128xi32, #tpu.memory_space<vmem>>) target_semaphore(%run_scoped3A_142 : memref<!tpu.dma_semaphore, #tpu.memory_space<semaphore_mem>>)
      %dma_wait3A_147 = arith.constant 0 : i32
      %dma_wait3A_148 = tpu.memref_slice %arg3[%mul3A_2, %dma_wait3A_147] : memref<2560x128xi32, #tpu.memory_space<hbm>> -> memref<80x128xi32, #tpu.memory_space<hbm>>
      %dma_wait3A_149 = arith.constant 0 : i32
      %dma_wait3A_150 = tpu.memref_slice %arg3[%mul3A_2, %dma_wait3A_149] : memref<2560x128xi32, #tpu.memory_space<hbm>> -> memref<80x128xi32, #tpu.memory_space<hbm>>
      tpu.wait_dma2 semaphore(%run_scoped3A_142 : memref<!tpu.dma_semaphore, #tpu.memory_space<semaphore_mem>>) src(%dma_wait3A_150 : memref<80x128xi32, #tpu.memory_space<hbm>>) dst(%arg6 : memref<80x128xi32, #tpu.memory_space<vmem>>)
      tpu.yield
    }) : () -> ()
    %mul3A_3 = arith.constant 80 : i32
    %mul3A_4 = arith.muli %add3A, %mul3A_3 : i32
    "tpu.region"() ({
      %run_scoped3A_142 = tpu.sem_alloc : memref<!tpu.dma_semaphore, #tpu.memory_space<semaphore_mem>>
      %dma_start3A_143 = arith.constant 0 : i32
      %dma_start3A_144 = tpu.memref_slice %arg4[%mul3A_4, %dma_start3A_143] : memref<2560x128xi32, #tpu.memory_space<hbm>> -> memref<80x128xi32, #tpu.memory_space<hbm>>
      %dma_start3A_145 = arith.constant 0 : i32
      %dma_start3A_146 = tpu.memref_slice %arg4[%mul3A_4, %dma_start3A_145] : memref<2560x128xi32, #tpu.memory_space<hbm>> -> memref<80x128xi32, #tpu.memory_space<hbm>>
      tpu.enqueue_dma source(%dma_start3A_146 : memref<80x128xi32, #tpu.memory_space<hbm>>) target(%arg7 : memref<80x128xi32, #tpu.memory_space<vmem>>) target_semaphore(%run_scoped3A_142 : memref<!tpu.dma_semaphore, #tpu.memory_space<semaphore_mem>>)
      %dma_wait3A_147 = arith.constant 0 : i32
      %dma_wait3A_148 = tpu.memref_slice %arg4[%mul3A_4, %dma_wait3A_147] : memref<2560x128xi32, #tpu.memory_space<hbm>> -> memref<80x128xi32, #tpu.memory_space<hbm>>
      %dma_wait3A_149 = arith.constant 0 : i32
      %dma_wait3A_150 = tpu.memref_slice %arg4[%mul3A_4, %dma_wait3A_149] : memref<2560x128xi32, #tpu.memory_space<hbm>> -> memref<80x128xi32, #tpu.memory_space<hbm>>
      tpu.wait_dma2 semaphore(%run_scoped3A_142 : memref<!tpu.dma_semaphore, #tpu.memory_space<semaphore_mem>>) src(%dma_wait3A_150 : memref<80x128xi32, #tpu.memory_space<hbm>>) dst(%arg7 : memref<80x128xi32, #tpu.memory_space<vmem>>)
      tpu.yield
    }) : () -> ()
    %scan3A = arith.constant 0 : i32
    %scan3A_5 = arith.constant 0 : i32
    %scan3A_6 = arith.constant 0 : i32
    %scan3A_7 = arith.constant 128 : i32
    %scan3A_8 = arith.addi %scan3A_6, %scan3A_7 : i32
    %scan3A_9 = arith.constant 2 : i32
    %scan3A_10 = scf.for %scan3A_142 = %scan3A_6 to %scan3A_8 step %scan3A_9 iter_args(%scan3A_143 = %scan3A_5) -> (i32)  : i32 {
      %broadcast_in_dim3A = arith.constant 0.000000e+00 : f32
      %broadcast_in_dim3A_144 = vector.broadcast %broadcast_in_dim3A : f32 to vector<16xf32>
      %swap3A = arith.constant 0 : i32
      %swap3A_145 = arith.constant 0 : i32
      %swap3A_146 = tpu.memref_slice %arg8[%scan3A, %swap3A, %swap3A_145] : memref<4x128x64xf32, #tpu.memory_space<vmem>> -> memref<1x128x64xf32, #tpu.memory_space<vmem>>
      %swap3A_147 = tpu.memref_squeeze %swap3A_146 : memref<1x128x64xf32, #tpu.memory_space<vmem>> -> memref<128x64xf32, #tpu.memory_space<vmem>>
      %swap3A_148 = arith.index_cast %scan3A_142 : i32 to index
      %swap3A_149 = arith.constant 0 : index
      %swap3A_150 = tpu.vector_load %swap3A_147[%swap3A_148, %swap3A_149] {strides = array<i32>} : memref<128x64xf32, #tpu.memory_space<vmem>>, vector<1x16xf32>,
      %swap3A_151 = vector.shape_cast %swap3A_150 : vector<1x16xf32> to vector<16xf32>
      %swap3A_152 = vector.shape_cast %broadcast_in_dim3A_144 : vector<16xf32> to vector<1x16xf32>
      tpu.vector_store %swap3A_147[%swap3A_148, %swap3A_149], %swap3A_152 {strides = array<i32>} : memref<128x64xf32, #tpu.memory_space<vmem>>, vector<1x16xf32>,
      %broadcast_in_dim3A_153 = arith.constant 0.000000e+00 : f32
      %broadcast_in_dim3A_154 = vector.broadcast %broadcast_in_dim3A_153 : f32 to vector<16xf32>
      %swap3A_155 = arith.constant 0 : i32
      %swap3A_156 = arith.constant 0 : i32
      %swap3A_157 = tpu.memref_slice %arg8[%scan3A, %swap3A_155, %swap3A_156] : memref<4x128x64xf32, #tpu.memory_space<vmem>> -> memref<1x128x64xf32, #tpu.memory_space<vmem>>
      %swap3A_158 = tpu.memref_squeeze %swap3A_157 : memref<1x128x64xf32, #tpu.memory_space<vmem>> -> memref<128x64xf32, #tpu.memory_space<vmem>>
      %swap3A_159 = arith.index_cast %scan3A_142 : i32 to index
      %swap3A_160 = arith.constant 16 : index
      %swap3A_161 = tpu.vector_load %swap3A_158[%swap3A_159, %swap3A_160] {strides = array<i32>} : memref<128x64xf32, #tpu.memory_space<vmem>>, vector<1x16xf32>,
      %swap3A_162 = vector.shape_cast %swap3A_161 : vector<1x16xf32> to vector<16xf32>
      %swap3A_163 = vector.shape_cast %broadcast_in_dim3A_154 : vector<16xf32> to vector<1x16xf32>
      tpu.vector_store %swap3A_158[%swap3A_159, %swap3A_160], %swap3A_163 {strides = array<i32>} : memref<128x64xf32, #tpu.memory_space<vmem>>, vector<1x16xf32>,
      %broadcast_in_dim3A_164 = arith.constant 0.000000e+00 : f32
      %broadcast_in_dim3A_165 = vector.broadcast %broadcast_in_dim3A_164 : f32 to vector<16xf32>
      %swap3A_166 = arith.constant 0 : i32
      %swap3A_167 = arith.constant 0 : i32
      %swap3A_168 = tpu.memref_slice %arg8[%scan3A, %swap3A_166, %swap3A_167] : memref<4x128x64xf32, #tpu.memory_space<vmem>> -> memref<1x128x64xf32, #tpu.memory_space<vmem>>
      %swap3A_169 = tpu.memref_squeeze %swap3A_168 : memref<1x128x64xf32, #tpu.memory_space<vmem>> -> memref<128x64xf32, #tpu.memory_space<vmem>>
      %swap3A_170 = arith.index_cast %scan3A_142 : i32 to index
      %swap3A_171 = arith.constant 32 : index
      %swap3A_172 = tpu.vector_load %swap3A_169[%swap3A_170, %swap3A_171] {strides = array<i32>} : memref<128x64xf32, #tpu.memory_space<vmem>>, vector<1x16xf32>,
      %swap3A_173 = vector.shape_cast %swap3A_172 : vector<1x16xf32> to vector<16xf32>
      %swap3A_174 = vector.shape_cast %broadcast_in_dim3A_165 : vector<16xf32> to vector<1x16xf32>
      tpu.vector_store %swap3A_169[%swap3A_170, %swap3A_171], %swap3A_174 {strides = array<i32>} : memref<128x64xf32, #tpu.memory_space<vmem>>, vector<1x16xf32>,
      %broadcast_in_dim3A_175 = arith.constant 0.000000e+00 : f32
      %broadcast_in_dim3A_176 = vector.broadcast %broadcast_in_dim3A_175 : f32 to vector<16xf32>
      %swap3A_177 = arith.constant 0 : i32
      %swap3A_178 = arith.constant 0 : i32
      %swap3A_179 = tpu.memref_slice %arg8[%scan3A, %swap3A_177, %swap3A_178] : memref<4x128x64xf32, #tpu.memory_space<vmem>> -> memref<1x128x64xf32, #tpu.memory_space<vmem>>
      %swap3A_180 = tpu.memref_squeeze %swap3A_179 : memref<1x128x64xf32, #tpu.memory_space<vmem>> -> memref<128x64xf32, #tpu.memory_space<vmem>>
      %swap3A_181 = arith.index_cast %scan3A_142 : i32 to index
      %swap3A_182 = arith.constant 48 : index
      %swap3A_183 = tpu.vector_load %swap3A_180[%swap3A_181, %swap3A_182] {strides = array<i32>} : memref<128x64xf32, #tpu.memory_space<vmem>>, vector<1x16xf32>,
      %swap3A_184 = vector.shape_cast %swap3A_183 : vector<1x16xf32> to vector<16xf32>
      %swap3A_185 = vector.shape_cast %broadcast_in_dim3A_176 : vector<16xf32> to vector<1x16xf32>
      tpu.vector_store %swap3A_180[%swap3A_181, %swap3A_182], %swap3A_185 {strides = array<i32>} : memref<128x64xf32, #tpu.memory_space<vmem>>, vector<1x16xf32>,
      %scan3A_186 = arith.constant 0 : i32
      %scan3A_187 = arith.constant 1 : i32
      %scan3A_188 = arith.addi %scan3A_142, %scan3A_187 : i32
      %broadcast_in_dim3A_189 = arith.constant 0.000000e+00 : f32
      %broadcast_in_dim3A_190 = vector.broadcast %broadcast_in_dim3A_189 : f32 to vector<16xf32>
      %swap3A_191 = arith.constant 0 : i32
      %swap3A_192 = arith.constant 0 : i32
      %swap3A_193 = tpu.memref_slice %arg8[%scan3A, %swap3A_191, %swap3A_192] : memref<4x128x64xf32, #tpu.memory_space<vmem>> -> memref<1x128x64xf32, #tpu.memory_space<vmem>>
      %swap3A_194 = tpu.memref_squeeze %swap3A_193 : memref<1x128x64xf32, #tpu.memory_space<vmem>> -> memref<128x64xf32, #tpu.memory_space<vmem>>
      %swap3A_195 = arith.index_cast %scan3A_188 : i32 to index
      %swap3A_196 = arith.constant 0 : index
      %swap3A_197 = tpu.vector_load %swap3A_194[%swap3A_195, %swap3A_196] {strides = array<i32>} : memref<128x64xf32, #tpu.memory_space<vmem>>, vector<1x16xf32>,
      %swap3A_198 = vector.shape_cast %swap3A_197 : vector<1x16xf32> to vector<16xf32>
      %swap3A_199 = vector.shape_cast %broadcast_in_dim3A_190 : vector<16xf32> to vector<1x16xf32>
      tpu.vector_store %swap3A_194[%swap3A_195, %swap3A_196], %swap3A_199 {strides = array<i32>} : memref<128x64xf32, #tpu.memory_space<vmem>>, vector<1x16xf32>,
      %broadcast_in_dim3A_200 = arith.constant 0.000000e+00 : f32
      %broadcast_in_dim3A_201 = vector.broadcast %broadcast_in_dim3A_200 : f32 to vector<16xf32>
      %swap3A_202 = arith.constant 0 : i32
      %swap3A_203 = arith.constant 0 : i32
      %swap3A_204 = tpu.memref_slice %arg8[%scan3A, %swap3A_202, %swap3A_203] : memref<4x128x64xf32, #tpu.memory_space<vmem>> -> memref<1x128x64xf32, #tpu.memory_space<vmem>>
      %swap3A_205 = tpu.memref_squeeze %swap3A_204 : memref<1x128x64xf32, #tpu.memory_space<vmem>> -> memref<128x64xf32, #tpu.memory_space<vmem>>
      %swap3A_206 = arith.index_cast %scan3A_188 : i32 to index
      %swap3A_207 = arith.constant 16 : index
      %swap3A_208 = tpu.vector_load %swap3A_205[%swap3A_206, %swap3A_207] {strides = array<i32>} : memref<128x64xf32, #tpu.memory_space<vmem>>, vector<1x16xf32>,
      %swap3A_209 = vector.shape_cast %swap3A_208 : vector<1x16xf32> to vector<16xf32>
      %swap3A_210 = vector.shape_cast %broadcast_in_dim3A_201 : vector<16xf32> to vector<1x16xf32>
      tpu.vector_store %swap3A_205[%swap3A_206, %swap3A_207], %swap3A_210 {strides = array<i32>} : memref<128x64xf32, #tpu.memory_space<vmem>>, vector<1x16xf32>,
      %broadcast_in_dim3A_211 = arith.constant 0.000000e+00 : f32
      %broadcast_in_dim3A_212 = vector.broadcast %broadcast_in_dim3A_211 : f32 to vector<16xf32>
      %swap3A_213 = arith.constant 0 : i32
      %swap3A_214 = arith.constant 0 : i32
      %swap3A_215 = tpu.memref_slice %arg8[%scan3A, %swap3A_213, %swap3A_214] : memref<4x128x64xf32, #tpu.memory_space<vmem>> -> memref<1x128x64xf32, #tpu.memory_space<vmem>>
      %swap3A_216 = tpu.memref_squeeze %swap3A_215 : memref<1x128x64xf32, #tpu.memory_space<vmem>> -> memref<128x64xf32, #tpu.memory_space<vmem>>
      %swap3A_217 = arith.index_cast %scan3A_188 : i32 to index
      %swap3A_218 = arith.constant 32 : index
      %swap3A_219 = tpu.vector_load %swap3A_216[%swap3A_217, %swap3A_218] {strides = array<i32>} : memref<128x64xf32, #tpu.memory_space<vmem>>, vector<1x16xf32>,
      %swap3A_220 = vector.shape_cast %swap3A_219 : vector<1x16xf32> to vector<16xf32>
      %swap3A_221 = vector.shape_cast %broadcast_in_dim3A_212 : vector<16xf32> to vector<1x16xf32>
      tpu.vector_store %swap3A_216[%swap3A_217, %swap3A_218], %swap3A_221 {strides = array<i32>} : memref<128x64xf32, #tpu.memory_space<vmem>>, vector<1x16xf32>,
      %broadcast_in_dim3A_222 = arith.constant 0.000000e+00 : f32
      %broadcast_in_dim3A_223 = vector.broadcast %broadcast_in_dim3A_222 : f32 to vector<16xf32>
      %swap3A_224 = arith.constant 0 : i32
      %swap3A_225 = arith.constant 0 : i32
      %swap3A_226 = tpu.memref_slice %arg8[%scan3A, %swap3A_224, %swap3A_225] : memref<4x128x64xf32, #tpu.memory_space<vmem>> -> memref<1x128x64xf32, #tpu.memory_space<vmem>>
      %swap3A_227 = tpu.memref_squeeze %swap3A_226 : memref<1x128x64xf32, #tpu.memory_space<vmem>> -> memref<128x64xf32, #tpu.memory_space<vmem>>
      %swap3A_228 = arith.index_cast %scan3A_188 : i32 to index
      %swap3A_229 = arith.constant 48 : index
      %swap3A_230 = tpu.vector_load %swap3A_227[%swap3A_228, %swap3A_229] {strides = array<i32>} : memref<128x64xf32, #tpu.memory_space<vmem>>, vector<1x16xf32>,
      %swap3A_231 = vector.shape_cast %swap3A_230 : vector<1x16xf32> to vector<16xf32>
      %swap3A_232 = vector.shape_cast %broadcast_in_dim3A_223 : vector<16xf32> to vector<1x16xf32>
      tpu.vector_store %swap3A_227[%swap3A_228, %swap3A_229], %swap3A_232 {strides = array<i32>} : memref<128x64xf32, #tpu.memory_space<vmem>>, vector<1x16xf32>,
      %scan3A_233 = arith.constant 0 : i32
      scf.yield %scan3A_233 : i32
    }
    %scan3A_11 = arith.constant 128 : i32
    %mul3A_12 = arith.constant 640 : i32
    %mul3A_13 = arith.muli %arg1, %mul3A_12 : i32
    %add3A_14 = arith.constant 0 : i32
    %add3A_15 = arith.addi %mul3A_13, %add3A_14 : i32
    %run_scoped3A = arith.constant 0 : i32
    "tpu.region"() ({
      %run_scoped3A_142 = tpu.sem_alloc : memref<!tpu.dma_semaphore, #tpu.memory_space<semaphore_mem>>
      %dma_start3A_143 = arith.constant 0 : i32
      %dma_start3A_144 = arith.constant 0 : i32
      %dma_start3A_145 = tpu.memref_slice %arg8[%run_scoped3A, %dma_start3A_143, %dma_start3A_144] : memref<4x128x64xf32, #tpu.memory_space<vmem>> -> memref<1x128x64xf32, #tpu.memory_space<vmem>>
      %dma_start3A_146 = tpu.memref_squeeze %dma_start3A_145 : memref<1x128x64xf32, #tpu.memory_space<vmem>> -> memref<128x64xf32, #tpu.memory_space<vmem>>
      %dma_start3A_147 = arith.constant 0 : i32
      %dma_start3A_148 = tpu.memref_slice %arg9[%add3A_15, %dma_start3A_147] : memref<10240x64xf32, #tpu.memory_space<vmem_shared>> -> memref<128x64xf32, #tpu.memory_space<vmem_shared>>
      %dma_start3A_149 = arith.constant 0 : i32
      %dma_start3A_150 = tpu.memref_slice %arg9[%add3A_15, %dma_start3A_149] : memref<10240x64xf32, #tpu.memory_space<vmem_shared>> -> memref<128x64xf32, #tpu.memory_space<vmem_shared>>
      %dma_start3A_151 = arith.constant 0 : i32
      %dma_start3A_152 = arith.constant 0 : i32
      %dma_start3A_153 = tpu.memref_slice %arg8[%run_scoped3A, %dma_start3A_151, %dma_start3A_152] : memref<4x128x64xf32, #tpu.memory_space<vmem>> -> memref<1x128x64xf32, #tpu.memory_space<vmem>>
      %dma_start3A_154 = tpu.memref_squeeze %dma_start3A_153 : memref<1x128x64xf32, #tpu.memory_space<vmem>> -> memref<128x64xf32, #tpu.memory_space<vmem>>
      tpu.enqueue_dma source(%dma_start3A_154 : memref<128x64xf32, #tpu.memory_space<vmem>>) target(%dma_start3A_150 : memref<128x64xf32, #tpu.memory_space<vmem_shared>>) target_semaphore(%run_scoped3A_142 : memref<!tpu.dma_semaphore, #tpu.memory_space<semaphore_mem>>)
      %dma_wait3A_155 = arith.constant 0 : i32
      %dma_wait3A_156 = arith.constant 0 : i32
      %dma_wait3A_157 = tpu.memref_slice %arg8[%run_scoped3A, %dma_wait3A_155, %dma_wait3A_156] : memref<4x128x64xf32, #tpu.memory_space<vmem>> -> memref<1x128x64xf32, #tpu.memory_space<vmem>>
      %dma_wait3A_158 = tpu.memref_squeeze %dma_wait3A_157 : memref<1x128x64xf32, #tpu.memory_space<vmem>> -> memref<128x64xf32, #tpu.memory_space<vmem>>
      %dma_wait3A_159 = arith.constant 0 : i32
      %dma_wait3A_160 = tpu.memref_slice %arg9[%add3A_15, %dma_wait3A_159] : memref<10240x64xf32, #tpu.memory_space<vmem_shared>> -> memref<128x64xf32, #tpu.memory_space<vmem_shared>>
      %dma_wait3A_161 = arith.constant 0 : i32
      %dma_wait3A_162 = tpu.memref_slice %arg9[%add3A_15, %dma_wait3A_161] : memref<10240x64xf32, #tpu.memory_space<vmem_shared>> -> memref<128x64xf32, #tpu.memory_space<vmem_shared>>
      %dma_wait3A_163 = arith.constant 0 : i32
      %dma_wait3A_164 = arith.constant 0 : i32
      %dma_wait3A_165 = tpu.memref_slice %arg8[%run_scoped3A, %dma_wait3A_163, %dma_wait3A_164] : memref<4x128x64xf32, #tpu.memory_space<vmem>> -> memref<1x128x64xf32, #tpu.memory_space<vmem>>
      %dma_wait3A_166 = tpu.memref_squeeze %dma_wait3A_165 : memref<1x128x64xf32, #tpu.memory_space<vmem>> -> memref<128x64xf32, #tpu.memory_space<vmem>>
      tpu.wait_dma2 semaphore(%run_scoped3A_142 : memref<!tpu.dma_semaphore, #tpu.memory_space<semaphore_mem>>) src(%dma_wait3A_166 : memref<128x64xf32, #tpu.memory_space<vmem>>) dst(%dma_wait3A_162 : memref<128x64xf32, #tpu.memory_space<vmem_shared>>)
      tpu.yield
    }) : () -> ()
    %mul3A_16 = arith.constant 640 : i32
    %mul3A_17 = arith.muli %arg1, %mul3A_16 : i32
    %add3A_18 = arith.constant 128 : i32
    %add3A_19 = arith.addi %mul3A_17, %add3A_18 : i32
    %run_scoped3A_20 = arith.constant 0 : i32
    "tpu.region"() ({
      %run_scoped3A_142 = tpu.sem_alloc : memref<!tpu.dma_semaphore, #tpu.memory_space<semaphore_mem>>
      %dma_start3A_143 = arith.constant 0 : i32
      %dma_start3A_144 = arith.constant 0 : i32
      %dma_start3A_145 = tpu.memref_slice %arg8[%run_scoped3A_20, %dma_start3A_143, %dma_start3A_144] : memref<4x128x64xf32, #tpu.memory_space<vmem>> -> memref<1x128x64xf32, #tpu.memory_space<vmem>>
      %dma_start3A_146 = tpu.memref_squeeze %dma_start3A_145 : memref<1x128x64xf32, #tpu.memory_space<vmem>> -> memref<128x64xf32, #tpu.memory_space<vmem>>
      %dma_start3A_147 = arith.constant 0 : i32
      %dma_start3A_148 = tpu.memref_slice %arg9[%add3A_19, %dma_start3A_147] : memref<10240x64xf32, #tpu.memory_space<vmem_shared>> -> memref<128x64xf32, #tpu.memory_space<vmem_shared>>
      %dma_start3A_149 = arith.constant 0 : i32
      %dma_start3A_150 = tpu.memref_slice %arg9[%add3A_19, %dma_start3A_149] : memref<10240x64xf32, #tpu.memory_space<vmem_shared>> -> memref<128x64xf32, #tpu.memory_space<vmem_shared>>
      %dma_start3A_151 = arith.constant 0 : i32
      %dma_start3A_152 = arith.constant 0 : i32
      %dma_start3A_153 = tpu.memref_slice %arg8[%run_scoped3A_20, %dma_start3A_151, %dma_start3A_152] : memref<4x128x64xf32, #tpu.memory_space<vmem>> -> memref<1x128x64xf32, #tpu.memory_space<vmem>>
      %dma_start3A_154 = tpu.memref_squeeze %dma_start3A_153 : memref<1x128x64xf32, #tpu.memory_space<vmem>> -> memref<128x64xf32, #tpu.memory_space<vmem>>
      tpu.enqueue_dma source(%dma_start3A_154 : memref<128x64xf32, #tpu.memory_space<vmem>>) target(%dma_start3A_150 : memref<128x64xf32, #tpu.memory_space<vmem_shared>>) target_semaphore(%run_scoped3A_142 : memref<!tpu.dma_semaphore, #tpu.memory_space<semaphore_mem>>)
      %dma_wait3A_155 = arith.constant 0 : i32
      %dma_wait3A_156 = arith.constant 0 : i32
      %dma_wait3A_157 = tpu.memref_slice %arg8[%run_scoped3A_20, %dma_wait3A_155, %dma_wait3A_156] : memref<4x128x64xf32, #tpu.memory_space<vmem>> -> memref<1x128x64xf32, #tpu.memory_space<vmem>>
      %dma_wait3A_158 = tpu.memref_squeeze %dma_wait3A_157 : memref<1x128x64xf32, #tpu.memory_space<vmem>> -> memref<128x64xf32, #tpu.memory_space<vmem>>
      %dma_wait3A_159 = arith.constant 0 : i32
      %dma_wait3A_160 = tpu.memref_slice %arg9[%add3A_19, %dma_wait3A_159] : memref<10240x64xf32, #tpu.memory_space<vmem_shared>> -> memref<128x64xf32, #tpu.memory_space<vmem_shared>>
      %dma_wait3A_161 = arith.constant 0 : i32
      %dma_wait3A_162 = tpu.memref_slice %arg9[%add3A_19, %dma_wait3A_161] : memref<10240x64xf32, #tpu.memory_space<vmem_shared>> -> memref<128x64xf32, #tpu.memory_space<vmem_shared>>
      %dma_wait3A_163 = arith.constant 0 : i32
      %dma_wait3A_164 = arith.constant 0 : i32
      %dma_wait3A_165 = tpu.memref_slice %arg8[%run_scoped3A_20, %dma_wait3A_163, %dma_wait3A_164] : memref<4x128x64xf32, #tpu.memory_space<vmem>> -> memref<1x128x64xf32, #tpu.memory_space<vmem>>
      %dma_wait3A_166 = tpu.memref_squeeze %dma_wait3A_165 : memref<1x128x64xf32, #tpu.memory_space<vmem>> -> memref<128x64xf32, #tpu.memory_space<vmem>>
      tpu.wait_dma2 semaphore(%run_scoped3A_142 : memref<!tpu.dma_semaphore, #tpu.memory_space<semaphore_mem>>) src(%dma_wait3A_166 : memref<128x64xf32, #tpu.memory_space<vmem>>) dst(%dma_wait3A_162 : memref<128x64xf32, #tpu.memory_space<vmem_shared>>)
      tpu.yield
    }) : () -> ()
    %mul3A_21 = arith.constant 640 : i32
    %mul3A_22 = arith.muli %arg1, %mul3A_21 : i32
    %add3A_23 = arith.constant 256 : i32
    %add3A_24 = arith.addi %mul3A_22, %add3A_23 : i32
    %run_scoped3A_25 = arith.constant 0 : i32
    "tpu.region"() ({
      %run_scoped3A_142 = tpu.sem_alloc : memref<!tpu.dma_semaphore, #tpu.memory_space<semaphore_mem>>
      %dma_start3A_143 = arith.constant 0 : i32
      %dma_start3A_144 = arith.constant 0 : i32
      %dma_start3A_145 = tpu.memref_slice %arg8[%run_scoped3A_25, %dma_start3A_143, %dma_start3A_144] : memref<4x128x64xf32, #tpu.memory_space<vmem>> -> memref<1x128x64xf32, #tpu.memory_space<vmem>>
      %dma_start3A_146 = tpu.memref_squeeze %dma_start3A_145 : memref<1x128x64xf32, #tpu.memory_space<vmem>> -> memref<128x64xf32, #tpu.memory_space<vmem>>
      %dma_start3A_147 = arith.constant 0 : i32
      %dma_start3A_148 = tpu.memref_slice %arg9[%add3A_24, %dma_start3A_147] : memref<10240x64xf32, #tpu.memory_space<vmem_shared>> -> memref<128x64xf32, #tpu.memory_space<vmem_shared>>
      %dma_start3A_149 = arith.constant 0 : i32
      %dma_start3A_150 = tpu.memref_slice %arg9[%add3A_24, %dma_start3A_149] : memref<10240x64xf32, #tpu.memory_space<vmem_shared>> -> memref<128x64xf32, #tpu.memory_space<vmem_shared>>
      %dma_start3A_151 = arith.constant 0 : i32
      %dma_start3A_152 = arith.constant 0 : i32
      %dma_start3A_153 = tpu.memref_slice %arg8[%run_scoped3A_25, %dma_start3A_151, %dma_start3A_152] : memref<4x128x64xf32, #tpu.memory_space<vmem>> -> memref<1x128x64xf32, #tpu.memory_space<vmem>>
      %dma_start3A_154 = tpu.memref_squeeze %dma_start3A_153 : memref<1x128x64xf32, #tpu.memory_space<vmem>> -> memref<128x64xf32, #tpu.memory_space<vmem>>
      tpu.enqueue_dma source(%dma_start3A_154 : memref<128x64xf32, #tpu.memory_space<vmem>>) target(%dma_start3A_150 : memref<128x64xf32, #tpu.memory_space<vmem_shared>>) target_semaphore(%run_scoped3A_142 : memref<!tpu.dma_semaphore, #tpu.memory_space<semaphore_mem>>)
      %dma_wait3A_155 = arith.constant 0 : i32
      %dma_wait3A_156 = arith.constant 0 : i32
      %dma_wait3A_157 = tpu.memref_slice %arg8[%run_scoped3A_25, %dma_wait3A_155, %dma_wait3A_156] : memref<4x128x64xf32, #tpu.memory_space<vmem>> -> memref<1x128x64xf32, #tpu.memory_space<vmem>>
      %dma_wait3A_158 = tpu.memref_squeeze %dma_wait3A_157 : memref<1x128x64xf32, #tpu.memory_space<vmem>> -> memref<128x64xf32, #tpu.memory_space<vmem>>
      %dma_wait3A_159 = arith.constant 0 : i32
      %dma_wait3A_160 = tpu.memref_slice %arg9[%add3A_24, %dma_wait3A_159] : memref<10240x64xf32, #tpu.memory_space<vmem_shared>> -> memref<128x64xf32, #tpu.memory_space<vmem_shared>>
      %dma_wait3A_161 = arith.constant 0 : i32
      %dma_wait3A_162 = tpu.memref_slice %arg9[%add3A_24, %dma_wait3A_161] : memref<10240x64xf32, #tpu.memory_space<vmem_shared>> -> memref<128x64xf32, #tpu.memory_space<vmem_shared>>
      %dma_wait3A_163 = arith.constant 0 : i32
      %dma_wait3A_164 = arith.constant 0 : i32
      %dma_wait3A_165 = tpu.memref_slice %arg8[%run_scoped3A_25, %dma_wait3A_163, %dma_wait3A_164] : memref<4x128x64xf32, #tpu.memory_space<vmem>> -> memref<1x128x64xf32, #tpu.memory_space<vmem>>
      %dma_wait3A_166 = tpu.memref_squeeze %dma_wait3A_165 : memref<1x128x64xf32, #tpu.memory_space<vmem>> -> memref<128x64xf32, #tpu.memory_space<vmem>>
      tpu.wait_dma2 semaphore(%run_scoped3A_142 : memref<!tpu.dma_semaphore, #tpu.memory_space<semaphore_mem>>) src(%dma_wait3A_166 : memref<128x64xf32, #tpu.memory_space<vmem>>) dst(%dma_wait3A_162 : memref<128x64xf32, #tpu.memory_space<vmem_shared>>)
      tpu.yield
    }) : () -> ()
    %mul3A_26 = arith.constant 640 : i32
    %mul3A_27 = arith.muli %arg1, %mul3A_26 : i32
    %add3A_28 = arith.constant 384 : i32
    %add3A_29 = arith.addi %mul3A_27, %add3A_28 : i32
    %run_scoped3A_30 = arith.constant 0 : i32
    "tpu.region"() ({
      %run_scoped3A_142 = tpu.sem_alloc : memref<!tpu.dma_semaphore, #tpu.memory_space<semaphore_mem>>
      %dma_start3A_143 = arith.constant 0 : i32
      %dma_start3A_144 = arith.constant 0 : i32
      %dma_start3A_145 = tpu.memref_slice %arg8[%run_scoped3A_30, %dma_start3A_143, %dma_start3A_144] : memref<4x128x64xf32, #tpu.memory_space<vmem>> -> memref<1x128x64xf32, #tpu.memory_space<vmem>>
      %dma_start3A_146 = tpu.memref_squeeze %dma_start3A_145 : memref<1x128x64xf32, #tpu.memory_space<vmem>> -> memref<128x64xf32, #tpu.memory_space<vmem>>
      %dma_start3A_147 = arith.constant 0 : i32
      %dma_start3A_148 = tpu.memref_slice %arg9[%add3A_29, %dma_start3A_147] : memref<10240x64xf32, #tpu.memory_space<vmem_shared>> -> memref<128x64xf32, #tpu.memory_space<vmem_shared>>
      %dma_start3A_149 = arith.constant 0 : i32
      %dma_start3A_150 = tpu.memref_slice %arg9[%add3A_29, %dma_start3A_149] : memref<10240x64xf32, #tpu.memory_space<vmem_shared>> -> memref<128x64xf32, #tpu.memory_space<vmem_shared>>
      %dma_start3A_151 = arith.constant 0 : i32
      %dma_start3A_152 = arith.constant 0 : i32
      %dma_start3A_153 = tpu.memref_slice %arg8[%run_scoped3A_30, %dma_start3A_151, %dma_start3A_152] : memref<4x128x64xf32, #tpu.memory_space<vmem>> -> memref<1x128x64xf32, #tpu.memory_space<vmem>>
      %dma_start3A_154 = tpu.memref_squeeze %dma_start3A_153 : memref<1x128x64xf32, #tpu.memory_space<vmem>> -> memref<128x64xf32, #tpu.memory_space<vmem>>
      tpu.enqueue_dma source(%dma_start3A_154 : memref<128x64xf32, #tpu.memory_space<vmem>>) target(%dma_start3A_150 : memref<128x64xf32, #tpu.memory_space<vmem_shared>>) target_semaphore(%run_scoped3A_142 : memref<!tpu.dma_semaphore, #tpu.memory_space<semaphore_mem>>)
      %dma_wait3A_155 = arith.constant 0 : i32
      %dma_wait3A_156 = arith.constant 0 : i32
      %dma_wait3A_157 = tpu.memref_slice %arg8[%run_scoped3A_30, %dma_wait3A_155, %dma_wait3A_156] : memref<4x128x64xf32, #tpu.memory_space<vmem>> -> memref<1x128x64xf32, #tpu.memory_space<vmem>>
      %dma_wait3A_158 = tpu.memref_squeeze %dma_wait3A_157 : memref<1x128x64xf32, #tpu.memory_space<vmem>> -> memref<128x64xf32, #tpu.memory_space<vmem>>
      %dma_wait3A_159 = arith.constant 0 : i32
      %dma_wait3A_160 = tpu.memref_slice %arg9[%add3A_29, %dma_wait3A_159] : memref<10240x64xf32, #tpu.memory_space<vmem_shared>> -> memref<128x64xf32, #tpu.memory_space<vmem_shared>>
      %dma_wait3A_161 = arith.constant 0 : i32
      %dma_wait3A_162 = tpu.memref_slice %arg9[%add3A_29, %dma_wait3A_161] : memref<10240x64xf32, #tpu.memory_space<vmem_shared>> -> memref<128x64xf32, #tpu.memory_space<vmem_shared>>
      %dma_wait3A_163 = arith.constant 0 : i32
      %dma_wait3A_164 = arith.constant 0 : i32
      %dma_wait3A_165 = tpu.memref_slice %arg8[%run_scoped3A_30, %dma_wait3A_163, %dma_wait3A_164] : memref<4x128x64xf32, #tpu.memory_space<vmem>> -> memref<1x128x64xf32, #tpu.memory_space<vmem>>
      %dma_wait3A_166 = tpu.memref_squeeze %dma_wait3A_165 : memref<1x128x64xf32, #tpu.memory_space<vmem>> -> memref<128x64xf32, #tpu.memory_space<vmem>>
      tpu.wait_dma2 semaphore(%run_scoped3A_142 : memref<!tpu.dma_semaphore, #tpu.memory_space<semaphore_mem>>) src(%dma_wait3A_166 : memref<128x64xf32, #tpu.memory_space<vmem>>) dst(%dma_wait3A_162 : memref<128x64xf32, #tpu.memory_space<vmem_shared>>)
      tpu.yield
    }) : () -> ()
    %mul3A_31 = arith.constant 640 : i32
    %mul3A_32 = arith.muli %arg1, %mul3A_31 : i32
    %add3A_33 = arith.constant 512 : i32
    %add3A_34 = arith.addi %mul3A_32, %add3A_33 : i32
    %run_scoped3A_35 = arith.constant 0 : i32
    "tpu.region"() ({
      %run_scoped3A_142 = tpu.sem_alloc : memref<!tpu.dma_semaphore, #tpu.memory_space<semaphore_mem>>
      %dma_start3A_143 = arith.constant 0 : i32
      %dma_start3A_144 = arith.constant 0 : i32
      %dma_start3A_145 = tpu.memref_slice %arg8[%run_scoped3A_35, %dma_start3A_143, %dma_start3A_144] : memref<4x128x64xf32, #tpu.memory_space<vmem>> -> memref<1x128x64xf32, #tpu.memory_space<vmem>>
      %dma_start3A_146 = tpu.memref_squeeze %dma_start3A_145 : memref<1x128x64xf32, #tpu.memory_space<vmem>> -> memref<128x64xf32, #tpu.memory_space<vmem>>
      %dma_start3A_147 = arith.constant 0 : i32
      %dma_start3A_148 = tpu.memref_slice %arg9[%add3A_34, %dma_start3A_147] : memref<10240x64xf32, #tpu.memory_space<vmem_shared>> -> memref<128x64xf32, #tpu.memory_space<vmem_shared>>
      %dma_start3A_149 = arith.constant 0 : i32
      %dma_start3A_150 = tpu.memref_slice %arg9[%add3A_34, %dma_start3A_149] : memref<10240x64xf32, #tpu.memory_space<vmem_shared>> -> memref<128x64xf32, #tpu.memory_space<vmem_shared>>
      %dma_start3A_151 = arith.constant 0 : i32
      %dma_start3A_152 = arith.constant 0 : i32
      %dma_start3A_153 = tpu.memref_slice %arg8[%run_scoped3A_35, %dma_start3A_151, %dma_start3A_152] : memref<4x128x64xf32, #tpu.memory_space<vmem>> -> memref<1x128x64xf32, #tpu.memory_space<vmem>>
      %dma_start3A_154 = tpu.memref_squeeze %dma_start3A_153 : memref<1x128x64xf32, #tpu.memory_space<vmem>> -> memref<128x64xf32, #tpu.memory_space<vmem>>
      tpu.enqueue_dma source(%dma_start3A_154 : memref<128x64xf32, #tpu.memory_space<vmem>>) target(%dma_start3A_150 : memref<128x64xf32, #tpu.memory_space<vmem_shared>>) target_semaphore(%run_scoped3A_142 : memref<!tpu.dma_semaphore, #tpu.memory_space<semaphore_mem>>)
      %dma_wait3A_155 = arith.constant 0 : i32
      %dma_wait3A_156 = arith.constant 0 : i32
      %dma_wait3A_157 = tpu.memref_slice %arg8[%run_scoped3A_35, %dma_wait3A_155, %dma_wait3A_156] : memref<4x128x64xf32, #tpu.memory_space<vmem>> -> memref<1x128x64xf32, #tpu.memory_space<vmem>>
      %dma_wait3A_158 = tpu.memref_squeeze %dma_wait3A_157 : memref<1x128x64xf32, #tpu.memory_space<vmem>> -> memref<128x64xf32, #tpu.memory_space<vmem>>
      %dma_wait3A_159 = arith.constant 0 : i32
      %dma_wait3A_160 = tpu.memref_slice %arg9[%add3A_34, %dma_wait3A_159] : memref<10240x64xf32, #tpu.memory_space<vmem_shared>> -> memref<128x64xf32, #tpu.memory_space<vmem_shared>>
      %dma_wait3A_161 = arith.constant 0 : i32
      %dma_wait3A_162 = tpu.memref_slice %arg9[%add3A_34, %dma_wait3A_161] : memref<10240x64xf32, #tpu.memory_space<vmem_shared>> -> memref<128x64xf32, #tpu.memory_space<vmem_shared>>
      %dma_wait3A_163 = arith.constant 0 : i32
      %dma_wait3A_164 = arith.constant 0 : i32
      %dma_wait3A_165 = tpu.memref_slice %arg8[%run_scoped3A_35, %dma_wait3A_163, %dma_wait3A_164] : memref<4x128x64xf32, #tpu.memory_space<vmem>> -> memref<1x128x64xf32, #tpu.memory_space<vmem>>
      %dma_wait3A_166 = tpu.memref_squeeze %dma_wait3A_165 : memref<1x128x64xf32, #tpu.memory_space<vmem>> -> memref<128x64xf32, #tpu.memory_space<vmem>>
      tpu.wait_dma2 semaphore(%run_scoped3A_142 : memref<!tpu.dma_semaphore, #tpu.memory_space<semaphore_mem>>) src(%dma_wait3A_166 : memref<128x64xf32, #tpu.memory_space<vmem>>) dst(%dma_wait3A_162 : memref<128x64xf32, #tpu.memory_space<vmem_shared>>)
      tpu.yield
    }) : () -> ()
    %dma_start3A = arith.constant 0 : i32
    %dma_start3A_36 = arith.constant 0 : i32
    %dma_start3A_37 = arith.constant 0 : i32
    %dma_start3A_38 = arith.constant 0 : i32
    %dma_start3A_39 = tpu.memref_slice %arg8[%dma_start3A_36, %dma_start3A_37, %dma_start3A_38] : memref<4x128x64xf32, #tpu.memory_space<vmem>> -> memref<1x128x64xf32, #tpu.memory_space<vmem>>
    %dma_start3A_40 = tpu.memref_squeeze %dma_start3A_39 : memref<1x128x64xf32, #tpu.memory_space<vmem>> -> memref<128x64xf32, #tpu.memory_space<vmem>>
    %dma_start3A_41 = arith.constant 0 : i32
    %dma_start3A_42 = tpu.memref_slice %arg6[%dma_start3A, %dma_start3A_41] : memref<80x128xi32, #tpu.memory_space<vmem>> -> memref<1x128xi32, #tpu.memory_space<vmem>>
    %dma_start3A_43 = tpu.memref_squeeze %dma_start3A_42 : memref<1x128xi32, #tpu.memory_space<vmem>> -> memref<128xi32, #tpu.memory_space<vmem>>
    %dma_start3A_44 = arith.constant 0 : i32
    %dma_start3A_45 = arith.constant 0 : i32
    %dma_start3A_46 = tpu.memref_slice %arg2[%dma_start3A_44, %dma_start3A_45] : memref<10240x64xf32, #tpu.memory_space<hbm>> -> memref<10240x64xf32, #tpu.memory_space<hbm>>
    tpu.enqueue_indirect_dma source(%dma_start3A_46 : memref<10240x64xf32, #tpu.memory_space<hbm>>) target(%dma_start3A_40 : memref<128x64xf32, #tpu.memory_space<vmem>>) offsets(%dma_start3A_43 : memref<128xi32, #tpu.memory_space<vmem>>) semaphore(%arg10 : memref<!tpu.dma_semaphore, #tpu.memory_space<semaphore_mem>>)
    %dma_start3A_47 = arith.constant 1 : i32
    %dma_start3A_48 = arith.constant 1 : i32
    %dma_start3A_49 = arith.constant 0 : i32
    %dma_start3A_50 = arith.constant 0 : i32
    %dma_start3A_51 = tpu.memref_slice %arg8[%dma_start3A_48, %dma_start3A_49, %dma_start3A_50] : memref<4x128x64xf32, #tpu.memory_space<vmem>> -> memref<1x128x64xf32, #tpu.memory_space<vmem>>
    %dma_start3A_52 = tpu.memref_squeeze %dma_start3A_51 : memref<1x128x64xf32, #tpu.memory_space<vmem>> -> memref<128x64xf32, #tpu.memory_space<vmem>>
    %dma_start3A_53 = arith.constant 0 : i32
    %dma_start3A_54 = tpu.memref_slice %arg6[%dma_start3A_47, %dma_start3A_53] : memref<80x128xi32, #tpu.memory_space<vmem>> -> memref<1x128xi32, #tpu.memory_space<vmem>>
    %dma_start3A_55 = tpu.memref_squeeze %dma_start3A_54 : memref<1x128xi32, #tpu.memory_space<vmem>> -> memref<128xi32, #tpu.memory_space<vmem>>
    %dma_start3A_56 = arith.constant 0 : i32
    %dma_start3A_57 = arith.constant 0 : i32
    %dma_start3A_58 = tpu.memref_slice %arg2[%dma_start3A_56, %dma_start3A_57] : memref<10240x64xf32, #tpu.memory_space<hbm>> -> memref<10240x64xf32, #tpu.memory_space<hbm>>
    tpu.enqueue_indirect_dma source(%dma_start3A_58 : memref<10240x64xf32, #tpu.memory_space<hbm>>) target(%dma_start3A_52 : memref<128x64xf32, #tpu.memory_space<vmem>>) offsets(%dma_start3A_55 : memref<128xi32, #tpu.memory_space<vmem>>) semaphore(%arg11 : memref<!tpu.dma_semaphore, #tpu.memory_space<semaphore_mem>>)
    %dma_start3A_59 = arith.constant 2 : i32
    %dma_start3A_60 = arith.constant 2 : i32
    %dma_start3A_61 = arith.constant 0 : i32
    %dma_start3A_62 = arith.constant 0 : i32
    %dma_start3A_63 = tpu.memref_slice %arg8[%dma_start3A_60, %dma_start3A_61, %dma_start3A_62] : memref<4x128x64xf32, #tpu.memory_space<vmem>> -> memref<1x128x64xf32, #tpu.memory_space<vmem>>
    %dma_start3A_64 = tpu.memref_squeeze %dma_start3A_63 : memref<1x128x64xf32, #tpu.memory_space<vmem>> -> memref<128x64xf32, #tpu.memory_space<vmem>>
    %dma_start3A_65 = arith.constant 0 : i32
    %dma_start3A_66 = tpu.memref_slice %arg6[%dma_start3A_59, %dma_start3A_65] : memref<80x128xi32, #tpu.memory_space<vmem>> -> memref<1x128xi32, #tpu.memory_space<vmem>>
    %dma_start3A_67 = tpu.memref_squeeze %dma_start3A_66 : memref<1x128xi32, #tpu.memory_space<vmem>> -> memref<128xi32, #tpu.memory_space<vmem>>
    %dma_start3A_68 = arith.constant 0 : i32
    %dma_start3A_69 = arith.constant 0 : i32
    %dma_start3A_70 = tpu.memref_slice %arg2[%dma_start3A_68, %dma_start3A_69] : memref<10240x64xf32, #tpu.memory_space<hbm>> -> memref<10240x64xf32, #tpu.memory_space<hbm>>
    tpu.enqueue_indirect_dma source(%dma_start3A_70 : memref<10240x64xf32, #tpu.memory_space<hbm>>) target(%dma_start3A_64 : memref<128x64xf32, #tpu.memory_space<vmem>>) offsets(%dma_start3A_67 : memref<128xi32, #tpu.memory_space<vmem>>) semaphore(%arg12 : memref<!tpu.dma_semaphore, #tpu.memory_space<semaphore_mem>>)
    %dma_start3A_71 = arith.constant 3 : i32
    %dma_start3A_72 = arith.constant 3 : i32
    %dma_start3A_73 = arith.constant 0 : i32
    %dma_start3A_74 = arith.constant 0 : i32
    %dma_start3A_75 = tpu.memref_slice %arg8[%dma_start3A_72, %dma_start3A_73, %dma_start3A_74] : memref<4x128x64xf32, #tpu.memory_space<vmem>> -> memref<1x128x64xf32, #tpu.memory_space<vmem>>
    %dma_start3A_76 = tpu.memref_squeeze %dma_start3A_75 : memref<1x128x64xf32, #tpu.memory_space<vmem>> -> memref<128x64xf32, #tpu.memory_space<vmem>>
    %dma_start3A_77 = arith.constant 0 : i32
    %dma_start3A_78 = tpu.memref_slice %arg6[%dma_start3A_71, %dma_start3A_77] : memref<80x128xi32, #tpu.memory_space<vmem>> -> memref<1x128xi32, #tpu.memory_space<vmem>>
    %dma_start3A_79 = tpu.memref_squeeze %dma_start3A_78 : memref<1x128xi32, #tpu.memory_space<vmem>> -> memref<128xi32, #tpu.memory_space<vmem>>
    %dma_start3A_80 = arith.constant 0 : i32
    %dma_start3A_81 = arith.constant 0 : i32
    %dma_start3A_82 = tpu.memref_slice %arg2[%dma_start3A_80, %dma_start3A_81] : memref<10240x64xf32, #tpu.memory_space<hbm>> -> memref<10240x64xf32, #tpu.memory_space<hbm>>
    tpu.enqueue_indirect_dma source(%dma_start3A_82 : memref<10240x64xf32, #tpu.memory_space<hbm>>) target(%dma_start3A_76 : memref<128x64xf32, #tpu.memory_space<vmem>>) offsets(%dma_start3A_79 : memref<128xi32, #tpu.memory_space<vmem>>) semaphore(%arg13 : memref<!tpu.dma_semaphore, #tpu.memory_space<semaphore_mem>>)
    %barrier3A = arith.constant 0 : index
    tpu.barrier barrier_id(%barrier3A)
    %scan3A_83 = arith.constant 0 : i32
    %scan3A_84 = arith.constant 0 : i32
    %scan3A_85 = arith.constant 20 : i32
    %scan3A_86 = arith.addi %scan3A_84, %scan3A_85 : i32
    %scan3A_87 = arith.constant 1 : i32
    %scan3A_88 = scf.for %scan3A_142 = %scan3A_84 to %scan3A_86 step %scan3A_87 iter_args(%scan3A_143 = %scan3A_83) -> (i32)  : i32 {
      %mul3A_144 = arith.constant 4 : i32
      %mul3A_145 = arith.muli %scan3A_142, %mul3A_144 : i32
      %add3A_146 = arith.constant 0 : i32
      %add3A_147 = arith.addi %mul3A_145, %add3A_146 : i32
      %dma_wait3A_148 = arith.constant 0 : i32
      %dma_wait3A_149 = arith.constant 0 : i32
      %dma_wait3A_150 = arith.constant 0 : i32
      %dma_wait3A_151 = tpu.memref_slice %arg8[%dma_wait3A_148, %dma_wait3A_149, %dma_wait3A_150] : memref<4x128x64xf32, #tpu.memory_space<vmem>> -> memref<1x128x64xf32, #tpu.memory_space<vmem>>
      %dma_wait3A_152 = tpu.memref_squeeze %dma_wait3A_151 : memref<1x128x64xf32, #tpu.memory_space<vmem>> -> memref<128x64xf32, #tpu.memory_space<vmem>>
      %dma_wait3A_153 = arith.constant 0 : i32
      %dma_wait3A_154 = tpu.memref_slice %arg6[%add3A_147, %dma_wait3A_153] : memref<80x128xi32, #tpu.memory_space<vmem>> -> memref<1x128xi32, #tpu.memory_space<vmem>>
      %dma_wait3A_155 = tpu.memref_squeeze %dma_wait3A_154 : memref<1x128xi32, #tpu.memory_space<vmem>> -> memref<128xi32, #tpu.memory_space<vmem>>
      %dma_wait3A_156 = arith.constant 0 : i32
      %dma_wait3A_157 = arith.constant 0 : i32
      %dma_wait3A_158 = tpu.memref_slice %arg2[%dma_wait3A_156, %dma_wait3A_157] : memref<10240x64xf32, #tpu.memory_space<hbm>> -> memref<10240x64xf32, #tpu.memory_space<hbm>>
      tpu.wait_indirect_dma semaphore(%arg10 : memref<!tpu.dma_semaphore, #tpu.memory_space<semaphore_mem>>) src(%dma_wait3A_158 : memref<10240x64xf32, #tpu.memory_space<hbm>>) dst(%dma_wait3A_152 : memref<128x64xf32, #tpu.memory_space<vmem>>)
      %dma_start3A_159 = arith.constant 0 : i32
      %dma_start3A_160 = arith.constant 0 : i32
      %dma_start3A_161 = arith.constant 0 : i32
      %dma_start3A_162 = tpu.memref_slice %arg8[%dma_start3A_159, %dma_start3A_160, %dma_start3A_161] : memref<4x128x64xf32, #tpu.memory_space<vmem>> -> memref<1x128x64xf32, #tpu.memory_space<vmem>>
      %dma_start3A_163 = tpu.memref_squeeze %dma_start3A_162 : memref<1x128x64xf32, #tpu.memory_space<vmem>> -> memref<128x64xf32, #tpu.memory_space<vmem>>
      %dma_start3A_164 = arith.constant 0 : i32
      %dma_start3A_165 = tpu.memref_slice %arg7[%add3A_147, %dma_start3A_164] : memref<80x128xi32, #tpu.memory_space<vmem>> -> memref<1x128xi32, #tpu.memory_space<vmem>>
      %dma_start3A_166 = tpu.memref_squeeze %dma_start3A_165 : memref<1x128xi32, #tpu.memory_space<vmem>> -> memref<128xi32, #tpu.memory_space<vmem>>
      %dma_start3A_167 = arith.constant 0 : i32
      %dma_start3A_168 = arith.constant 0 : i32
      %dma_start3A_169 = tpu.memref_slice %arg9[%dma_start3A_167, %dma_start3A_168] : memref<10240x64xf32, #tpu.memory_space<vmem_shared>> -> memref<10240x64xf32, #tpu.memory_space<vmem_shared>>
      tpu.enqueue_indirect_dma source(%dma_start3A_163 : memref<128x64xf32, #tpu.memory_space<vmem>>) target(%dma_start3A_169 : memref<10240x64xf32, #tpu.memory_space<vmem_shared>>) offsets(%dma_start3A_166 : memref<128xi32, #tpu.memory_space<vmem>>) semaphore(%arg14 : memref<!tpu.dma_semaphore, #tpu.memory_space<semaphore_mem>>) {add = true}
      %ge3A = arith.constant 2 : i32
      %ge3A_170 = arith.cmpi sge, %add3A_147, %ge3A : i32
      %add3A_171 = arith.constant 2 : i32
      %add3A_172 = arith.addi %add3A_147, %add3A_171 : i32
      %lt3A = arith.constant 80 : i32
      %lt3A_173 = arith.cmpi slt, %add3A_172, %lt3A : i32
      %and3A = arith.andi %ge3A_170, %lt3A_173 : i1
      %convert_element_type3A = arith.extui %and3A : i1 to i32
      %cond3A = arith.constant 0 : i32
      %cond3A_174 = arith.cmpi ne, %convert_element_type3A, %cond3A : i32
      scf.if %cond3A_174 {
        %dma_wait3A_284 = arith.constant 2 : i32
        %dma_wait3A_285 = arith.constant 0 : i32
        %dma_wait3A_286 = arith.constant 0 : i32
        %dma_wait3A_287 = arith.constant 0 : i32
        %dma_wait3A_288 = tpu.memref_slice %arg8[%dma_wait3A_284, %dma_wait3A_286, %dma_wait3A_287] : memref<4x128x64xf32, #tpu.memory_space<vmem>> -> memref<1x128x64xf32, #tpu.memory_space<vmem>>
        %dma_wait3A_289 = tpu.memref_squeeze %dma_wait3A_288 : memref<1x128x64xf32, #tpu.memory_space<vmem>> -> memref<128x64xf32, #tpu.memory_space<vmem>>
        %dma_wait3A_290 = arith.constant 0 : i32
        %dma_wait3A_291 = tpu.memref_slice %arg7[%dma_wait3A_285, %dma_wait3A_290] : memref<80x128xi32, #tpu.memory_space<vmem>> -> memref<1x128xi32, #tpu.memory_space<vmem>>
        %dma_wait3A_292 = tpu.memref_squeeze %dma_wait3A_291 : memref<1x128xi32, #tpu.memory_space<vmem>> -> memref<128xi32, #tpu.memory_space<vmem>>
        %dma_wait3A_293 = arith.constant 0 : i32
        %dma_wait3A_294 = arith.constant 0 : i32
        %dma_wait3A_295 = tpu.memref_slice %arg9[%dma_wait3A_293, %dma_wait3A_294] : memref<10240x64xf32, #tpu.memory_space<vmem_shared>> -> memref<10240x64xf32, #tpu.memory_space<vmem_shared>>
        tpu.wait_indirect_dma semaphore(%arg16 : memref<!tpu.dma_semaphore, #tpu.memory_space<semaphore_mem>>) src(%dma_wait3A_289 : memref<128x64xf32, #tpu.memory_space<vmem>>) dst(%dma_wait3A_295 : memref<10240x64xf32, #tpu.memory_space<vmem_shared>>)
        %add3A_296 = arith.constant 2 : i32
        %add3A_297 = arith.addi %add3A_147, %add3A_296 : i32
        %dma_start3A_298 = arith.constant 2 : i32
        %dma_start3A_299 = arith.constant 0 : i32
        %dma_start3A_300 = arith.constant 0 : i32
        %dma_start3A_301 = tpu.memref_slice %arg8[%dma_start3A_298, %dma_start3A_299, %dma_start3A_300] : memref<4x128x64xf32, #tpu.memory_space<vmem>> -> memref<1x128x64xf32, #tpu.memory_space<vmem>>
        %dma_start3A_302 = tpu.memref_squeeze %dma_start3A_301 : memref<1x128x64xf32, #tpu.memory_space<vmem>> -> memref<128x64xf32, #tpu.memory_space<vmem>>
        %dma_start3A_303 = arith.constant 0 : i32
        %dma_start3A_304 = tpu.memref_slice %arg6[%add3A_297, %dma_start3A_303] : memref<80x128xi32, #tpu.memory_space<vmem>> -> memref<1x128xi32, #tpu.memory_space<vmem>>
        %dma_start3A_305 = tpu.memref_squeeze %dma_start3A_304 : memref<1x128xi32, #tpu.memory_space<vmem>> -> memref<128xi32, #tpu.memory_space<vmem>>
        %dma_start3A_306 = arith.constant 0 : i32
        %dma_start3A_307 = arith.constant 0 : i32
        %dma_start3A_308 = tpu.memref_slice %arg2[%dma_start3A_306, %dma_start3A_307] : memref<10240x64xf32, #tpu.memory_space<hbm>> -> memref<10240x64xf32, #tpu.memory_space<hbm>>
        tpu.enqueue_indirect_dma source(%dma_start3A_308 : memref<10240x64xf32, #tpu.memory_space<hbm>>) target(%dma_start3A_302 : memref<128x64xf32, #tpu.memory_space<vmem>>) offsets(%dma_start3A_305 : memref<128xi32, #tpu.memory_space<vmem>>) semaphore(%arg12 : memref<!tpu.dma_semaphore, #tpu.memory_space<semaphore_mem>>)
      } else {
      }
      %mul3A_175 = arith.constant 4 : i32
      %mul3A_176 = arith.muli %scan3A_142, %mul3A_175 : i32
      %add3A_177 = arith.constant 1 : i32
      %add3A_178 = arith.addi %mul3A_176, %add3A_177 : i32
      %dma_wait3A_179 = arith.constant 1 : i32
      %dma_wait3A_180 = arith.constant 0 : i32
      %dma_wait3A_181 = arith.constant 0 : i32
      %dma_wait3A_182 = tpu.memref_slice %arg8[%dma_wait3A_179, %dma_wait3A_180, %dma_wait3A_181] : memref<4x128x64xf32, #tpu.memory_space<vmem>> -> memref<1x128x64xf32, #tpu.memory_space<vmem>>
      %dma_wait3A_183 = tpu.memref_squeeze %dma_wait3A_182 : memref<1x128x64xf32, #tpu.memory_space<vmem>> -> memref<128x64xf32, #tpu.memory_space<vmem>>
      %dma_wait3A_184 = arith.constant 0 : i32
      %dma_wait3A_185 = tpu.memref_slice %arg6[%add3A_178, %dma_wait3A_184] : memref<80x128xi32, #tpu.memory_space<vmem>> -> memref<1x128xi32, #tpu.memory_space<vmem>>
      %dma_wait3A_186 = tpu.memref_squeeze %dma_wait3A_185 : memref<1x128xi32, #tpu.memory_space<vmem>> -> memref<128xi32, #tpu.memory_space<vmem>>
      %dma_wait3A_187 = arith.constant 0 : i32
      %dma_wait3A_188 = arith.constant 0 : i32
      %dma_wait3A_189 = tpu.memref_slice %arg2[%dma_wait3A_187, %dma_wait3A_188] : memref<10240x64xf32, #tpu.memory_space<hbm>> -> memref<10240x64xf32, #tpu.memory_space<hbm>>
      tpu.wait_indirect_dma semaphore(%arg11 : memref<!tpu.dma_semaphore, #tpu.memory_space<semaphore_mem>>) src(%dma_wait3A_189 : memref<10240x64xf32, #tpu.memory_space<hbm>>) dst(%dma_wait3A_183 : memref<128x64xf32, #tpu.memory_space<vmem>>)
      %dma_start3A_190 = arith.constant 1 : i32
      %dma_start3A_191 = arith.constant 0 : i32
      %dma_start3A_192 = arith.constant 0 : i32
      %dma_start3A_193 = tpu.memref_slice %arg8[%dma_start3A_190, %dma_start3A_191, %dma_start3A_192] : memref<4x128x64xf32, #tpu.memory_space<vmem>> -> memref<1x128x64xf32, #tpu.memory_space<vmem>>
      %dma_start3A_194 = tpu.memref_squeeze %dma_start3A_193 : memref<1x128x64xf32, #tpu.memory_space<vmem>> -> memref<128x64xf32, #tpu.memory_space<vmem>>
      %dma_start3A_195 = arith.constant 0 : i32
      %dma_start3A_196 = tpu.memref_slice %arg7[%add3A_178, %dma_start3A_195] : memref<80x128xi32, #tpu.memory_space<vmem>> -> memref<1x128xi32, #tpu.memory_space<vmem>>
      %dma_start3A_197 = tpu.memref_squeeze %dma_start3A_196 : memref<1x128xi32, #tpu.memory_space<vmem>> -> memref<128xi32, #tpu.memory_space<vmem>>
      %dma_start3A_198 = arith.constant 0 : i32
      %dma_start3A_199 = arith.constant 0 : i32
      %dma_start3A_200 = tpu.memref_slice %arg9[%dma_start3A_198, %dma_start3A_199] : memref<10240x64xf32, #tpu.memory_space<vmem_shared>> -> memref<10240x64xf32, #tpu.memory_space<vmem_shared>>
      tpu.enqueue_indirect_dma source(%dma_start3A_194 : memref<128x64xf32, #tpu.memory_space<vmem>>) target(%dma_start3A_200 : memref<10240x64xf32, #tpu.memory_space<vmem_shared>>) offsets(%dma_start3A_197 : memref<128xi32, #tpu.memory_space<vmem>>) semaphore(%arg15 : memref<!tpu.dma_semaphore, #tpu.memory_space<semaphore_mem>>) {add = true}
      %ge3A_201 = arith.constant 2 : i32
      %ge3A_202 = arith.cmpi sge, %add3A_178, %ge3A_201 : i32
      %add3A_203 = arith.constant 2 : i32
      %add3A_204 = arith.addi %add3A_178, %add3A_203 : i32
      %lt3A_205 = arith.constant 80 : i32
      %lt3A_206 = arith.cmpi slt, %add3A_204, %lt3A_205 : i32
      %and3A_207 = arith.andi %ge3A_202, %lt3A_206 : i1
      %convert_element_type3A_208 = arith.extui %and3A_207 : i1 to i32
      %cond3A_209 = arith.constant 0 : i32
      %cond3A_210 = arith.cmpi ne, %convert_element_type3A_208, %cond3A_209 : i32
      scf.if %cond3A_210 {
        %dma_wait3A_284 = arith.constant 3 : i32
        %dma_wait3A_285 = arith.constant 0 : i32
        %dma_wait3A_286 = arith.constant 0 : i32
        %dma_wait3A_287 = arith.constant 0 : i32
        %dma_wait3A_288 = tpu.memref_slice %arg8[%dma_wait3A_284, %dma_wait3A_286, %dma_wait3A_287] : memref<4x128x64xf32, #tpu.memory_space<vmem>> -> memref<1x128x64xf32, #tpu.memory_space<vmem>>
        %dma_wait3A_289 = tpu.memref_squeeze %dma_wait3A_288 : memref<1x128x64xf32, #tpu.memory_space<vmem>> -> memref<128x64xf32, #tpu.memory_space<vmem>>
        %dma_wait3A_290 = arith.constant 0 : i32
        %dma_wait3A_291 = tpu.memref_slice %arg7[%dma_wait3A_285, %dma_wait3A_290] : memref<80x128xi32, #tpu.memory_space<vmem>> -> memref<1x128xi32, #tpu.memory_space<vmem>>
        %dma_wait3A_292 = tpu.memref_squeeze %dma_wait3A_291 : memref<1x128xi32, #tpu.memory_space<vmem>> -> memref<128xi32, #tpu.memory_space<vmem>>
        %dma_wait3A_293 = arith.constant 0 : i32
        %dma_wait3A_294 = arith.constant 0 : i32
        %dma_wait3A_295 = tpu.memref_slice %arg9[%dma_wait3A_293, %dma_wait3A_294] : memref<10240x64xf32, #tpu.memory_space<vmem_shared>> -> memref<10240x64xf32, #tpu.memory_space<vmem_shared>>
        tpu.wait_indirect_dma semaphore(%arg17 : memref<!tpu.dma_semaphore, #tpu.memory_space<semaphore_mem>>) src(%dma_wait3A_289 : memref<128x64xf32, #tpu.memory_space<vmem>>) dst(%dma_wait3A_295 : memref<10240x64xf32, #tpu.memory_space<vmem_shared>>)
        %add3A_296 = arith.constant 2 : i32
        %add3A_297 = arith.addi %add3A_178, %add3A_296 : i32
        %dma_start3A_298 = arith.constant 3 : i32
        %dma_start3A_299 = arith.constant 0 : i32
        %dma_start3A_300 = arith.constant 0 : i32
        %dma_start3A_301 = tpu.memref_slice %arg8[%dma_start3A_298, %dma_start3A_299, %dma_start3A_300] : memref<4x128x64xf32, #tpu.memory_space<vmem>> -> memref<1x128x64xf32, #tpu.memory_space<vmem>>
        %dma_start3A_302 = tpu.memref_squeeze %dma_start3A_301 : memref<1x128x64xf32, #tpu.memory_space<vmem>> -> memref<128x64xf32, #tpu.memory_space<vmem>>
        %dma_start3A_303 = arith.constant 0 : i32
        %dma_start3A_304 = tpu.memref_slice %arg6[%add3A_297, %dma_start3A_303] : memref<80x128xi32, #tpu.memory_space<vmem>> -> memref<1x128xi32, #tpu.memory_space<vmem>>
        %dma_start3A_305 = tpu.memref_squeeze %dma_start3A_304 : memref<1x128xi32, #tpu.memory_space<vmem>> -> memref<128xi32, #tpu.memory_space<vmem>>
        %dma_start3A_306 = arith.constant 0 : i32
        %dma_start3A_307 = arith.constant 0 : i32
        %dma_start3A_308 = tpu.memref_slice %arg2[%dma_start3A_306, %dma_start3A_307] : memref<10240x64xf32, #tpu.memory_space<hbm>> -> memref<10240x64xf32, #tpu.memory_space<hbm>>
        tpu.enqueue_indirect_dma source(%dma_start3A_308 : memref<10240x64xf32, #tpu.memory_space<hbm>>) target(%dma_start3A_302 : memref<128x64xf32, #tpu.memory_space<vmem>>) offsets(%dma_start3A_305 : memref<128xi32, #tpu.memory_space<vmem>>) semaphore(%arg13 : memref<!tpu.dma_semaphore, #tpu.memory_space<semaphore_mem>>)
      } else {
      }
      %mul3A_211 = arith.constant 4 : i32
      %mul3A_212 = arith.muli %scan3A_142, %mul3A_211 : i32
      %add3A_213 = arith.constant 2 : i32
      %add3A_214 = arith.addi %mul3A_212, %add3A_213 : i32
      %dma_wait3A_215 = arith.constant 2 : i32
      %dma_wait3A_216 = arith.constant 0 : i32
      %dma_wait3A_217 = arith.constant 0 : i32
      %dma_wait3A_218 = tpu.memref_slice %arg8[%dma_wait3A_215, %dma_wait3A_216, %dma_wait3A_217] : memref<4x128x64xf32, #tpu.memory_space<vmem>> -> memref<1x128x64xf32, #tpu.memory_space<vmem>>
      %dma_wait3A_219 = tpu.memref_squeeze %dma_wait3A_218 : memref<1x128x64xf32, #tpu.memory_space<vmem>> -> memref<128x64xf32, #tpu.memory_space<vmem>>
      %dma_wait3A_220 = arith.constant 0 : i32
      %dma_wait3A_221 = tpu.memref_slice %arg6[%add3A_214, %dma_wait3A_220] : memref<80x128xi32, #tpu.memory_space<vmem>> -> memref<1x128xi32, #tpu.memory_space<vmem>>
      %dma_wait3A_222 = tpu.memref_squeeze %dma_wait3A_221 : memref<1x128xi32, #tpu.memory_space<vmem>> -> memref<128xi32, #tpu.memory_space<vmem>>
      %dma_wait3A_223 = arith.constant 0 : i32
      %dma_wait3A_224 = arith.constant 0 : i32
      %dma_wait3A_225 = tpu.memref_slice %arg2[%dma_wait3A_223, %dma_wait3A_224] : memref<10240x64xf32, #tpu.memory_space<hbm>> -> memref<10240x64xf32, #tpu.memory_space<hbm>>
      tpu.wait_indirect_dma semaphore(%arg12 : memref<!tpu.dma_semaphore, #tpu.memory_space<semaphore_mem>>) src(%dma_wait3A_225 : memref<10240x64xf32, #tpu.memory_space<hbm>>) dst(%dma_wait3A_219 : memref<128x64xf32, #tpu.memory_space<vmem>>)
      %dma_start3A_226 = arith.constant 2 : i32
      %dma_start3A_227 = arith.constant 0 : i32
      %dma_start3A_228 = arith.constant 0 : i32
      %dma_start3A_229 = tpu.memref_slice %arg8[%dma_start3A_226, %dma_start3A_227, %dma_start3A_228] : memref<4x128x64xf32, #tpu.memory_space<vmem>> -> memref<1x128x64xf32, #tpu.memory_space<vmem>>
      %dma_start3A_230 = tpu.memref_squeeze %dma_start3A_229 : memref<1x128x64xf32, #tpu.memory_space<vmem>> -> memref<128x64xf32, #tpu.memory_space<vmem>>
      %dma_start3A_231 = arith.constant 0 : i32
      %dma_start3A_232 = tpu.memref_slice %arg7[%add3A_214, %dma_start3A_231] : memref<80x128xi32, #tpu.memory_space<vmem>> -> memref<1x128xi32, #tpu.memory_space<vmem>>
      %dma_start3A_233 = tpu.memref_squeeze %dma_start3A_232 : memref<1x128xi32, #tpu.memory_space<vmem>> -> memref<128xi32, #tpu.memory_space<vmem>>
      %dma_start3A_234 = arith.constant 0 : i32
      %dma_start3A_235 = arith.constant 0 : i32
      %dma_start3A_236 = tpu.memref_slice %arg9[%dma_start3A_234, %dma_start3A_235] : memref<10240x64xf32, #tpu.memory_space<vmem_shared>> -> memref<10240x64xf32, #tpu.memory_space<vmem_shared>>
      tpu.enqueue_indirect_dma source(%dma_start3A_230 : memref<128x64xf32, #tpu.memory_space<vmem>>) target(%dma_start3A_236 : memref<10240x64xf32, #tpu.memory_space<vmem_shared>>) offsets(%dma_start3A_233 : memref<128xi32, #tpu.memory_space<vmem>>) semaphore(%arg16 : memref<!tpu.dma_semaphore, #tpu.memory_space<semaphore_mem>>) {add = true}
      %ge3A_237 = arith.constant 2 : i32
      %ge3A_238 = arith.cmpi sge, %add3A_214, %ge3A_237 : i32
      %add3A_239 = arith.constant 2 : i32
      %add3A_240 = arith.addi %add3A_214, %add3A_239 : i32
      %lt3A_241 = arith.constant 80 : i32
      %lt3A_242 = arith.cmpi slt, %add3A_240, %lt3A_241 : i32
      %and3A_243 = arith.andi %ge3A_238, %lt3A_242 : i1
      %convert_element_type3A_244 = arith.extui %and3A_243 : i1 to i32
      %cond3A_245 = arith.constant 0 : i32
      %cond3A_246 = arith.cmpi ne, %convert_element_type3A_244, %cond3A_245 : i32
      scf.if %cond3A_246 {
        %dma_wait3A_284 = arith.constant 0 : i32
        %dma_wait3A_285 = arith.constant 0 : i32
        %dma_wait3A_286 = arith.constant 0 : i32
        %dma_wait3A_287 = arith.constant 0 : i32
        %dma_wait3A_288 = tpu.memref_slice %arg8[%dma_wait3A_284, %dma_wait3A_286, %dma_wait3A_287] : memref<4x128x64xf32, #tpu.memory_space<vmem>> -> memref<1x128x64xf32, #tpu.memory_space<vmem>>
        %dma_wait3A_289 = tpu.memref_squeeze %dma_wait3A_288 : memref<1x128x64xf32, #tpu.memory_space<vmem>> -> memref<128x64xf32, #tpu.memory_space<vmem>>
        %dma_wait3A_290 = arith.constant 0 : i32
        %dma_wait3A_291 = tpu.memref_slice %arg7[%dma_wait3A_285, %dma_wait3A_290] : memref<80x128xi32, #tpu.memory_space<vmem>> -> memref<1x128xi32, #tpu.memory_space<vmem>>
        %dma_wait3A_292 = tpu.memref_squeeze %dma_wait3A_291 : memref<1x128xi32, #tpu.memory_space<vmem>> -> memref<128xi32, #tpu.memory_space<vmem>>
        %dma_wait3A_293 = arith.constant 0 : i32
        %dma_wait3A_294 = arith.constant 0 : i32
        %dma_wait3A_295 = tpu.memref_slice %arg9[%dma_wait3A_293, %dma_wait3A_294] : memref<10240x64xf32, #tpu.memory_space<vmem_shared>> -> memref<10240x64xf32, #tpu.memory_space<vmem_shared>>
        tpu.wait_indirect_dma semaphore(%arg14 : memref<!tpu.dma_semaphore, #tpu.memory_space<semaphore_mem>>) src(%dma_wait3A_289 : memref<128x64xf32, #tpu.memory_space<vmem>>) dst(%dma_wait3A_295 : memref<10240x64xf32, #tpu.memory_space<vmem_shared>>)
        %add3A_296 = arith.constant 2 : i32
        %add3A_297 = arith.addi %add3A_214, %add3A_296 : i32
        %dma_start3A_298 = arith.constant 0 : i32
        %dma_start3A_299 = arith.constant 0 : i32
        %dma_start3A_300 = arith.constant 0 : i32
        %dma_start3A_301 = tpu.memref_slice %arg8[%dma_start3A_298, %dma_start3A_299, %dma_start3A_300] : memref<4x128x64xf32, #tpu.memory_space<vmem>> -> memref<1x128x64xf32, #tpu.memory_space<vmem>>
        %dma_start3A_302 = tpu.memref_squeeze %dma_start3A_301 : memref<1x128x64xf32, #tpu.memory_space<vmem>> -> memref<128x64xf32, #tpu.memory_space<vmem>>
        %dma_start3A_303 = arith.constant 0 : i32
        %dma_start3A_304 = tpu.memref_slice %arg6[%add3A_297, %dma_start3A_303] : memref<80x128xi32, #tpu.memory_space<vmem>> -> memref<1x128xi32, #tpu.memory_space<vmem>>
        %dma_start3A_305 = tpu.memref_squeeze %dma_start3A_304 : memref<1x128xi32, #tpu.memory_space<vmem>> -> memref<128xi32, #tpu.memory_space<vmem>>
        %dma_start3A_306 = arith.constant 0 : i32
        %dma_start3A_307 = arith.constant 0 : i32
        %dma_start3A_308 = tpu.memref_slice %arg2[%dma_start3A_306, %dma_start3A_307] : memref<10240x64xf32, #tpu.memory_space<hbm>> -> memref<10240x64xf32, #tpu.memory_space<hbm>>
        tpu.enqueue_indirect_dma source(%dma_start3A_308 : memref<10240x64xf32, #tpu.memory_space<hbm>>) target(%dma_start3A_302 : memref<128x64xf32, #tpu.memory_space<vmem>>) offsets(%dma_start3A_305 : memref<128xi32, #tpu.memory_space<vmem>>) semaphore(%arg10 : memref<!tpu.dma_semaphore, #tpu.memory_space<semaphore_mem>>)
      } else {
      }
      %mul3A_247 = arith.constant 4 : i32
      %mul3A_248 = arith.muli %scan3A_142, %mul3A_247 : i32
      %add3A_249 = arith.constant 3 : i32
      %add3A_250 = arith.addi %mul3A_248, %add3A_249 : i32
      %dma_wait3A_251 = arith.constant 3 : i32
      %dma_wait3A_252 = arith.constant 0 : i32
      %dma_wait3A_253 = arith.constant 0 : i32
      %dma_wait3A_254 = tpu.memref_slice %arg8[%dma_wait3A_251, %dma_wait3A_252, %dma_wait3A_253] : memref<4x128x64xf32, #tpu.memory_space<vmem>> -> memref<1x128x64xf32, #tpu.memory_space<vmem>>
      %dma_wait3A_255 = tpu.memref_squeeze %dma_wait3A_254 : memref<1x128x64xf32, #tpu.memory_space<vmem>> -> memref<128x64xf32, #tpu.memory_space<vmem>>
      %dma_wait3A_256 = arith.constant 0 : i32
      %dma_wait3A_257 = tpu.memref_slice %arg6[%add3A_250, %dma_wait3A_256] : memref<80x128xi32, #tpu.memory_space<vmem>> -> memref<1x128xi32, #tpu.memory_space<vmem>>
      %dma_wait3A_258 = tpu.memref_squeeze %dma_wait3A_257 : memref<1x128xi32, #tpu.memory_space<vmem>> -> memref<128xi32, #tpu.memory_space<vmem>>
      %dma_wait3A_259 = arith.constant 0 : i32
      %dma_wait3A_260 = arith.constant 0 : i32
      %dma_wait3A_261 = tpu.memref_slice %arg2[%dma_wait3A_259, %dma_wait3A_260] : memref<10240x64xf32, #tpu.memory_space<hbm>> -> memref<10240x64xf32, #tpu.memory_space<hbm>>
      tpu.wait_indirect_dma semaphore(%arg13 : memref<!tpu.dma_semaphore, #tpu.memory_space<semaphore_mem>>) src(%dma_wait3A_261 : memref<10240x64xf32, #tpu.memory_space<hbm>>) dst(%dma_wait3A_255 : memref<128x64xf32, #tpu.memory_space<vmem>>)
      %dma_start3A_262 = arith.constant 3 : i32
      %dma_start3A_263 = arith.constant 0 : i32
      %dma_start3A_264 = arith.constant 0 : i32
      %dma_start3A_265 = tpu.memref_slice %arg8[%dma_start3A_262, %dma_start3A_263, %dma_start3A_264] : memref<4x128x64xf32, #tpu.memory_space<vmem>> -> memref<1x128x64xf32, #tpu.memory_space<vmem>>
      %dma_start3A_266 = tpu.memref_squeeze %dma_start3A_265 : memref<1x128x64xf32, #tpu.memory_space<vmem>> -> memref<128x64xf32, #tpu.memory_space<vmem>>
      %dma_start3A_267 = arith.constant 0 : i32
      %dma_start3A_268 = tpu.memref_slice %arg7[%add3A_250, %dma_start3A_267] : memref<80x128xi32, #tpu.memory_space<vmem>> -> memref<1x128xi32, #tpu.memory_space<vmem>>
      %dma_start3A_269 = tpu.memref_squeeze %dma_start3A_268 : memref<1x128xi32, #tpu.memory_space<vmem>> -> memref<128xi32, #tpu.memory_space<vmem>>
      %dma_start3A_270 = arith.constant 0 : i32
      %dma_start3A_271 = arith.constant 0 : i32
      %dma_start3A_272 = tpu.memref_slice %arg9[%dma_start3A_270, %dma_start3A_271] : memref<10240x64xf32, #tpu.memory_space<vmem_shared>> -> memref<10240x64xf32, #tpu.memory_space<vmem_shared>>
      tpu.enqueue_indirect_dma source(%dma_start3A_266 : memref<128x64xf32, #tpu.memory_space<vmem>>) target(%dma_start3A_272 : memref<10240x64xf32, #tpu.memory_space<vmem_shared>>) offsets(%dma_start3A_269 : memref<128xi32, #tpu.memory_space<vmem>>) semaphore(%arg17 : memref<!tpu.dma_semaphore, #tpu.memory_space<semaphore_mem>>) {add = true}
      %ge3A_273 = arith.constant 2 : i32
      %ge3A_274 = arith.cmpi sge, %add3A_250, %ge3A_273 : i32
      %add3A_275 = arith.constant 2 : i32
      %add3A_276 = arith.addi %add3A_250, %add3A_275 : i32
      %lt3A_277 = arith.constant 80 : i32
      %lt3A_278 = arith.cmpi slt, %add3A_276, %lt3A_277 : i32
      %and3A_279 = arith.andi %ge3A_274, %lt3A_278 : i1
      %convert_element_type3A_280 = arith.extui %and3A_279 : i1 to i32
      %cond3A_281 = arith.constant 0 : i32
      %cond3A_282 = arith.cmpi ne, %convert_element_type3A_280, %cond3A_281 : i32
      scf.if %cond3A_282 {
        %dma_wait3A_284 = arith.constant 1 : i32
        %dma_wait3A_285 = arith.constant 0 : i32
        %dma_wait3A_286 = arith.constant 0 : i32
        %dma_wait3A_287 = arith.constant 0 : i32
        %dma_wait3A_288 = tpu.memref_slice %arg8[%dma_wait3A_284, %dma_wait3A_286, %dma_wait3A_287] : memref<4x128x64xf32, #tpu.memory_space<vmem>> -> memref<1x128x64xf32, #tpu.memory_space<vmem>>
        %dma_wait3A_289 = tpu.memref_squeeze %dma_wait3A_288 : memref<1x128x64xf32, #tpu.memory_space<vmem>> -> memref<128x64xf32, #tpu.memory_space<vmem>>
        %dma_wait3A_290 = arith.constant 0 : i32
        %dma_wait3A_291 = tpu.memref_slice %arg7[%dma_wait3A_285, %dma_wait3A_290] : memref<80x128xi32, #tpu.memory_space<vmem>> -> memref<1x128xi32, #tpu.memory_space<vmem>>
        %dma_wait3A_292 = tpu.memref_squeeze %dma_wait3A_291 : memref<1x128xi32, #tpu.memory_space<vmem>> -> memref<128xi32, #tpu.memory_space<vmem>>
        %dma_wait3A_293 = arith.constant 0 : i32
        %dma_wait3A_294 = arith.constant 0 : i32
        %dma_wait3A_295 = tpu.memref_slice %arg9[%dma_wait3A_293, %dma_wait3A_294] : memref<10240x64xf32, #tpu.memory_space<vmem_shared>> -> memref<10240x64xf32, #tpu.memory_space<vmem_shared>>
        tpu.wait_indirect_dma semaphore(%arg15 : memref<!tpu.dma_semaphore, #tpu.memory_space<semaphore_mem>>) src(%dma_wait3A_289 : memref<128x64xf32, #tpu.memory_space<vmem>>) dst(%dma_wait3A_295 : memref<10240x64xf32, #tpu.memory_space<vmem_shared>>)
        %add3A_296 = arith.constant 2 : i32
        %add3A_297 = arith.addi %add3A_250, %add3A_296 : i32
        %dma_start3A_298 = arith.constant 1 : i32
        %dma_start3A_299 = arith.constant 0 : i32
        %dma_start3A_300 = arith.constant 0 : i32
        %dma_start3A_301 = tpu.memref_slice %arg8[%dma_start3A_298, %dma_start3A_299, %dma_start3A_300] : memref<4x128x64xf32, #tpu.memory_space<vmem>> -> memref<1x128x64xf32, #tpu.memory_space<vmem>>
        %dma_start3A_302 = tpu.memref_squeeze %dma_start3A_301 : memref<1x128x64xf32, #tpu.memory_space<vmem>> -> memref<128x64xf32, #tpu.memory_space<vmem>>
        %dma_start3A_303 = arith.constant 0 : i32
        %dma_start3A_304 = tpu.memref_slice %arg6[%add3A_297, %dma_start3A_303] : memref<80x128xi32, #tpu.memory_space<vmem>> -> memref<1x128xi32, #tpu.memory_space<vmem>>
        %dma_start3A_305 = tpu.memref_squeeze %dma_start3A_304 : memref<1x128xi32, #tpu.memory_space<vmem>> -> memref<128xi32, #tpu.memory_space<vmem>>
        %dma_start3A_306 = arith.constant 0 : i32
        %dma_start3A_307 = arith.constant 0 : i32
        %dma_start3A_308 = tpu.memref_slice %arg2[%dma_start3A_306, %dma_start3A_307] : memref<10240x64xf32, #tpu.memory_space<hbm>> -> memref<10240x64xf32, #tpu.memory_space<hbm>>
        tpu.enqueue_indirect_dma source(%dma_start3A_308 : memref<10240x64xf32, #tpu.memory_space<hbm>>) target(%dma_start3A_302 : memref<128x64xf32, #tpu.memory_space<vmem>>) offsets(%dma_start3A_305 : memref<128xi32, #tpu.memory_space<vmem>>) semaphore(%arg11 : memref<!tpu.dma_semaphore, #tpu.memory_space<semaphore_mem>>)
      } else {
      }
      %scan3A_283 = arith.constant 0 : i32
      scf.yield %scan3A_283 : i32
    }
    %scan3A_89 = arith.constant 20 : i32
    %dma_wait3A = arith.constant 0 : i32
    %dma_wait3A_90 = arith.constant 0 : i32
    %dma_wait3A_91 = arith.constant 0 : i32
    %dma_wait3A_92 = arith.constant 0 : i32
    %dma_wait3A_93 = tpu.memref_slice %arg8[%dma_wait3A, %dma_wait3A_91, %dma_wait3A_92] : memref<4x128x64xf32, #tpu.memory_space<vmem>> -> memref<1x128x64xf32, #tpu.memory_space<vmem>>
    %dma_wait3A_94 = tpu.memref_squeeze %dma_wait3A_93 : memref<1x128x64xf32, #tpu.memory_space<vmem>> -> memref<128x64xf32, #tpu.memory_space<vmem>>
    %dma_wait3A_95 = arith.constant 0 : i32
    %dma_wait3A_96 = tpu.memref_slice %arg7[%dma_wait3A_90, %dma_wait3A_95] : memref<80x128xi32, #tpu.memory_space<vmem>> -> memref<1x128xi32, #tpu.memory_space<vmem>>
    %dma_wait3A_97 = tpu.memref_squeeze %dma_wait3A_96 : memref<1x128xi32, #tpu.memory_space<vmem>> -> memref<128xi32, #tpu.memory_space<vmem>>
    %dma_wait3A_98 = arith.constant 0 : i32
    %dma_wait3A_99 = arith.constant 0 : i32
    %dma_wait3A_100 = tpu.memref_slice %arg9[%dma_wait3A_98, %dma_wait3A_99] : memref<10240x64xf32, #tpu.memory_space<vmem_shared>> -> memref<10240x64xf32, #tpu.memory_space<vmem_shared>>
    tpu.wait_indirect_dma semaphore(%arg14 : memref<!tpu.dma_semaphore, #tpu.memory_space<semaphore_mem>>) src(%dma_wait3A_94 : memref<128x64xf32, #tpu.memory_space<vmem>>) dst(%dma_wait3A_100 : memref<10240x64xf32, #tpu.memory_space<vmem_shared>>)
    %dma_wait3A_101 = arith.constant 1 : i32
    %dma_wait3A_102 = arith.constant 0 : i32
    %dma_wait3A_103 = arith.constant 0 : i32
    %dma_wait3A_104 = arith.constant 0 : i32
    %dma_wait3A_105 = tpu.memref_slice %arg8[%dma_wait3A_101, %dma_wait3A_103, %dma_wait3A_104] : memref<4x128x64xf32, #tpu.memory_space<vmem>> -> memref<1x128x64xf32, #tpu.memory_space<vmem>>
    %dma_wait3A_106 = tpu.memref_squeeze %dma_wait3A_105 : memref<1x128x64xf32, #tpu.memory_space<vmem>> -> memref<128x64xf32, #tpu.memory_space<vmem>>
    %dma_wait3A_107 = arith.constant 0 : i32
    %dma_wait3A_108 = tpu.memref_slice %arg7[%dma_wait3A_102, %dma_wait3A_107] : memref<80x128xi32, #tpu.memory_space<vmem>> -> memref<1x128xi32, #tpu.memory_space<vmem>>
    %dma_wait3A_109 = tpu.memref_squeeze %dma_wait3A_108 : memref<1x128xi32, #tpu.memory_space<vmem>> -> memref<128xi32, #tpu.memory_space<vmem>>
    %dma_wait3A_110 = arith.constant 0 : i32
    %dma_wait3A_111 = arith.constant 0 : i32
    %dma_wait3A_112 = tpu.memref_slice %arg9[%dma_wait3A_110, %dma_wait3A_111] : memref<10240x64xf32, #tpu.memory_space<vmem_shared>> -> memref<10240x64xf32, #tpu.memory_space<vmem_shared>>
    tpu.wait_indirect_dma semaphore(%arg15 : memref<!tpu.dma_semaphore, #tpu.memory_space<semaphore_mem>>) src(%dma_wait3A_106 : memref<128x64xf32, #tpu.memory_space<vmem>>) dst(%dma_wait3A_112 : memref<10240x64xf32, #tpu.memory_space<vmem_shared>>)
    %dma_wait3A_113 = arith.constant 2 : i32
    %dma_wait3A_114 = arith.constant 0 : i32
    %dma_wait3A_115 = arith.constant 0 : i32
    %dma_wait3A_116 = arith.constant 0 : i32
    %dma_wait3A_117 = tpu.memref_slice %arg8[%dma_wait3A_113, %dma_wait3A_115, %dma_wait3A_116] : memref<4x128x64xf32, #tpu.memory_space<vmem>> -> memref<1x128x64xf32, #tpu.memory_space<vmem>>
    %dma_wait3A_118 = tpu.memref_squeeze %dma_wait3A_117 : memref<1x128x64xf32, #tpu.memory_space<vmem>> -> memref<128x64xf32, #tpu.memory_space<vmem>>
    %dma_wait3A_119 = arith.constant 0 : i32
    %dma_wait3A_120 = tpu.memref_slice %arg7[%dma_wait3A_114, %dma_wait3A_119] : memref<80x128xi32, #tpu.memory_space<vmem>> -> memref<1x128xi32, #tpu.memory_space<vmem>>
    %dma_wait3A_121 = tpu.memref_squeeze %dma_wait3A_120 : memref<1x128xi32, #tpu.memory_space<vmem>> -> memref<128xi32, #tpu.memory_space<vmem>>
    %dma_wait3A_122 = arith.constant 0 : i32
    %dma_wait3A_123 = arith.constant 0 : i32
    %dma_wait3A_124 = tpu.memref_slice %arg9[%dma_wait3A_122, %dma_wait3A_123] : memref<10240x64xf32, #tpu.memory_space<vmem_shared>> -> memref<10240x64xf32, #tpu.memory_space<vmem_shared>>
    tpu.wait_indirect_dma semaphore(%arg16 : memref<!tpu.dma_semaphore, #tpu.memory_space<semaphore_mem>>) src(%dma_wait3A_118 : memref<128x64xf32, #tpu.memory_space<vmem>>) dst(%dma_wait3A_124 : memref<10240x64xf32, #tpu.memory_space<vmem_shared>>)
    %dma_wait3A_125 = arith.constant 3 : i32
    %dma_wait3A_126 = arith.constant 0 : i32
    %dma_wait3A_127 = arith.constant 0 : i32
    %dma_wait3A_128 = arith.constant 0 : i32
    %dma_wait3A_129 = tpu.memref_slice %arg8[%dma_wait3A_125, %dma_wait3A_127, %dma_wait3A_128] : memref<4x128x64xf32, #tpu.memory_space<vmem>> -> memref<1x128x64xf32, #tpu.memory_space<vmem>>
    %dma_wait3A_130 = tpu.memref_squeeze %dma_wait3A_129 : memref<1x128x64xf32, #tpu.memory_space<vmem>> -> memref<128x64xf32, #tpu.memory_space<vmem>>
    %dma_wait3A_131 = arith.constant 0 : i32
    %dma_wait3A_132 = tpu.memref_slice %arg7[%dma_wait3A_126, %dma_wait3A_131] : memref<80x128xi32, #tpu.memory_space<vmem>> -> memref<1x128xi32, #tpu.memory_space<vmem>>
    %dma_wait3A_133 = tpu.memref_squeeze %dma_wait3A_132 : memref<1x128xi32, #tpu.memory_space<vmem>> -> memref<128xi32, #tpu.memory_space<vmem>>
    %dma_wait3A_134 = arith.constant 0 : i32
    %dma_wait3A_135 = arith.constant 0 : i32
    %dma_wait3A_136 = tpu.memref_slice %arg9[%dma_wait3A_134, %dma_wait3A_135] : memref<10240x64xf32, #tpu.memory_space<vmem_shared>> -> memref<10240x64xf32, #tpu.memory_space<vmem_shared>>
    tpu.wait_indirect_dma semaphore(%arg17 : memref<!tpu.dma_semaphore, #tpu.memory_space<semaphore_mem>>) src(%dma_wait3A_130 : memref<128x64xf32, #tpu.memory_space<vmem>>) dst(%dma_wait3A_136 : memref<10240x64xf32, #tpu.memory_space<vmem_shared>>)
    %barrier3A_137 = arith.constant 0 : index
    tpu.barrier barrier_id(%barrier3A_137)
    %mul3A_138 = arith.constant 640 : i32
    %mul3A_139 = arith.muli %arg1, %mul3A_138 : i32
    %mul3A_140 = arith.constant 640 : i32
    %mul3A_141 = arith.muli %arg1, %mul3A_140 : i32
    "tpu.region"() ({
      %run_scoped3A_142 = tpu.sem_alloc : memref<!tpu.dma_semaphore, #tpu.memory_space<semaphore_mem>>
      %dma_start3A_143 = arith.constant 0 : i32
      %dma_start3A_144 = tpu.memref_slice %arg5[%arg0, %mul3A_141, %dma_start3A_143] : memref<2x10240x64xf32, #tpu.memory_space<hbm>> -> memref<1x640x64xf32, #tpu.memory_space<hbm>>
      %dma_start3A_145 = tpu.memref_squeeze %dma_start3A_144 : memref<1x640x64xf32, #tpu.memory_space<hbm>> -> memref<640x64xf32, #tpu.memory_space<hbm>>
      %dma_start3A_146 = arith.constant 0 : i32
      %dma_start3A_147 = tpu.memref_slice %arg9[%mul3A_139, %dma_start3A_146] : memref<10240x64xf32, #tpu.memory_space<vmem_shared>> -> memref<640x64xf32, #tpu.memory_space<vmem_shared>>
      tpu.enqueue_dma source(%dma_start3A_147 : memref<640x64xf32, #tpu.memory_space<vmem_shared>>) target(%dma_start3A_145 : memref<640x64xf32, #tpu.memory_space<hbm>>) target_semaphore(%run_scoped3A_142 : memref<!tpu.dma_semaphore, #tpu.memory_space<semaphore_mem>>)
      %dma_wait3A_148 = arith.constant 0 : i32
      %dma_wait3A_149 = tpu.memref_slice %arg5[%arg0, %mul3A_141, %dma_wait3A_148] : memref<2x10240x64xf32, #tpu.memory_space<hbm>> -> memref<1x640x64xf32, #tpu.memory_space<hbm>>
      %dma_wait3A_150 = tpu.memref_squeeze %dma_wait3A_149 : memref<1x640x64xf32, #tpu.memory_space<hbm>> -> memref<640x64xf32, #tpu.memory_space<hbm>>
      %dma_wait3A_151 = arith.constant 0 : i32
      %dma_wait3A_152 = tpu.memref_slice %arg9[%mul3A_139, %dma_wait3A_151] : memref<10240x64xf32, #tpu.memory_space<vmem_shared>> -> memref<640x64xf32, #tpu.memory_space<vmem_shared>>
      tpu.wait_dma2 semaphore(%run_scoped3A_142 : memref<!tpu.dma_semaphore, #tpu.memory_space<semaphore_mem>>) src(%dma_wait3A_152 : memref<640x64xf32, #tpu.memory_space<vmem_shared>>) dst(%dma_wait3A_150 : memref<640x64xf32, #tpu.memory_space<hbm>>)
      tpu.yield
    }) : () -> ()
    return
  }
}

#map = affine_map<(d0, d1) -> (0, 0)>
#map1 = affine_map<(d0, d1) -> (0, 0, 0)>
module attributes {stable_mosaic.version = 14 : i64} {
  func.func @body(%arg0: i32, %arg1: i32, %arg2: memref<2560x128xi32, #tpu.memory_space<hbm>>, %arg3: memref<2x16x10240xf32, #tpu.memory_space<hbm>>, %arg4: memref<80x128xi32, #tpu.memory_space<vmem>>, %arg5: memref<10240xf32, #tpu.memory_space<vmem>>) attributes {dimension_semantics = [#tpu.dimension_semantics<core_parallel>, #tpu.dimension_semantics<subcore_parallel>], iteration_bounds = array<i64: 2, 16>, scalar_prefetch = 0 : i64, scratch_operands = 2 : i64, tpu.core_type = #tpu.core_type<sc_vector_subcore>, window_params = [{transform_indices = #map}, {transform_indices = #map1}]} {
    %mul3A = arith.constant 16 : i32
    %mul3A_0 = arith.muli %arg0, %mul3A : i32
    %add3A = arith.addi %mul3A_0, %arg1 : i32
    %mul3A_1 = arith.constant 80 : i32
    %mul3A_2 = arith.muli %add3A, %mul3A_1 : i32
    "tpu.region"() ({
      %run_scoped3A = tpu.sem_alloc : memref<!tpu.dma_semaphore, #tpu.memory_space<semaphore_mem>>
      %dma_start3A = arith.constant 0 : i32
      %dma_start3A_17 = tpu.memref_slice %arg2[%mul3A_2, %dma_start3A] : memref<2560x128xi32, #tpu.memory_space<hbm>> -> memref<80x128xi32, #tpu.memory_space<hbm>>
      %dma_start3A_18 = arith.constant 0 : i32
      %dma_start3A_19 = tpu.memref_slice %arg2[%mul3A_2, %dma_start3A_18] : memref<2560x128xi32, #tpu.memory_space<hbm>> -> memref<80x128xi32, #tpu.memory_space<hbm>>
      tpu.enqueue_dma source(%dma_start3A_19 : memref<80x128xi32, #tpu.memory_space<hbm>>) target(%arg4 : memref<80x128xi32, #tpu.memory_space<vmem>>) target_semaphore(%run_scoped3A : memref<!tpu.dma_semaphore, #tpu.memory_space<semaphore_mem>>)
      %dma_wait3A = arith.constant 0 : i32
      %dma_wait3A_20 = tpu.memref_slice %arg2[%mul3A_2, %dma_wait3A] : memref<2560x128xi32, #tpu.memory_space<hbm>> -> memref<80x128xi32, #tpu.memory_space<hbm>>
      %dma_wait3A_21 = arith.constant 0 : i32
      %dma_wait3A_22 = tpu.memref_slice %arg2[%mul3A_2, %dma_wait3A_21] : memref<2560x128xi32, #tpu.memory_space<hbm>> -> memref<80x128xi32, #tpu.memory_space<hbm>>
      tpu.wait_dma2 semaphore(%run_scoped3A : memref<!tpu.dma_semaphore, #tpu.memory_space<semaphore_mem>>) src(%dma_wait3A_22 : memref<80x128xi32, #tpu.memory_space<hbm>>) dst(%arg4 : memref<80x128xi32, #tpu.memory_space<vmem>>)
      tpu.yield
    }) : () -> ()
    %scan3A = arith.constant 0 : i32
    %scan3A_3 = arith.constant 0 : i32
    %scan3A_4 = arith.constant 640 : i32
    %scan3A_5 = arith.addi %scan3A_3, %scan3A_4 : i32
    %scan3A_6 = arith.constant 4 : i32
    %scan3A_7 = scf.for %scan3A_17 = %scan3A_3 to %scan3A_5 step %scan3A_6 iter_args(%scan3A_18 = %scan3A) -> (i32)  : i32 {
      %broadcast_in_dim3A_19 = arith.constant 0.000000e+00 : f32
      %broadcast_in_dim3A_20 = vector.broadcast %broadcast_in_dim3A_19 : f32 to vector<16xf32>
      %mul3A_21 = arith.constant 16 : i32
      %mul3A_22 = arith.muli %scan3A_17, %mul3A_21 : i32
      %swap3A = arith.index_cast %mul3A_22 : i32 to index
      %swap3A_23 = tpu.vector_load %arg5[%swap3A] {strides = array<i32>} : memref<10240xf32, #tpu.memory_space<vmem>>, vector<16xf32>,
      tpu.vector_store %arg5[%swap3A], %broadcast_in_dim3A_20 {strides = array<i32>} : memref<10240xf32, #tpu.memory_space<vmem>>, vector<16xf32>,
      %scan3A_24 = arith.constant 0 : i32
      %scan3A_25 = arith.constant 1 : i32
      %scan3A_26 = arith.addi %scan3A_17, %scan3A_25 : i32
      %broadcast_in_dim3A_27 = arith.constant 0.000000e+00 : f32
      %broadcast_in_dim3A_28 = vector.broadcast %broadcast_in_dim3A_27 : f32 to vector<16xf32>
      %mul3A_29 = arith.constant 16 : i32
      %mul3A_30 = arith.muli %scan3A_26, %mul3A_29 : i32
      %swap3A_31 = arith.index_cast %mul3A_30 : i32 to index
      %swap3A_32 = tpu.vector_load %arg5[%swap3A_31] {strides = array<i32>} : memref<10240xf32, #tpu.memory_space<vmem>>, vector<16xf32>,
      tpu.vector_store %arg5[%swap3A_31], %broadcast_in_dim3A_28 {strides = array<i32>} : memref<10240xf32, #tpu.memory_space<vmem>>, vector<16xf32>,
      %scan3A_33 = arith.constant 0 : i32
      %scan3A_34 = arith.constant 2 : i32
      %scan3A_35 = arith.addi %scan3A_17, %scan3A_34 : i32
      %broadcast_in_dim3A_36 = arith.constant 0.000000e+00 : f32
      %broadcast_in_dim3A_37 = vector.broadcast %broadcast_in_dim3A_36 : f32 to vector<16xf32>
      %mul3A_38 = arith.constant 16 : i32
      %mul3A_39 = arith.muli %scan3A_35, %mul3A_38 : i32
      %swap3A_40 = arith.index_cast %mul3A_39 : i32 to index
      %swap3A_41 = tpu.vector_load %arg5[%swap3A_40] {strides = array<i32>} : memref<10240xf32, #tpu.memory_space<vmem>>, vector<16xf32>,
      tpu.vector_store %arg5[%swap3A_40], %broadcast_in_dim3A_37 {strides = array<i32>} : memref<10240xf32, #tpu.memory_space<vmem>>, vector<16xf32>,
      %scan3A_42 = arith.constant 0 : i32
      %scan3A_43 = arith.constant 3 : i32
      %scan3A_44 = arith.addi %scan3A_17, %scan3A_43 : i32
      %broadcast_in_dim3A_45 = arith.constant 0.000000e+00 : f32
      %broadcast_in_dim3A_46 = vector.broadcast %broadcast_in_dim3A_45 : f32 to vector<16xf32>
      %mul3A_47 = arith.constant 16 : i32
      %mul3A_48 = arith.muli %scan3A_44, %mul3A_47 : i32
      %swap3A_49 = arith.index_cast %mul3A_48 : i32 to index
      %swap3A_50 = tpu.vector_load %arg5[%swap3A_49] {strides = array<i32>} : memref<10240xf32, #tpu.memory_space<vmem>>, vector<16xf32>,
      tpu.vector_store %arg5[%swap3A_49], %broadcast_in_dim3A_46 {strides = array<i32>} : memref<10240xf32, #tpu.memory_space<vmem>>, vector<16xf32>,
      %scan3A_51 = arith.constant 0 : i32
      scf.yield %scan3A_51 : i32
    }
    %scan3A_8 = arith.constant 640 : i32
    %broadcast_in_dim3A = arith.constant 1.000000e+00 : f32
    %broadcast_in_dim3A_9 = vector.broadcast %broadcast_in_dim3A : f32 to vector<16xf32>
    %scan3A_10 = arith.constant 0 : i32
    %scan3A_11 = arith.constant 0 : i32
    %scan3A_12 = arith.constant 80 : i32
    %scan3A_13 = arith.addi %scan3A_11, %scan3A_12 : i32
    %scan3A_14 = arith.constant 1 : i32
    %scan3A_15 = scf.for %scan3A_17 = %scan3A_11 to %scan3A_13 step %scan3A_14 iter_args(%scan3A_18 = %scan3A_10) -> (i32)  : i32 {
      %get3A = arith.index_cast %scan3A_17 : i32 to index
      %get3A_19 = arith.constant 0 : index
      %get3A_20 = tpu.vector_load %arg4[%get3A, %get3A_19] {strides = array<i32>} : memref<80x128xi32, #tpu.memory_space<vmem>>, vector<16xi32>,
      tpu.vector_store_idx %arg5[%get3A_20], %broadcast_in_dim3A_9 {add = true} : memref<10240xf32, #tpu.memory_space<vmem>>[vector<16xi32>], vector<16xf32>,
      %get3A_21 = arith.index_cast %scan3A_17 : i32 to index
      %get3A_22 = arith.constant 16 : index
      %get3A_23 = tpu.vector_load %arg4[%get3A_21, %get3A_22] {strides = array<i32>} : memref<80x128xi32, #tpu.memory_space<vmem>>, vector<16xi32>,
      tpu.vector_store_idx %arg5[%get3A_23], %broadcast_in_dim3A_9 {add = true} : memref<10240xf32, #tpu.memory_space<vmem>>[vector<16xi32>], vector<16xf32>,
      %get3A_24 = arith.index_cast %scan3A_17 : i32 to index
      %get3A_25 = arith.constant 32 : index
      %get3A_26 = tpu.vector_load %arg4[%get3A_24, %get3A_25] {strides = array<i32>} : memref<80x128xi32, #tpu.memory_space<vmem>>, vector<16xi32>,
      tpu.vector_store_idx %arg5[%get3A_26], %broadcast_in_dim3A_9 {add = true} : memref<10240xf32, #tpu.memory_space<vmem>>[vector<16xi32>], vector<16xf32>,
      %get3A_27 = arith.index_cast %scan3A_17 : i32 to index
      %get3A_28 = arith.constant 48 : index
      %get3A_29 = tpu.vector_load %arg4[%get3A_27, %get3A_28] {strides = array<i32>} : memref<80x128xi32, #tpu.memory_space<vmem>>, vector<16xi32>,
      tpu.vector_store_idx %arg5[%get3A_29], %broadcast_in_dim3A_9 {add = true} : memref<10240xf32, #tpu.memory_space<vmem>>[vector<16xi32>], vector<16xf32>,
      %get3A_30 = arith.index_cast %scan3A_17 : i32 to index
      %get3A_31 = arith.constant 64 : index
      %get3A_32 = tpu.vector_load %arg4[%get3A_30, %get3A_31] {strides = array<i32>} : memref<80x128xi32, #tpu.memory_space<vmem>>, vector<16xi32>,
      tpu.vector_store_idx %arg5[%get3A_32], %broadcast_in_dim3A_9 {add = true} : memref<10240xf32, #tpu.memory_space<vmem>>[vector<16xi32>], vector<16xf32>,
      %get3A_33 = arith.index_cast %scan3A_17 : i32 to index
      %get3A_34 = arith.constant 80 : index
      %get3A_35 = tpu.vector_load %arg4[%get3A_33, %get3A_34] {strides = array<i32>} : memref<80x128xi32, #tpu.memory_space<vmem>>, vector<16xi32>,
      tpu.vector_store_idx %arg5[%get3A_35], %broadcast_in_dim3A_9 {add = true} : memref<10240xf32, #tpu.memory_space<vmem>>[vector<16xi32>], vector<16xf32>,
      %get3A_36 = arith.index_cast %scan3A_17 : i32 to index
      %get3A_37 = arith.constant 96 : index
      %get3A_38 = tpu.vector_load %arg4[%get3A_36, %get3A_37] {strides = array<i32>} : memref<80x128xi32, #tpu.memory_space<vmem>>, vector<16xi32>,
      tpu.vector_store_idx %arg5[%get3A_38], %broadcast_in_dim3A_9 {add = true} : memref<10240xf32, #tpu.memory_space<vmem>>[vector<16xi32>], vector<16xf32>,
      %get3A_39 = arith.index_cast %scan3A_17 : i32 to index
      %get3A_40 = arith.constant 112 : index
      %get3A_41 = tpu.vector_load %arg4[%get3A_39, %get3A_40] {strides = array<i32>} : memref<80x128xi32, #tpu.memory_space<vmem>>, vector<16xi32>,
      tpu.vector_store_idx %arg5[%get3A_41], %broadcast_in_dim3A_9 {add = true} : memref<10240xf32, #tpu.memory_space<vmem>>[vector<16xi32>], vector<16xf32>,
      %scan3A_42 = arith.constant 0 : i32
      scf.yield %scan3A_42 : i32
    }
    %scan3A_16 = arith.constant 80 : i32
    "tpu.region"() ({
      %run_scoped3A = tpu.sem_alloc : memref<!tpu.dma_semaphore, #tpu.memory_space<semaphore_mem>>
      %dma_start3A = arith.constant 0 : i32
      %dma_start3A_17 = tpu.memref_slice %arg3[%arg0, %arg1, %dma_start3A] : memref<2x16x10240xf32, #tpu.memory_space<hbm>> -> memref<1x1x10240xf32, #tpu.memory_space<hbm>>
      %dma_start3A_18 = tpu.memref_squeeze %dma_start3A_17 : memref<1x1x10240xf32, #tpu.memory_space<hbm>> -> memref<10240xf32, #tpu.memory_space<hbm>>
      %dma_start3A_19 = arith.constant 0 : i32
      %dma_start3A_20 = tpu.memref_slice %arg3[%arg0, %arg1, %dma_start3A_19] : memref<2x16x10240xf32, #tpu.memory_space<hbm>> -> memref<1x1x10240xf32, #tpu.memory_space<hbm>>
      %dma_start3A_21 = tpu.memref_squeeze %dma_start3A_20 : memref<1x1x10240xf32, #tpu.memory_space<hbm>> -> memref<10240xf32, #tpu.memory_space<hbm>>
      tpu.enqueue_dma source(%arg5 : memref<10240xf32, #tpu.memory_space<vmem>>) target(%dma_start3A_21 : memref<10240xf32, #tpu.memory_space<hbm>>) target_semaphore(%run_scoped3A : memref<!tpu.dma_semaphore, #tpu.memory_space<semaphore_mem>>)
      %dma_wait3A = arith.constant 0 : i32
      %dma_wait3A_22 = tpu.memref_slice %arg3[%arg0, %arg1, %dma_wait3A] : memref<2x16x10240xf32, #tpu.memory_space<hbm>> -> memref<1x1x10240xf32, #tpu.memory_space<hbm>>
      %dma_wait3A_23 = tpu.memref_squeeze %dma_wait3A_22 : memref<1x1x10240xf32, #tpu.memory_space<hbm>> -> memref<10240xf32, #tpu.memory_space<hbm>>
      %dma_wait3A_24 = arith.constant 0 : i32
      %dma_wait3A_25 = tpu.memref_slice %arg3[%arg0, %arg1, %dma_wait3A_24] : memref<2x16x10240xf32, #tpu.memory_space<hbm>> -> memref<1x1x10240xf32, #tpu.memory_space<hbm>>
      %dma_wait3A_26 = tpu.memref_squeeze %dma_wait3A_25 : memref<1x1x10240xf32, #tpu.memory_space<hbm>> -> memref<10240xf32, #tpu.memory_space<hbm>>
      tpu.wait_dma2 semaphore(%run_scoped3A : memref<!tpu.dma_semaphore, #tpu.memory_space<semaphore_mem>>) src(%arg5 : memref<10240xf32, #tpu.memory_space<vmem>>) dst(%dma_wait3A_26 : memref<10240xf32, #tpu.memory_space<hbm>>)
      tpu.yield
    }) : () -> ()
    return
  }
}

#map = affine_map<(d0, d1) -> (0, 0)>
#map1 = affine_map<(d0, d1) -> (0, 0, 0)>
module attributes {stable_mosaic.version = 14 : i64} {
  func.func @body(%arg0: i32, %arg1: i32, %arg2: memref<10240x64xf32, #tpu.memory_space<hbm>>, %arg3: memref<2560x128xi32, #tpu.memory_space<hbm>>, %arg4: memref<2560x128xi32, #tpu.memory_space<hbm>>, %arg5: memref<2x10240x64xf32, #tpu.memory_space<hbm>>, %arg6: memref<80x128xi32, #tpu.memory_space<vmem>>, %arg7: memref<80x128xi32, #tpu.memory_space<vmem>>, %arg8: memref<4x128x64xf32, #tpu.memory_space<vmem>>, %arg9: memref<10240x64xf32, #tpu.memory_space<vmem_shared>>, %arg10: memref<!tpu.dma_semaphore, #tpu.memory_space<semaphore_mem>>, %arg11: memref<!tpu.dma_semaphore, #tpu.memory_space<semaphore_mem>>, %arg12: memref<!tpu.dma_semaphore, #tpu.memory_space<semaphore_mem>>, %arg13: memref<!tpu.dma_semaphore, #tpu.memory_space<semaphore_mem>>, %arg14: memref<!tpu.dma_semaphore, #tpu.memory_space<semaphore_mem>>, %arg15: memref<!tpu.dma_semaphore, #tpu.memory_space<semaphore_mem>>, %arg16: memref<!tpu.dma_semaphore, #tpu.memory_space<semaphore_mem>>, %arg17: memref<!tpu.dma_semaphore, #tpu.memory_space<semaphore_mem>>) attributes {dimension_semantics = [#tpu.dimension_semantics<core_parallel>, #tpu.dimension_semantics<subcore_parallel>], iteration_bounds = array<i64: 2, 16>, scalar_prefetch = 0 : i64, scratch_operands = 12 : i64, tpu.core_type = #tpu.core_type<sc_vector_subcore>, window_params = [{transform_indices = #map}, {transform_indices = #map}, {transform_indices = #map}, {transform_indices = #map1}]} {
    %mul3A = arith.constant 16 : i32
    %mul3A_0 = arith.muli %arg0, %mul3A : i32
    %add3A = arith.addi %mul3A_0, %arg1 : i32
    %mul3A_1 = arith.constant 80 : i32
    %mul3A_2 = arith.muli %add3A, %mul3A_1 : i32
    "tpu.region"() ({
      %run_scoped3A_142 = tpu.sem_alloc : memref<!tpu.dma_semaphore, #tpu.memory_space<semaphore_mem>>
      %dma_start3A_143 = arith.constant 0 : i32
      %dma_start3A_144 = tpu.memref_slice %arg3[%mul3A_2, %dma_start3A_143] : memref<2560x128xi32, #tpu.memory_space<hbm>> -> memref<80x128xi32, #tpu.memory_space<hbm>>
      %dma_start3A_145 = arith.constant 0 : i32
      %dma_start3A_146 = tpu.memref_slice %arg3[%mul3A_2, %dma_start3A_145] : memref<2560x128xi32, #tpu.memory_space<hbm>> -> memref<80x128xi32, #tpu.memory_space<hbm>>
      tpu.enqueue_dma source(%dma_start3A_146 : memref<80x128xi32, #tpu.memory_space<hbm>>) target(%arg6 : memref<80x128xi32, #tpu.memory_space<vmem>>) target_semaphore(%run_scoped3A_142 : memref<!tpu.dma_semaphore, #tpu.memory_space<semaphore_mem>>)
      %dma_wait3A_147 = arith.constant 0 : i32
      %dma_wait3A_148 = tpu.memref_slice %arg3[%mul3A_2, %dma_wait3A_147] : memref<2560x128xi32, #tpu.memory_space<hbm>> -> memref<80x128xi32, #tpu.memory_space<hbm>>
      %dma_wait3A_149 = arith.constant 0 : i32
      %dma_wait3A_150 = tpu.memref_slice %arg3[%mul3A_2, %dma_wait3A_149] : memref<2560x128xi32, #tpu.memory_space<hbm>> -> memref<80x128xi32, #tpu.memory_space<hbm>>
      tpu.wait_dma2 semaphore(%run_scoped3A_142 : memref<!tpu.dma_semaphore, #tpu.memory_space<semaphore_mem>>) src(%dma_wait3A_150 : memref<80x128xi32, #tpu.memory_space<hbm>>) dst(%arg6 : memref<80x128xi32, #tpu.memory_space<vmem>>)
      tpu.yield
    }) : () -> ()
    %mul3A_3 = arith.constant 80 : i32
    %mul3A_4 = arith.muli %add3A, %mul3A_3 : i32
    "tpu.region"() ({
      %run_scoped3A_142 = tpu.sem_alloc : memref<!tpu.dma_semaphore, #tpu.memory_space<semaphore_mem>>
      %dma_start3A_143 = arith.constant 0 : i32
      %dma_start3A_144 = tpu.memref_slice %arg4[%mul3A_4, %dma_start3A_143] : memref<2560x128xi32, #tpu.memory_space<hbm>> -> memref<80x128xi32, #tpu.memory_space<hbm>>
      %dma_start3A_145 = arith.constant 0 : i32
      %dma_start3A_146 = tpu.memref_slice %arg4[%mul3A_4, %dma_start3A_145] : memref<2560x128xi32, #tpu.memory_space<hbm>> -> memref<80x128xi32, #tpu.memory_space<hbm>>
      tpu.enqueue_dma source(%dma_start3A_146 : memref<80x128xi32, #tpu.memory_space<hbm>>) target(%arg7 : memref<80x128xi32, #tpu.memory_space<vmem>>) target_semaphore(%run_scoped3A_142 : memref<!tpu.dma_semaphore, #tpu.memory_space<semaphore_mem>>)
      %dma_wait3A_147 = arith.constant 0 : i32
      %dma_wait3A_148 = tpu.memref_slice %arg4[%mul3A_4, %dma_wait3A_147] : memref<2560x128xi32, #tpu.memory_space<hbm>> -> memref<80x128xi32, #tpu.memory_space<hbm>>
      %dma_wait3A_149 = arith.constant 0 : i32
      %dma_wait3A_150 = tpu.memref_slice %arg4[%mul3A_4, %dma_wait3A_149] : memref<2560x128xi32, #tpu.memory_space<hbm>> -> memref<80x128xi32, #tpu.memory_space<hbm>>
      tpu.wait_dma2 semaphore(%run_scoped3A_142 : memref<!tpu.dma_semaphore, #tpu.memory_space<semaphore_mem>>) src(%dma_wait3A_150 : memref<80x128xi32, #tpu.memory_space<hbm>>) dst(%arg7 : memref<80x128xi32, #tpu.memory_space<vmem>>)
      tpu.yield
    }) : () -> ()
    %scan3A = arith.constant 0 : i32
    %scan3A_5 = arith.constant 0 : i32
    %scan3A_6 = arith.constant 0 : i32
    %scan3A_7 = arith.constant 128 : i32
    %scan3A_8 = arith.addi %scan3A_6, %scan3A_7 : i32
    %scan3A_9 = arith.constant 2 : i32
    %scan3A_10 = scf.for %scan3A_142 = %scan3A_6 to %scan3A_8 step %scan3A_9 iter_args(%scan3A_143 = %scan3A_5) -> (i32)  : i32 {
      %broadcast_in_dim3A = arith.constant 0.000000e+00 : f32
      %broadcast_in_dim3A_144 = vector.broadcast %broadcast_in_dim3A : f32 to vector<16xf32>
      %swap3A = arith.constant 0 : i32
      %swap3A_145 = arith.constant 0 : i32
      %swap3A_146 = tpu.memref_slice %arg8[%scan3A, %swap3A, %swap3A_145] : memref<4x128x64xf32, #tpu.memory_space<vmem>> -> memref<1x128x64xf32, #tpu.memory_space<vmem>>
      %swap3A_147 = tpu.memref_squeeze %swap3A_146 : memref<1x128x64xf32, #tpu.memory_space<vmem>> -> memref<128x64xf32, #tpu.memory_space<vmem>>
      %swap3A_148 = arith.index_cast %scan3A_142 : i32 to index
      %swap3A_149 = arith.constant 0 : index
      %swap3A_150 = tpu.vector_load %swap3A_147[%swap3A_148, %swap3A_149] {strides = array<i32>} : memref<128x64xf32, #tpu.memory_space<vmem>>, vector<1x16xf32>,
      %swap3A_151 = vector.shape_cast %swap3A_150 : vector<1x16xf32> to vector<16xf32>
      %swap3A_152 = vector.shape_cast %broadcast_in_dim3A_144 : vector<16xf32> to vector<1x16xf32>
      tpu.vector_store %swap3A_147[%swap3A_148, %swap3A_149], %swap3A_152 {strides = array<i32>} : memref<128x64xf32, #tpu.memory_space<vmem>>, vector<1x16xf32>,
      %broadcast_in_dim3A_153 = arith.constant 0.000000e+00 : f32
      %broadcast_in_dim3A_154 = vector.broadcast %broadcast_in_dim3A_153 : f32 to vector<16xf32>
      %swap3A_155 = arith.constant 0 : i32
      %swap3A_156 = arith.constant 0 : i32
      %swap3A_157 = tpu.memref_slice %arg8[%scan3A, %swap3A_155, %swap3A_156] : memref<4x128x64xf32, #tpu.memory_space<vmem>> -> memref<1x128x64xf32, #tpu.memory_space<vmem>>
      %swap3A_158 = tpu.memref_squeeze %swap3A_157 : memref<1x128x64xf32, #tpu.memory_space<vmem>> -> memref<128x64xf32, #tpu.memory_space<vmem>>
      %swap3A_159 = arith.index_cast %scan3A_142 : i32 to index
      %swap3A_160 = arith.constant 16 : index
      %swap3A_161 = tpu.vector_load %swap3A_158[%swap3A_159, %swap3A_160] {strides = array<i32>} : memref<128x64xf32, #tpu.memory_space<vmem>>, vector<1x16xf32>,
      %swap3A_162 = vector.shape_cast %swap3A_161 : vector<1x16xf32> to vector<16xf32>
      %swap3A_163 = vector.shape_cast %broadcast_in_dim3A_154 : vector<16xf32> to vector<1x16xf32>
      tpu.vector_store %swap3A_158[%swap3A_159, %swap3A_160], %swap3A_163 {strides = array<i32>} : memref<128x64xf32, #tpu.memory_space<vmem>>, vector<1x16xf32>,
      %broadcast_in_dim3A_164 = arith.constant 0.000000e+00 : f32
      %broadcast_in_dim3A_165 = vector.broadcast %broadcast_in_dim3A_164 : f32 to vector<16xf32>
      %swap3A_166 = arith.constant 0 : i32
      %swap3A_167 = arith.constant 0 : i32
      %swap3A_168 = tpu.memref_slice %arg8[%scan3A, %swap3A_166, %swap3A_167] : memref<4x128x64xf32, #tpu.memory_space<vmem>> -> memref<1x128x64xf32, #tpu.memory_space<vmem>>
      %swap3A_169 = tpu.memref_squeeze %swap3A_168 : memref<1x128x64xf32, #tpu.memory_space<vmem>> -> memref<128x64xf32, #tpu.memory_space<vmem>>
      %swap3A_170 = arith.index_cast %scan3A_142 : i32 to index
      %swap3A_171 = arith.constant 32 : index
      %swap3A_172 = tpu.vector_load %swap3A_169[%swap3A_170, %swap3A_171] {strides = array<i32>} : memref<128x64xf32, #tpu.memory_space<vmem>>, vector<1x16xf32>,
      %swap3A_173 = vector.shape_cast %swap3A_172 : vector<1x16xf32> to vector<16xf32>
      %swap3A_174 = vector.shape_cast %broadcast_in_dim3A_165 : vector<16xf32> to vector<1x16xf32>
      tpu.vector_store %swap3A_169[%swap3A_170, %swap3A_171], %swap3A_174 {strides = array<i32>} : memref<128x64xf32, #tpu.memory_space<vmem>>, vector<1x16xf32>,
      %broadcast_in_dim3A_175 = arith.constant 0.000000e+00 : f32
      %broadcast_in_dim3A_176 = vector.broadcast %broadcast_in_dim3A_175 : f32 to vector<16xf32>
      %swap3A_177 = arith.constant 0 : i32
      %swap3A_178 = arith.constant 0 : i32
      %swap3A_179 = tpu.memref_slice %arg8[%scan3A, %swap3A_177, %swap3A_178] : memref<4x128x64xf32, #tpu.memory_space<vmem>> -> memref<1x128x64xf32, #tpu.memory_space<vmem>>
      %swap3A_180 = tpu.memref_squeeze %swap3A_179 : memref<1x128x64xf32, #tpu.memory_space<vmem>> -> memref<128x64xf32, #tpu.memory_space<vmem>>
      %swap3A_181 = arith.index_cast %scan3A_142 : i32 to index
      %swap3A_182 = arith.constant 48 : index
      %swap3A_183 = tpu.vector_load %swap3A_180[%swap3A_181, %swap3A_182] {strides = array<i32>} : memref<128x64xf32, #tpu.memory_space<vmem>>, vector<1x16xf32>,
      %swap3A_184 = vector.shape_cast %swap3A_183 : vector<1x16xf32> to vector<16xf32>
      %swap3A_185 = vector.shape_cast %broadcast_in_dim3A_176 : vector<16xf32> to vector<1x16xf32>
      tpu.vector_store %swap3A_180[%swap3A_181, %swap3A_182], %swap3A_185 {strides = array<i32>} : memref<128x64xf32, #tpu.memory_space<vmem>>, vector<1x16xf32>,
      %scan3A_186 = arith.constant 0 : i32
      %scan3A_187 = arith.constant 1 : i32
      %scan3A_188 = arith.addi %scan3A_142, %scan3A_187 : i32
      %broadcast_in_dim3A_189 = arith.constant 0.000000e+00 : f32
      %broadcast_in_dim3A_190 = vector.broadcast %broadcast_in_dim3A_189 : f32 to vector<16xf32>
      %swap3A_191 = arith.constant 0 : i32
      %swap3A_192 = arith.constant 0 : i32
      %swap3A_193 = tpu.memref_slice %arg8[%scan3A, %swap3A_191, %swap3A_192] : memref<4x128x64xf32, #tpu.memory_space<vmem>> -> memref<1x128x64xf32, #tpu.memory_space<vmem>>
      %swap3A_194 = tpu.memref_squeeze %swap3A_193 : memref<1x128x64xf32, #tpu.memory_space<vmem>> -> memref<128x64xf32, #tpu.memory_space<vmem>>
      %swap3A_195 = arith.index_cast %scan3A_188 : i32 to index
      %swap3A_196 = arith.constant 0 : index
      %swap3A_197 = tpu.vector_load %swap3A_194[%swap3A_195, %swap3A_196] {strides = array<i32>} : memref<128x64xf32, #tpu.memory_space<vmem>>, vector<1x16xf32>,
      %swap3A_198 = vector.shape_cast %swap3A_197 : vector<1x16xf32> to vector<16xf32>
      %swap3A_199 = vector.shape_cast %broadcast_in_dim3A_190 : vector<16xf32> to vector<1x16xf32>
      tpu.vector_store %swap3A_194[%swap3A_195, %swap3A_196], %swap3A_199 {strides = array<i32>} : memref<128x64xf32, #tpu.memory_space<vmem>>, vector<1x16xf32>,
      %broadcast_in_dim3A_200 = arith.constant 0.000000e+00 : f32
      %broadcast_in_dim3A_201 = vector.broadcast %broadcast_in_dim3A_200 : f32 to vector<16xf32>
      %swap3A_202 = arith.constant 0 : i32
      %swap3A_203 = arith.constant 0 : i32
      %swap3A_204 = tpu.memref_slice %arg8[%scan3A, %swap3A_202, %swap3A_203] : memref<4x128x64xf32, #tpu.memory_space<vmem>> -> memref<1x128x64xf32, #tpu.memory_space<vmem>>
      %swap3A_205 = tpu.memref_squeeze %swap3A_204 : memref<1x128x64xf32, #tpu.memory_space<vmem>> -> memref<128x64xf32, #tpu.memory_space<vmem>>
      %swap3A_206 = arith.index_cast %scan3A_188 : i32 to index
      %swap3A_207 = arith.constant 16 : index
      %swap3A_208 = tpu.vector_load %swap3A_205[%swap3A_206, %swap3A_207] {strides = array<i32>} : memref<128x64xf32, #tpu.memory_space<vmem>>, vector<1x16xf32>,
      %swap3A_209 = vector.shape_cast %swap3A_208 : vector<1x16xf32> to vector<16xf32>
      %swap3A_210 = vector.shape_cast %broadcast_in_dim3A_201 : vector<16xf32> to vector<1x16xf32>
      tpu.vector_store %swap3A_205[%swap3A_206, %swap3A_207], %swap3A_210 {strides = array<i32>} : memref<128x64xf32, #tpu.memory_space<vmem>>, vector<1x16xf32>,
      %broadcast_in_dim3A_211 = arith.constant 0.000000e+00 : f32
      %broadcast_in_dim3A_212 = vector.broadcast %broadcast_in_dim3A_211 : f32 to vector<16xf32>
      %swap3A_213 = arith.constant 0 : i32
      %swap3A_214 = arith.constant 0 : i32
      %swap3A_215 = tpu.memref_slice %arg8[%scan3A, %swap3A_213, %swap3A_214] : memref<4x128x64xf32, #tpu.memory_space<vmem>> -> memref<1x128x64xf32, #tpu.memory_space<vmem>>
      %swap3A_216 = tpu.memref_squeeze %swap3A_215 : memref<1x128x64xf32, #tpu.memory_space<vmem>> -> memref<128x64xf32, #tpu.memory_space<vmem>>
      %swap3A_217 = arith.index_cast %scan3A_188 : i32 to index
      %swap3A_218 = arith.constant 32 : index
      %swap3A_219 = tpu.vector_load %swap3A_216[%swap3A_217, %swap3A_218] {strides = array<i32>} : memref<128x64xf32, #tpu.memory_space<vmem>>, vector<1x16xf32>,
      %swap3A_220 = vector.shape_cast %swap3A_219 : vector<1x16xf32> to vector<16xf32>
      %swap3A_221 = vector.shape_cast %broadcast_in_dim3A_212 : vector<16xf32> to vector<1x16xf32>
      tpu.vector_store %swap3A_216[%swap3A_217, %swap3A_218], %swap3A_221 {strides = array<i32>} : memref<128x64xf32, #tpu.memory_space<vmem>>, vector<1x16xf32>,
      %broadcast_in_dim3A_222 = arith.constant 0.000000e+00 : f32
      %broadcast_in_dim3A_223 = vector.broadcast %broadcast_in_dim3A_222 : f32 to vector<16xf32>
      %swap3A_224 = arith.constant 0 : i32
      %swap3A_225 = arith.constant 0 : i32
      %swap3A_226 = tpu.memref_slice %arg8[%scan3A, %swap3A_224, %swap3A_225] : memref<4x128x64xf32, #tpu.memory_space<vmem>> -> memref<1x128x64xf32, #tpu.memory_space<vmem>>
      %swap3A_227 = tpu.memref_squeeze %swap3A_226 : memref<1x128x64xf32, #tpu.memory_space<vmem>> -> memref<128x64xf32, #tpu.memory_space<vmem>>
      %swap3A_228 = arith.index_cast %scan3A_188 : i32 to index
      %swap3A_229 = arith.constant 48 : index
      %swap3A_230 = tpu.vector_load %swap3A_227[%swap3A_228, %swap3A_229] {strides = array<i32>} : memref<128x64xf32, #tpu.memory_space<vmem>>, vector<1x16xf32>,
      %swap3A_231 = vector.shape_cast %swap3A_230 : vector<1x16xf32> to vector<16xf32>
      %swap3A_232 = vector.shape_cast %broadcast_in_dim3A_223 : vector<16xf32> to vector<1x16xf32>
      tpu.vector_store %swap3A_227[%swap3A_228, %swap3A_229], %swap3A_232 {strides = array<i32>} : memref<128x64xf32, #tpu.memory_space<vmem>>, vector<1x16xf32>,
      %scan3A_233 = arith.constant 0 : i32
      scf.yield %scan3A_233 : i32
    }
    %scan3A_11 = arith.constant 128 : i32
    %mul3A_12 = arith.constant 640 : i32
    %mul3A_13 = arith.muli %arg1, %mul3A_12 : i32
    %add3A_14 = arith.constant 0 : i32
    %add3A_15 = arith.addi %mul3A_13, %add3A_14 : i32
    %run_scoped3A = arith.constant 0 : i32
    "tpu.region"() ({
      %run_scoped3A_142 = tpu.sem_alloc : memref<!tpu.dma_semaphore, #tpu.memory_space<semaphore_mem>>
      %dma_start3A_143 = arith.constant 0 : i32
      %dma_start3A_144 = arith.constant 0 : i32
      %dma_start3A_145 = tpu.memref_slice %arg8[%run_scoped3A, %dma_start3A_143, %dma_start3A_144] : memref<4x128x64xf32, #tpu.memory_space<vmem>> -> memref<1x128x64xf32, #tpu.memory_space<vmem>>
      %dma_start3A_146 = tpu.memref_squeeze %dma_start3A_145 : memref<1x128x64xf32, #tpu.memory_space<vmem>> -> memref<128x64xf32, #tpu.memory_space<vmem>>
      %dma_start3A_147 = arith.constant 0 : i32
      %dma_start3A_148 = tpu.memref_slice %arg9[%add3A_15, %dma_start3A_147] : memref<10240x64xf32, #tpu.memory_space<vmem_shared>> -> memref<128x64xf32, #tpu.memory_space<vmem_shared>>
      %dma_start3A_149 = arith.constant 0 : i32
      %dma_start3A_150 = tpu.memref_slice %arg9[%add3A_15, %dma_start3A_149] : memref<10240x64xf32, #tpu.memory_space<vmem_shared>> -> memref<128x64xf32, #tpu.memory_space<vmem_shared>>
      %dma_start3A_151 = arith.constant 0 : i32
      %dma_start3A_152 = arith.constant 0 : i32
      %dma_start3A_153 = tpu.memref_slice %arg8[%run_scoped3A, %dma_start3A_151, %dma_start3A_152] : memref<4x128x64xf32, #tpu.memory_space<vmem>> -> memref<1x128x64xf32, #tpu.memory_space<vmem>>
      %dma_start3A_154 = tpu.memref_squeeze %dma_start3A_153 : memref<1x128x64xf32, #tpu.memory_space<vmem>> -> memref<128x64xf32, #tpu.memory_space<vmem>>
      tpu.enqueue_dma source(%dma_start3A_154 : memref<128x64xf32, #tpu.memory_space<vmem>>) target(%dma_start3A_150 : memref<128x64xf32, #tpu.memory_space<vmem_shared>>) target_semaphore(%run_scoped3A_142 : memref<!tpu.dma_semaphore, #tpu.memory_space<semaphore_mem>>)
      %dma_wait3A_155 = arith.constant 0 : i32
      %dma_wait3A_156 = arith.constant 0 : i32
      %dma_wait3A_157 = tpu.memref_slice %arg8[%run_scoped3A, %dma_wait3A_155, %dma_wait3A_156] : memref<4x128x64xf32, #tpu.memory_space<vmem>> -> memref<1x128x64xf32, #tpu.memory_space<vmem>>
      %dma_wait3A_158 = tpu.memref_squeeze %dma_wait3A_157 : memref<1x128x64xf32, #tpu.memory_space<vmem>> -> memref<128x64xf32, #tpu.memory_space<vmem>>
      %dma_wait3A_159 = arith.constant 0 : i32
      %dma_wait3A_160 = tpu.memref_slice %arg9[%add3A_15, %dma_wait3A_159] : memref<10240x64xf32, #tpu.memory_space<vmem_shared>> -> memref<128x64xf32, #tpu.memory_space<vmem_shared>>
      %dma_wait3A_161 = arith.constant 0 : i32
      %dma_wait3A_162 = tpu.memref_slice %arg9[%add3A_15, %dma_wait3A_161] : memref<10240x64xf32, #tpu.memory_space<vmem_shared>> -> memref<128x64xf32, #tpu.memory_space<vmem_shared>>
      %dma_wait3A_163 = arith.constant 0 : i32
      %dma_wait3A_164 = arith.constant 0 : i32
      %dma_wait3A_165 = tpu.memref_slice %arg8[%run_scoped3A, %dma_wait3A_163, %dma_wait3A_164] : memref<4x128x64xf32, #tpu.memory_space<vmem>> -> memref<1x128x64xf32, #tpu.memory_space<vmem>>
      %dma_wait3A_166 = tpu.memref_squeeze %dma_wait3A_165 : memref<1x128x64xf32, #tpu.memory_space<vmem>> -> memref<128x64xf32, #tpu.memory_space<vmem>>
      tpu.wait_dma2 semaphore(%run_scoped3A_142 : memref<!tpu.dma_semaphore, #tpu.memory_space<semaphore_mem>>) src(%dma_wait3A_166 : memref<128x64xf32, #tpu.memory_space<vmem>>) dst(%dma_wait3A_162 : memref<128x64xf32, #tpu.memory_space<vmem_shared>>)
      tpu.yield
    }) : () -> ()
    %mul3A_16 = arith.constant 640 : i32
    %mul3A_17 = arith.muli %arg1, %mul3A_16 : i32
    %add3A_18 = arith.constant 128 : i32
    %add3A_19 = arith.addi %mul3A_17, %add3A_18 : i32
    %run_scoped3A_20 = arith.constant 0 : i32
    "tpu.region"() ({
      %run_scoped3A_142 = tpu.sem_alloc : memref<!tpu.dma_semaphore, #tpu.memory_space<semaphore_mem>>
      %dma_start3A_143 = arith.constant 0 : i32
      %dma_start3A_144 = arith.constant 0 : i32
      %dma_start3A_145 = tpu.memref_slice %arg8[%run_scoped3A_20, %dma_start3A_143, %dma_start3A_144] : memref<4x128x64xf32, #tpu.memory_space<vmem>> -> memref<1x128x64xf32, #tpu.memory_space<vmem>>
      %dma_start3A_146 = tpu.memref_squeeze %dma_start3A_145 : memref<1x128x64xf32, #tpu.memory_space<vmem>> -> memref<128x64xf32, #tpu.memory_space<vmem>>
      %dma_start3A_147 = arith.constant 0 : i32
      %dma_start3A_148 = tpu.memref_slice %arg9[%add3A_19, %dma_start3A_147] : memref<10240x64xf32, #tpu.memory_space<vmem_shared>> -> memref<128x64xf32, #tpu.memory_space<vmem_shared>>
      %dma_start3A_149 = arith.constant 0 : i32
      %dma_start3A_150 = tpu.memref_slice %arg9[%add3A_19, %dma_start3A_149] : memref<10240x64xf32, #tpu.memory_space<vmem_shared>> -> memref<128x64xf32, #tpu.memory_space<vmem_shared>>
      %dma_start3A_151 = arith.constant 0 : i32
      %dma_start3A_152 = arith.constant 0 : i32
      %dma_start3A_153 = tpu.memref_slice %arg8[%run_scoped3A_20, %dma_start3A_151, %dma_start3A_152] : memref<4x128x64xf32, #tpu.memory_space<vmem>> -> memref<1x128x64xf32, #tpu.memory_space<vmem>>
      %dma_start3A_154 = tpu.memref_squeeze %dma_start3A_153 : memref<1x128x64xf32, #tpu.memory_space<vmem>> -> memref<128x64xf32, #tpu.memory_space<vmem>>
      tpu.enqueue_dma source(%dma_start3A_154 : memref<128x64xf32, #tpu.memory_space<vmem>>) target(%dma_start3A_150 : memref<128x64xf32, #tpu.memory_space<vmem_shared>>) target_semaphore(%run_scoped3A_142 : memref<!tpu.dma_semaphore, #tpu.memory_space<semaphore_mem>>)
      %dma_wait3A_155 = arith.constant 0 : i32
      %dma_wait3A_156 = arith.constant 0 : i32
      %dma_wait3A_157 = tpu.memref_slice %arg8[%run_scoped3A_20, %dma_wait3A_155, %dma_wait3A_156] : memref<4x128x64xf32, #tpu.memory_space<vmem>> -> memref<1x128x64xf32, #tpu.memory_space<vmem>>
      %dma_wait3A_158 = tpu.memref_squeeze %dma_wait3A_157 : memref<1x128x64xf32, #tpu.memory_space<vmem>> -> memref<128x64xf32, #tpu.memory_space<vmem>>
      %dma_wait3A_159 = arith.constant 0 : i32
      %dma_wait3A_160 = tpu.memref_slice %arg9[%add3A_19, %dma_wait3A_159] : memref<10240x64xf32, #tpu.memory_space<vmem_shared>> -> memref<128x64xf32, #tpu.memory_space<vmem_shared>>
      %dma_wait3A_161 = arith.constant 0 : i32
      %dma_wait3A_162 = tpu.memref_slice %arg9[%add3A_19, %dma_wait3A_161] : memref<10240x64xf32, #tpu.memory_space<vmem_shared>> -> memref<128x64xf32, #tpu.memory_space<vmem_shared>>
      %dma_wait3A_163 = arith.constant 0 : i32
      %dma_wait3A_164 = arith.constant 0 : i32
      %dma_wait3A_165 = tpu.memref_slice %arg8[%run_scoped3A_20, %dma_wait3A_163, %dma_wait3A_164] : memref<4x128x64xf32, #tpu.memory_space<vmem>> -> memref<1x128x64xf32, #tpu.memory_space<vmem>>
      %dma_wait3A_166 = tpu.memref_squeeze %dma_wait3A_165 : memref<1x128x64xf32, #tpu.memory_space<vmem>> -> memref<128x64xf32, #tpu.memory_space<vmem>>
      tpu.wait_dma2 semaphore(%run_scoped3A_142 : memref<!tpu.dma_semaphore, #tpu.memory_space<semaphore_mem>>) src(%dma_wait3A_166 : memref<128x64xf32, #tpu.memory_space<vmem>>) dst(%dma_wait3A_162 : memref<128x64xf32, #tpu.memory_space<vmem_shared>>)
      tpu.yield
    }) : () -> ()
    %mul3A_21 = arith.constant 640 : i32
    %mul3A_22 = arith.muli %arg1, %mul3A_21 : i32
    %add3A_23 = arith.constant 256 : i32
    %add3A_24 = arith.addi %mul3A_22, %add3A_23 : i32
    %run_scoped3A_25 = arith.constant 0 : i32
    "tpu.region"() ({
      %run_scoped3A_142 = tpu.sem_alloc : memref<!tpu.dma_semaphore, #tpu.memory_space<semaphore_mem>>
      %dma_start3A_143 = arith.constant 0 : i32
      %dma_start3A_144 = arith.constant 0 : i32
      %dma_start3A_145 = tpu.memref_slice %arg8[%run_scoped3A_25, %dma_start3A_143, %dma_start3A_144] : memref<4x128x64xf32, #tpu.memory_space<vmem>> -> memref<1x128x64xf32, #tpu.memory_space<vmem>>
      %dma_start3A_146 = tpu.memref_squeeze %dma_start3A_145 : memref<1x128x64xf32, #tpu.memory_space<vmem>> -> memref<128x64xf32, #tpu.memory_space<vmem>>
      %dma_start3A_147 = arith.constant 0 : i32
      %dma_start3A_148 = tpu.memref_slice %arg9[%add3A_24, %dma_start3A_147] : memref<10240x64xf32, #tpu.memory_space<vmem_shared>> -> memref<128x64xf32, #tpu.memory_space<vmem_shared>>
      %dma_start3A_149 = arith.constant 0 : i32
      %dma_start3A_150 = tpu.memref_slice %arg9[%add3A_24, %dma_start3A_149] : memref<10240x64xf32, #tpu.memory_space<vmem_shared>> -> memref<128x64xf32, #tpu.memory_space<vmem_shared>>
      %dma_start3A_151 = arith.constant 0 : i32
      %dma_start3A_152 = arith.constant 0 : i32
      %dma_start3A_153 = tpu.memref_slice %arg8[%run_scoped3A_25, %dma_start3A_151, %dma_start3A_152] : memref<4x128x64xf32, #tpu.memory_space<vmem>> -> memref<1x128x64xf32, #tpu.memory_space<vmem>>
      %dma_start3A_154 = tpu.memref_squeeze %dma_start3A_153 : memref<1x128x64xf32, #tpu.memory_space<vmem>> -> memref<128x64xf32, #tpu.memory_space<vmem>>
      tpu.enqueue_dma source(%dma_start3A_154 : memref<128x64xf32, #tpu.memory_space<vmem>>) target(%dma_start3A_150 : memref<128x64xf32, #tpu.memory_space<vmem_shared>>) target_semaphore(%run_scoped3A_142 : memref<!tpu.dma_semaphore, #tpu.memory_space<semaphore_mem>>)
      %dma_wait3A_155 = arith.constant 0 : i32
      %dma_wait3A_156 = arith.constant 0 : i32
      %dma_wait3A_157 = tpu.memref_slice %arg8[%run_scoped3A_25, %dma_wait3A_155, %dma_wait3A_156] : memref<4x128x64xf32, #tpu.memory_space<vmem>> -> memref<1x128x64xf32, #tpu.memory_space<vmem>>
      %dma_wait3A_158 = tpu.memref_squeeze %dma_wait3A_157 : memref<1x128x64xf32, #tpu.memory_space<vmem>> -> memref<128x64xf32, #tpu.memory_space<vmem>>
      %dma_wait3A_159 = arith.constant 0 : i32
      %dma_wait3A_160 = tpu.memref_slice %arg9[%add3A_24, %dma_wait3A_159] : memref<10240x64xf32, #tpu.memory_space<vmem_shared>> -> memref<128x64xf32, #tpu.memory_space<vmem_shared>>
      %dma_wait3A_161 = arith.constant 0 : i32
      %dma_wait3A_162 = tpu.memref_slice %arg9[%add3A_24, %dma_wait3A_161] : memref<10240x64xf32, #tpu.memory_space<vmem_shared>> -> memref<128x64xf32, #tpu.memory_space<vmem_shared>>
      %dma_wait3A_163 = arith.constant 0 : i32
      %dma_wait3A_164 = arith.constant 0 : i32
      %dma_wait3A_165 = tpu.memref_slice %arg8[%run_scoped3A_25, %dma_wait3A_163, %dma_wait3A_164] : memref<4x128x64xf32, #tpu.memory_space<vmem>> -> memref<1x128x64xf32, #tpu.memory_space<vmem>>
      %dma_wait3A_166 = tpu.memref_squeeze %dma_wait3A_165 : memref<1x128x64xf32, #tpu.memory_space<vmem>> -> memref<128x64xf32, #tpu.memory_space<vmem>>
      tpu.wait_dma2 semaphore(%run_scoped3A_142 : memref<!tpu.dma_semaphore, #tpu.memory_space<semaphore_mem>>) src(%dma_wait3A_166 : memref<128x64xf32, #tpu.memory_space<vmem>>) dst(%dma_wait3A_162 : memref<128x64xf32, #tpu.memory_space<vmem_shared>>)
      tpu.yield
    }) : () -> ()
    %mul3A_26 = arith.constant 640 : i32
    %mul3A_27 = arith.muli %arg1, %mul3A_26 : i32
    %add3A_28 = arith.constant 384 : i32
    %add3A_29 = arith.addi %mul3A_27, %add3A_28 : i32
    %run_scoped3A_30 = arith.constant 0 : i32
    "tpu.region"() ({
      %run_scoped3A_142 = tpu.sem_alloc : memref<!tpu.dma_semaphore, #tpu.memory_space<semaphore_mem>>
      %dma_start3A_143 = arith.constant 0 : i32
      %dma_start3A_144 = arith.constant 0 : i32
      %dma_start3A_145 = tpu.memref_slice %arg8[%run_scoped3A_30, %dma_start3A_143, %dma_start3A_144] : memref<4x128x64xf32, #tpu.memory_space<vmem>> -> memref<1x128x64xf32, #tpu.memory_space<vmem>>
      %dma_start3A_146 = tpu.memref_squeeze %dma_start3A_145 : memref<1x128x64xf32, #tpu.memory_space<vmem>> -> memref<128x64xf32, #tpu.memory_space<vmem>>
      %dma_start3A_147 = arith.constant 0 : i32
      %dma_start3A_148 = tpu.memref_slice %arg9[%add3A_29, %dma_start3A_147] : memref<10240x64xf32, #tpu.memory_space<vmem_shared>> -> memref<128x64xf32, #tpu.memory_space<vmem_shared>>
      %dma_start3A_149 = arith.constant 0 : i32
      %dma_start3A_150 = tpu.memref_slice %arg9[%add3A_29, %dma_start3A_149] : memref<10240x64xf32, #tpu.memory_space<vmem_shared>> -> memref<128x64xf32, #tpu.memory_space<vmem_shared>>
      %dma_start3A_151 = arith.constant 0 : i32
      %dma_start3A_152 = arith.constant 0 : i32
      %dma_start3A_153 = tpu.memref_slice %arg8[%run_scoped3A_30, %dma_start3A_151, %dma_start3A_152] : memref<4x128x64xf32, #tpu.memory_space<vmem>> -> memref<1x128x64xf32, #tpu.memory_space<vmem>>
      %dma_start3A_154 = tpu.memref_squeeze %dma_start3A_153 : memref<1x128x64xf32, #tpu.memory_space<vmem>> -> memref<128x64xf32, #tpu.memory_space<vmem>>
      tpu.enqueue_dma source(%dma_start3A_154 : memref<128x64xf32, #tpu.memory_space<vmem>>) target(%dma_start3A_150 : memref<128x64xf32, #tpu.memory_space<vmem_shared>>) target_semaphore(%run_scoped3A_142 : memref<!tpu.dma_semaphore, #tpu.memory_space<semaphore_mem>>)
      %dma_wait3A_155 = arith.constant 0 : i32
      %dma_wait3A_156 = arith.constant 0 : i32
      %dma_wait3A_157 = tpu.memref_slice %arg8[%run_scoped3A_30, %dma_wait3A_155, %dma_wait3A_156] : memref<4x128x64xf32, #tpu.memory_space<vmem>> -> memref<1x128x64xf32, #tpu.memory_space<vmem>>
      %dma_wait3A_158 = tpu.memref_squeeze %dma_wait3A_157 : memref<1x128x64xf32, #tpu.memory_space<vmem>> -> memref<128x64xf32, #tpu.memory_space<vmem>>
      %dma_wait3A_159 = arith.constant 0 : i32
      %dma_wait3A_160 = tpu.memref_slice %arg9[%add3A_29, %dma_wait3A_159] : memref<10240x64xf32, #tpu.memory_space<vmem_shared>> -> memref<128x64xf32, #tpu.memory_space<vmem_shared>>
      %dma_wait3A_161 = arith.constant 0 : i32
      %dma_wait3A_162 = tpu.memref_slice %arg9[%add3A_29, %dma_wait3A_161] : memref<10240x64xf32, #tpu.memory_space<vmem_shared>> -> memref<128x64xf32, #tpu.memory_space<vmem_shared>>
      %dma_wait3A_163 = arith.constant 0 : i32
      %dma_wait3A_164 = arith.constant 0 : i32
      %dma_wait3A_165 = tpu.memref_slice %arg8[%run_scoped3A_30, %dma_wait3A_163, %dma_wait3A_164] : memref<4x128x64xf32, #tpu.memory_space<vmem>> -> memref<1x128x64xf32, #tpu.memory_space<vmem>>
      %dma_wait3A_166 = tpu.memref_squeeze %dma_wait3A_165 : memref<1x128x64xf32, #tpu.memory_space<vmem>> -> memref<128x64xf32, #tpu.memory_space<vmem>>
      tpu.wait_dma2 semaphore(%run_scoped3A_142 : memref<!tpu.dma_semaphore, #tpu.memory_space<semaphore_mem>>) src(%dma_wait3A_166 : memref<128x64xf32, #tpu.memory_space<vmem>>) dst(%dma_wait3A_162 : memref<128x64xf32, #tpu.memory_space<vmem_shared>>)
      tpu.yield
    }) : () -> ()
    %mul3A_31 = arith.constant 640 : i32
    %mul3A_32 = arith.muli %arg1, %mul3A_31 : i32
    %add3A_33 = arith.constant 512 : i32
    %add3A_34 = arith.addi %mul3A_32, %add3A_33 : i32
    %run_scoped3A_35 = arith.constant 0 : i32
    "tpu.region"() ({
      %run_scoped3A_142 = tpu.sem_alloc : memref<!tpu.dma_semaphore, #tpu.memory_space<semaphore_mem>>
      %dma_start3A_143 = arith.constant 0 : i32
      %dma_start3A_144 = arith.constant 0 : i32
      %dma_start3A_145 = tpu.memref_slice %arg8[%run_scoped3A_35, %dma_start3A_143, %dma_start3A_144] : memref<4x128x64xf32, #tpu.memory_space<vmem>> -> memref<1x128x64xf32, #tpu.memory_space<vmem>>
      %dma_start3A_146 = tpu.memref_squeeze %dma_start3A_145 : memref<1x128x64xf32, #tpu.memory_space<vmem>> -> memref<128x64xf32, #tpu.memory_space<vmem>>
      %dma_start3A_147 = arith.constant 0 : i32
      %dma_start3A_148 = tpu.memref_slice %arg9[%add3A_34, %dma_start3A_147] : memref<10240x64xf32, #tpu.memory_space<vmem_shared>> -> memref<128x64xf32, #tpu.memory_space<vmem_shared>>
      %dma_start3A_149 = arith.constant 0 : i32
      %dma_start3A_150 = tpu.memref_slice %arg9[%add3A_34, %dma_start3A_149] : memref<10240x64xf32, #tpu.memory_space<vmem_shared>> -> memref<128x64xf32, #tpu.memory_space<vmem_shared>>
      %dma_start3A_151 = arith.constant 0 : i32
      %dma_start3A_152 = arith.constant 0 : i32
      %dma_start3A_153 = tpu.memref_slice %arg8[%run_scoped3A_35, %dma_start3A_151, %dma_start3A_152] : memref<4x128x64xf32, #tpu.memory_space<vmem>> -> memref<1x128x64xf32, #tpu.memory_space<vmem>>
      %dma_start3A_154 = tpu.memref_squeeze %dma_start3A_153 : memref<1x128x64xf32, #tpu.memory_space<vmem>> -> memref<128x64xf32, #tpu.memory_space<vmem>>
      tpu.enqueue_dma source(%dma_start3A_154 : memref<128x64xf32, #tpu.memory_space<vmem>>) target(%dma_start3A_150 : memref<128x64xf32, #tpu.memory_space<vmem_shared>>) target_semaphore(%run_scoped3A_142 : memref<!tpu.dma_semaphore, #tpu.memory_space<semaphore_mem>>)
      %dma_wait3A_155 = arith.constant 0 : i32
      %dma_wait3A_156 = arith.constant 0 : i32
      %dma_wait3A_157 = tpu.memref_slice %arg8[%run_scoped3A_35, %dma_wait3A_155, %dma_wait3A_156] : memref<4x128x64xf32, #tpu.memory_space<vmem>> -> memref<1x128x64xf32, #tpu.memory_space<vmem>>
      %dma_wait3A_158 = tpu.memref_squeeze %dma_wait3A_157 : memref<1x128x64xf32, #tpu.memory_space<vmem>> -> memref<128x64xf32, #tpu.memory_space<vmem>>
      %dma_wait3A_159 = arith.constant 0 : i32
      %dma_wait3A_160 = tpu.memref_slice %arg9[%add3A_34, %dma_wait3A_159] : memref<10240x64xf32, #tpu.memory_space<vmem_shared>> -> memref<128x64xf32, #tpu.memory_space<vmem_shared>>
      %dma_wait3A_161 = arith.constant 0 : i32
      %dma_wait3A_162 = tpu.memref_slice %arg9[%add3A_34, %dma_wait3A_161] : memref<10240x64xf32, #tpu.memory_space<vmem_shared>> -> memref<128x64xf32, #tpu.memory_space<vmem_shared>>
      %dma_wait3A_163 = arith.constant 0 : i32
      %dma_wait3A_164 = arith.constant 0 : i32
      %dma_wait3A_165 = tpu.memref_slice %arg8[%run_scoped3A_35, %dma_wait3A_163, %dma_wait3A_164] : memref<4x128x64xf32, #tpu.memory_space<vmem>> -> memref<1x128x64xf32, #tpu.memory_space<vmem>>
      %dma_wait3A_166 = tpu.memref_squeeze %dma_wait3A_165 : memref<1x128x64xf32, #tpu.memory_space<vmem>> -> memref<128x64xf32, #tpu.memory_space<vmem>>
      tpu.wait_dma2 semaphore(%run_scoped3A_142 : memref<!tpu.dma_semaphore, #tpu.memory_space<semaphore_mem>>) src(%dma_wait3A_166 : memref<128x64xf32, #tpu.memory_space<vmem>>) dst(%dma_wait3A_162 : memref<128x64xf32, #tpu.memory_space<vmem_shared>>)
      tpu.yield
    }) : () -> ()
    %dma_start3A = arith.constant 0 : i32
    %dma_start3A_36 = arith.constant 0 : i32
    %dma_start3A_37 = arith.constant 0 : i32
    %dma_start3A_38 = arith.constant 0 : i32
    %dma_start3A_39 = tpu.memref_slice %arg8[%dma_start3A_36, %dma_start3A_37, %dma_start3A_38] : memref<4x128x64xf32, #tpu.memory_space<vmem>> -> memref<1x128x64xf32, #tpu.memory_space<vmem>>
    %dma_start3A_40 = tpu.memref_squeeze %dma_start3A_39 : memref<1x128x64xf32, #tpu.memory_space<vmem>> -> memref<128x64xf32, #tpu.memory_space<vmem>>
    %dma_start3A_41 = arith.constant 0 : i32
    %dma_start3A_42 = tpu.memref_slice %arg6[%dma_start3A, %dma_start3A_41] : memref<80x128xi32, #tpu.memory_space<vmem>> -> memref<1x128xi32, #tpu.memory_space<vmem>>
    %dma_start3A_43 = tpu.memref_squeeze %dma_start3A_42 : memref<1x128xi32, #tpu.memory_space<vmem>> -> memref<128xi32, #tpu.memory_space<vmem>>
    %dma_start3A_44 = arith.constant 0 : i32
    %dma_start3A_45 = arith.constant 0 : i32
    %dma_start3A_46 = tpu.memref_slice %arg2[%dma_start3A_44, %dma_start3A_45] : memref<10240x64xf32, #tpu.memory_space<hbm>> -> memref<10240x64xf32, #tpu.memory_space<hbm>>
    tpu.enqueue_indirect_dma source(%dma_start3A_46 : memref<10240x64xf32, #tpu.memory_space<hbm>>) target(%dma_start3A_40 : memref<128x64xf32, #tpu.memory_space<vmem>>) offsets(%dma_start3A_43 : memref<128xi32, #tpu.memory_space<vmem>>) semaphore(%arg10 : memref<!tpu.dma_semaphore, #tpu.memory_space<semaphore_mem>>)
    %dma_start3A_47 = arith.constant 1 : i32
    %dma_start3A_48 = arith.constant 1 : i32
    %dma_start3A_49 = arith.constant 0 : i32
    %dma_start3A_50 = arith.constant 0 : i32
    %dma_start3A_51 = tpu.memref_slice %arg8[%dma_start3A_48, %dma_start3A_49, %dma_start3A_50] : memref<4x128x64xf32, #tpu.memory_space<vmem>> -> memref<1x128x64xf32, #tpu.memory_space<vmem>>
    %dma_start3A_52 = tpu.memref_squeeze %dma_start3A_51 : memref<1x128x64xf32, #tpu.memory_space<vmem>> -> memref<128x64xf32, #tpu.memory_space<vmem>>
    %dma_start3A_53 = arith.constant 0 : i32
    %dma_start3A_54 = tpu.memref_slice %arg6[%dma_start3A_47, %dma_start3A_53] : memref<80x128xi32, #tpu.memory_space<vmem>> -> memref<1x128xi32, #tpu.memory_space<vmem>>
    %dma_start3A_55 = tpu.memref_squeeze %dma_start3A_54 : memref<1x128xi32, #tpu.memory_space<vmem>> -> memref<128xi32, #tpu.memory_space<vmem>>
    %dma_start3A_56 = arith.constant 0 : i32
    %dma_start3A_57 = arith.constant 0 : i32
    %dma_start3A_58 = tpu.memref_slice %arg2[%dma_start3A_56, %dma_start3A_57] : memref<10240x64xf32, #tpu.memory_space<hbm>> -> memref<10240x64xf32, #tpu.memory_space<hbm>>
    tpu.enqueue_indirect_dma source(%dma_start3A_58 : memref<10240x64xf32, #tpu.memory_space<hbm>>) target(%dma_start3A_52 : memref<128x64xf32, #tpu.memory_space<vmem>>) offsets(%dma_start3A_55 : memref<128xi32, #tpu.memory_space<vmem>>) semaphore(%arg11 : memref<!tpu.dma_semaphore, #tpu.memory_space<semaphore_mem>>)
    %dma_start3A_59 = arith.constant 2 : i32
    %dma_start3A_60 = arith.constant 2 : i32
    %dma_start3A_61 = arith.constant 0 : i32
    %dma_start3A_62 = arith.constant 0 : i32
    %dma_start3A_63 = tpu.memref_slice %arg8[%dma_start3A_60, %dma_start3A_61, %dma_start3A_62] : memref<4x128x64xf32, #tpu.memory_space<vmem>> -> memref<1x128x64xf32, #tpu.memory_space<vmem>>
    %dma_start3A_64 = tpu.memref_squeeze %dma_start3A_63 : memref<1x128x64xf32, #tpu.memory_space<vmem>> -> memref<128x64xf32, #tpu.memory_space<vmem>>
    %dma_start3A_65 = arith.constant 0 : i32
    %dma_start3A_66 = tpu.memref_slice %arg6[%dma_start3A_59, %dma_start3A_65] : memref<80x128xi32, #tpu.memory_space<vmem>> -> memref<1x128xi32, #tpu.memory_space<vmem>>
    %dma_start3A_67 = tpu.memref_squeeze %dma_start3A_66 : memref<1x128xi32, #tpu.memory_space<vmem>> -> memref<128xi32, #tpu.memory_space<vmem>>
    %dma_start3A_68 = arith.constant 0 : i32
    %dma_start3A_69 = arith.constant 0 : i32
    %dma_start3A_70 = tpu.memref_slice %arg2[%dma_start3A_68, %dma_start3A_69] : memref<10240x64xf32, #tpu.memory_space<hbm>> -> memref<10240x64xf32, #tpu.memory_space<hbm>>
    tpu.enqueue_indirect_dma source(%dma_start3A_70 : memref<10240x64xf32, #tpu.memory_space<hbm>>) target(%dma_start3A_64 : memref<128x64xf32, #tpu.memory_space<vmem>>) offsets(%dma_start3A_67 : memref<128xi32, #tpu.memory_space<vmem>>) semaphore(%arg12 : memref<!tpu.dma_semaphore, #tpu.memory_space<semaphore_mem>>)
    %dma_start3A_71 = arith.constant 3 : i32
    %dma_start3A_72 = arith.constant 3 : i32
    %dma_start3A_73 = arith.constant 0 : i32
    %dma_start3A_74 = arith.constant 0 : i32
    %dma_start3A_75 = tpu.memref_slice %arg8[%dma_start3A_72, %dma_start3A_73, %dma_start3A_74] : memref<4x128x64xf32, #tpu.memory_space<vmem>> -> memref<1x128x64xf32, #tpu.memory_space<vmem>>
    %dma_start3A_76 = tpu.memref_squeeze %dma_start3A_75 : memref<1x128x64xf32, #tpu.memory_space<vmem>> -> memref<128x64xf32, #tpu.memory_space<vmem>>
    %dma_start3A_77 = arith.constant 0 : i32
    %dma_start3A_78 = tpu.memref_slice %arg6[%dma_start3A_71, %dma_start3A_77] : memref<80x128xi32, #tpu.memory_space<vmem>> -> memref<1x128xi32, #tpu.memory_space<vmem>>
    %dma_start3A_79 = tpu.memref_squeeze %dma_start3A_78 : memref<1x128xi32, #tpu.memory_space<vmem>> -> memref<128xi32, #tpu.memory_space<vmem>>
    %dma_start3A_80 = arith.constant 0 : i32
    %dma_start3A_81 = arith.constant 0 : i32
    %dma_start3A_82 = tpu.memref_slice %arg2[%dma_start3A_80, %dma_start3A_81] : memref<10240x64xf32, #tpu.memory_space<hbm>> -> memref<10240x64xf32, #tpu.memory_space<hbm>>
    tpu.enqueue_indirect_dma source(%dma_start3A_82 : memref<10240x64xf32, #tpu.memory_space<hbm>>) target(%dma_start3A_76 : memref<128x64xf32, #tpu.memory_space<vmem>>) offsets(%dma_start3A_79 : memref<128xi32, #tpu.memory_space<vmem>>) semaphore(%arg13 : memref<!tpu.dma_semaphore, #tpu.memory_space<semaphore_mem>>)
    %barrier3A = arith.constant 0 : index
    tpu.barrier barrier_id(%barrier3A)
    %scan3A_83 = arith.constant 0 : i32
    %scan3A_84 = arith.constant 0 : i32
    %scan3A_85 = arith.constant 20 : i32
    %scan3A_86 = arith.addi %scan3A_84, %scan3A_85 : i32
    %scan3A_87 = arith.constant 1 : i32
    %scan3A_88 = scf.for %scan3A_142 = %scan3A_84 to %scan3A_86 step %scan3A_87 iter_args(%scan3A_143 = %scan3A_83) -> (i32)  : i32 {
      %mul3A_144 = arith.constant 4 : i32
      %mul3A_145 = arith.muli %scan3A_142, %mul3A_144 : i32
      %add3A_146 = arith.constant 0 : i32
      %add3A_147 = arith.addi %mul3A_145, %add3A_146 : i32
      %dma_wait3A_148 = arith.constant 0 : i32
      %dma_wait3A_149 = arith.constant 0 : i32
      %dma_wait3A_150 = arith.constant 0 : i32
      %dma_wait3A_151 = tpu.memref_slice %arg8[%dma_wait3A_148, %dma_wait3A_149, %dma_wait3A_150] : memref<4x128x64xf32, #tpu.memory_space<vmem>> -> memref<1x128x64xf32, #tpu.memory_space<vmem>>
      %dma_wait3A_152 = tpu.memref_squeeze %dma_wait3A_151 : memref<1x128x64xf32, #tpu.memory_space<vmem>> -> memref<128x64xf32, #tpu.memory_space<vmem>>
      %dma_wait3A_153 = arith.constant 0 : i32
      %dma_wait3A_154 = tpu.memref_slice %arg6[%add3A_147, %dma_wait3A_153] : memref<80x128xi32, #tpu.memory_space<vmem>> -> memref<1x128xi32, #tpu.memory_space<vmem>>
      %dma_wait3A_155 = tpu.memref_squeeze %dma_wait3A_154 : memref<1x128xi32, #tpu.memory_space<vmem>> -> memref<128xi32, #tpu.memory_space<vmem>>
      %dma_wait3A_156 = arith.constant 0 : i32
      %dma_wait3A_157 = arith.constant 0 : i32
      %dma_wait3A_158 = tpu.memref_slice %arg2[%dma_wait3A_156, %dma_wait3A_157] : memref<10240x64xf32, #tpu.memory_space<hbm>> -> memref<10240x64xf32, #tpu.memory_space<hbm>>
      tpu.wait_indirect_dma semaphore(%arg10 : memref<!tpu.dma_semaphore, #tpu.memory_space<semaphore_mem>>) src(%dma_wait3A_158 : memref<10240x64xf32, #tpu.memory_space<hbm>>) dst(%dma_wait3A_152 : memref<128x64xf32, #tpu.memory_space<vmem>>)
      %dma_start3A_159 = arith.constant 0 : i32
      %dma_start3A_160 = arith.constant 0 : i32
      %dma_start3A_161 = arith.constant 0 : i32
      %dma_start3A_162 = tpu.memref_slice %arg8[%dma_start3A_159, %dma_start3A_160, %dma_start3A_161] : memref<4x128x64xf32, #tpu.memory_space<vmem>> -> memref<1x128x64xf32, #tpu.memory_space<vmem>>
      %dma_start3A_163 = tpu.memref_squeeze %dma_start3A_162 : memref<1x128x64xf32, #tpu.memory_space<vmem>> -> memref<128x64xf32, #tpu.memory_space<vmem>>
      %dma_start3A_164 = arith.constant 0 : i32
      %dma_start3A_165 = tpu.memref_slice %arg7[%add3A_147, %dma_start3A_164] : memref<80x128xi32, #tpu.memory_space<vmem>> -> memref<1x128xi32, #tpu.memory_space<vmem>>
      %dma_start3A_166 = tpu.memref_squeeze %dma_start3A_165 : memref<1x128xi32, #tpu.memory_space<vmem>> -> memref<128xi32, #tpu.memory_space<vmem>>
      %dma_start3A_167 = arith.constant 0 : i32
      %dma_start3A_168 = arith.constant 0 : i32
      %dma_start3A_169 = tpu.memref_slice %arg9[%dma_start3A_167, %dma_start3A_168] : memref<10240x64xf32, #tpu.memory_space<vmem_shared>> -> memref<10240x64xf32, #tpu.memory_space<vmem_shared>>
      tpu.enqueue_indirect_dma source(%dma_start3A_163 : memref<128x64xf32, #tpu.memory_space<vmem>>) target(%dma_start3A_169 : memref<10240x64xf32, #tpu.memory_space<vmem_shared>>) offsets(%dma_start3A_166 : memref<128xi32, #tpu.memory_space<vmem>>) semaphore(%arg14 : memref<!tpu.dma_semaphore, #tpu.memory_space<semaphore_mem>>) {add = true}
      %ge3A = arith.constant 2 : i32
      %ge3A_170 = arith.cmpi sge, %add3A_147, %ge3A : i32
      %add3A_171 = arith.constant 2 : i32
      %add3A_172 = arith.addi %add3A_147, %add3A_171 : i32
      %lt3A = arith.constant 80 : i32
      %lt3A_173 = arith.cmpi slt, %add3A_172, %lt3A : i32
      %and3A = arith.andi %ge3A_170, %lt3A_173 : i1
      %convert_element_type3A = arith.extui %and3A : i1 to i32
      %cond3A = arith.constant 0 : i32
      %cond3A_174 = arith.cmpi ne, %convert_element_type3A, %cond3A : i32
      scf.if %cond3A_174 {
        %dma_wait3A_284 = arith.constant 2 : i32
        %dma_wait3A_285 = arith.constant 0 : i32
        %dma_wait3A_286 = arith.constant 0 : i32
        %dma_wait3A_287 = arith.constant 0 : i32
        %dma_wait3A_288 = tpu.memref_slice %arg8[%dma_wait3A_284, %dma_wait3A_286, %dma_wait3A_287] : memref<4x128x64xf32, #tpu.memory_space<vmem>> -> memref<1x128x64xf32, #tpu.memory_space<vmem>>
        %dma_wait3A_289 = tpu.memref_squeeze %dma_wait3A_288 : memref<1x128x64xf32, #tpu.memory_space<vmem>> -> memref<128x64xf32, #tpu.memory_space<vmem>>
        %dma_wait3A_290 = arith.constant 0 : i32
        %dma_wait3A_291 = tpu.memref_slice %arg7[%dma_wait3A_285, %dma_wait3A_290] : memref<80x128xi32, #tpu.memory_space<vmem>> -> memref<1x128xi32, #tpu.memory_space<vmem>>
        %dma_wait3A_292 = tpu.memref_squeeze %dma_wait3A_291 : memref<1x128xi32, #tpu.memory_space<vmem>> -> memref<128xi32, #tpu.memory_space<vmem>>
        %dma_wait3A_293 = arith.constant 0 : i32
        %dma_wait3A_294 = arith.constant 0 : i32
        %dma_wait3A_295 = tpu.memref_slice %arg9[%dma_wait3A_293, %dma_wait3A_294] : memref<10240x64xf32, #tpu.memory_space<vmem_shared>> -> memref<10240x64xf32, #tpu.memory_space<vmem_shared>>
        tpu.wait_indirect_dma semaphore(%arg16 : memref<!tpu.dma_semaphore, #tpu.memory_space<semaphore_mem>>) src(%dma_wait3A_289 : memref<128x64xf32, #tpu.memory_space<vmem>>) dst(%dma_wait3A_295 : memref<10240x64xf32, #tpu.memory_space<vmem_shared>>)
        %add3A_296 = arith.constant 2 : i32
        %add3A_297 = arith.addi %add3A_147, %add3A_296 : i32
        %dma_start3A_298 = arith.constant 2 : i32
        %dma_start3A_299 = arith.constant 0 : i32
        %dma_start3A_300 = arith.constant 0 : i32
        %dma_start3A_301 = tpu.memref_slice %arg8[%dma_start3A_298, %dma_start3A_299, %dma_start3A_300] : memref<4x128x64xf32, #tpu.memory_space<vmem>> -> memref<1x128x64xf32, #tpu.memory_space<vmem>>
        %dma_start3A_302 = tpu.memref_squeeze %dma_start3A_301 : memref<1x128x64xf32, #tpu.memory_space<vmem>> -> memref<128x64xf32, #tpu.memory_space<vmem>>
        %dma_start3A_303 = arith.constant 0 : i32
        %dma_start3A_304 = tpu.memref_slice %arg6[%add3A_297, %dma_start3A_303] : memref<80x128xi32, #tpu.memory_space<vmem>> -> memref<1x128xi32, #tpu.memory_space<vmem>>
        %dma_start3A_305 = tpu.memref_squeeze %dma_start3A_304 : memref<1x128xi32, #tpu.memory_space<vmem>> -> memref<128xi32, #tpu.memory_space<vmem>>
        %dma_start3A_306 = arith.constant 0 : i32
        %dma_start3A_307 = arith.constant 0 : i32
        %dma_start3A_308 = tpu.memref_slice %arg2[%dma_start3A_306, %dma_start3A_307] : memref<10240x64xf32, #tpu.memory_space<hbm>> -> memref<10240x64xf32, #tpu.memory_space<hbm>>
        tpu.enqueue_indirect_dma source(%dma_start3A_308 : memref<10240x64xf32, #tpu.memory_space<hbm>>) target(%dma_start3A_302 : memref<128x64xf32, #tpu.memory_space<vmem>>) offsets(%dma_start3A_305 : memref<128xi32, #tpu.memory_space<vmem>>) semaphore(%arg12 : memref<!tpu.dma_semaphore, #tpu.memory_space<semaphore_mem>>)
      } else {
      }
      %mul3A_175 = arith.constant 4 : i32
      %mul3A_176 = arith.muli %scan3A_142, %mul3A_175 : i32
      %add3A_177 = arith.constant 1 : i32
      %add3A_178 = arith.addi %mul3A_176, %add3A_177 : i32
      %dma_wait3A_179 = arith.constant 1 : i32
      %dma_wait3A_180 = arith.constant 0 : i32
      %dma_wait3A_181 = arith.constant 0 : i32
      %dma_wait3A_182 = tpu.memref_slice %arg8[%dma_wait3A_179, %dma_wait3A_180, %dma_wait3A_181] : memref<4x128x64xf32, #tpu.memory_space<vmem>> -> memref<1x128x64xf32, #tpu.memory_space<vmem>>
      %dma_wait3A_183 = tpu.memref_squeeze %dma_wait3A_182 : memref<1x128x64xf32, #tpu.memory_space<vmem>> -> memref<128x64xf32, #tpu.memory_space<vmem>>
      %dma_wait3A_184 = arith.constant 0 : i32
      %dma_wait3A_185 = tpu.memref_slice %arg6[%add3A_178, %dma_wait3A_184] : memref<80x128xi32, #tpu.memory_space<vmem>> -> memref<1x128xi32, #tpu.memory_space<vmem>>
      %dma_wait3A_186 = tpu.memref_squeeze %dma_wait3A_185 : memref<1x128xi32, #tpu.memory_space<vmem>> -> memref<128xi32, #tpu.memory_space<vmem>>
      %dma_wait3A_187 = arith.constant 0 : i32
      %dma_wait3A_188 = arith.constant 0 : i32
      %dma_wait3A_189 = tpu.memref_slice %arg2[%dma_wait3A_187, %dma_wait3A_188] : memref<10240x64xf32, #tpu.memory_space<hbm>> -> memref<10240x64xf32, #tpu.memory_space<hbm>>
      tpu.wait_indirect_dma semaphore(%arg11 : memref<!tpu.dma_semaphore, #tpu.memory_space<semaphore_mem>>) src(%dma_wait3A_189 : memref<10240x64xf32, #tpu.memory_space<hbm>>) dst(%dma_wait3A_183 : memref<128x64xf32, #tpu.memory_space<vmem>>)
      %dma_start3A_190 = arith.constant 1 : i32
      %dma_start3A_191 = arith.constant 0 : i32
      %dma_start3A_192 = arith.constant 0 : i32
      %dma_start3A_193 = tpu.memref_slice %arg8[%dma_start3A_190, %dma_start3A_191, %dma_start3A_192] : memref<4x128x64xf32, #tpu.memory_space<vmem>> -> memref<1x128x64xf32, #tpu.memory_space<vmem>>
      %dma_start3A_194 = tpu.memref_squeeze %dma_start3A_193 : memref<1x128x64xf32, #tpu.memory_space<vmem>> -> memref<128x64xf32, #tpu.memory_space<vmem>>
      %dma_start3A_195 = arith.constant 0 : i32
      %dma_start3A_196 = tpu.memref_slice %arg7[%add3A_178, %dma_start3A_195] : memref<80x128xi32, #tpu.memory_space<vmem>> -> memref<1x128xi32, #tpu.memory_space<vmem>>
      %dma_start3A_197 = tpu.memref_squeeze %dma_start3A_196 : memref<1x128xi32, #tpu.memory_space<vmem>> -> memref<128xi32, #tpu.memory_space<vmem>>
      %dma_start3A_198 = arith.constant 0 : i32
      %dma_start3A_199 = arith.constant 0 : i32
      %dma_start3A_200 = tpu.memref_slice %arg9[%dma_start3A_198, %dma_start3A_199] : memref<10240x64xf32, #tpu.memory_space<vmem_shared>> -> memref<10240x64xf32, #tpu.memory_space<vmem_shared>>
      tpu.enqueue_indirect_dma source(%dma_start3A_194 : memref<128x64xf32, #tpu.memory_space<vmem>>) target(%dma_start3A_200 : memref<10240x64xf32, #tpu.memory_space<vmem_shared>>) offsets(%dma_start3A_197 : memref<128xi32, #tpu.memory_space<vmem>>) semaphore(%arg15 : memref<!tpu.dma_semaphore, #tpu.memory_space<semaphore_mem>>) {add = true}
      %ge3A_201 = arith.constant 2 : i32
      %ge3A_202 = arith.cmpi sge, %add3A_178, %ge3A_201 : i32
      %add3A_203 = arith.constant 2 : i32
      %add3A_204 = arith.addi %add3A_178, %add3A_203 : i32
      %lt3A_205 = arith.constant 80 : i32
      %lt3A_206 = arith.cmpi slt, %add3A_204, %lt3A_205 : i32
      %and3A_207 = arith.andi %ge3A_202, %lt3A_206 : i1
      %convert_element_type3A_208 = arith.extui %and3A_207 : i1 to i32
      %cond3A_209 = arith.constant 0 : i32
      %cond3A_210 = arith.cmpi ne, %convert_element_type3A_208, %cond3A_209 : i32
      scf.if %cond3A_210 {
        %dma_wait3A_284 = arith.constant 3 : i32
        %dma_wait3A_285 = arith.constant 0 : i32
        %dma_wait3A_286 = arith.constant 0 : i32
        %dma_wait3A_287 = arith.constant 0 : i32
        %dma_wait3A_288 = tpu.memref_slice %arg8[%dma_wait3A_284, %dma_wait3A_286, %dma_wait3A_287] : memref<4x128x64xf32, #tpu.memory_space<vmem>> -> memref<1x128x64xf32, #tpu.memory_space<vmem>>
        %dma_wait3A_289 = tpu.memref_squeeze %dma_wait3A_288 : memref<1x128x64xf32, #tpu.memory_space<vmem>> -> memref<128x64xf32, #tpu.memory_space<vmem>>
        %dma_wait3A_290 = arith.constant 0 : i32
        %dma_wait3A_291 = tpu.memref_slice %arg7[%dma_wait3A_285, %dma_wait3A_290] : memref<80x128xi32, #tpu.memory_space<vmem>> -> memref<1x128xi32, #tpu.memory_space<vmem>>
        %dma_wait3A_292 = tpu.memref_squeeze %dma_wait3A_291 : memref<1x128xi32, #tpu.memory_space<vmem>> -> memref<128xi32, #tpu.memory_space<vmem>>
        %dma_wait3A_293 = arith.constant 0 : i32
        %dma_wait3A_294 = arith.constant 0 : i32
        %dma_wait3A_295 = tpu.memref_slice %arg9[%dma_wait3A_293, %dma_wait3A_294] : memref<10240x64xf32, #tpu.memory_space<vmem_shared>> -> memref<10240x64xf32, #tpu.memory_space<vmem_shared>>
        tpu.wait_indirect_dma semaphore(%arg17 : memref<!tpu.dma_semaphore, #tpu.memory_space<semaphore_mem>>) src(%dma_wait3A_289 : memref<128x64xf32, #tpu.memory_space<vmem>>) dst(%dma_wait3A_295 : memref<10240x64xf32, #tpu.memory_space<vmem_shared>>)
        %add3A_296 = arith.constant 2 : i32
        %add3A_297 = arith.addi %add3A_178, %add3A_296 : i32
        %dma_start3A_298 = arith.constant 3 : i32
        %dma_start3A_299 = arith.constant 0 : i32
        %dma_start3A_300 = arith.constant 0 : i32
        %dma_start3A_301 = tpu.memref_slice %arg8[%dma_start3A_298, %dma_start3A_299, %dma_start3A_300] : memref<4x128x64xf32, #tpu.memory_space<vmem>> -> memref<1x128x64xf32, #tpu.memory_space<vmem>>
        %dma_start3A_302 = tpu.memref_squeeze %dma_start3A_301 : memref<1x128x64xf32, #tpu.memory_space<vmem>> -> memref<128x64xf32, #tpu.memory_space<vmem>>
        %dma_start3A_303 = arith.constant 0 : i32
        %dma_start3A_304 = tpu.memref_slice %arg6[%add3A_297, %dma_start3A_303] : memref<80x128xi32, #tpu.memory_space<vmem>> -> memref<1x128xi32, #tpu.memory_space<vmem>>
        %dma_start3A_305 = tpu.memref_squeeze %dma_start3A_304 : memref<1x128xi32, #tpu.memory_space<vmem>> -> memref<128xi32, #tpu.memory_space<vmem>>
        %dma_start3A_306 = arith.constant 0 : i32
        %dma_start3A_307 = arith.constant 0 : i32
        %dma_start3A_308 = tpu.memref_slice %arg2[%dma_start3A_306, %dma_start3A_307] : memref<10240x64xf32, #tpu.memory_space<hbm>> -> memref<10240x64xf32, #tpu.memory_space<hbm>>
        tpu.enqueue_indirect_dma source(%dma_start3A_308 : memref<10240x64xf32, #tpu.memory_space<hbm>>) target(%dma_start3A_302 : memref<128x64xf32, #tpu.memory_space<vmem>>) offsets(%dma_start3A_305 : memref<128xi32, #tpu.memory_space<vmem>>) semaphore(%arg13 : memref<!tpu.dma_semaphore, #tpu.memory_space<semaphore_mem>>)
      } else {
      }
      %mul3A_211 = arith.constant 4 : i32
      %mul3A_212 = arith.muli %scan3A_142, %mul3A_211 : i32
      %add3A_213 = arith.constant 2 : i32
      %add3A_214 = arith.addi %mul3A_212, %add3A_213 : i32
      %dma_wait3A_215 = arith.constant 2 : i32
      %dma_wait3A_216 = arith.constant 0 : i32
      %dma_wait3A_217 = arith.constant 0 : i32
      %dma_wait3A_218 = tpu.memref_slice %arg8[%dma_wait3A_215, %dma_wait3A_216, %dma_wait3A_217] : memref<4x128x64xf32, #tpu.memory_space<vmem>> -> memref<1x128x64xf32, #tpu.memory_space<vmem>>
      %dma_wait3A_219 = tpu.memref_squeeze %dma_wait3A_218 : memref<1x128x64xf32, #tpu.memory_space<vmem>> -> memref<128x64xf32, #tpu.memory_space<vmem>>
      %dma_wait3A_220 = arith.constant 0 : i32
      %dma_wait3A_221 = tpu.memref_slice %arg6[%add3A_214, %dma_wait3A_220] : memref<80x128xi32, #tpu.memory_space<vmem>> -> memref<1x128xi32, #tpu.memory_space<vmem>>
      %dma_wait3A_222 = tpu.memref_squeeze %dma_wait3A_221 : memref<1x128xi32, #tpu.memory_space<vmem>> -> memref<128xi32, #tpu.memory_space<vmem>>
      %dma_wait3A_223 = arith.constant 0 : i32
      %dma_wait3A_224 = arith.constant 0 : i32
      %dma_wait3A_225 = tpu.memref_slice %arg2[%dma_wait3A_223, %dma_wait3A_224] : memref<10240x64xf32, #tpu.memory_space<hbm>> -> memref<10240x64xf32, #tpu.memory_space<hbm>>
      tpu.wait_indirect_dma semaphore(%arg12 : memref<!tpu.dma_semaphore, #tpu.memory_space<semaphore_mem>>) src(%dma_wait3A_225 : memref<10240x64xf32, #tpu.memory_space<hbm>>) dst(%dma_wait3A_219 : memref<128x64xf32, #tpu.memory_space<vmem>>)
      %dma_start3A_226 = arith.constant 2 : i32
      %dma_start3A_227 = arith.constant 0 : i32
      %dma_start3A_228 = arith.constant 0 : i32
      %dma_start3A_229 = tpu.memref_slice %arg8[%dma_start3A_226, %dma_start3A_227, %dma_start3A_228] : memref<4x128x64xf32, #tpu.memory_space<vmem>> -> memref<1x128x64xf32, #tpu.memory_space<vmem>>
      %dma_start3A_230 = tpu.memref_squeeze %dma_start3A_229 : memref<1x128x64xf32, #tpu.memory_space<vmem>> -> memref<128x64xf32, #tpu.memory_space<vmem>>
      %dma_start3A_231 = arith.constant 0 : i32
      %dma_start3A_232 = tpu.memref_slice %arg7[%add3A_214, %dma_start3A_231] : memref<80x128xi32, #tpu.memory_space<vmem>> -> memref<1x128xi32, #tpu.memory_space<vmem>>
      %dma_start3A_233 = tpu.memref_squeeze %dma_start3A_232 : memref<1x128xi32, #tpu.memory_space<vmem>> -> memref<128xi32, #tpu.memory_space<vmem>>
      %dma_start3A_234 = arith.constant 0 : i32
      %dma_start3A_235 = arith.constant 0 : i32
      %dma_start3A_236 = tpu.memref_slice %arg9[%dma_start3A_234, %dma_start3A_235] : memref<10240x64xf32, #tpu.memory_space<vmem_shared>> -> memref<10240x64xf32, #tpu.memory_space<vmem_shared>>
      tpu.enqueue_indirect_dma source(%dma_start3A_230 : memref<128x64xf32, #tpu.memory_space<vmem>>) target(%dma_start3A_236 : memref<10240x64xf32, #tpu.memory_space<vmem_shared>>) offsets(%dma_start3A_233 : memref<128xi32, #tpu.memory_space<vmem>>) semaphore(%arg16 : memref<!tpu.dma_semaphore, #tpu.memory_space<semaphore_mem>>) {add = true}
      %ge3A_237 = arith.constant 2 : i32
      %ge3A_238 = arith.cmpi sge, %add3A_214, %ge3A_237 : i32
      %add3A_239 = arith.constant 2 : i32
      %add3A_240 = arith.addi %add3A_214, %add3A_239 : i32
      %lt3A_241 = arith.constant 80 : i32
      %lt3A_242 = arith.cmpi slt, %add3A_240, %lt3A_241 : i32
      %and3A_243 = arith.andi %ge3A_238, %lt3A_242 : i1
      %convert_element_type3A_244 = arith.extui %and3A_243 : i1 to i32
      %cond3A_245 = arith.constant 0 : i32
      %cond3A_246 = arith.cmpi ne, %convert_element_type3A_244, %cond3A_245 : i32
      scf.if %cond3A_246 {
        %dma_wait3A_284 = arith.constant 0 : i32
        %dma_wait3A_285 = arith.constant 0 : i32
        %dma_wait3A_286 = arith.constant 0 : i32
        %dma_wait3A_287 = arith.constant 0 : i32
        %dma_wait3A_288 = tpu.memref_slice %arg8[%dma_wait3A_284, %dma_wait3A_286, %dma_wait3A_287] : memref<4x128x64xf32, #tpu.memory_space<vmem>> -> memref<1x128x64xf32, #tpu.memory_space<vmem>>
        %dma_wait3A_289 = tpu.memref_squeeze %dma_wait3A_288 : memref<1x128x64xf32, #tpu.memory_space<vmem>> -> memref<128x64xf32, #tpu.memory_space<vmem>>
        %dma_wait3A_290 = arith.constant 0 : i32
        %dma_wait3A_291 = tpu.memref_slice %arg7[%dma_wait3A_285, %dma_wait3A_290] : memref<80x128xi32, #tpu.memory_space<vmem>> -> memref<1x128xi32, #tpu.memory_space<vmem>>
        %dma_wait3A_292 = tpu.memref_squeeze %dma_wait3A_291 : memref<1x128xi32, #tpu.memory_space<vmem>> -> memref<128xi32, #tpu.memory_space<vmem>>
        %dma_wait3A_293 = arith.constant 0 : i32
        %dma_wait3A_294 = arith.constant 0 : i32
        %dma_wait3A_295 = tpu.memref_slice %arg9[%dma_wait3A_293, %dma_wait3A_294] : memref<10240x64xf32, #tpu.memory_space<vmem_shared>> -> memref<10240x64xf32, #tpu.memory_space<vmem_shared>>
        tpu.wait_indirect_dma semaphore(%arg14 : memref<!tpu.dma_semaphore, #tpu.memory_space<semaphore_mem>>) src(%dma_wait3A_289 : memref<128x64xf32, #tpu.memory_space<vmem>>) dst(%dma_wait3A_295 : memref<10240x64xf32, #tpu.memory_space<vmem_shared>>)
        %add3A_296 = arith.constant 2 : i32
        %add3A_297 = arith.addi %add3A_214, %add3A_296 : i32
        %dma_start3A_298 = arith.constant 0 : i32
        %dma_start3A_299 = arith.constant 0 : i32
        %dma_start3A_300 = arith.constant 0 : i32
        %dma_start3A_301 = tpu.memref_slice %arg8[%dma_start3A_298, %dma_start3A_299, %dma_start3A_300] : memref<4x128x64xf32, #tpu.memory_space<vmem>> -> memref<1x128x64xf32, #tpu.memory_space<vmem>>
        %dma_start3A_302 = tpu.memref_squeeze %dma_start3A_301 : memref<1x128x64xf32, #tpu.memory_space<vmem>> -> memref<128x64xf32, #tpu.memory_space<vmem>>
        %dma_start3A_303 = arith.constant 0 : i32
        %dma_start3A_304 = tpu.memref_slice %arg6[%add3A_297, %dma_start3A_303] : memref<80x128xi32, #tpu.memory_space<vmem>> -> memref<1x128xi32, #tpu.memory_space<vmem>>
        %dma_start3A_305 = tpu.memref_squeeze %dma_start3A_304 : memref<1x128xi32, #tpu.memory_space<vmem>> -> memref<128xi32, #tpu.memory_space<vmem>>
        %dma_start3A_306 = arith.constant 0 : i32
        %dma_start3A_307 = arith.constant 0 : i32
        %dma_start3A_308 = tpu.memref_slice %arg2[%dma_start3A_306, %dma_start3A_307] : memref<10240x64xf32, #tpu.memory_space<hbm>> -> memref<10240x64xf32, #tpu.memory_space<hbm>>
        tpu.enqueue_indirect_dma source(%dma_start3A_308 : memref<10240x64xf32, #tpu.memory_space<hbm>>) target(%dma_start3A_302 : memref<128x64xf32, #tpu.memory_space<vmem>>) offsets(%dma_start3A_305 : memref<128xi32, #tpu.memory_space<vmem>>) semaphore(%arg10 : memref<!tpu.dma_semaphore, #tpu.memory_space<semaphore_mem>>)
      } else {
      }
      %mul3A_247 = arith.constant 4 : i32
      %mul3A_248 = arith.muli %scan3A_142, %mul3A_247 : i32
      %add3A_249 = arith.constant 3 : i32
      %add3A_250 = arith.addi %mul3A_248, %add3A_249 : i32
      %dma_wait3A_251 = arith.constant 3 : i32
      %dma_wait3A_252 = arith.constant 0 : i32
      %dma_wait3A_253 = arith.constant 0 : i32
      %dma_wait3A_254 = tpu.memref_slice %arg8[%dma_wait3A_251, %dma_wait3A_252, %dma_wait3A_253] : memref<4x128x64xf32, #tpu.memory_space<vmem>> -> memref<1x128x64xf32, #tpu.memory_space<vmem>>
      %dma_wait3A_255 = tpu.memref_squeeze %dma_wait3A_254 : memref<1x128x64xf32, #tpu.memory_space<vmem>> -> memref<128x64xf32, #tpu.memory_space<vmem>>
      %dma_wait3A_256 = arith.constant 0 : i32
      %dma_wait3A_257 = tpu.memref_slice %arg6[%add3A_250, %dma_wait3A_256] : memref<80x128xi32, #tpu.memory_space<vmem>> -> memref<1x128xi32, #tpu.memory_space<vmem>>
      %dma_wait3A_258 = tpu.memref_squeeze %dma_wait3A_257 : memref<1x128xi32, #tpu.memory_space<vmem>> -> memref<128xi32, #tpu.memory_space<vmem>>
      %dma_wait3A_259 = arith.constant 0 : i32
      %dma_wait3A_260 = arith.constant 0 : i32
      %dma_wait3A_261 = tpu.memref_slice %arg2[%dma_wait3A_259, %dma_wait3A_260] : memref<10240x64xf32, #tpu.memory_space<hbm>> -> memref<10240x64xf32, #tpu.memory_space<hbm>>
      tpu.wait_indirect_dma semaphore(%arg13 : memref<!tpu.dma_semaphore, #tpu.memory_space<semaphore_mem>>) src(%dma_wait3A_261 : memref<10240x64xf32, #tpu.memory_space<hbm>>) dst(%dma_wait3A_255 : memref<128x64xf32, #tpu.memory_space<vmem>>)
      %dma_start3A_262 = arith.constant 3 : i32
      %dma_start3A_263 = arith.constant 0 : i32
      %dma_start3A_264 = arith.constant 0 : i32
      %dma_start3A_265 = tpu.memref_slice %arg8[%dma_start3A_262, %dma_start3A_263, %dma_start3A_264] : memref<4x128x64xf32, #tpu.memory_space<vmem>> -> memref<1x128x64xf32, #tpu.memory_space<vmem>>
      %dma_start3A_266 = tpu.memref_squeeze %dma_start3A_265 : memref<1x128x64xf32, #tpu.memory_space<vmem>> -> memref<128x64xf32, #tpu.memory_space<vmem>>
      %dma_start3A_267 = arith.constant 0 : i32
      %dma_start3A_268 = tpu.memref_slice %arg7[%add3A_250, %dma_start3A_267] : memref<80x128xi32, #tpu.memory_space<vmem>> -> memref<1x128xi32, #tpu.memory_space<vmem>>
      %dma_start3A_269 = tpu.memref_squeeze %dma_start3A_268 : memref<1x128xi32, #tpu.memory_space<vmem>> -> memref<128xi32, #tpu.memory_space<vmem>>
      %dma_start3A_270 = arith.constant 0 : i32
      %dma_start3A_271 = arith.constant 0 : i32
      %dma_start3A_272 = tpu.memref_slice %arg9[%dma_start3A_270, %dma_start3A_271] : memref<10240x64xf32, #tpu.memory_space<vmem_shared>> -> memref<10240x64xf32, #tpu.memory_space<vmem_shared>>
      tpu.enqueue_indirect_dma source(%dma_start3A_266 : memref<128x64xf32, #tpu.memory_space<vmem>>) target(%dma_start3A_272 : memref<10240x64xf32, #tpu.memory_space<vmem_shared>>) offsets(%dma_start3A_269 : memref<128xi32, #tpu.memory_space<vmem>>) semaphore(%arg17 : memref<!tpu.dma_semaphore, #tpu.memory_space<semaphore_mem>>) {add = true}
      %ge3A_273 = arith.constant 2 : i32
      %ge3A_274 = arith.cmpi sge, %add3A_250, %ge3A_273 : i32
      %add3A_275 = arith.constant 2 : i32
      %add3A_276 = arith.addi %add3A_250, %add3A_275 : i32
      %lt3A_277 = arith.constant 80 : i32
      %lt3A_278 = arith.cmpi slt, %add3A_276, %lt3A_277 : i32
      %and3A_279 = arith.andi %ge3A_274, %lt3A_278 : i1
      %convert_element_type3A_280 = arith.extui %and3A_279 : i1 to i32
      %cond3A_281 = arith.constant 0 : i32
      %cond3A_282 = arith.cmpi ne, %convert_element_type3A_280, %cond3A_281 : i32
      scf.if %cond3A_282 {
        %dma_wait3A_284 = arith.constant 1 : i32
        %dma_wait3A_285 = arith.constant 0 : i32
        %dma_wait3A_286 = arith.constant 0 : i32
        %dma_wait3A_287 = arith.constant 0 : i32
        %dma_wait3A_288 = tpu.memref_slice %arg8[%dma_wait3A_284, %dma_wait3A_286, %dma_wait3A_287] : memref<4x128x64xf32, #tpu.memory_space<vmem>> -> memref<1x128x64xf32, #tpu.memory_space<vmem>>
        %dma_wait3A_289 = tpu.memref_squeeze %dma_wait3A_288 : memref<1x128x64xf32, #tpu.memory_space<vmem>> -> memref<128x64xf32, #tpu.memory_space<vmem>>
        %dma_wait3A_290 = arith.constant 0 : i32
        %dma_wait3A_291 = tpu.memref_slice %arg7[%dma_wait3A_285, %dma_wait3A_290] : memref<80x128xi32, #tpu.memory_space<vmem>> -> memref<1x128xi32, #tpu.memory_space<vmem>>
        %dma_wait3A_292 = tpu.memref_squeeze %dma_wait3A_291 : memref<1x128xi32, #tpu.memory_space<vmem>> -> memref<128xi32, #tpu.memory_space<vmem>>
        %dma_wait3A_293 = arith.constant 0 : i32
        %dma_wait3A_294 = arith.constant 0 : i32
        %dma_wait3A_295 = tpu.memref_slice %arg9[%dma_wait3A_293, %dma_wait3A_294] : memref<10240x64xf32, #tpu.memory_space<vmem_shared>> -> memref<10240x64xf32, #tpu.memory_space<vmem_shared>>
        tpu.wait_indirect_dma semaphore(%arg15 : memref<!tpu.dma_semaphore, #tpu.memory_space<semaphore_mem>>) src(%dma_wait3A_289 : memref<128x64xf32, #tpu.memory_space<vmem>>) dst(%dma_wait3A_295 : memref<10240x64xf32, #tpu.memory_space<vmem_shared>>)
        %add3A_296 = arith.constant 2 : i32
        %add3A_297 = arith.addi %add3A_250, %add3A_296 : i32
        %dma_start3A_298 = arith.constant 1 : i32
        %dma_start3A_299 = arith.constant 0 : i32
        %dma_start3A_300 = arith.constant 0 : i32
        %dma_start3A_301 = tpu.memref_slice %arg8[%dma_start3A_298, %dma_start3A_299, %dma_start3A_300] : memref<4x128x64xf32, #tpu.memory_space<vmem>> -> memref<1x128x64xf32, #tpu.memory_space<vmem>>
        %dma_start3A_302 = tpu.memref_squeeze %dma_start3A_301 : memref<1x128x64xf32, #tpu.memory_space<vmem>> -> memref<128x64xf32, #tpu.memory_space<vmem>>
        %dma_start3A_303 = arith.constant 0 : i32
        %dma_start3A_304 = tpu.memref_slice %arg6[%add3A_297, %dma_start3A_303] : memref<80x128xi32, #tpu.memory_space<vmem>> -> memref<1x128xi32, #tpu.memory_space<vmem>>
        %dma_start3A_305 = tpu.memref_squeeze %dma_start3A_304 : memref<1x128xi32, #tpu.memory_space<vmem>> -> memref<128xi32, #tpu.memory_space<vmem>>
        %dma_start3A_306 = arith.constant 0 : i32
        %dma_start3A_307 = arith.constant 0 : i32
        %dma_start3A_308 = tpu.memref_slice %arg2[%dma_start3A_306, %dma_start3A_307] : memref<10240x64xf32, #tpu.memory_space<hbm>> -> memref<10240x64xf32, #tpu.memory_space<hbm>>
        tpu.enqueue_indirect_dma source(%dma_start3A_308 : memref<10240x64xf32, #tpu.memory_space<hbm>>) target(%dma_start3A_302 : memref<128x64xf32, #tpu.memory_space<vmem>>) offsets(%dma_start3A_305 : memref<128xi32, #tpu.memory_space<vmem>>) semaphore(%arg11 : memref<!tpu.dma_semaphore, #tpu.memory_space<semaphore_mem>>)
      } else {
      }
      %scan3A_283 = arith.constant 0 : i32
      scf.yield %scan3A_283 : i32
    }
    %scan3A_89 = arith.constant 20 : i32
    %dma_wait3A = arith.constant 0 : i32
    %dma_wait3A_90 = arith.constant 0 : i32
    %dma_wait3A_91 = arith.constant 0 : i32
    %dma_wait3A_92 = arith.constant 0 : i32
    %dma_wait3A_93 = tpu.memref_slice %arg8[%dma_wait3A, %dma_wait3A_91, %dma_wait3A_92] : memref<4x128x64xf32, #tpu.memory_space<vmem>> -> memref<1x128x64xf32, #tpu.memory_space<vmem>>
    %dma_wait3A_94 = tpu.memref_squeeze %dma_wait3A_93 : memref<1x128x64xf32, #tpu.memory_space<vmem>> -> memref<128x64xf32, #tpu.memory_space<vmem>>
    %dma_wait3A_95 = arith.constant 0 : i32
    %dma_wait3A_96 = tpu.memref_slice %arg7[%dma_wait3A_90, %dma_wait3A_95] : memref<80x128xi32, #tpu.memory_space<vmem>> -> memref<1x128xi32, #tpu.memory_space<vmem>>
    %dma_wait3A_97 = tpu.memref_squeeze %dma_wait3A_96 : memref<1x128xi32, #tpu.memory_space<vmem>> -> memref<128xi32, #tpu.memory_space<vmem>>
    %dma_wait3A_98 = arith.constant 0 : i32
    %dma_wait3A_99 = arith.constant 0 : i32
    %dma_wait3A_100 = tpu.memref_slice %arg9[%dma_wait3A_98, %dma_wait3A_99] : memref<10240x64xf32, #tpu.memory_space<vmem_shared>> -> memref<10240x64xf32, #tpu.memory_space<vmem_shared>>
    tpu.wait_indirect_dma semaphore(%arg14 : memref<!tpu.dma_semaphore, #tpu.memory_space<semaphore_mem>>) src(%dma_wait3A_94 : memref<128x64xf32, #tpu.memory_space<vmem>>) dst(%dma_wait3A_100 : memref<10240x64xf32, #tpu.memory_space<vmem_shared>>)
    %dma_wait3A_101 = arith.constant 1 : i32
    %dma_wait3A_102 = arith.constant 0 : i32
    %dma_wait3A_103 = arith.constant 0 : i32
    %dma_wait3A_104 = arith.constant 0 : i32
    %dma_wait3A_105 = tpu.memref_slice %arg8[%dma_wait3A_101, %dma_wait3A_103, %dma_wait3A_104] : memref<4x128x64xf32, #tpu.memory_space<vmem>> -> memref<1x128x64xf32, #tpu.memory_space<vmem>>
    %dma_wait3A_106 = tpu.memref_squeeze %dma_wait3A_105 : memref<1x128x64xf32, #tpu.memory_space<vmem>> -> memref<128x64xf32, #tpu.memory_space<vmem>>
    %dma_wait3A_107 = arith.constant 0 : i32
    %dma_wait3A_108 = tpu.memref_slice %arg7[%dma_wait3A_102, %dma_wait3A_107] : memref<80x128xi32, #tpu.memory_space<vmem>> -> memref<1x128xi32, #tpu.memory_space<vmem>>
    %dma_wait3A_109 = tpu.memref_squeeze %dma_wait3A_108 : memref<1x128xi32, #tpu.memory_space<vmem>> -> memref<128xi32, #tpu.memory_space<vmem>>
    %dma_wait3A_110 = arith.constant 0 : i32
    %dma_wait3A_111 = arith.constant 0 : i32
    %dma_wait3A_112 = tpu.memref_slice %arg9[%dma_wait3A_110, %dma_wait3A_111] : memref<10240x64xf32, #tpu.memory_space<vmem_shared>> -> memref<10240x64xf32, #tpu.memory_space<vmem_shared>>
    tpu.wait_indirect_dma semaphore(%arg15 : memref<!tpu.dma_semaphore, #tpu.memory_space<semaphore_mem>>) src(%dma_wait3A_106 : memref<128x64xf32, #tpu.memory_space<vmem>>) dst(%dma_wait3A_112 : memref<10240x64xf32, #tpu.memory_space<vmem_shared>>)
    %dma_wait3A_113 = arith.constant 2 : i32
    %dma_wait3A_114 = arith.constant 0 : i32
    %dma_wait3A_115 = arith.constant 0 : i32
    %dma_wait3A_116 = arith.constant 0 : i32
    %dma_wait3A_117 = tpu.memref_slice %arg8[%dma_wait3A_113, %dma_wait3A_115, %dma_wait3A_116] : memref<4x128x64xf32, #tpu.memory_space<vmem>> -> memref<1x128x64xf32, #tpu.memory_space<vmem>>
    %dma_wait3A_118 = tpu.memref_squeeze %dma_wait3A_117 : memref<1x128x64xf32, #tpu.memory_space<vmem>> -> memref<128x64xf32, #tpu.memory_space<vmem>>
    %dma_wait3A_119 = arith.constant 0 : i32
    %dma_wait3A_120 = tpu.memref_slice %arg7[%dma_wait3A_114, %dma_wait3A_119] : memref<80x128xi32, #tpu.memory_space<vmem>> -> memref<1x128xi32, #tpu.memory_space<vmem>>
    %dma_wait3A_121 = tpu.memref_squeeze %dma_wait3A_120 : memref<1x128xi32, #tpu.memory_space<vmem>> -> memref<128xi32, #tpu.memory_space<vmem>>
    %dma_wait3A_122 = arith.constant 0 : i32
    %dma_wait3A_123 = arith.constant 0 : i32
    %dma_wait3A_124 = tpu.memref_slice %arg9[%dma_wait3A_122, %dma_wait3A_123] : memref<10240x64xf32, #tpu.memory_space<vmem_shared>> -> memref<10240x64xf32, #tpu.memory_space<vmem_shared>>
    tpu.wait_indirect_dma semaphore(%arg16 : memref<!tpu.dma_semaphore, #tpu.memory_space<semaphore_mem>>) src(%dma_wait3A_118 : memref<128x64xf32, #tpu.memory_space<vmem>>) dst(%dma_wait3A_124 : memref<10240x64xf32, #tpu.memory_space<vmem_shared>>)
    %dma_wait3A_125 = arith.constant 3 : i32
    %dma_wait3A_126 = arith.constant 0 : i32
    %dma_wait3A_127 = arith.constant 0 : i32
    %dma_wait3A_128 = arith.constant 0 : i32
    %dma_wait3A_129 = tpu.memref_slice %arg8[%dma_wait3A_125, %dma_wait3A_127, %dma_wait3A_128] : memref<4x128x64xf32, #tpu.memory_space<vmem>> -> memref<1x128x64xf32, #tpu.memory_space<vmem>>
    %dma_wait3A_130 = tpu.memref_squeeze %dma_wait3A_129 : memref<1x128x64xf32, #tpu.memory_space<vmem>> -> memref<128x64xf32, #tpu.memory_space<vmem>>
    %dma_wait3A_131 = arith.constant 0 : i32
    %dma_wait3A_132 = tpu.memref_slice %arg7[%dma_wait3A_126, %dma_wait3A_131] : memref<80x128xi32, #tpu.memory_space<vmem>> -> memref<1x128xi32, #tpu.memory_space<vmem>>
    %dma_wait3A_133 = tpu.memref_squeeze %dma_wait3A_132 : memref<1x128xi32, #tpu.memory_space<vmem>> -> memref<128xi32, #tpu.memory_space<vmem>>
    %dma_wait3A_134 = arith.constant 0 : i32
    %dma_wait3A_135 = arith.constant 0 : i32
    %dma_wait3A_136 = tpu.memref_slice %arg9[%dma_wait3A_134, %dma_wait3A_135] : memref<10240x64xf32, #tpu.memory_space<vmem_shared>> -> memref<10240x64xf32, #tpu.memory_space<vmem_shared>>
    tpu.wait_indirect_dma semaphore(%arg17 : memref<!tpu.dma_semaphore, #tpu.memory_space<semaphore_mem>>) src(%dma_wait3A_130 : memref<128x64xf32, #tpu.memory_space<vmem>>) dst(%dma_wait3A_136 : memref<10240x64xf32, #tpu.memory_space<vmem_shared>>)
    %barrier3A_137 = arith.constant 0 : index
    tpu.barrier barrier_id(%barrier3A_137)
    %mul3A_138 = arith.constant 640 : i32
    %mul3A_139 = arith.muli %arg1, %mul3A_138 : i32
    %mul3A_140 = arith.constant 640 : i32
    %mul3A_141 = arith.muli %arg1, %mul3A_140 : i32
    "tpu.region"() ({
      %run_scoped3A_142 = tpu.sem_alloc : memref<!tpu.dma_semaphore, #tpu.memory_space<semaphore_mem>>
      %dma_start3A_143 = arith.constant 0 : i32
      %dma_start3A_144 = tpu.memref_slice %arg5[%arg0, %mul3A_141, %dma_start3A_143] : memref<2x10240x64xf32, #tpu.memory_space<hbm>> -> memref<1x640x64xf32, #tpu.memory_space<hbm>>
      %dma_start3A_145 = tpu.memref_squeeze %dma_start3A_144 : memref<1x640x64xf32, #tpu.memory_space<hbm>> -> memref<640x64xf32, #tpu.memory_space<hbm>>
      %dma_start3A_146 = arith.constant 0 : i32
      %dma_start3A_147 = tpu.memref_slice %arg9[%mul3A_139, %dma_start3A_146] : memref<10240x64xf32, #tpu.memory_space<vmem_shared>> -> memref<640x64xf32, #tpu.memory_space<vmem_shared>>
      tpu.enqueue_dma source(%dma_start3A_147 : memref<640x64xf32, #tpu.memory_space<vmem_shared>>) target(%dma_start3A_145 : memref<640x64xf32, #tpu.memory_space<hbm>>) target_semaphore(%run_scoped3A_142 : memref<!tpu.dma_semaphore, #tpu.memory_space<semaphore_mem>>)
      %dma_wait3A_148 = arith.constant 0 : i32
      %dma_wait3A_149 = tpu.memref_slice %arg5[%arg0, %mul3A_141, %dma_wait3A_148] : memref<2x10240x64xf32, #tpu.memory_space<hbm>> -> memref<1x640x64xf32, #tpu.memory_space<hbm>>
      %dma_wait3A_150 = tpu.memref_squeeze %dma_wait3A_149 : memref<1x640x64xf32, #tpu.memory_space<hbm>> -> memref<640x64xf32, #tpu.memory_space<hbm>>
      %dma_wait3A_151 = arith.constant 0 : i32
      %dma_wait3A_152 = tpu.memref_slice %arg9[%mul3A_139, %dma_wait3A_151] : memref<10240x64xf32, #tpu.memory_space<vmem_shared>> -> memref<640x64xf32, #tpu.memory_space<vmem_shared>>
      tpu.wait_dma2 semaphore(%run_scoped3A_142 : memref<!tpu.dma_semaphore, #tpu.memory_space<semaphore_mem>>) src(%dma_wait3A_152 : memref<640x64xf32, #tpu.memory_space<vmem_shared>>) dst(%dma_wait3A_150 : memref<640x64xf32, #tpu.memory_space<hbm>>)
      tpu.yield
    }) : () -> ()
    return
  }
}

#map = affine_map<(d0, d1) -> (0, 0)>
#map1 = affine_map<(d0, d1) -> (0, 0, 0)>
module attributes {stable_mosaic.version = 14 : i64} {
  func.func @body(%arg0: i32, %arg1: i32, %arg2: memref<10240x64xf32, #tpu.memory_space<hbm>>, %arg3: memref<2560x128xi32, #tpu.memory_space<hbm>>, %arg4: memref<2560x128xi32, #tpu.memory_space<hbm>>, %arg5: memref<2x10240x64xf32, #tpu.memory_space<hbm>>, %arg6: memref<80x128xi32, #tpu.memory_space<vmem>>, %arg7: memref<80x128xi32, #tpu.memory_space<vmem>>, %arg8: memref<4x128x64xf32, #tpu.memory_space<vmem>>, %arg9: memref<10240x64xf32, #tpu.memory_space<vmem_shared>>, %arg10: memref<!tpu.dma_semaphore, #tpu.memory_space<semaphore_mem>>, %arg11: memref<!tpu.dma_semaphore, #tpu.memory_space<semaphore_mem>>, %arg12: memref<!tpu.dma_semaphore, #tpu.memory_space<semaphore_mem>>, %arg13: memref<!tpu.dma_semaphore, #tpu.memory_space<semaphore_mem>>, %arg14: memref<!tpu.dma_semaphore, #tpu.memory_space<semaphore_mem>>, %arg15: memref<!tpu.dma_semaphore, #tpu.memory_space<semaphore_mem>>, %arg16: memref<!tpu.dma_semaphore, #tpu.memory_space<semaphore_mem>>, %arg17: memref<!tpu.dma_semaphore, #tpu.memory_space<semaphore_mem>>) attributes {dimension_semantics = [#tpu.dimension_semantics<core_parallel>, #tpu.dimension_semantics<subcore_parallel>], iteration_bounds = array<i64: 2, 16>, scalar_prefetch = 0 : i64, scratch_operands = 12 : i64, tpu.core_type = #tpu.core_type<sc_vector_subcore>, window_params = [{transform_indices = #map}, {transform_indices = #map}, {transform_indices = #map}, {transform_indices = #map1}]} {
    %mul3A = arith.constant 16 : i32
    %mul3A_0 = arith.muli %arg0, %mul3A : i32
    %add3A = arith.addi %mul3A_0, %arg1 : i32
    %mul3A_1 = arith.constant 80 : i32
    %mul3A_2 = arith.muli %add3A, %mul3A_1 : i32
    "tpu.region"() ({
      %run_scoped3A_142 = tpu.sem_alloc : memref<!tpu.dma_semaphore, #tpu.memory_space<semaphore_mem>>
      %dma_start3A_143 = arith.constant 0 : i32
      %dma_start3A_144 = tpu.memref_slice %arg3[%mul3A_2, %dma_start3A_143] : memref<2560x128xi32, #tpu.memory_space<hbm>> -> memref<80x128xi32, #tpu.memory_space<hbm>>
      %dma_start3A_145 = arith.constant 0 : i32
      %dma_start3A_146 = tpu.memref_slice %arg3[%mul3A_2, %dma_start3A_145] : memref<2560x128xi32, #tpu.memory_space<hbm>> -> memref<80x128xi32, #tpu.memory_space<hbm>>
      tpu.enqueue_dma source(%dma_start3A_146 : memref<80x128xi32, #tpu.memory_space<hbm>>) target(%arg6 : memref<80x128xi32, #tpu.memory_space<vmem>>) target_semaphore(%run_scoped3A_142 : memref<!tpu.dma_semaphore, #tpu.memory_space<semaphore_mem>>)
      %dma_wait3A_147 = arith.constant 0 : i32
      %dma_wait3A_148 = tpu.memref_slice %arg3[%mul3A_2, %dma_wait3A_147] : memref<2560x128xi32, #tpu.memory_space<hbm>> -> memref<80x128xi32, #tpu.memory_space<hbm>>
      %dma_wait3A_149 = arith.constant 0 : i32
      %dma_wait3A_150 = tpu.memref_slice %arg3[%mul3A_2, %dma_wait3A_149] : memref<2560x128xi32, #tpu.memory_space<hbm>> -> memref<80x128xi32, #tpu.memory_space<hbm>>
      tpu.wait_dma2 semaphore(%run_scoped3A_142 : memref<!tpu.dma_semaphore, #tpu.memory_space<semaphore_mem>>) src(%dma_wait3A_150 : memref<80x128xi32, #tpu.memory_space<hbm>>) dst(%arg6 : memref<80x128xi32, #tpu.memory_space<vmem>>)
      tpu.yield
    }) : () -> ()
    %mul3A_3 = arith.constant 80 : i32
    %mul3A_4 = arith.muli %add3A, %mul3A_3 : i32
    "tpu.region"() ({
      %run_scoped3A_142 = tpu.sem_alloc : memref<!tpu.dma_semaphore, #tpu.memory_space<semaphore_mem>>
      %dma_start3A_143 = arith.constant 0 : i32
      %dma_start3A_144 = tpu.memref_slice %arg4[%mul3A_4, %dma_start3A_143] : memref<2560x128xi32, #tpu.memory_space<hbm>> -> memref<80x128xi32, #tpu.memory_space<hbm>>
      %dma_start3A_145 = arith.constant 0 : i32
      %dma_start3A_146 = tpu.memref_slice %arg4[%mul3A_4, %dma_start3A_145] : memref<2560x128xi32, #tpu.memory_space<hbm>> -> memref<80x128xi32, #tpu.memory_space<hbm>>
      tpu.enqueue_dma source(%dma_start3A_146 : memref<80x128xi32, #tpu.memory_space<hbm>>) target(%arg7 : memref<80x128xi32, #tpu.memory_space<vmem>>) target_semaphore(%run_scoped3A_142 : memref<!tpu.dma_semaphore, #tpu.memory_space<semaphore_mem>>)
      %dma_wait3A_147 = arith.constant 0 : i32
      %dma_wait3A_148 = tpu.memref_slice %arg4[%mul3A_4, %dma_wait3A_147] : memref<2560x128xi32, #tpu.memory_space<hbm>> -> memref<80x128xi32, #tpu.memory_space<hbm>>
      %dma_wait3A_149 = arith.constant 0 : i32
      %dma_wait3A_150 = tpu.memref_slice %arg4[%mul3A_4, %dma_wait3A_149] : memref<2560x128xi32, #tpu.memory_space<hbm>> -> memref<80x128xi32, #tpu.memory_space<hbm>>
      tpu.wait_dma2 semaphore(%run_scoped3A_142 : memref<!tpu.dma_semaphore, #tpu.memory_space<semaphore_mem>>) src(%dma_wait3A_150 : memref<80x128xi32, #tpu.memory_space<hbm>>) dst(%arg7 : memref<80x128xi32, #tpu.memory_space<vmem>>)
      tpu.yield
    }) : () -> ()
    %scan3A = arith.constant 0 : i32
    %scan3A_5 = arith.constant 0 : i32
    %scan3A_6 = arith.constant 0 : i32
    %scan3A_7 = arith.constant 128 : i32
    %scan3A_8 = arith.addi %scan3A_6, %scan3A_7 : i32
    %scan3A_9 = arith.constant 2 : i32
    %scan3A_10 = scf.for %scan3A_142 = %scan3A_6 to %scan3A_8 step %scan3A_9 iter_args(%scan3A_143 = %scan3A_5) -> (i32)  : i32 {
      %broadcast_in_dim3A = arith.constant 0.000000e+00 : f32
      %broadcast_in_dim3A_144 = vector.broadcast %broadcast_in_dim3A : f32 to vector<16xf32>
      %swap3A = arith.constant 0 : i32
      %swap3A_145 = arith.constant 0 : i32
      %swap3A_146 = tpu.memref_slice %arg8[%scan3A, %swap3A, %swap3A_145] : memref<4x128x64xf32, #tpu.memory_space<vmem>> -> memref<1x128x64xf32, #tpu.memory_space<vmem>>
      %swap3A_147 = tpu.memref_squeeze %swap3A_146 : memref<1x128x64xf32, #tpu.memory_space<vmem>> -> memref<128x64xf32, #tpu.memory_space<vmem>>
      %swap3A_148 = arith.index_cast %scan3A_142 : i32 to index
      %swap3A_149 = arith.constant 0 : index
      %swap3A_150 = tpu.vector_load %swap3A_147[%swap3A_148, %swap3A_149] {strides = array<i32>} : memref<128x64xf32, #tpu.memory_space<vmem>>, vector<1x16xf32>,
      %swap3A_151 = vector.shape_cast %swap3A_150 : vector<1x16xf32> to vector<16xf32>
      %swap3A_152 = vector.shape_cast %broadcast_in_dim3A_144 : vector<16xf32> to vector<1x16xf32>
      tpu.vector_store %swap3A_147[%swap3A_148, %swap3A_149], %swap3A_152 {strides = array<i32>} : memref<128x64xf32, #tpu.memory_space<vmem>>, vector<1x16xf32>,
      %broadcast_in_dim3A_153 = arith.constant 0.000000e+00 : f32
      %broadcast_in_dim3A_154 = vector.broadcast %broadcast_in_dim3A_153 : f32 to vector<16xf32>
      %swap3A_155 = arith.constant 0 : i32
      %swap3A_156 = arith.constant 0 : i32
      %swap3A_157 = tpu.memref_slice %arg8[%scan3A, %swap3A_155, %swap3A_156] : memref<4x128x64xf32, #tpu.memory_space<vmem>> -> memref<1x128x64xf32, #tpu.memory_space<vmem>>
      %swap3A_158 = tpu.memref_squeeze %swap3A_157 : memref<1x128x64xf32, #tpu.memory_space<vmem>> -> memref<128x64xf32, #tpu.memory_space<vmem>>
      %swap3A_159 = arith.index_cast %scan3A_142 : i32 to index
      %swap3A_160 = arith.constant 16 : index
      %swap3A_161 = tpu.vector_load %swap3A_158[%swap3A_159, %swap3A_160] {strides = array<i32>} : memref<128x64xf32, #tpu.memory_space<vmem>>, vector<1x16xf32>,
      %swap3A_162 = vector.shape_cast %swap3A_161 : vector<1x16xf32> to vector<16xf32>
      %swap3A_163 = vector.shape_cast %broadcast_in_dim3A_154 : vector<16xf32> to vector<1x16xf32>
      tpu.vector_store %swap3A_158[%swap3A_159, %swap3A_160], %swap3A_163 {strides = array<i32>} : memref<128x64xf32, #tpu.memory_space<vmem>>, vector<1x16xf32>,
      %broadcast_in_dim3A_164 = arith.constant 0.000000e+00 : f32
      %broadcast_in_dim3A_165 = vector.broadcast %broadcast_in_dim3A_164 : f32 to vector<16xf32>
      %swap3A_166 = arith.constant 0 : i32
      %swap3A_167 = arith.constant 0 : i32
      %swap3A_168 = tpu.memref_slice %arg8[%scan3A, %swap3A_166, %swap3A_167] : memref<4x128x64xf32, #tpu.memory_space<vmem>> -> memref<1x128x64xf32, #tpu.memory_space<vmem>>
      %swap3A_169 = tpu.memref_squeeze %swap3A_168 : memref<1x128x64xf32, #tpu.memory_space<vmem>> -> memref<128x64xf32, #tpu.memory_space<vmem>>
      %swap3A_170 = arith.index_cast %scan3A_142 : i32 to index
      %swap3A_171 = arith.constant 32 : index
      %swap3A_172 = tpu.vector_load %swap3A_169[%swap3A_170, %swap3A_171] {strides = array<i32>} : memref<128x64xf32, #tpu.memory_space<vmem>>, vector<1x16xf32>,
      %swap3A_173 = vector.shape_cast %swap3A_172 : vector<1x16xf32> to vector<16xf32>
      %swap3A_174 = vector.shape_cast %broadcast_in_dim3A_165 : vector<16xf32> to vector<1x16xf32>
      tpu.vector_store %swap3A_169[%swap3A_170, %swap3A_171], %swap3A_174 {strides = array<i32>} : memref<128x64xf32, #tpu.memory_space<vmem>>, vector<1x16xf32>,
      %broadcast_in_dim3A_175 = arith.constant 0.000000e+00 : f32
      %broadcast_in_dim3A_176 = vector.broadcast %broadcast_in_dim3A_175 : f32 to vector<16xf32>
      %swap3A_177 = arith.constant 0 : i32
      %swap3A_178 = arith.constant 0 : i32
      %swap3A_179 = tpu.memref_slice %arg8[%scan3A, %swap3A_177, %swap3A_178] : memref<4x128x64xf32, #tpu.memory_space<vmem>> -> memref<1x128x64xf32, #tpu.memory_space<vmem>>
      %swap3A_180 = tpu.memref_squeeze %swap3A_179 : memref<1x128x64xf32, #tpu.memory_space<vmem>> -> memref<128x64xf32, #tpu.memory_space<vmem>>
      %swap3A_181 = arith.index_cast %scan3A_142 : i32 to index
      %swap3A_182 = arith.constant 48 : index
      %swap3A_183 = tpu.vector_load %swap3A_180[%swap3A_181, %swap3A_182] {strides = array<i32>} : memref<128x64xf32, #tpu.memory_space<vmem>>, vector<1x16xf32>,
      %swap3A_184 = vector.shape_cast %swap3A_183 : vector<1x16xf32> to vector<16xf32>
      %swap3A_185 = vector.shape_cast %broadcast_in_dim3A_176 : vector<16xf32> to vector<1x16xf32>
      tpu.vector_store %swap3A_180[%swap3A_181, %swap3A_182], %swap3A_185 {strides = array<i32>} : memref<128x64xf32, #tpu.memory_space<vmem>>, vector<1x16xf32>,
      %scan3A_186 = arith.constant 0 : i32
      %scan3A_187 = arith.constant 1 : i32
      %scan3A_188 = arith.addi %scan3A_142, %scan3A_187 : i32
      %broadcast_in_dim3A_189 = arith.constant 0.000000e+00 : f32
      %broadcast_in_dim3A_190 = vector.broadcast %broadcast_in_dim3A_189 : f32 to vector<16xf32>
      %swap3A_191 = arith.constant 0 : i32
      %swap3A_192 = arith.constant 0 : i32
      %swap3A_193 = tpu.memref_slice %arg8[%scan3A, %swap3A_191, %swap3A_192] : memref<4x128x64xf32, #tpu.memory_space<vmem>> -> memref<1x128x64xf32, #tpu.memory_space<vmem>>
      %swap3A_194 = tpu.memref_squeeze %swap3A_193 : memref<1x128x64xf32, #tpu.memory_space<vmem>> -> memref<128x64xf32, #tpu.memory_space<vmem>>
      %swap3A_195 = arith.index_cast %scan3A_188 : i32 to index
      %swap3A_196 = arith.constant 0 : index
      %swap3A_197 = tpu.vector_load %swap3A_194[%swap3A_195, %swap3A_196] {strides = array<i32>} : memref<128x64xf32, #tpu.memory_space<vmem>>, vector<1x16xf32>,
      %swap3A_198 = vector.shape_cast %swap3A_197 : vector<1x16xf32> to vector<16xf32>
      %swap3A_199 = vector.shape_cast %broadcast_in_dim3A_190 : vector<16xf32> to vector<1x16xf32>
      tpu.vector_store %swap3A_194[%swap3A_195, %swap3A_196], %swap3A_199 {strides = array<i32>} : memref<128x64xf32, #tpu.memory_space<vmem>>, vector<1x16xf32>,
      %broadcast_in_dim3A_200 = arith.constant 0.000000e+00 : f32
      %broadcast_in_dim3A_201 = vector.broadcast %broadcast_in_dim3A_200 : f32 to vector<16xf32>
      %swap3A_202 = arith.constant 0 : i32
      %swap3A_203 = arith.constant 0 : i32
      %swap3A_204 = tpu.memref_slice %arg8[%scan3A, %swap3A_202, %swap3A_203] : memref<4x128x64xf32, #tpu.memory_space<vmem>> -> memref<1x128x64xf32, #tpu.memory_space<vmem>>
      %swap3A_205 = tpu.memref_squeeze %swap3A_204 : memref<1x128x64xf32, #tpu.memory_space<vmem>> -> memref<128x64xf32, #tpu.memory_space<vmem>>
      %swap3A_206 = arith.index_cast %scan3A_188 : i32 to index
      %swap3A_207 = arith.constant 16 : index
      %swap3A_208 = tpu.vector_load %swap3A_205[%swap3A_206, %swap3A_207] {strides = array<i32>} : memref<128x64xf32, #tpu.memory_space<vmem>>, vector<1x16xf32>,
      %swap3A_209 = vector.shape_cast %swap3A_208 : vector<1x16xf32> to vector<16xf32>
      %swap3A_210 = vector.shape_cast %broadcast_in_dim3A_201 : vector<16xf32> to vector<1x16xf32>
      tpu.vector_store %swap3A_205[%swap3A_206, %swap3A_207], %swap3A_210 {strides = array<i32>} : memref<128x64xf32, #tpu.memory_space<vmem>>, vector<1x16xf32>,
      %broadcast_in_dim3A_211 = arith.constant 0.000000e+00 : f32
      %broadcast_in_dim3A_212 = vector.broadcast %broadcast_in_dim3A_211 : f32 to vector<16xf32>
      %swap3A_213 = arith.constant 0 : i32
      %swap3A_214 = arith.constant 0 : i32
      %swap3A_215 = tpu.memref_slice %arg8[%scan3A, %swap3A_213, %swap3A_214] : memref<4x128x64xf32, #tpu.memory_space<vmem>> -> memref<1x128x64xf32, #tpu.memory_space<vmem>>
      %swap3A_216 = tpu.memref_squeeze %swap3A_215 : memref<1x128x64xf32, #tpu.memory_space<vmem>> -> memref<128x64xf32, #tpu.memory_space<vmem>>
      %swap3A_217 = arith.index_cast %scan3A_188 : i32 to index
      %swap3A_218 = arith.constant 32 : index
      %swap3A_219 = tpu.vector_load %swap3A_216[%swap3A_217, %swap3A_218] {strides = array<i32>} : memref<128x64xf32, #tpu.memory_space<vmem>>, vector<1x16xf32>,
      %swap3A_220 = vector.shape_cast %swap3A_219 : vector<1x16xf32> to vector<16xf32>
      %swap3A_221 = vector.shape_cast %broadcast_in_dim3A_212 : vector<16xf32> to vector<1x16xf32>
      tpu.vector_store %swap3A_216[%swap3A_217, %swap3A_218], %swap3A_221 {strides = array<i32>} : memref<128x64xf32, #tpu.memory_space<vmem>>, vector<1x16xf32>,
      %broadcast_in_dim3A_222 = arith.constant 0.000000e+00 : f32
      %broadcast_in_dim3A_223 = vector.broadcast %broadcast_in_dim3A_222 : f32 to vector<16xf32>
      %swap3A_224 = arith.constant 0 : i32
      %swap3A_225 = arith.constant 0 : i32
      %swap3A_226 = tpu.memref_slice %arg8[%scan3A, %swap3A_224, %swap3A_225] : memref<4x128x64xf32, #tpu.memory_space<vmem>> -> memref<1x128x64xf32, #tpu.memory_space<vmem>>
      %swap3A_227 = tpu.memref_squeeze %swap3A_226 : memref<1x128x64xf32, #tpu.memory_space<vmem>> -> memref<128x64xf32, #tpu.memory_space<vmem>>
      %swap3A_228 = arith.index_cast %scan3A_188 : i32 to index
      %swap3A_229 = arith.constant 48 : index
      %swap3A_230 = tpu.vector_load %swap3A_227[%swap3A_228, %swap3A_229] {strides = array<i32>} : memref<128x64xf32, #tpu.memory_space<vmem>>, vector<1x16xf32>,
      %swap3A_231 = vector.shape_cast %swap3A_230 : vector<1x16xf32> to vector<16xf32>
      %swap3A_232 = vector.shape_cast %broadcast_in_dim3A_223 : vector<16xf32> to vector<1x16xf32>
      tpu.vector_store %swap3A_227[%swap3A_228, %swap3A_229], %swap3A_232 {strides = array<i32>} : memref<128x64xf32, #tpu.memory_space<vmem>>, vector<1x16xf32>,
      %scan3A_233 = arith.constant 0 : i32
      scf.yield %scan3A_233 : i32
    }
    %scan3A_11 = arith.constant 128 : i32
    %mul3A_12 = arith.constant 640 : i32
    %mul3A_13 = arith.muli %arg1, %mul3A_12 : i32
    %add3A_14 = arith.constant 0 : i32
    %add3A_15 = arith.addi %mul3A_13, %add3A_14 : i32
    %run_scoped3A = arith.constant 0 : i32
    "tpu.region"() ({
      %run_scoped3A_142 = tpu.sem_alloc : memref<!tpu.dma_semaphore, #tpu.memory_space<semaphore_mem>>
      %dma_start3A_143 = arith.constant 0 : i32
      %dma_start3A_144 = arith.constant 0 : i32
      %dma_start3A_145 = tpu.memref_slice %arg8[%run_scoped3A, %dma_start3A_143, %dma_start3A_144] : memref<4x128x64xf32, #tpu.memory_space<vmem>> -> memref<1x128x64xf32, #tpu.memory_space<vmem>>
      %dma_start3A_146 = tpu.memref_squeeze %dma_start3A_145 : memref<1x128x64xf32, #tpu.memory_space<vmem>> -> memref<128x64xf32, #tpu.memory_space<vmem>>
      %dma_start3A_147 = arith.constant 0 : i32
      %dma_start3A_148 = tpu.memref_slice %arg9[%add3A_15, %dma_start3A_147] : memref<10240x64xf32, #tpu.memory_space<vmem_shared>> -> memref<128x64xf32, #tpu.memory_space<vmem_shared>>
      %dma_start3A_149 = arith.constant 0 : i32
      %dma_start3A_150 = tpu.memref_slice %arg9[%add3A_15, %dma_start3A_149] : memref<10240x64xf32, #tpu.memory_space<vmem_shared>> -> memref<128x64xf32, #tpu.memory_space<vmem_shared>>
      %dma_start3A_151 = arith.constant 0 : i32
      %dma_start3A_152 = arith.constant 0 : i32
      %dma_start3A_153 = tpu.memref_slice %arg8[%run_scoped3A, %dma_start3A_151, %dma_start3A_152] : memref<4x128x64xf32, #tpu.memory_space<vmem>> -> memref<1x128x64xf32, #tpu.memory_space<vmem>>
      %dma_start3A_154 = tpu.memref_squeeze %dma_start3A_153 : memref<1x128x64xf32, #tpu.memory_space<vmem>> -> memref<128x64xf32, #tpu.memory_space<vmem>>
      tpu.enqueue_dma source(%dma_start3A_154 : memref<128x64xf32, #tpu.memory_space<vmem>>) target(%dma_start3A_150 : memref<128x64xf32, #tpu.memory_space<vmem_shared>>) target_semaphore(%run_scoped3A_142 : memref<!tpu.dma_semaphore, #tpu.memory_space<semaphore_mem>>)
      %dma_wait3A_155 = arith.constant 0 : i32
      %dma_wait3A_156 = arith.constant 0 : i32
      %dma_wait3A_157 = tpu.memref_slice %arg8[%run_scoped3A, %dma_wait3A_155, %dma_wait3A_156] : memref<4x128x64xf32, #tpu.memory_space<vmem>> -> memref<1x128x64xf32, #tpu.memory_space<vmem>>
      %dma_wait3A_158 = tpu.memref_squeeze %dma_wait3A_157 : memref<1x128x64xf32, #tpu.memory_space<vmem>> -> memref<128x64xf32, #tpu.memory_space<vmem>>
      %dma_wait3A_159 = arith.constant 0 : i32
      %dma_wait3A_160 = tpu.memref_slice %arg9[%add3A_15, %dma_wait3A_159] : memref<10240x64xf32, #tpu.memory_space<vmem_shared>> -> memref<128x64xf32, #tpu.memory_space<vmem_shared>>
      %dma_wait3A_161 = arith.constant 0 : i32
      %dma_wait3A_162 = tpu.memref_slice %arg9[%add3A_15, %dma_wait3A_161] : memref<10240x64xf32, #tpu.memory_space<vmem_shared>> -> memref<128x64xf32, #tpu.memory_space<vmem_shared>>
      %dma_wait3A_163 = arith.constant 0 : i32
      %dma_wait3A_164 = arith.constant 0 : i32
      %dma_wait3A_165 = tpu.memref_slice %arg8[%run_scoped3A, %dma_wait3A_163, %dma_wait3A_164] : memref<4x128x64xf32, #tpu.memory_space<vmem>> -> memref<1x128x64xf32, #tpu.memory_space<vmem>>
      %dma_wait3A_166 = tpu.memref_squeeze %dma_wait3A_165 : memref<1x128x64xf32, #tpu.memory_space<vmem>> -> memref<128x64xf32, #tpu.memory_space<vmem>>
      tpu.wait_dma2 semaphore(%run_scoped3A_142 : memref<!tpu.dma_semaphore, #tpu.memory_space<semaphore_mem>>) src(%dma_wait3A_166 : memref<128x64xf32, #tpu.memory_space<vmem>>) dst(%dma_wait3A_162 : memref<128x64xf32, #tpu.memory_space<vmem_shared>>)
      tpu.yield
    }) : () -> ()
    %mul3A_16 = arith.constant 640 : i32
    %mul3A_17 = arith.muli %arg1, %mul3A_16 : i32
    %add3A_18 = arith.constant 128 : i32
    %add3A_19 = arith.addi %mul3A_17, %add3A_18 : i32
    %run_scoped3A_20 = arith.constant 0 : i32
    "tpu.region"() ({
      %run_scoped3A_142 = tpu.sem_alloc : memref<!tpu.dma_semaphore, #tpu.memory_space<semaphore_mem>>
      %dma_start3A_143 = arith.constant 0 : i32
      %dma_start3A_144 = arith.constant 0 : i32
      %dma_start3A_145 = tpu.memref_slice %arg8[%run_scoped3A_20, %dma_start3A_143, %dma_start3A_144] : memref<4x128x64xf32, #tpu.memory_space<vmem>> -> memref<1x128x64xf32, #tpu.memory_space<vmem>>
      %dma_start3A_146 = tpu.memref_squeeze %dma_start3A_145 : memref<1x128x64xf32, #tpu.memory_space<vmem>> -> memref<128x64xf32, #tpu.memory_space<vmem>>
      %dma_start3A_147 = arith.constant 0 : i32
      %dma_start3A_148 = tpu.memref_slice %arg9[%add3A_19, %dma_start3A_147] : memref<10240x64xf32, #tpu.memory_space<vmem_shared>> -> memref<128x64xf32, #tpu.memory_space<vmem_shared>>
      %dma_start3A_149 = arith.constant 0 : i32
      %dma_start3A_150 = tpu.memref_slice %arg9[%add3A_19, %dma_start3A_149] : memref<10240x64xf32, #tpu.memory_space<vmem_shared>> -> memref<128x64xf32, #tpu.memory_space<vmem_shared>>
      %dma_start3A_151 = arith.constant 0 : i32
      %dma_start3A_152 = arith.constant 0 : i32
      %dma_start3A_153 = tpu.memref_slice %arg8[%run_scoped3A_20, %dma_start3A_151, %dma_start3A_152] : memref<4x128x64xf32, #tpu.memory_space<vmem>> -> memref<1x128x64xf32, #tpu.memory_space<vmem>>
      %dma_start3A_154 = tpu.memref_squeeze %dma_start3A_153 : memref<1x128x64xf32, #tpu.memory_space<vmem>> -> memref<128x64xf32, #tpu.memory_space<vmem>>
      tpu.enqueue_dma source(%dma_start3A_154 : memref<128x64xf32, #tpu.memory_space<vmem>>) target(%dma_start3A_150 : memref<128x64xf32, #tpu.memory_space<vmem_shared>>) target_semaphore(%run_scoped3A_142 : memref<!tpu.dma_semaphore, #tpu.memory_space<semaphore_mem>>)
      %dma_wait3A_155 = arith.constant 0 : i32
      %dma_wait3A_156 = arith.constant 0 : i32
      %dma_wait3A_157 = tpu.memref_slice %arg8[%run_scoped3A_20, %dma_wait3A_155, %dma_wait3A_156] : memref<4x128x64xf32, #tpu.memory_space<vmem>> -> memref<1x128x64xf32, #tpu.memory_space<vmem>>
      %dma_wait3A_158 = tpu.memref_squeeze %dma_wait3A_157 : memref<1x128x64xf32, #tpu.memory_space<vmem>> -> memref<128x64xf32, #tpu.memory_space<vmem>>
      %dma_wait3A_159 = arith.constant 0 : i32
      %dma_wait3A_160 = tpu.memref_slice %arg9[%add3A_19, %dma_wait3A_159] : memref<10240x64xf32, #tpu.memory_space<vmem_shared>> -> memref<128x64xf32, #tpu.memory_space<vmem_shared>>
      %dma_wait3A_161 = arith.constant 0 : i32
      %dma_wait3A_162 = tpu.memref_slice %arg9[%add3A_19, %dma_wait3A_161] : memref<10240x64xf32, #tpu.memory_space<vmem_shared>> -> memref<128x64xf32, #tpu.memory_space<vmem_shared>>
      %dma_wait3A_163 = arith.constant 0 : i32
      %dma_wait3A_164 = arith.constant 0 : i32
      %dma_wait3A_165 = tpu.memref_slice %arg8[%run_scoped3A_20, %dma_wait3A_163, %dma_wait3A_164] : memref<4x128x64xf32, #tpu.memory_space<vmem>> -> memref<1x128x64xf32, #tpu.memory_space<vmem>>
      %dma_wait3A_166 = tpu.memref_squeeze %dma_wait3A_165 : memref<1x128x64xf32, #tpu.memory_space<vmem>> -> memref<128x64xf32, #tpu.memory_space<vmem>>
      tpu.wait_dma2 semaphore(%run_scoped3A_142 : memref<!tpu.dma_semaphore, #tpu.memory_space<semaphore_mem>>) src(%dma_wait3A_166 : memref<128x64xf32, #tpu.memory_space<vmem>>) dst(%dma_wait3A_162 : memref<128x64xf32, #tpu.memory_space<vmem_shared>>)
      tpu.yield
    }) : () -> ()
    %mul3A_21 = arith.constant 640 : i32
    %mul3A_22 = arith.muli %arg1, %mul3A_21 : i32
    %add3A_23 = arith.constant 256 : i32
    %add3A_24 = arith.addi %mul3A_22, %add3A_23 : i32
    %run_scoped3A_25 = arith.constant 0 : i32
    "tpu.region"() ({
      %run_scoped3A_142 = tpu.sem_alloc : memref<!tpu.dma_semaphore, #tpu.memory_space<semaphore_mem>>
      %dma_start3A_143 = arith.constant 0 : i32
      %dma_start3A_144 = arith.constant 0 : i32
      %dma_start3A_145 = tpu.memref_slice %arg8[%run_scoped3A_25, %dma_start3A_143, %dma_start3A_144] : memref<4x128x64xf32, #tpu.memory_space<vmem>> -> memref<1x128x64xf32, #tpu.memory_space<vmem>>
      %dma_start3A_146 = tpu.memref_squeeze %dma_start3A_145 : memref<1x128x64xf32, #tpu.memory_space<vmem>> -> memref<128x64xf32, #tpu.memory_space<vmem>>
      %dma_start3A_147 = arith.constant 0 : i32
      %dma_start3A_148 = tpu.memref_slice %arg9[%add3A_24, %dma_start3A_147] : memref<10240x64xf32, #tpu.memory_space<vmem_shared>> -> memref<128x64xf32, #tpu.memory_space<vmem_shared>>
      %dma_start3A_149 = arith.constant 0 : i32
      %dma_start3A_150 = tpu.memref_slice %arg9[%add3A_24, %dma_start3A_149] : memref<10240x64xf32, #tpu.memory_space<vmem_shared>> -> memref<128x64xf32, #tpu.memory_space<vmem_shared>>
      %dma_start3A_151 = arith.constant 0 : i32
      %dma_start3A_152 = arith.constant 0 : i32
      %dma_start3A_153 = tpu.memref_slice %arg8[%run_scoped3A_25, %dma_start3A_151, %dma_start3A_152] : memref<4x128x64xf32, #tpu.memory_space<vmem>> -> memref<1x128x64xf32, #tpu.memory_space<vmem>>
      %dma_start3A_154 = tpu.memref_squeeze %dma_start3A_153 : memref<1x128x64xf32, #tpu.memory_space<vmem>> -> memref<128x64xf32, #tpu.memory_space<vmem>>
      tpu.enqueue_dma source(%dma_start3A_154 : memref<128x64xf32, #tpu.memory_space<vmem>>) target(%dma_start3A_150 : memref<128x64xf32, #tpu.memory_space<vmem_shared>>) target_semaphore(%run_scoped3A_142 : memref<!tpu.dma_semaphore, #tpu.memory_space<semaphore_mem>>)
      %dma_wait3A_155 = arith.constant 0 : i32
      %dma_wait3A_156 = arith.constant 0 : i32
      %dma_wait3A_157 = tpu.memref_slice %arg8[%run_scoped3A_25, %dma_wait3A_155, %dma_wait3A_156] : memref<4x128x64xf32, #tpu.memory_space<vmem>> -> memref<1x128x64xf32, #tpu.memory_space<vmem>>
      %dma_wait3A_158 = tpu.memref_squeeze %dma_wait3A_157 : memref<1x128x64xf32, #tpu.memory_space<vmem>> -> memref<128x64xf32, #tpu.memory_space<vmem>>
      %dma_wait3A_159 = arith.constant 0 : i32
      %dma_wait3A_160 = tpu.memref_slice %arg9[%add3A_24, %dma_wait3A_159] : memref<10240x64xf32, #tpu.memory_space<vmem_shared>> -> memref<128x64xf32, #tpu.memory_space<vmem_shared>>
      %dma_wait3A_161 = arith.constant 0 : i32
      %dma_wait3A_162 = tpu.memref_slice %arg9[%add3A_24, %dma_wait3A_161] : memref<10240x64xf32, #tpu.memory_space<vmem_shared>> -> memref<128x64xf32, #tpu.memory_space<vmem_shared>>
      %dma_wait3A_163 = arith.constant 0 : i32
      %dma_wait3A_164 = arith.constant 0 : i32
      %dma_wait3A_165 = tpu.memref_slice %arg8[%run_scoped3A_25, %dma_wait3A_163, %dma_wait3A_164] : memref<4x128x64xf32, #tpu.memory_space<vmem>> -> memref<1x128x64xf32, #tpu.memory_space<vmem>>
      %dma_wait3A_166 = tpu.memref_squeeze %dma_wait3A_165 : memref<1x128x64xf32, #tpu.memory_space<vmem>> -> memref<128x64xf32, #tpu.memory_space<vmem>>
      tpu.wait_dma2 semaphore(%run_scoped3A_142 : memref<!tpu.dma_semaphore, #tpu.memory_space<semaphore_mem>>) src(%dma_wait3A_166 : memref<128x64xf32, #tpu.memory_space<vmem>>) dst(%dma_wait3A_162 : memref<128x64xf32, #tpu.memory_space<vmem_shared>>)
      tpu.yield
    }) : () -> ()
    %mul3A_26 = arith.constant 640 : i32
    %mul3A_27 = arith.muli %arg1, %mul3A_26 : i32
    %add3A_28 = arith.constant 384 : i32
    %add3A_29 = arith.addi %mul3A_27, %add3A_28 : i32
    %run_scoped3A_30 = arith.constant 0 : i32
    "tpu.region"() ({
      %run_scoped3A_142 = tpu.sem_alloc : memref<!tpu.dma_semaphore, #tpu.memory_space<semaphore_mem>>
      %dma_start3A_143 = arith.constant 0 : i32
      %dma_start3A_144 = arith.constant 0 : i32
      %dma_start3A_145 = tpu.memref_slice %arg8[%run_scoped3A_30, %dma_start3A_143, %dma_start3A_144] : memref<4x128x64xf32, #tpu.memory_space<vmem>> -> memref<1x128x64xf32, #tpu.memory_space<vmem>>
      %dma_start3A_146 = tpu.memref_squeeze %dma_start3A_145 : memref<1x128x64xf32, #tpu.memory_space<vmem>> -> memref<128x64xf32, #tpu.memory_space<vmem>>
      %dma_start3A_147 = arith.constant 0 : i32
      %dma_start3A_148 = tpu.memref_slice %arg9[%add3A_29, %dma_start3A_147] : memref<10240x64xf32, #tpu.memory_space<vmem_shared>> -> memref<128x64xf32, #tpu.memory_space<vmem_shared>>
      %dma_start3A_149 = arith.constant 0 : i32
      %dma_start3A_150 = tpu.memref_slice %arg9[%add3A_29, %dma_start3A_149] : memref<10240x64xf32, #tpu.memory_space<vmem_shared>> -> memref<128x64xf32, #tpu.memory_space<vmem_shared>>
      %dma_start3A_151 = arith.constant 0 : i32
      %dma_start3A_152 = arith.constant 0 : i32
      %dma_start3A_153 = tpu.memref_slice %arg8[%run_scoped3A_30, %dma_start3A_151, %dma_start3A_152] : memref<4x128x64xf32, #tpu.memory_space<vmem>> -> memref<1x128x64xf32, #tpu.memory_space<vmem>>
      %dma_start3A_154 = tpu.memref_squeeze %dma_start3A_153 : memref<1x128x64xf32, #tpu.memory_space<vmem>> -> memref<128x64xf32, #tpu.memory_space<vmem>>
      tpu.enqueue_dma source(%dma_start3A_154 : memref<128x64xf32, #tpu.memory_space<vmem>>) target(%dma_start3A_150 : memref<128x64xf32, #tpu.memory_space<vmem_shared>>) target_semaphore(%run_scoped3A_142 : memref<!tpu.dma_semaphore, #tpu.memory_space<semaphore_mem>>)
      %dma_wait3A_155 = arith.constant 0 : i32
      %dma_wait3A_156 = arith.constant 0 : i32
      %dma_wait3A_157 = tpu.memref_slice %arg8[%run_scoped3A_30, %dma_wait3A_155, %dma_wait3A_156] : memref<4x128x64xf32, #tpu.memory_space<vmem>> -> memref<1x128x64xf32, #tpu.memory_space<vmem>>
      %dma_wait3A_158 = tpu.memref_squeeze %dma_wait3A_157 : memref<1x128x64xf32, #tpu.memory_space<vmem>> -> memref<128x64xf32, #tpu.memory_space<vmem>>
      %dma_wait3A_159 = arith.constant 0 : i32
      %dma_wait3A_160 = tpu.memref_slice %arg9[%add3A_29, %dma_wait3A_159] : memref<10240x64xf32, #tpu.memory_space<vmem_shared>> -> memref<128x64xf32, #tpu.memory_space<vmem_shared>>
      %dma_wait3A_161 = arith.constant 0 : i32
      %dma_wait3A_162 = tpu.memref_slice %arg9[%add3A_29, %dma_wait3A_161] : memref<10240x64xf32, #tpu.memory_space<vmem_shared>> -> memref<128x64xf32, #tpu.memory_space<vmem_shared>>
      %dma_wait3A_163 = arith.constant 0 : i32
      %dma_wait3A_164 = arith.constant 0 : i32
      %dma_wait3A_165 = tpu.memref_slice %arg8[%run_scoped3A_30, %dma_wait3A_163, %dma_wait3A_164] : memref<4x128x64xf32, #tpu.memory_space<vmem>> -> memref<1x128x64xf32, #tpu.memory_space<vmem>>
      %dma_wait3A_166 = tpu.memref_squeeze %dma_wait3A_165 : memref<1x128x64xf32, #tpu.memory_space<vmem>> -> memref<128x64xf32, #tpu.memory_space<vmem>>
      tpu.wait_dma2 semaphore(%run_scoped3A_142 : memref<!tpu.dma_semaphore, #tpu.memory_space<semaphore_mem>>) src(%dma_wait3A_166 : memref<128x64xf32, #tpu.memory_space<vmem>>) dst(%dma_wait3A_162 : memref<128x64xf32, #tpu.memory_space<vmem_shared>>)
      tpu.yield
    }) : () -> ()
    %mul3A_31 = arith.constant 640 : i32
    %mul3A_32 = arith.muli %arg1, %mul3A_31 : i32
    %add3A_33 = arith.constant 512 : i32
    %add3A_34 = arith.addi %mul3A_32, %add3A_33 : i32
    %run_scoped3A_35 = arith.constant 0 : i32
    "tpu.region"() ({
      %run_scoped3A_142 = tpu.sem_alloc : memref<!tpu.dma_semaphore, #tpu.memory_space<semaphore_mem>>
      %dma_start3A_143 = arith.constant 0 : i32
      %dma_start3A_144 = arith.constant 0 : i32
      %dma_start3A_145 = tpu.memref_slice %arg8[%run_scoped3A_35, %dma_start3A_143, %dma_start3A_144] : memref<4x128x64xf32, #tpu.memory_space<vmem>> -> memref<1x128x64xf32, #tpu.memory_space<vmem>>
      %dma_start3A_146 = tpu.memref_squeeze %dma_start3A_145 : memref<1x128x64xf32, #tpu.memory_space<vmem>> -> memref<128x64xf32, #tpu.memory_space<vmem>>
      %dma_start3A_147 = arith.constant 0 : i32
      %dma_start3A_148 = tpu.memref_slice %arg9[%add3A_34, %dma_start3A_147] : memref<10240x64xf32, #tpu.memory_space<vmem_shared>> -> memref<128x64xf32, #tpu.memory_space<vmem_shared>>
      %dma_start3A_149 = arith.constant 0 : i32
      %dma_start3A_150 = tpu.memref_slice %arg9[%add3A_34, %dma_start3A_149] : memref<10240x64xf32, #tpu.memory_space<vmem_shared>> -> memref<128x64xf32, #tpu.memory_space<vmem_shared>>
      %dma_start3A_151 = arith.constant 0 : i32
      %dma_start3A_152 = arith.constant 0 : i32
      %dma_start3A_153 = tpu.memref_slice %arg8[%run_scoped3A_35, %dma_start3A_151, %dma_start3A_152] : memref<4x128x64xf32, #tpu.memory_space<vmem>> -> memref<1x128x64xf32, #tpu.memory_space<vmem>>
      %dma_start3A_154 = tpu.memref_squeeze %dma_start3A_153 : memref<1x128x64xf32, #tpu.memory_space<vmem>> -> memref<128x64xf32, #tpu.memory_space<vmem>>
      tpu.enqueue_dma source(%dma_start3A_154 : memref<128x64xf32, #tpu.memory_space<vmem>>) target(%dma_start3A_150 : memref<128x64xf32, #tpu.memory_space<vmem_shared>>) target_semaphore(%run_scoped3A_142 : memref<!tpu.dma_semaphore, #tpu.memory_space<semaphore_mem>>)
      %dma_wait3A_155 = arith.constant 0 : i32
      %dma_wait3A_156 = arith.constant 0 : i32
      %dma_wait3A_157 = tpu.memref_slice %arg8[%run_scoped3A_35, %dma_wait3A_155, %dma_wait3A_156] : memref<4x128x64xf32, #tpu.memory_space<vmem>> -> memref<1x128x64xf32, #tpu.memory_space<vmem>>
      %dma_wait3A_158 = tpu.memref_squeeze %dma_wait3A_157 : memref<1x128x64xf32, #tpu.memory_space<vmem>> -> memref<128x64xf32, #tpu.memory_space<vmem>>
      %dma_wait3A_159 = arith.constant 0 : i32
      %dma_wait3A_160 = tpu.memref_slice %arg9[%add3A_34, %dma_wait3A_159] : memref<10240x64xf32, #tpu.memory_space<vmem_shared>> -> memref<128x64xf32, #tpu.memory_space<vmem_shared>>
      %dma_wait3A_161 = arith.constant 0 : i32
      %dma_wait3A_162 = tpu.memref_slice %arg9[%add3A_34, %dma_wait3A_161] : memref<10240x64xf32, #tpu.memory_space<vmem_shared>> -> memref<128x64xf32, #tpu.memory_space<vmem_shared>>
      %dma_wait3A_163 = arith.constant 0 : i32
      %dma_wait3A_164 = arith.constant 0 : i32
      %dma_wait3A_165 = tpu.memref_slice %arg8[%run_scoped3A_35, %dma_wait3A_163, %dma_wait3A_164] : memref<4x128x64xf32, #tpu.memory_space<vmem>> -> memref<1x128x64xf32, #tpu.memory_space<vmem>>
      %dma_wait3A_166 = tpu.memref_squeeze %dma_wait3A_165 : memref<1x128x64xf32, #tpu.memory_space<vmem>> -> memref<128x64xf32, #tpu.memory_space<vmem>>
      tpu.wait_dma2 semaphore(%run_scoped3A_142 : memref<!tpu.dma_semaphore, #tpu.memory_space<semaphore_mem>>) src(%dma_wait3A_166 : memref<128x64xf32, #tpu.memory_space<vmem>>) dst(%dma_wait3A_162 : memref<128x64xf32, #tpu.memory_space<vmem_shared>>)
      tpu.yield
    }) : () -> ()
    %dma_start3A = arith.constant 0 : i32
    %dma_start3A_36 = arith.constant 0 : i32
    %dma_start3A_37 = arith.constant 0 : i32
    %dma_start3A_38 = arith.constant 0 : i32
    %dma_start3A_39 = tpu.memref_slice %arg8[%dma_start3A_36, %dma_start3A_37, %dma_start3A_38] : memref<4x128x64xf32, #tpu.memory_space<vmem>> -> memref<1x128x64xf32, #tpu.memory_space<vmem>>
    %dma_start3A_40 = tpu.memref_squeeze %dma_start3A_39 : memref<1x128x64xf32, #tpu.memory_space<vmem>> -> memref<128x64xf32, #tpu.memory_space<vmem>>
    %dma_start3A_41 = arith.constant 0 : i32
    %dma_start3A_42 = tpu.memref_slice %arg6[%dma_start3A, %dma_start3A_41] : memref<80x128xi32, #tpu.memory_space<vmem>> -> memref<1x128xi32, #tpu.memory_space<vmem>>
    %dma_start3A_43 = tpu.memref_squeeze %dma_start3A_42 : memref<1x128xi32, #tpu.memory_space<vmem>> -> memref<128xi32, #tpu.memory_space<vmem>>
    %dma_start3A_44 = arith.constant 0 : i32
    %dma_start3A_45 = arith.constant 0 : i32
    %dma_start3A_46 = tpu.memref_slice %arg2[%dma_start3A_44, %dma_start3A_45] : memref<10240x64xf32, #tpu.memory_space<hbm>> -> memref<10240x64xf32, #tpu.memory_space<hbm>>
    tpu.enqueue_indirect_dma source(%dma_start3A_46 : memref<10240x64xf32, #tpu.memory_space<hbm>>) target(%dma_start3A_40 : memref<128x64xf32, #tpu.memory_space<vmem>>) offsets(%dma_start3A_43 : memref<128xi32, #tpu.memory_space<vmem>>) semaphore(%arg10 : memref<!tpu.dma_semaphore, #tpu.memory_space<semaphore_mem>>)
    %dma_start3A_47 = arith.constant 1 : i32
    %dma_start3A_48 = arith.constant 1 : i32
    %dma_start3A_49 = arith.constant 0 : i32
    %dma_start3A_50 = arith.constant 0 : i32
    %dma_start3A_51 = tpu.memref_slice %arg8[%dma_start3A_48, %dma_start3A_49, %dma_start3A_50] : memref<4x128x64xf32, #tpu.memory_space<vmem>> -> memref<1x128x64xf32, #tpu.memory_space<vmem>>
    %dma_start3A_52 = tpu.memref_squeeze %dma_start3A_51 : memref<1x128x64xf32, #tpu.memory_space<vmem>> -> memref<128x64xf32, #tpu.memory_space<vmem>>
    %dma_start3A_53 = arith.constant 0 : i32
    %dma_start3A_54 = tpu.memref_slice %arg6[%dma_start3A_47, %dma_start3A_53] : memref<80x128xi32, #tpu.memory_space<vmem>> -> memref<1x128xi32, #tpu.memory_space<vmem>>
    %dma_start3A_55 = tpu.memref_squeeze %dma_start3A_54 : memref<1x128xi32, #tpu.memory_space<vmem>> -> memref<128xi32, #tpu.memory_space<vmem>>
    %dma_start3A_56 = arith.constant 0 : i32
    %dma_start3A_57 = arith.constant 0 : i32
    %dma_start3A_58 = tpu.memref_slice %arg2[%dma_start3A_56, %dma_start3A_57] : memref<10240x64xf32, #tpu.memory_space<hbm>> -> memref<10240x64xf32, #tpu.memory_space<hbm>>
    tpu.enqueue_indirect_dma source(%dma_start3A_58 : memref<10240x64xf32, #tpu.memory_space<hbm>>) target(%dma_start3A_52 : memref<128x64xf32, #tpu.memory_space<vmem>>) offsets(%dma_start3A_55 : memref<128xi32, #tpu.memory_space<vmem>>) semaphore(%arg11 : memref<!tpu.dma_semaphore, #tpu.memory_space<semaphore_mem>>)
    %dma_start3A_59 = arith.constant 2 : i32
    %dma_start3A_60 = arith.constant 2 : i32
    %dma_start3A_61 = arith.constant 0 : i32
    %dma_start3A_62 = arith.constant 0 : i32
    %dma_start3A_63 = tpu.memref_slice %arg8[%dma_start3A_60, %dma_start3A_61, %dma_start3A_62] : memref<4x128x64xf32, #tpu.memory_space<vmem>> -> memref<1x128x64xf32, #tpu.memory_space<vmem>>
    %dma_start3A_64 = tpu.memref_squeeze %dma_start3A_63 : memref<1x128x64xf32, #tpu.memory_space<vmem>> -> memref<128x64xf32, #tpu.memory_space<vmem>>
    %dma_start3A_65 = arith.constant 0 : i32
    %dma_start3A_66 = tpu.memref_slice %arg6[%dma_start3A_59, %dma_start3A_65] : memref<80x128xi32, #tpu.memory_space<vmem>> -> memref<1x128xi32, #tpu.memory_space<vmem>>
    %dma_start3A_67 = tpu.memref_squeeze %dma_start3A_66 : memref<1x128xi32, #tpu.memory_space<vmem>> -> memref<128xi32, #tpu.memory_space<vmem>>
    %dma_start3A_68 = arith.constant 0 : i32
    %dma_start3A_69 = arith.constant 0 : i32
    %dma_start3A_70 = tpu.memref_slice %arg2[%dma_start3A_68, %dma_start3A_69] : memref<10240x64xf32, #tpu.memory_space<hbm>> -> memref<10240x64xf32, #tpu.memory_space<hbm>>
    tpu.enqueue_indirect_dma source(%dma_start3A_70 : memref<10240x64xf32, #tpu.memory_space<hbm>>) target(%dma_start3A_64 : memref<128x64xf32, #tpu.memory_space<vmem>>) offsets(%dma_start3A_67 : memref<128xi32, #tpu.memory_space<vmem>>) semaphore(%arg12 : memref<!tpu.dma_semaphore, #tpu.memory_space<semaphore_mem>>)
    %dma_start3A_71 = arith.constant 3 : i32
    %dma_start3A_72 = arith.constant 3 : i32
    %dma_start3A_73 = arith.constant 0 : i32
    %dma_start3A_74 = arith.constant 0 : i32
    %dma_start3A_75 = tpu.memref_slice %arg8[%dma_start3A_72, %dma_start3A_73, %dma_start3A_74] : memref<4x128x64xf32, #tpu.memory_space<vmem>> -> memref<1x128x64xf32, #tpu.memory_space<vmem>>
    %dma_start3A_76 = tpu.memref_squeeze %dma_start3A_75 : memref<1x128x64xf32, #tpu.memory_space<vmem>> -> memref<128x64xf32, #tpu.memory_space<vmem>>
    %dma_start3A_77 = arith.constant 0 : i32
    %dma_start3A_78 = tpu.memref_slice %arg6[%dma_start3A_71, %dma_start3A_77] : memref<80x128xi32, #tpu.memory_space<vmem>> -> memref<1x128xi32, #tpu.memory_space<vmem>>
    %dma_start3A_79 = tpu.memref_squeeze %dma_start3A_78 : memref<1x128xi32, #tpu.memory_space<vmem>> -> memref<128xi32, #tpu.memory_space<vmem>>
    %dma_start3A_80 = arith.constant 0 : i32
    %dma_start3A_81 = arith.constant 0 : i32
    %dma_start3A_82 = tpu.memref_slice %arg2[%dma_start3A_80, %dma_start3A_81] : memref<10240x64xf32, #tpu.memory_space<hbm>> -> memref<10240x64xf32, #tpu.memory_space<hbm>>
    tpu.enqueue_indirect_dma source(%dma_start3A_82 : memref<10240x64xf32, #tpu.memory_space<hbm>>) target(%dma_start3A_76 : memref<128x64xf32, #tpu.memory_space<vmem>>) offsets(%dma_start3A_79 : memref<128xi32, #tpu.memory_space<vmem>>) semaphore(%arg13 : memref<!tpu.dma_semaphore, #tpu.memory_space<semaphore_mem>>)
    %barrier3A = arith.constant 0 : index
    tpu.barrier barrier_id(%barrier3A)
    %scan3A_83 = arith.constant 0 : i32
    %scan3A_84 = arith.constant 0 : i32
    %scan3A_85 = arith.constant 20 : i32
    %scan3A_86 = arith.addi %scan3A_84, %scan3A_85 : i32
    %scan3A_87 = arith.constant 1 : i32
    %scan3A_88 = scf.for %scan3A_142 = %scan3A_84 to %scan3A_86 step %scan3A_87 iter_args(%scan3A_143 = %scan3A_83) -> (i32)  : i32 {
      %mul3A_144 = arith.constant 4 : i32
      %mul3A_145 = arith.muli %scan3A_142, %mul3A_144 : i32
      %add3A_146 = arith.constant 0 : i32
      %add3A_147 = arith.addi %mul3A_145, %add3A_146 : i32
      %dma_wait3A_148 = arith.constant 0 : i32
      %dma_wait3A_149 = arith.constant 0 : i32
      %dma_wait3A_150 = arith.constant 0 : i32
      %dma_wait3A_151 = tpu.memref_slice %arg8[%dma_wait3A_148, %dma_wait3A_149, %dma_wait3A_150] : memref<4x128x64xf32, #tpu.memory_space<vmem>> -> memref<1x128x64xf32, #tpu.memory_space<vmem>>
      %dma_wait3A_152 = tpu.memref_squeeze %dma_wait3A_151 : memref<1x128x64xf32, #tpu.memory_space<vmem>> -> memref<128x64xf32, #tpu.memory_space<vmem>>
      %dma_wait3A_153 = arith.constant 0 : i32
      %dma_wait3A_154 = tpu.memref_slice %arg6[%add3A_147, %dma_wait3A_153] : memref<80x128xi32, #tpu.memory_space<vmem>> -> memref<1x128xi32, #tpu.memory_space<vmem>>
      %dma_wait3A_155 = tpu.memref_squeeze %dma_wait3A_154 : memref<1x128xi32, #tpu.memory_space<vmem>> -> memref<128xi32, #tpu.memory_space<vmem>>
      %dma_wait3A_156 = arith.constant 0 : i32
      %dma_wait3A_157 = arith.constant 0 : i32
      %dma_wait3A_158 = tpu.memref_slice %arg2[%dma_wait3A_156, %dma_wait3A_157] : memref<10240x64xf32, #tpu.memory_space<hbm>> -> memref<10240x64xf32, #tpu.memory_space<hbm>>
      tpu.wait_indirect_dma semaphore(%arg10 : memref<!tpu.dma_semaphore, #tpu.memory_space<semaphore_mem>>) src(%dma_wait3A_158 : memref<10240x64xf32, #tpu.memory_space<hbm>>) dst(%dma_wait3A_152 : memref<128x64xf32, #tpu.memory_space<vmem>>)
      %dma_start3A_159 = arith.constant 0 : i32
      %dma_start3A_160 = arith.constant 0 : i32
      %dma_start3A_161 = arith.constant 0 : i32
      %dma_start3A_162 = tpu.memref_slice %arg8[%dma_start3A_159, %dma_start3A_160, %dma_start3A_161] : memref<4x128x64xf32, #tpu.memory_space<vmem>> -> memref<1x128x64xf32, #tpu.memory_space<vmem>>
      %dma_start3A_163 = tpu.memref_squeeze %dma_start3A_162 : memref<1x128x64xf32, #tpu.memory_space<vmem>> -> memref<128x64xf32, #tpu.memory_space<vmem>>
      %dma_start3A_164 = arith.constant 0 : i32
      %dma_start3A_165 = tpu.memref_slice %arg7[%add3A_147, %dma_start3A_164] : memref<80x128xi32, #tpu.memory_space<vmem>> -> memref<1x128xi32, #tpu.memory_space<vmem>>
      %dma_start3A_166 = tpu.memref_squeeze %dma_start3A_165 : memref<1x128xi32, #tpu.memory_space<vmem>> -> memref<128xi32, #tpu.memory_space<vmem>>
      %dma_start3A_167 = arith.constant 0 : i32
      %dma_start3A_168 = arith.constant 0 : i32
      %dma_start3A_169 = tpu.memref_slice %arg9[%dma_start3A_167, %dma_start3A_168] : memref<10240x64xf32, #tpu.memory_space<vmem_shared>> -> memref<10240x64xf32, #tpu.memory_space<vmem_shared>>
      tpu.enqueue_indirect_dma source(%dma_start3A_163 : memref<128x64xf32, #tpu.memory_space<vmem>>) target(%dma_start3A_169 : memref<10240x64xf32, #tpu.memory_space<vmem_shared>>) offsets(%dma_start3A_166 : memref<128xi32, #tpu.memory_space<vmem>>) semaphore(%arg14 : memref<!tpu.dma_semaphore, #tpu.memory_space<semaphore_mem>>) {add = true}
      %ge3A = arith.constant 2 : i32
      %ge3A_170 = arith.cmpi sge, %add3A_147, %ge3A : i32
      %add3A_171 = arith.constant 2 : i32
      %add3A_172 = arith.addi %add3A_147, %add3A_171 : i32
      %lt3A = arith.constant 80 : i32
      %lt3A_173 = arith.cmpi slt, %add3A_172, %lt3A : i32
      %and3A = arith.andi %ge3A_170, %lt3A_173 : i1
      %convert_element_type3A = arith.extui %and3A : i1 to i32
      %cond3A = arith.constant 0 : i32
      %cond3A_174 = arith.cmpi ne, %convert_element_type3A, %cond3A : i32
      scf.if %cond3A_174 {
        %dma_wait3A_284 = arith.constant 2 : i32
        %dma_wait3A_285 = arith.constant 0 : i32
        %dma_wait3A_286 = arith.constant 0 : i32
        %dma_wait3A_287 = arith.constant 0 : i32
        %dma_wait3A_288 = tpu.memref_slice %arg8[%dma_wait3A_284, %dma_wait3A_286, %dma_wait3A_287] : memref<4x128x64xf32, #tpu.memory_space<vmem>> -> memref<1x128x64xf32, #tpu.memory_space<vmem>>
        %dma_wait3A_289 = tpu.memref_squeeze %dma_wait3A_288 : memref<1x128x64xf32, #tpu.memory_space<vmem>> -> memref<128x64xf32, #tpu.memory_space<vmem>>
        %dma_wait3A_290 = arith.constant 0 : i32
        %dma_wait3A_291 = tpu.memref_slice %arg7[%dma_wait3A_285, %dma_wait3A_290] : memref<80x128xi32, #tpu.memory_space<vmem>> -> memref<1x128xi32, #tpu.memory_space<vmem>>
        %dma_wait3A_292 = tpu.memref_squeeze %dma_wait3A_291 : memref<1x128xi32, #tpu.memory_space<vmem>> -> memref<128xi32, #tpu.memory_space<vmem>>
        %dma_wait3A_293 = arith.constant 0 : i32
        %dma_wait3A_294 = arith.constant 0 : i32
        %dma_wait3A_295 = tpu.memref_slice %arg9[%dma_wait3A_293, %dma_wait3A_294] : memref<10240x64xf32, #tpu.memory_space<vmem_shared>> -> memref<10240x64xf32, #tpu.memory_space<vmem_shared>>
        tpu.wait_indirect_dma semaphore(%arg16 : memref<!tpu.dma_semaphore, #tpu.memory_space<semaphore_mem>>) src(%dma_wait3A_289 : memref<128x64xf32, #tpu.memory_space<vmem>>) dst(%dma_wait3A_295 : memref<10240x64xf32, #tpu.memory_space<vmem_shared>>)
        %add3A_296 = arith.constant 2 : i32
        %add3A_297 = arith.addi %add3A_147, %add3A_296 : i32
        %dma_start3A_298 = arith.constant 2 : i32
        %dma_start3A_299 = arith.constant 0 : i32
        %dma_start3A_300 = arith.constant 0 : i32
        %dma_start3A_301 = tpu.memref_slice %arg8[%dma_start3A_298, %dma_start3A_299, %dma_start3A_300] : memref<4x128x64xf32, #tpu.memory_space<vmem>> -> memref<1x128x64xf32, #tpu.memory_space<vmem>>
        %dma_start3A_302 = tpu.memref_squeeze %dma_start3A_301 : memref<1x128x64xf32, #tpu.memory_space<vmem>> -> memref<128x64xf32, #tpu.memory_space<vmem>>
        %dma_start3A_303 = arith.constant 0 : i32
        %dma_start3A_304 = tpu.memref_slice %arg6[%add3A_297, %dma_start3A_303] : memref<80x128xi32, #tpu.memory_space<vmem>> -> memref<1x128xi32, #tpu.memory_space<vmem>>
        %dma_start3A_305 = tpu.memref_squeeze %dma_start3A_304 : memref<1x128xi32, #tpu.memory_space<vmem>> -> memref<128xi32, #tpu.memory_space<vmem>>
        %dma_start3A_306 = arith.constant 0 : i32
        %dma_start3A_307 = arith.constant 0 : i32
        %dma_start3A_308 = tpu.memref_slice %arg2[%dma_start3A_306, %dma_start3A_307] : memref<10240x64xf32, #tpu.memory_space<hbm>> -> memref<10240x64xf32, #tpu.memory_space<hbm>>
        tpu.enqueue_indirect_dma source(%dma_start3A_308 : memref<10240x64xf32, #tpu.memory_space<hbm>>) target(%dma_start3A_302 : memref<128x64xf32, #tpu.memory_space<vmem>>) offsets(%dma_start3A_305 : memref<128xi32, #tpu.memory_space<vmem>>) semaphore(%arg12 : memref<!tpu.dma_semaphore, #tpu.memory_space<semaphore_mem>>)
      } else {
      }
      %mul3A_175 = arith.constant 4 : i32
      %mul3A_176 = arith.muli %scan3A_142, %mul3A_175 : i32
      %add3A_177 = arith.constant 1 : i32
      %add3A_178 = arith.addi %mul3A_176, %add3A_177 : i32
      %dma_wait3A_179 = arith.constant 1 : i32
      %dma_wait3A_180 = arith.constant 0 : i32
      %dma_wait3A_181 = arith.constant 0 : i32
      %dma_wait3A_182 = tpu.memref_slice %arg8[%dma_wait3A_179, %dma_wait3A_180, %dma_wait3A_181] : memref<4x128x64xf32, #tpu.memory_space<vmem>> -> memref<1x128x64xf32, #tpu.memory_space<vmem>>
      %dma_wait3A_183 = tpu.memref_squeeze %dma_wait3A_182 : memref<1x128x64xf32, #tpu.memory_space<vmem>> -> memref<128x64xf32, #tpu.memory_space<vmem>>
      %dma_wait3A_184 = arith.constant 0 : i32
      %dma_wait3A_185 = tpu.memref_slice %arg6[%add3A_178, %dma_wait3A_184] : memref<80x128xi32, #tpu.memory_space<vmem>> -> memref<1x128xi32, #tpu.memory_space<vmem>>
      %dma_wait3A_186 = tpu.memref_squeeze %dma_wait3A_185 : memref<1x128xi32, #tpu.memory_space<vmem>> -> memref<128xi32, #tpu.memory_space<vmem>>
      %dma_wait3A_187 = arith.constant 0 : i32
      %dma_wait3A_188 = arith.constant 0 : i32
      %dma_wait3A_189 = tpu.memref_slice %arg2[%dma_wait3A_187, %dma_wait3A_188] : memref<10240x64xf32, #tpu.memory_space<hbm>> -> memref<10240x64xf32, #tpu.memory_space<hbm>>
      tpu.wait_indirect_dma semaphore(%arg11 : memref<!tpu.dma_semaphore, #tpu.memory_space<semaphore_mem>>) src(%dma_wait3A_189 : memref<10240x64xf32, #tpu.memory_space<hbm>>) dst(%dma_wait3A_183 : memref<128x64xf32, #tpu.memory_space<vmem>>)
      %dma_start3A_190 = arith.constant 1 : i32
      %dma_start3A_191 = arith.constant 0 : i32
      %dma_start3A_192 = arith.constant 0 : i32
      %dma_start3A_193 = tpu.memref_slice %arg8[%dma_start3A_190, %dma_start3A_191, %dma_start3A_192] : memref<4x128x64xf32, #tpu.memory_space<vmem>> -> memref<1x128x64xf32, #tpu.memory_space<vmem>>
      %dma_start3A_194 = tpu.memref_squeeze %dma_start3A_193 : memref<1x128x64xf32, #tpu.memory_space<vmem>> -> memref<128x64xf32, #tpu.memory_space<vmem>>
      %dma_start3A_195 = arith.constant 0 : i32
      %dma_start3A_196 = tpu.memref_slice %arg7[%add3A_178, %dma_start3A_195] : memref<80x128xi32, #tpu.memory_space<vmem>> -> memref<1x128xi32, #tpu.memory_space<vmem>>
      %dma_start3A_197 = tpu.memref_squeeze %dma_start3A_196 : memref<1x128xi32, #tpu.memory_space<vmem>> -> memref<128xi32, #tpu.memory_space<vmem>>
      %dma_start3A_198 = arith.constant 0 : i32
      %dma_start3A_199 = arith.constant 0 : i32
      %dma_start3A_200 = tpu.memref_slice %arg9[%dma_start3A_198, %dma_start3A_199] : memref<10240x64xf32, #tpu.memory_space<vmem_shared>> -> memref<10240x64xf32, #tpu.memory_space<vmem_shared>>
      tpu.enqueue_indirect_dma source(%dma_start3A_194 : memref<128x64xf32, #tpu.memory_space<vmem>>) target(%dma_start3A_200 : memref<10240x64xf32, #tpu.memory_space<vmem_shared>>) offsets(%dma_start3A_197 : memref<128xi32, #tpu.memory_space<vmem>>) semaphore(%arg15 : memref<!tpu.dma_semaphore, #tpu.memory_space<semaphore_mem>>) {add = true}
      %ge3A_201 = arith.constant 2 : i32
      %ge3A_202 = arith.cmpi sge, %add3A_178, %ge3A_201 : i32
      %add3A_203 = arith.constant 2 : i32
      %add3A_204 = arith.addi %add3A_178, %add3A_203 : i32
      %lt3A_205 = arith.constant 80 : i32
      %lt3A_206 = arith.cmpi slt, %add3A_204, %lt3A_205 : i32
      %and3A_207 = arith.andi %ge3A_202, %lt3A_206 : i1
      %convert_element_type3A_208 = arith.extui %and3A_207 : i1 to i32
      %cond3A_209 = arith.constant 0 : i32
      %cond3A_210 = arith.cmpi ne, %convert_element_type3A_208, %cond3A_209 : i32
      scf.if %cond3A_210 {
        %dma_wait3A_284 = arith.constant 3 : i32
        %dma_wait3A_285 = arith.constant 0 : i32
        %dma_wait3A_286 = arith.constant 0 : i32
        %dma_wait3A_287 = arith.constant 0 : i32
        %dma_wait3A_288 = tpu.memref_slice %arg8[%dma_wait3A_284, %dma_wait3A_286, %dma_wait3A_287] : memref<4x128x64xf32, #tpu.memory_space<vmem>> -> memref<1x128x64xf32, #tpu.memory_space<vmem>>
        %dma_wait3A_289 = tpu.memref_squeeze %dma_wait3A_288 : memref<1x128x64xf32, #tpu.memory_space<vmem>> -> memref<128x64xf32, #tpu.memory_space<vmem>>
        %dma_wait3A_290 = arith.constant 0 : i32
        %dma_wait3A_291 = tpu.memref_slice %arg7[%dma_wait3A_285, %dma_wait3A_290] : memref<80x128xi32, #tpu.memory_space<vmem>> -> memref<1x128xi32, #tpu.memory_space<vmem>>
        %dma_wait3A_292 = tpu.memref_squeeze %dma_wait3A_291 : memref<1x128xi32, #tpu.memory_space<vmem>> -> memref<128xi32, #tpu.memory_space<vmem>>
        %dma_wait3A_293 = arith.constant 0 : i32
        %dma_wait3A_294 = arith.constant 0 : i32
        %dma_wait3A_295 = tpu.memref_slice %arg9[%dma_wait3A_293, %dma_wait3A_294] : memref<10240x64xf32, #tpu.memory_space<vmem_shared>> -> memref<10240x64xf32, #tpu.memory_space<vmem_shared>>
        tpu.wait_indirect_dma semaphore(%arg17 : memref<!tpu.dma_semaphore, #tpu.memory_space<semaphore_mem>>) src(%dma_wait3A_289 : memref<128x64xf32, #tpu.memory_space<vmem>>) dst(%dma_wait3A_295 : memref<10240x64xf32, #tpu.memory_space<vmem_shared>>)
        %add3A_296 = arith.constant 2 : i32
        %add3A_297 = arith.addi %add3A_178, %add3A_296 : i32
        %dma_start3A_298 = arith.constant 3 : i32
        %dma_start3A_299 = arith.constant 0 : i32
        %dma_start3A_300 = arith.constant 0 : i32
        %dma_start3A_301 = tpu.memref_slice %arg8[%dma_start3A_298, %dma_start3A_299, %dma_start3A_300] : memref<4x128x64xf32, #tpu.memory_space<vmem>> -> memref<1x128x64xf32, #tpu.memory_space<vmem>>
        %dma_start3A_302 = tpu.memref_squeeze %dma_start3A_301 : memref<1x128x64xf32, #tpu.memory_space<vmem>> -> memref<128x64xf32, #tpu.memory_space<vmem>>
        %dma_start3A_303 = arith.constant 0 : i32
        %dma_start3A_304 = tpu.memref_slice %arg6[%add3A_297, %dma_start3A_303] : memref<80x128xi32, #tpu.memory_space<vmem>> -> memref<1x128xi32, #tpu.memory_space<vmem>>
        %dma_start3A_305 = tpu.memref_squeeze %dma_start3A_304 : memref<1x128xi32, #tpu.memory_space<vmem>> -> memref<128xi32, #tpu.memory_space<vmem>>
        %dma_start3A_306 = arith.constant 0 : i32
        %dma_start3A_307 = arith.constant 0 : i32
        %dma_start3A_308 = tpu.memref_slice %arg2[%dma_start3A_306, %dma_start3A_307] : memref<10240x64xf32, #tpu.memory_space<hbm>> -> memref<10240x64xf32, #tpu.memory_space<hbm>>
        tpu.enqueue_indirect_dma source(%dma_start3A_308 : memref<10240x64xf32, #tpu.memory_space<hbm>>) target(%dma_start3A_302 : memref<128x64xf32, #tpu.memory_space<vmem>>) offsets(%dma_start3A_305 : memref<128xi32, #tpu.memory_space<vmem>>) semaphore(%arg13 : memref<!tpu.dma_semaphore, #tpu.memory_space<semaphore_mem>>)
      } else {
      }
      %mul3A_211 = arith.constant 4 : i32
      %mul3A_212 = arith.muli %scan3A_142, %mul3A_211 : i32
      %add3A_213 = arith.constant 2 : i32
      %add3A_214 = arith.addi %mul3A_212, %add3A_213 : i32
      %dma_wait3A_215 = arith.constant 2 : i32
      %dma_wait3A_216 = arith.constant 0 : i32
      %dma_wait3A_217 = arith.constant 0 : i32
      %dma_wait3A_218 = tpu.memref_slice %arg8[%dma_wait3A_215, %dma_wait3A_216, %dma_wait3A_217] : memref<4x128x64xf32, #tpu.memory_space<vmem>> -> memref<1x128x64xf32, #tpu.memory_space<vmem>>
      %dma_wait3A_219 = tpu.memref_squeeze %dma_wait3A_218 : memref<1x128x64xf32, #tpu.memory_space<vmem>> -> memref<128x64xf32, #tpu.memory_space<vmem>>
      %dma_wait3A_220 = arith.constant 0 : i32
      %dma_wait3A_221 = tpu.memref_slice %arg6[%add3A_214, %dma_wait3A_220] : memref<80x128xi32, #tpu.memory_space<vmem>> -> memref<1x128xi32, #tpu.memory_space<vmem>>
      %dma_wait3A_222 = tpu.memref_squeeze %dma_wait3A_221 : memref<1x128xi32, #tpu.memory_space<vmem>> -> memref<128xi32, #tpu.memory_space<vmem>>
      %dma_wait3A_223 = arith.constant 0 : i32
      %dma_wait3A_224 = arith.constant 0 : i32
      %dma_wait3A_225 = tpu.memref_slice %arg2[%dma_wait3A_223, %dma_wait3A_224] : memref<10240x64xf32, #tpu.memory_space<hbm>> -> memref<10240x64xf32, #tpu.memory_space<hbm>>
      tpu.wait_indirect_dma semaphore(%arg12 : memref<!tpu.dma_semaphore, #tpu.memory_space<semaphore_mem>>) src(%dma_wait3A_225 : memref<10240x64xf32, #tpu.memory_space<hbm>>) dst(%dma_wait3A_219 : memref<128x64xf32, #tpu.memory_space<vmem>>)
      %dma_start3A_226 = arith.constant 2 : i32
      %dma_start3A_227 = arith.constant 0 : i32
      %dma_start3A_228 = arith.constant 0 : i32
      %dma_start3A_229 = tpu.memref_slice %arg8[%dma_start3A_226, %dma_start3A_227, %dma_start3A_228] : memref<4x128x64xf32, #tpu.memory_space<vmem>> -> memref<1x128x64xf32, #tpu.memory_space<vmem>>
      %dma_start3A_230 = tpu.memref_squeeze %dma_start3A_229 : memref<1x128x64xf32, #tpu.memory_space<vmem>> -> memref<128x64xf32, #tpu.memory_space<vmem>>
      %dma_start3A_231 = arith.constant 0 : i32
      %dma_start3A_232 = tpu.memref_slice %arg7[%add3A_214, %dma_start3A_231] : memref<80x128xi32, #tpu.memory_space<vmem>> -> memref<1x128xi32, #tpu.memory_space<vmem>>
      %dma_start3A_233 = tpu.memref_squeeze %dma_start3A_232 : memref<1x128xi32, #tpu.memory_space<vmem>> -> memref<128xi32, #tpu.memory_space<vmem>>
      %dma_start3A_234 = arith.constant 0 : i32
      %dma_start3A_235 = arith.constant 0 : i32
      %dma_start3A_236 = tpu.memref_slice %arg9[%dma_start3A_234, %dma_start3A_235] : memref<10240x64xf32, #tpu.memory_space<vmem_shared>> -> memref<10240x64xf32, #tpu.memory_space<vmem_shared>>
      tpu.enqueue_indirect_dma source(%dma_start3A_230 : memref<128x64xf32, #tpu.memory_space<vmem>>) target(%dma_start3A_236 : memref<10240x64xf32, #tpu.memory_space<vmem_shared>>) offsets(%dma_start3A_233 : memref<128xi32, #tpu.memory_space<vmem>>) semaphore(%arg16 : memref<!tpu.dma_semaphore, #tpu.memory_space<semaphore_mem>>) {add = true}
      %ge3A_237 = arith.constant 2 : i32
      %ge3A_238 = arith.cmpi sge, %add3A_214, %ge3A_237 : i32
      %add3A_239 = arith.constant 2 : i32
      %add3A_240 = arith.addi %add3A_214, %add3A_239 : i32
      %lt3A_241 = arith.constant 80 : i32
      %lt3A_242 = arith.cmpi slt, %add3A_240, %lt3A_241 : i32
      %and3A_243 = arith.andi %ge3A_238, %lt3A_242 : i1
      %convert_element_type3A_244 = arith.extui %and3A_243 : i1 to i32
      %cond3A_245 = arith.constant 0 : i32
      %cond3A_246 = arith.cmpi ne, %convert_element_type3A_244, %cond3A_245 : i32
      scf.if %cond3A_246 {
        %dma_wait3A_284 = arith.constant 0 : i32
        %dma_wait3A_285 = arith.constant 0 : i32
        %dma_wait3A_286 = arith.constant 0 : i32
        %dma_wait3A_287 = arith.constant 0 : i32
        %dma_wait3A_288 = tpu.memref_slice %arg8[%dma_wait3A_284, %dma_wait3A_286, %dma_wait3A_287] : memref<4x128x64xf32, #tpu.memory_space<vmem>> -> memref<1x128x64xf32, #tpu.memory_space<vmem>>
        %dma_wait3A_289 = tpu.memref_squeeze %dma_wait3A_288 : memref<1x128x64xf32, #tpu.memory_space<vmem>> -> memref<128x64xf32, #tpu.memory_space<vmem>>
        %dma_wait3A_290 = arith.constant 0 : i32
        %dma_wait3A_291 = tpu.memref_slice %arg7[%dma_wait3A_285, %dma_wait3A_290] : memref<80x128xi32, #tpu.memory_space<vmem>> -> memref<1x128xi32, #tpu.memory_space<vmem>>
        %dma_wait3A_292 = tpu.memref_squeeze %dma_wait3A_291 : memref<1x128xi32, #tpu.memory_space<vmem>> -> memref<128xi32, #tpu.memory_space<vmem>>
        %dma_wait3A_293 = arith.constant 0 : i32
        %dma_wait3A_294 = arith.constant 0 : i32
        %dma_wait3A_295 = tpu.memref_slice %arg9[%dma_wait3A_293, %dma_wait3A_294] : memref<10240x64xf32, #tpu.memory_space<vmem_shared>> -> memref<10240x64xf32, #tpu.memory_space<vmem_shared>>
        tpu.wait_indirect_dma semaphore(%arg14 : memref<!tpu.dma_semaphore, #tpu.memory_space<semaphore_mem>>) src(%dma_wait3A_289 : memref<128x64xf32, #tpu.memory_space<vmem>>) dst(%dma_wait3A_295 : memref<10240x64xf32, #tpu.memory_space<vmem_shared>>)
        %add3A_296 = arith.constant 2 : i32
        %add3A_297 = arith.addi %add3A_214, %add3A_296 : i32
        %dma_start3A_298 = arith.constant 0 : i32
        %dma_start3A_299 = arith.constant 0 : i32
        %dma_start3A_300 = arith.constant 0 : i32
        %dma_start3A_301 = tpu.memref_slice %arg8[%dma_start3A_298, %dma_start3A_299, %dma_start3A_300] : memref<4x128x64xf32, #tpu.memory_space<vmem>> -> memref<1x128x64xf32, #tpu.memory_space<vmem>>
        %dma_start3A_302 = tpu.memref_squeeze %dma_start3A_301 : memref<1x128x64xf32, #tpu.memory_space<vmem>> -> memref<128x64xf32, #tpu.memory_space<vmem>>
        %dma_start3A_303 = arith.constant 0 : i32
        %dma_start3A_304 = tpu.memref_slice %arg6[%add3A_297, %dma_start3A_303] : memref<80x128xi32, #tpu.memory_space<vmem>> -> memref<1x128xi32, #tpu.memory_space<vmem>>
        %dma_start3A_305 = tpu.memref_squeeze %dma_start3A_304 : memref<1x128xi32, #tpu.memory_space<vmem>> -> memref<128xi32, #tpu.memory_space<vmem>>
        %dma_start3A_306 = arith.constant 0 : i32
        %dma_start3A_307 = arith.constant 0 : i32
        %dma_start3A_308 = tpu.memref_slice %arg2[%dma_start3A_306, %dma_start3A_307] : memref<10240x64xf32, #tpu.memory_space<hbm>> -> memref<10240x64xf32, #tpu.memory_space<hbm>>
        tpu.enqueue_indirect_dma source(%dma_start3A_308 : memref<10240x64xf32, #tpu.memory_space<hbm>>) target(%dma_start3A_302 : memref<128x64xf32, #tpu.memory_space<vmem>>) offsets(%dma_start3A_305 : memref<128xi32, #tpu.memory_space<vmem>>) semaphore(%arg10 : memref<!tpu.dma_semaphore, #tpu.memory_space<semaphore_mem>>)
      } else {
      }
      %mul3A_247 = arith.constant 4 : i32
      %mul3A_248 = arith.muli %scan3A_142, %mul3A_247 : i32
      %add3A_249 = arith.constant 3 : i32
      %add3A_250 = arith.addi %mul3A_248, %add3A_249 : i32
      %dma_wait3A_251 = arith.constant 3 : i32
      %dma_wait3A_252 = arith.constant 0 : i32
      %dma_wait3A_253 = arith.constant 0 : i32
      %dma_wait3A_254 = tpu.memref_slice %arg8[%dma_wait3A_251, %dma_wait3A_252, %dma_wait3A_253] : memref<4x128x64xf32, #tpu.memory_space<vmem>> -> memref<1x128x64xf32, #tpu.memory_space<vmem>>
      %dma_wait3A_255 = tpu.memref_squeeze %dma_wait3A_254 : memref<1x128x64xf32, #tpu.memory_space<vmem>> -> memref<128x64xf32, #tpu.memory_space<vmem>>
      %dma_wait3A_256 = arith.constant 0 : i32
      %dma_wait3A_257 = tpu.memref_slice %arg6[%add3A_250, %dma_wait3A_256] : memref<80x128xi32, #tpu.memory_space<vmem>> -> memref<1x128xi32, #tpu.memory_space<vmem>>
      %dma_wait3A_258 = tpu.memref_squeeze %dma_wait3A_257 : memref<1x128xi32, #tpu.memory_space<vmem>> -> memref<128xi32, #tpu.memory_space<vmem>>
      %dma_wait3A_259 = arith.constant 0 : i32
      %dma_wait3A_260 = arith.constant 0 : i32
      %dma_wait3A_261 = tpu.memref_slice %arg2[%dma_wait3A_259, %dma_wait3A_260] : memref<10240x64xf32, #tpu.memory_space<hbm>> -> memref<10240x64xf32, #tpu.memory_space<hbm>>
      tpu.wait_indirect_dma semaphore(%arg13 : memref<!tpu.dma_semaphore, #tpu.memory_space<semaphore_mem>>) src(%dma_wait3A_261 : memref<10240x64xf32, #tpu.memory_space<hbm>>) dst(%dma_wait3A_255 : memref<128x64xf32, #tpu.memory_space<vmem>>)
      %dma_start3A_262 = arith.constant 3 : i32
      %dma_start3A_263 = arith.constant 0 : i32
      %dma_start3A_264 = arith.constant 0 : i32
      %dma_start3A_265 = tpu.memref_slice %arg8[%dma_start3A_262, %dma_start3A_263, %dma_start3A_264] : memref<4x128x64xf32, #tpu.memory_space<vmem>> -> memref<1x128x64xf32, #tpu.memory_space<vmem>>
      %dma_start3A_266 = tpu.memref_squeeze %dma_start3A_265 : memref<1x128x64xf32, #tpu.memory_space<vmem>> -> memref<128x64xf32, #tpu.memory_space<vmem>>
      %dma_start3A_267 = arith.constant 0 : i32
      %dma_start3A_268 = tpu.memref_slice %arg7[%add3A_250, %dma_start3A_267] : memref<80x128xi32, #tpu.memory_space<vmem>> -> memref<1x128xi32, #tpu.memory_space<vmem>>
      %dma_start3A_269 = tpu.memref_squeeze %dma_start3A_268 : memref<1x128xi32, #tpu.memory_space<vmem>> -> memref<128xi32, #tpu.memory_space<vmem>>
      %dma_start3A_270 = arith.constant 0 : i32
      %dma_start3A_271 = arith.constant 0 : i32
      %dma_start3A_272 = tpu.memref_slice %arg9[%dma_start3A_270, %dma_start3A_271] : memref<10240x64xf32, #tpu.memory_space<vmem_shared>> -> memref<10240x64xf32, #tpu.memory_space<vmem_shared>>
      tpu.enqueue_indirect_dma source(%dma_start3A_266 : memref<128x64xf32, #tpu.memory_space<vmem>>) target(%dma_start3A_272 : memref<10240x64xf32, #tpu.memory_space<vmem_shared>>) offsets(%dma_start3A_269 : memref<128xi32, #tpu.memory_space<vmem>>) semaphore(%arg17 : memref<!tpu.dma_semaphore, #tpu.memory_space<semaphore_mem>>) {add = true}
      %ge3A_273 = arith.constant 2 : i32
      %ge3A_274 = arith.cmpi sge, %add3A_250, %ge3A_273 : i32
      %add3A_275 = arith.constant 2 : i32
      %add3A_276 = arith.addi %add3A_250, %add3A_275 : i32
      %lt3A_277 = arith.constant 80 : i32
      %lt3A_278 = arith.cmpi slt, %add3A_276, %lt3A_277 : i32
      %and3A_279 = arith.andi %ge3A_274, %lt3A_278 : i1
      %convert_element_type3A_280 = arith.extui %and3A_279 : i1 to i32
      %cond3A_281 = arith.constant 0 : i32
      %cond3A_282 = arith.cmpi ne, %convert_element_type3A_280, %cond3A_281 : i32
      scf.if %cond3A_282 {
        %dma_wait3A_284 = arith.constant 1 : i32
        %dma_wait3A_285 = arith.constant 0 : i32
        %dma_wait3A_286 = arith.constant 0 : i32
        %dma_wait3A_287 = arith.constant 0 : i32
        %dma_wait3A_288 = tpu.memref_slice %arg8[%dma_wait3A_284, %dma_wait3A_286, %dma_wait3A_287] : memref<4x128x64xf32, #tpu.memory_space<vmem>> -> memref<1x128x64xf32, #tpu.memory_space<vmem>>
        %dma_wait3A_289 = tpu.memref_squeeze %dma_wait3A_288 : memref<1x128x64xf32, #tpu.memory_space<vmem>> -> memref<128x64xf32, #tpu.memory_space<vmem>>
        %dma_wait3A_290 = arith.constant 0 : i32
        %dma_wait3A_291 = tpu.memref_slice %arg7[%dma_wait3A_285, %dma_wait3A_290] : memref<80x128xi32, #tpu.memory_space<vmem>> -> memref<1x128xi32, #tpu.memory_space<vmem>>
        %dma_wait3A_292 = tpu.memref_squeeze %dma_wait3A_291 : memref<1x128xi32, #tpu.memory_space<vmem>> -> memref<128xi32, #tpu.memory_space<vmem>>
        %dma_wait3A_293 = arith.constant 0 : i32
        %dma_wait3A_294 = arith.constant 0 : i32
        %dma_wait3A_295 = tpu.memref_slice %arg9[%dma_wait3A_293, %dma_wait3A_294] : memref<10240x64xf32, #tpu.memory_space<vmem_shared>> -> memref<10240x64xf32, #tpu.memory_space<vmem_shared>>
        tpu.wait_indirect_dma semaphore(%arg15 : memref<!tpu.dma_semaphore, #tpu.memory_space<semaphore_mem>>) src(%dma_wait3A_289 : memref<128x64xf32, #tpu.memory_space<vmem>>) dst(%dma_wait3A_295 : memref<10240x64xf32, #tpu.memory_space<vmem_shared>>)
        %add3A_296 = arith.constant 2 : i32
        %add3A_297 = arith.addi %add3A_250, %add3A_296 : i32
        %dma_start3A_298 = arith.constant 1 : i32
        %dma_start3A_299 = arith.constant 0 : i32
        %dma_start3A_300 = arith.constant 0 : i32
        %dma_start3A_301 = tpu.memref_slice %arg8[%dma_start3A_298, %dma_start3A_299, %dma_start3A_300] : memref<4x128x64xf32, #tpu.memory_space<vmem>> -> memref<1x128x64xf32, #tpu.memory_space<vmem>>
        %dma_start3A_302 = tpu.memref_squeeze %dma_start3A_301 : memref<1x128x64xf32, #tpu.memory_space<vmem>> -> memref<128x64xf32, #tpu.memory_space<vmem>>
        %dma_start3A_303 = arith.constant 0 : i32
        %dma_start3A_304 = tpu.memref_slice %arg6[%add3A_297, %dma_start3A_303] : memref<80x128xi32, #tpu.memory_space<vmem>> -> memref<1x128xi32, #tpu.memory_space<vmem>>
        %dma_start3A_305 = tpu.memref_squeeze %dma_start3A_304 : memref<1x128xi32, #tpu.memory_space<vmem>> -> memref<128xi32, #tpu.memory_space<vmem>>
        %dma_start3A_306 = arith.constant 0 : i32
        %dma_start3A_307 = arith.constant 0 : i32
        %dma_start3A_308 = tpu.memref_slice %arg2[%dma_start3A_306, %dma_start3A_307] : memref<10240x64xf32, #tpu.memory_space<hbm>> -> memref<10240x64xf32, #tpu.memory_space<hbm>>
        tpu.enqueue_indirect_dma source(%dma_start3A_308 : memref<10240x64xf32, #tpu.memory_space<hbm>>) target(%dma_start3A_302 : memref<128x64xf32, #tpu.memory_space<vmem>>) offsets(%dma_start3A_305 : memref<128xi32, #tpu.memory_space<vmem>>) semaphore(%arg11 : memref<!tpu.dma_semaphore, #tpu.memory_space<semaphore_mem>>)
      } else {
      }
      %scan3A_283 = arith.constant 0 : i32
      scf.yield %scan3A_283 : i32
    }
    %scan3A_89 = arith.constant 20 : i32
    %dma_wait3A = arith.constant 0 : i32
    %dma_wait3A_90 = arith.constant 0 : i32
    %dma_wait3A_91 = arith.constant 0 : i32
    %dma_wait3A_92 = arith.constant 0 : i32
    %dma_wait3A_93 = tpu.memref_slice %arg8[%dma_wait3A, %dma_wait3A_91, %dma_wait3A_92] : memref<4x128x64xf32, #tpu.memory_space<vmem>> -> memref<1x128x64xf32, #tpu.memory_space<vmem>>
    %dma_wait3A_94 = tpu.memref_squeeze %dma_wait3A_93 : memref<1x128x64xf32, #tpu.memory_space<vmem>> -> memref<128x64xf32, #tpu.memory_space<vmem>>
    %dma_wait3A_95 = arith.constant 0 : i32
    %dma_wait3A_96 = tpu.memref_slice %arg7[%dma_wait3A_90, %dma_wait3A_95] : memref<80x128xi32, #tpu.memory_space<vmem>> -> memref<1x128xi32, #tpu.memory_space<vmem>>
    %dma_wait3A_97 = tpu.memref_squeeze %dma_wait3A_96 : memref<1x128xi32, #tpu.memory_space<vmem>> -> memref<128xi32, #tpu.memory_space<vmem>>
    %dma_wait3A_98 = arith.constant 0 : i32
    %dma_wait3A_99 = arith.constant 0 : i32
    %dma_wait3A_100 = tpu.memref_slice %arg9[%dma_wait3A_98, %dma_wait3A_99] : memref<10240x64xf32, #tpu.memory_space<vmem_shared>> -> memref<10240x64xf32, #tpu.memory_space<vmem_shared>>
    tpu.wait_indirect_dma semaphore(%arg14 : memref<!tpu.dma_semaphore, #tpu.memory_space<semaphore_mem>>) src(%dma_wait3A_94 : memref<128x64xf32, #tpu.memory_space<vmem>>) dst(%dma_wait3A_100 : memref<10240x64xf32, #tpu.memory_space<vmem_shared>>)
    %dma_wait3A_101 = arith.constant 1 : i32
    %dma_wait3A_102 = arith.constant 0 : i32
    %dma_wait3A_103 = arith.constant 0 : i32
    %dma_wait3A_104 = arith.constant 0 : i32
    %dma_wait3A_105 = tpu.memref_slice %arg8[%dma_wait3A_101, %dma_wait3A_103, %dma_wait3A_104] : memref<4x128x64xf32, #tpu.memory_space<vmem>> -> memref<1x128x64xf32, #tpu.memory_space<vmem>>
    %dma_wait3A_106 = tpu.memref_squeeze %dma_wait3A_105 : memref<1x128x64xf32, #tpu.memory_space<vmem>> -> memref<128x64xf32, #tpu.memory_space<vmem>>
    %dma_wait3A_107 = arith.constant 0 : i32
    %dma_wait3A_108 = tpu.memref_slice %arg7[%dma_wait3A_102, %dma_wait3A_107] : memref<80x128xi32, #tpu.memory_space<vmem>> -> memref<1x128xi32, #tpu.memory_space<vmem>>
    %dma_wait3A_109 = tpu.memref_squeeze %dma_wait3A_108 : memref<1x128xi32, #tpu.memory_space<vmem>> -> memref<128xi32, #tpu.memory_space<vmem>>
    %dma_wait3A_110 = arith.constant 0 : i32
    %dma_wait3A_111 = arith.constant 0 : i32
    %dma_wait3A_112 = tpu.memref_slice %arg9[%dma_wait3A_110, %dma_wait3A_111] : memref<10240x64xf32, #tpu.memory_space<vmem_shared>> -> memref<10240x64xf32, #tpu.memory_space<vmem_shared>>
    tpu.wait_indirect_dma semaphore(%arg15 : memref<!tpu.dma_semaphore, #tpu.memory_space<semaphore_mem>>) src(%dma_wait3A_106 : memref<128x64xf32, #tpu.memory_space<vmem>>) dst(%dma_wait3A_112 : memref<10240x64xf32, #tpu.memory_space<vmem_shared>>)
    %dma_wait3A_113 = arith.constant 2 : i32
    %dma_wait3A_114 = arith.constant 0 : i32
    %dma_wait3A_115 = arith.constant 0 : i32
    %dma_wait3A_116 = arith.constant 0 : i32
    %dma_wait3A_117 = tpu.memref_slice %arg8[%dma_wait3A_113, %dma_wait3A_115, %dma_wait3A_116] : memref<4x128x64xf32, #tpu.memory_space<vmem>> -> memref<1x128x64xf32, #tpu.memory_space<vmem>>
    %dma_wait3A_118 = tpu.memref_squeeze %dma_wait3A_117 : memref<1x128x64xf32, #tpu.memory_space<vmem>> -> memref<128x64xf32, #tpu.memory_space<vmem>>
    %dma_wait3A_119 = arith.constant 0 : i32
    %dma_wait3A_120 = tpu.memref_slice %arg7[%dma_wait3A_114, %dma_wait3A_119] : memref<80x128xi32, #tpu.memory_space<vmem>> -> memref<1x128xi32, #tpu.memory_space<vmem>>
    %dma_wait3A_121 = tpu.memref_squeeze %dma_wait3A_120 : memref<1x128xi32, #tpu.memory_space<vmem>> -> memref<128xi32, #tpu.memory_space<vmem>>
    %dma_wait3A_122 = arith.constant 0 : i32
    %dma_wait3A_123 = arith.constant 0 : i32
    %dma_wait3A_124 = tpu.memref_slice %arg9[%dma_wait3A_122, %dma_wait3A_123] : memref<10240x64xf32, #tpu.memory_space<vmem_shared>> -> memref<10240x64xf32, #tpu.memory_space<vmem_shared>>
    tpu.wait_indirect_dma semaphore(%arg16 : memref<!tpu.dma_semaphore, #tpu.memory_space<semaphore_mem>>) src(%dma_wait3A_118 : memref<128x64xf32, #tpu.memory_space<vmem>>) dst(%dma_wait3A_124 : memref<10240x64xf32, #tpu.memory_space<vmem_shared>>)
    %dma_wait3A_125 = arith.constant 3 : i32
    %dma_wait3A_126 = arith.constant 0 : i32
    %dma_wait3A_127 = arith.constant 0 : i32
    %dma_wait3A_128 = arith.constant 0 : i32
    %dma_wait3A_129 = tpu.memref_slice %arg8[%dma_wait3A_125, %dma_wait3A_127, %dma_wait3A_128] : memref<4x128x64xf32, #tpu.memory_space<vmem>> -> memref<1x128x64xf32, #tpu.memory_space<vmem>>
    %dma_wait3A_130 = tpu.memref_squeeze %dma_wait3A_129 : memref<1x128x64xf32, #tpu.memory_space<vmem>> -> memref<128x64xf32, #tpu.memory_space<vmem>>
    %dma_wait3A_131 = arith.constant 0 : i32
    %dma_wait3A_132 = tpu.memref_slice %arg7[%dma_wait3A_126, %dma_wait3A_131] : memref<80x128xi32, #tpu.memory_space<vmem>> -> memref<1x128xi32, #tpu.memory_space<vmem>>
    %dma_wait3A_133 = tpu.memref_squeeze %dma_wait3A_132 : memref<1x128xi32, #tpu.memory_space<vmem>> -> memref<128xi32, #tpu.memory_space<vmem>>
    %dma_wait3A_134 = arith.constant 0 : i32
    %dma_wait3A_135 = arith.constant 0 : i32
    %dma_wait3A_136 = tpu.memref_slice %arg9[%dma_wait3A_134, %dma_wait3A_135] : memref<10240x64xf32, #tpu.memory_space<vmem_shared>> -> memref<10240x64xf32, #tpu.memory_space<vmem_shared>>
    tpu.wait_indirect_dma semaphore(%arg17 : memref<!tpu.dma_semaphore, #tpu.memory_space<semaphore_mem>>) src(%dma_wait3A_130 : memref<128x64xf32, #tpu.memory_space<vmem>>) dst(%dma_wait3A_136 : memref<10240x64xf32, #tpu.memory_space<vmem_shared>>)
    %barrier3A_137 = arith.constant 0 : index
    tpu.barrier barrier_id(%barrier3A_137)
    %mul3A_138 = arith.constant 640 : i32
    %mul3A_139 = arith.muli %arg1, %mul3A_138 : i32
    %mul3A_140 = arith.constant 640 : i32
    %mul3A_141 = arith.muli %arg1, %mul3A_140 : i32
    "tpu.region"() ({
      %run_scoped3A_142 = tpu.sem_alloc : memref<!tpu.dma_semaphore, #tpu.memory_space<semaphore_mem>>
      %dma_start3A_143 = arith.constant 0 : i32
      %dma_start3A_144 = tpu.memref_slice %arg5[%arg0, %mul3A_141, %dma_start3A_143] : memref<2x10240x64xf32, #tpu.memory_space<hbm>> -> memref<1x640x64xf32, #tpu.memory_space<hbm>>
      %dma_start3A_145 = tpu.memref_squeeze %dma_start3A_144 : memref<1x640x64xf32, #tpu.memory_space<hbm>> -> memref<640x64xf32, #tpu.memory_space<hbm>>
      %dma_start3A_146 = arith.constant 0 : i32
      %dma_start3A_147 = tpu.memref_slice %arg9[%mul3A_139, %dma_start3A_146] : memref<10240x64xf32, #tpu.memory_space<vmem_shared>> -> memref<640x64xf32, #tpu.memory_space<vmem_shared>>
      tpu.enqueue_dma source(%dma_start3A_147 : memref<640x64xf32, #tpu.memory_space<vmem_shared>>) target(%dma_start3A_145 : memref<640x64xf32, #tpu.memory_space<hbm>>) target_semaphore(%run_scoped3A_142 : memref<!tpu.dma_semaphore, #tpu.memory_space<semaphore_mem>>)
      %dma_wait3A_148 = arith.constant 0 : i32
      %dma_wait3A_149 = tpu.memref_slice %arg5[%arg0, %mul3A_141, %dma_wait3A_148] : memref<2x10240x64xf32, #tpu.memory_space<hbm>> -> memref<1x640x64xf32, #tpu.memory_space<hbm>>
      %dma_wait3A_150 = tpu.memref_squeeze %dma_wait3A_149 : memref<1x640x64xf32, #tpu.memory_space<hbm>> -> memref<640x64xf32, #tpu.memory_space<hbm>>
      %dma_wait3A_151 = arith.constant 0 : i32
      %dma_wait3A_152 = tpu.memref_slice %arg9[%mul3A_139, %dma_wait3A_151] : memref<10240x64xf32, #tpu.memory_space<vmem_shared>> -> memref<640x64xf32, #tpu.memory_space<vmem_shared>>
      tpu.wait_dma2 semaphore(%run_scoped3A_142 : memref<!tpu.dma_semaphore, #tpu.memory_space<semaphore_mem>>) src(%dma_wait3A_152 : memref<640x64xf32, #tpu.memory_space<vmem_shared>>) dst(%dma_wait3A_150 : memref<640x64xf32, #tpu.memory_space<hbm>>)
      tpu.yield
    }) : () -> ()
    return
  }
}

module attributes {stable_mosaic.version = 14 : i64} {
  func.func @_scale_body(%arg0: i32, %arg1: memref<32x1024xf32, #tpu.memory_space<vmem>>, %arg2: memref<1024x128xf32, #tpu.memory_space<vmem>>, %arg3: memref<1024x64xf32, #tpu.memory_space<vmem>>, %arg4: memref<1024x64xf32, #tpu.memory_space<vmem>>, %arg5: memref<1024x8xf32, #tpu.memory_space<vmem>>) attributes {dimension_semantics = [#tpu.dimension_semantics<arbitrary>], iteration_bounds = array<i64: 10>, scalar_prefetch = 0 : i64, scratch_operands = 0 : i64, tpu.core_type = #tpu.core_type<tc>, window_params = [{transform_indices = @transform_0, window_bounds = array<i64: 32, 1024>}, {transform_indices = @transform_1, window_bounds = array<i64: 1024, 128>}, {transform_indices = @transform_2, window_bounds = array<i64: 1024, 64>}, {transform_indices = @transform_3, window_bounds = array<i64: 1024, 64>}, {transform_indices = @transform_4, window_bounds = array<i64: 1024, 8>}]} {
    %get3A = arith.constant 0 : index
    %get3A_0 = arith.constant 0 : index
    %get3A_1 = vector.load %arg1[%get3A, %get3A_0] : memref<32x1024xf32, #tpu.memory_space<vmem>>, vector<32x1024xf32>
    %reduce_sum3A = arith.constant dense<0.000000e+00> : vector<1024xf32>
    %reduce_sum3A_2 = vector.multi_reduction <add>, %get3A_1, %reduce_sum3A [0] : vector<32x1024xf32> to vector<1024xf32>
    %broadcast_in_dim3A = vector.shape_cast %reduce_sum3A_2 : vector<1024xf32> to vector<1024x1xf32>
    %add3A = arith.constant 1.000000e+00 : f32
    %add3A_3 = vector.broadcast %add3A : f32 to vector<1024x1xf32>
    %add3A_4 = arith.addf %broadcast_in_dim3A, %add3A_3 : vector<1024x1xf32>
    %rsqrt3A = math.rsqrt %add3A_4 : vector<1024x1xf32>
    %broadcast_in_dim3A_5 = vector.shape_cast %rsqrt3A : vector<1024x1xf32> to vector<1024x1xf32>
    %broadcast_in_dim3A_6 = vector.broadcast %broadcast_in_dim3A_5 : vector<1024x1xf32> to vector<1024x8xf32>
    %swap3A = arith.constant 0 : index
    %swap3A_7 = arith.constant 0 : index
    %swap3A_8 = vector.load %arg5[%swap3A, %swap3A_7] : memref<1024x8xf32, #tpu.memory_space<vmem>>, vector<1024x8xf32>
    tpu.vector_store %arg5[%swap3A, %swap3A_7], %broadcast_in_dim3A_6 {strides = array<i32>} : memref<1024x8xf32, #tpu.memory_space<vmem>>, vector<1024x8xf32>,
    %get3A_9 = arith.constant 0 : index
    %get3A_10 = arith.constant 0 : index
    %get3A_11 = vector.load %arg2[%get3A_9, %get3A_10] : memref<1024x128xf32, #tpu.memory_space<vmem>>, vector<1024x128xf32>
    %mul3A = vector.broadcast %rsqrt3A : vector<1024x1xf32> to vector<1024x128xf32>
    %mul3A_12 = arith.mulf %get3A_11, %mul3A : vector<1024x128xf32>
    %slice3A = vector.extract_strided_slice %mul3A_12 {offsets = [0, 0], sizes = [1024, 64], strides = [1, 1]} : vector<1024x128xf32> to vector<1024x64xf32>
    %swap3A_13 = arith.constant 0 : index
    %swap3A_14 = arith.constant 0 : index
    %swap3A_15 = vector.load %arg3[%swap3A_13, %swap3A_14] : memref<1024x64xf32, #tpu.memory_space<vmem>>, vector<1024x64xf32>
    tpu.vector_store %arg3[%swap3A_13, %swap3A_14], %slice3A {strides = array<i32>} : memref<1024x64xf32, #tpu.memory_space<vmem>>, vector<1024x64xf32>,
    %slice3A_16 = vector.extract_strided_slice %mul3A_12 {offsets = [0, 64], sizes = [1024, 64], strides = [1, 1]} : vector<1024x128xf32> to vector<1024x64xf32>
    %swap3A_17 = arith.constant 0 : index
    %swap3A_18 = arith.constant 0 : index
    %swap3A_19 = vector.load %arg4[%swap3A_17, %swap3A_18] : memref<1024x64xf32, #tpu.memory_space<vmem>>, vector<1024x64xf32>
    tpu.vector_store %arg4[%swap3A_17, %swap3A_18], %slice3A_16 {strides = array<i32>} : memref<1024x64xf32, #tpu.memory_space<vmem>>, vector<1024x64xf32>,
    return
  }
  func.func @transform_0(%arg0: i32) -> (i32, i32) {
    %c0_i32 = arith.constant 0 : i32
    %c0_i32_0 = arith.constant 0 : i32
    return %c0_i32, %arg0 : i32, i32
  }
  func.func @transform_1(%arg0: i32) -> (i32, i32) {
    %c0_i32 = arith.constant 0 : i32
    %c0_i32_0 = arith.constant 0 : i32
    return %arg0, %c0_i32 : i32, i32
  }
  func.func @transform_2(%arg0: i32) -> (i32, i32) {
    %c0_i32 = arith.constant 0 : i32
    %c0_i32_0 = arith.constant 0 : i32
    return %arg0, %c0_i32 : i32, i32
  }
  func.func @transform_3(%arg0: i32) -> (i32, i32) {
    %c0_i32 = arith.constant 0 : i32
    %c0_i32_0 = arith.constant 0 : i32
    return %arg0, %c0_i32 : i32, i32
  }
  func.func @transform_4(%arg0: i32) -> (i32, i32) {
    %c0_i32 = arith.constant 0 : i32
    %c0_i32_0 = arith.constant 0 : i32
    return %arg0, %c0_i32 : i32, i32
  }
}

module attributes {stable_mosaic.version = 14 : i64} {
  func.func @_dense_body(%arg0: i32, %arg1: memref<2x1024x64xf32, #tpu.memory_space<vmem>>, %arg2: memref<2x1024x64xf32, #tpu.memory_space<vmem>>, %arg3: memref<1024x64xf32, #tpu.memory_space<vmem>>, %arg4: memref<1024x64xf32, #tpu.memory_space<vmem>>, %arg5: memref<1024x8xf32, #tpu.memory_space<vmem>>, %arg6: memref<128x256xf32, #tpu.memory_space<vmem>>, %arg7: memref<1x256xf32, #tpu.memory_space<vmem>>, %arg8: memref<256x64xf32, #tpu.memory_space<vmem>>, %arg9: memref<1024x64xf32, #tpu.memory_space<vmem>>) attributes {dimension_semantics = [#tpu.dimension_semantics<arbitrary>], iteration_bounds = array<i64: 10>, scalar_prefetch = 0 : i64, scratch_operands = 0 : i64, tpu.core_type = #tpu.core_type<tc>, window_params = [{transform_indices = @transform_0, window_bounds = array<i64: 2, 1024, 64>}, {transform_indices = @transform_1, window_bounds = array<i64: 2, 1024, 64>}, {transform_indices = @transform_2, window_bounds = array<i64: 1024, 64>}, {transform_indices = @transform_3, window_bounds = array<i64: 1024, 64>}, {transform_indices = @transform_4, window_bounds = array<i64: 1024, 8>}, {pipeline_mode = #tpu.pipeline_mode<synchronous>, transform_indices = @transform_5, window_bounds = array<i64: 128, 256>}, {pipeline_mode = #tpu.pipeline_mode<synchronous>, transform_indices = @transform_6, window_bounds = array<i64: 1, 256>}, {pipeline_mode = #tpu.pipeline_mode<synchronous>, transform_indices = @transform_7, window_bounds = array<i64: 256, 64>}, {transform_indices = @transform_8, window_bounds = array<i64: 1024, 64>}]} {
    %get3A = arith.constant 0 : index
    %get3A_0 = arith.constant 0 : index
    %get3A_1 = vector.load %arg5[%get3A, %get3A_0] : memref<1024x8xf32, #tpu.memory_space<vmem>>, vector<1024x1xf32>
    %get3A_2 = arith.constant 0 : index
    %get3A_3 = arith.constant 0 : index
    %get3A_4 = arith.constant 0 : index
    %get3A_5 = vector.load %arg1[%get3A_2, %get3A_3, %get3A_4] : memref<2x1024x64xf32, #tpu.memory_space<vmem>>, vector<1x1024x64xf32>
    %get3A_6 = vector.shape_cast %get3A_5 : vector<1x1024x64xf32> to vector<1024x64xf32>
    %get3A_7 = arith.constant 1 : index
    %get3A_8 = arith.constant 0 : index
    %get3A_9 = arith.constant 0 : index
    %get3A_10 = vector.load %arg1[%get3A_7, %get3A_8, %get3A_9] : memref<2x1024x64xf32, #tpu.memory_space<vmem>>, vector<1x1024x64xf32>
    %get3A_11 = vector.shape_cast %get3A_10 : vector<1x1024x64xf32> to vector<1024x64xf32>
    %add3A = arith.addf %get3A_6, %get3A_11 : vector<1024x64xf32>
    %get3A_12 = arith.constant 0 : index
    %get3A_13 = arith.constant 0 : index
    %get3A_14 = vector.load %arg3[%get3A_12, %get3A_13] : memref<1024x64xf32, #tpu.memory_space<vmem>>, vector<1024x64xf32>
    %add3A_15 = arith.addf %add3A, %get3A_14 : vector<1024x64xf32>
    %mul3A = vector.broadcast %get3A_1 : vector<1024x1xf32> to vector<1024x64xf32>
    %mul3A_16 = arith.mulf %add3A_15, %mul3A : vector<1024x64xf32>
    %get3A_17 = arith.constant 0 : index
    %get3A_18 = arith.constant 0 : index
    %get3A_19 = arith.constant 0 : index
    %get3A_20 = vector.load %arg2[%get3A_17, %get3A_18, %get3A_19] : memref<2x1024x64xf32, #tpu.memory_space<vmem>>, vector<1x1024x64xf32>
    %get3A_21 = vector.shape_cast %get3A_20 : vector<1x1024x64xf32> to vector<1024x64xf32>
    %get3A_22 = arith.constant 1 : index
    %get3A_23 = arith.constant 0 : index
    %get3A_24 = arith.constant 0 : index
    %get3A_25 = vector.load %arg2[%get3A_22, %get3A_23, %get3A_24] : memref<2x1024x64xf32, #tpu.memory_space<vmem>>, vector<1x1024x64xf32>
    %get3A_26 = vector.shape_cast %get3A_25 : vector<1x1024x64xf32> to vector<1024x64xf32>
    %add3A_27 = arith.addf %get3A_21, %get3A_26 : vector<1024x64xf32>
    %get3A_28 = arith.constant 0 : index
    %get3A_29 = arith.constant 0 : index
    %get3A_30 = vector.load %arg4[%get3A_28, %get3A_29] : memref<1024x64xf32, #tpu.memory_space<vmem>>, vector<1024x64xf32>
    %add3A_31 = arith.addf %add3A_27, %get3A_30 : vector<1024x64xf32>
    %mul3A_32 = vector.broadcast %get3A_1 : vector<1024x1xf32> to vector<1024x64xf32>
    %mul3A_33 = arith.mulf %add3A_31, %mul3A_32 : vector<1024x64xf32>
    %get3A_34 = arith.constant 0 : index
    %get3A_35 = arith.constant 0 : index
    %get3A_36 = vector.load %arg6[%get3A_34, %get3A_35] : memref<128x256xf32, #tpu.memory_space<vmem>>, vector<64x256xf32>
    %dot_general3A = arith.constant dense<0.000000e+00> : vector<1024x256xf32>
    %dot_general3A_37 = tpu.matmul %mul3A_16, %get3A_36, %dot_general3A {dimension_numbers = #tpu.dot_dimension_numbers<[1], [0], [0], [1], [0, 0, 1, 1], [], []>, transpose_lhs_hint = false} : vector<1024x64xf32>, vector<64x256xf32>, vector<1024x256xf32> -> vector<1024x256xf32>
    %get3A_38 = arith.constant 64 : index
    %get3A_39 = arith.constant 0 : index
    %get3A_40 = vector.load %arg6[%get3A_38, %get3A_39] : memref<128x256xf32, #tpu.memory_space<vmem>>, vector<64x256xf32>
    %dot_general3A_41 = arith.constant dense<0.000000e+00> : vector<1024x256xf32>
    %dot_general3A_42 = tpu.matmul %mul3A_33, %get3A_40, %dot_general3A_41 {dimension_numbers = #tpu.dot_dimension_numbers<[1], [0], [0], [1], [0, 0, 1, 1], [], []>, transpose_lhs_hint = false} : vector<1024x64xf32>, vector<64x256xf32>, vector<1024x256xf32> -> vector<1024x256xf32>
    %add3A_43 = arith.addf %dot_general3A_37, %dot_general3A_42 : vector<1024x256xf32>
    %get3A_44 = arith.constant 0 : index
    %get3A_45 = arith.constant 0 : index
    %get3A_46 = vector.load %arg7[%get3A_44, %get3A_45] : memref<1x256xf32, #tpu.memory_space<vmem>>, vector<1x256xf32>
    %add3A_47 = vector.broadcast %get3A_46 : vector<1x256xf32> to vector<1024x256xf32>
    %add3A_48 = arith.addf %add3A_43, %add3A_47 : vector<1024x256xf32>
    %max3A = arith.constant 0.000000e+00 : f32
    %max3A_49 = vector.broadcast %max3A : f32 to vector<1024x256xf32>
    %max3A_50 = arith.maximumf %add3A_48, %max3A_49 : vector<1024x256xf32>
    %get3A_51 = arith.constant 0 : index
    %get3A_52 = arith.constant 0 : index
    %get3A_53 = vector.load %arg8[%get3A_51, %get3A_52] : memref<256x64xf32, #tpu.memory_space<vmem>>, vector<256x64xf32>
    %dot_general3A_54 = arith.constant dense<0.000000e+00> : vector<1024x64xf32>
    %dot_general3A_55 = tpu.matmul %max3A_50, %get3A_53, %dot_general3A_54 {dimension_numbers = #tpu.dot_dimension_numbers<[1], [0], [0], [1], [0, 0, 1, 1], [], []>, transpose_lhs_hint = false} : vector<1024x256xf32>, vector<256x64xf32>, vector<1024x64xf32> -> vector<1024x64xf32>
    %mul3A_56 = vector.broadcast %get3A_1 : vector<1024x1xf32> to vector<1024x64xf32>
    %mul3A_57 = arith.mulf %dot_general3A_55, %mul3A_56 : vector<1024x64xf32>
    %swap3A = arith.constant 0 : index
    %swap3A_58 = arith.constant 0 : index
    %swap3A_59 = vector.load %arg9[%swap3A, %swap3A_58] : memref<1024x64xf32, #tpu.memory_space<vmem>>, vector<1024x64xf32>
    tpu.vector_store %arg9[%swap3A, %swap3A_58], %mul3A_57 {strides = array<i32>} : memref<1024x64xf32, #tpu.memory_space<vmem>>, vector<1024x64xf32>,
    return
  }
  func.func @transform_0(%arg0: i32) -> (i32, i32, i32) {
    %c0_i32 = arith.constant 0 : i32
    %c0_i32_0 = arith.constant 0 : i32
    %c0_i32_1 = arith.constant 0 : i32
    return %c0_i32, %arg0, %c0_i32_0 : i32, i32, i32
  }
  func.func @transform_1(%arg0: i32) -> (i32, i32, i32) {
    %c0_i32 = arith.constant 0 : i32
    %c0_i32_0 = arith.constant 0 : i32
    %c0_i32_1 = arith.constant 0 : i32
    return %c0_i32, %arg0, %c0_i32_0 : i32, i32, i32
  }
  func.func @transform_2(%arg0: i32) -> (i32, i32) {
    %c0_i32 = arith.constant 0 : i32
    %c0_i32_0 = arith.constant 0 : i32
    return %arg0, %c0_i32 : i32, i32
  }
  func.func @transform_3(%arg0: i32) -> (i32, i32) {
    %c0_i32 = arith.constant 0 : i32
    %c0_i32_0 = arith.constant 0 : i32
    return %arg0, %c0_i32 : i32, i32
  }
  func.func @transform_4(%arg0: i32) -> (i32, i32) {
    %c0_i32 = arith.constant 0 : i32
    %c0_i32_0 = arith.constant 0 : i32
    return %arg0, %c0_i32 : i32, i32
  }
  func.func @transform_5(%arg0: i32) -> (i32, i32) {
    %c0_i32 = arith.constant 0 : i32
    %c0_i32_0 = arith.constant 0 : i32
    %c0_i32_1 = arith.constant 0 : i32
    return %c0_i32, %c0_i32_0 : i32, i32
  }
  func.func @transform_6(%arg0: i32) -> (i32, i32) {
    %c0_i32 = arith.constant 0 : i32
    %c0_i32_0 = arith.constant 0 : i32
    %c0_i32_1 = arith.constant 0 : i32
    return %c0_i32, %c0_i32_0 : i32, i32
  }
  func.func @transform_7(%arg0: i32) -> (i32, i32) {
    %c0_i32 = arith.constant 0 : i32
    %c0_i32_0 = arith.constant 0 : i32
    %c0_i32_1 = arith.constant 0 : i32
    return %c0_i32, %c0_i32_0 : i32, i32
  }
  func.func @transform_8(%arg0: i32) -> (i32, i32) {
    %c0_i32 = arith.constant 0 : i32
    %c0_i32_0 = arith.constant 0 : i32
    return %arg0, %c0_i32 : i32, i32
  }
}

module attributes {stable_mosaic.version = 14 : i64} {
  func.func @_final_body(%arg0: i32, %arg1: memref<2x1024x64xf32, #tpu.memory_space<vmem>>, %arg2: memref<1024x64xf32, #tpu.memory_space<vmem>>, %arg3: memref<1024x8xf32, #tpu.memory_space<vmem>>, %arg4: memref<1x64xf32, #tpu.memory_space<vmem>>, %arg5: memref<1024x64xf32, #tpu.memory_space<vmem>>) attributes {dimension_semantics = [#tpu.dimension_semantics<arbitrary>], iteration_bounds = array<i64: 10>, scalar_prefetch = 0 : i64, scratch_operands = 0 : i64, tpu.core_type = #tpu.core_type<tc>, window_params = [{transform_indices = @transform_0, window_bounds = array<i64: 2, 1024, 64>}, {transform_indices = @transform_1, window_bounds = array<i64: 1024, 64>}, {transform_indices = @transform_2, window_bounds = array<i64: 1024, 8>}, {pipeline_mode = #tpu.pipeline_mode<synchronous>, transform_indices = @transform_3, window_bounds = array<i64: 1, 64>}, {transform_indices = @transform_4, window_bounds = array<i64: 1024, 64>}]} {
    %get3A = arith.constant 0 : index
    %get3A_0 = arith.constant 0 : index
    %get3A_1 = vector.load %arg3[%get3A, %get3A_0] : memref<1024x8xf32, #tpu.memory_space<vmem>>, vector<1024x1xf32>
    %get3A_2 = arith.constant 0 : index
    %get3A_3 = arith.constant 0 : index
    %get3A_4 = arith.constant 0 : index
    %get3A_5 = vector.load %arg1[%get3A_2, %get3A_3, %get3A_4] : memref<2x1024x64xf32, #tpu.memory_space<vmem>>, vector<1x1024x64xf32>
    %get3A_6 = vector.shape_cast %get3A_5 : vector<1x1024x64xf32> to vector<1024x64xf32>
    %get3A_7 = arith.constant 1 : index
    %get3A_8 = arith.constant 0 : index
    %get3A_9 = arith.constant 0 : index
    %get3A_10 = vector.load %arg1[%get3A_7, %get3A_8, %get3A_9] : memref<2x1024x64xf32, #tpu.memory_space<vmem>>, vector<1x1024x64xf32>
    %get3A_11 = vector.shape_cast %get3A_10 : vector<1x1024x64xf32> to vector<1024x64xf32>
    %add3A = arith.addf %get3A_6, %get3A_11 : vector<1024x64xf32>
    %get3A_12 = arith.constant 0 : index
    %get3A_13 = arith.constant 0 : index
    %get3A_14 = vector.load %arg2[%get3A_12, %get3A_13] : memref<1024x64xf32, #tpu.memory_space<vmem>>, vector<1024x64xf32>
    %add3A_15 = arith.addf %add3A, %get3A_14 : vector<1024x64xf32>
    %mul3A = vector.broadcast %get3A_1 : vector<1024x1xf32> to vector<1024x64xf32>
    %mul3A_16 = arith.mulf %add3A_15, %mul3A : vector<1024x64xf32>
    %get3A_17 = arith.constant 0 : index
    %get3A_18 = arith.constant 0 : index
    %get3A_19 = vector.load %arg4[%get3A_17, %get3A_18] : memref<1x64xf32, #tpu.memory_space<vmem>>, vector<1x64xf32>
    %add3A_20 = vector.broadcast %get3A_19 : vector<1x64xf32> to vector<1024x64xf32>
    %add3A_21 = arith.addf %mul3A_16, %add3A_20 : vector<1024x64xf32>
    %swap3A = arith.constant 0 : index
    %swap3A_22 = arith.constant 0 : index
    %swap3A_23 = vector.load %arg5[%swap3A, %swap3A_22] : memref<1024x64xf32, #tpu.memory_space<vmem>>, vector<1024x64xf32>
    tpu.vector_store %arg5[%swap3A, %swap3A_22], %add3A_21 {strides = array<i32>} : memref<1024x64xf32, #tpu.memory_space<vmem>>, vector<1024x64xf32>,
    return
  }
  func.func @transform_0(%arg0: i32) -> (i32, i32, i32) {
    %c0_i32 = arith.constant 0 : i32
    %c0_i32_0 = arith.constant 0 : i32
    %c0_i32_1 = arith.constant 0 : i32
    return %c0_i32, %arg0, %c0_i32_0 : i32, i32, i32
  }
  func.func @transform_1(%arg0: i32) -> (i32, i32) {
    %c0_i32 = arith.constant 0 : i32
    %c0_i32_0 = arith.constant 0 : i32
    return %arg0, %c0_i32 : i32, i32
  }
  func.func @transform_2(%arg0: i32) -> (i32, i32) {
    %c0_i32 = arith.constant 0 : i32
    %c0_i32_0 = arith.constant 0 : i32
    return %arg0, %c0_i32 : i32, i32
  }
  func.func @transform_3(%arg0: i32) -> (i32, i32) {
    %c0_i32 = arith.constant 0 : i32
    %c0_i32_0 = arith.constant 0 : i32
    %c0_i32_1 = arith.constant 0 : i32
    return %c0_i32, %c0_i32_0 : i32, i32
  }
  func.func @transform_4(%arg0: i32) -> (i32, i32) {
    %c0_i32 = arith.constant 0 : i32
    %c0_i32_0 = arith.constant 0 : i32
    return %arg0, %c0_i32 : i32, i32
  }
}

</mosaic_0001>

<sc_bundles>
// kernel: kernel.12.cloned.1.call-start
scs
__scs_entry_jumppad:
0x0: {  	(pc) =	sbr.rel $0x88, $3  }
0x1: {  	(tag) =	ssettag $0x0;
	lr =	simm.s32 $0x1  }
0x2: {  	[smem:$0x3F9B] =	sst lr;
	_ =	strace $0xD0000000  }
0x3: {  	_ = 	snop  }
0x4: {  	_ = 	snop  }
0x5: {  	_ = 	snop  }
0x6: {  	_ = 	snop  }
0x7: {  	_ = 	snop  }
__scs_overlays_trampoline_lowered:
0x8: {  	[smem:$0x3FAA] =	sst s0  }
0x9: {  	[smem:$0x3FAB] =	sst s1  }
0xa: {  	[smem:$0x3FAC] =	sst s2  }
0xb: {  	[smem:$0x3FAD] =	sst s3  }
0xc: {  	[smem:$0x3FAE] =	sst s4  }
0xd: {  	[smem:$0x3FAF] =	sst s5  }
0xe: {  	[smem:$0x3FB0] =	sst s6  }
0xf: {  	[smem:$0x3FB1] =	sst s7  }
0x10: {  	[smem:$0x3FB2] =	sst s8  }
0x11: {  	[smem:$0x3FB3] =	sst s9;
	s0 =	simm.s32 @!p0 $0x0  }
0x12: {  	s1 =	sld [smem:$0x3F99];
	s0 =	simm.s32 @p0 $0x1  }
0x13: {  	[smem:$0x3FB4] =	sst s0;
	s0 =	simm.s32 @!p1 $0x0  }
0x14: {  	s2 =	sld [smem:$0x3F98];
	s0 =	simm.s32 @p1 $0x1  }
0x15: {  	[smem:$0x3FB5] =	sst s0;
	s0 =	simm.s32 @!p2 $0x0  }
0x16: {  	s3 =	sld [smem:$0x3FDB];
	s0 =	simm.s32 @p2 $0x1  }
0x17: {  	s4 =	simm.s32 $0x1BF5;
	[smem:$0x3FB7] =	sst s0  }
0x18: {  	s0 =	sld [smem:$0x3F9A];
	_ =	swait.ge [sflag:s4], $0x0  }
0x19: {  	s7 =	sld [smem:$0x3F9B]  }
0x1a: {  	s8 =	sadd.s32 $0xFFFFE003, lr  }
0x1b: {  	s9 =	sadd.s32 $0xFFFFFEF7, lr;
	s5 =	simm.s32 $0xFFFFFFFF;
	p2 =	slt.u32 s8, $0xFFFFF086  }
0x1c: {  	p1 =	slt.u32 s9, $0xF7A;
	s5 =	simm.s32 @!p2 $0x0  }
0x1d: {  	s5 =	simm.s32 @p1 $0x1;
	p0 =	seq.s32 s7, s2  }
0x1e: {  	s7 =	smul.u32 @!p0 $0xF7A, s2;
	p2 =	seq.s32 @!p0 s5, $0x0  }
0x1f: {  	s9 =	smul.u32 $0xF7A, s1;
	s8 =	simm.s32 @!p0 $0x1BF5;
	p2 =	por !p2, p0  }
0x20: {  	[sflag:s8] =	ssyncset.s32 @!p0 $0xFFFFF086;
	s6 =	sadd.s32 @!p0 s3, s7;
	s7 =	simm.s32 @!p0 $0x108  }
0x21: {  	s3 =	sadd.s32 s3, s9;
	s6 =	sadd.s32 @!p0 $0x88, s6;
	s7 =	simm.s32 @p2 $0x1082  }
0x22: {  	[simem:s7], [sflag:s8] =	dma.local @!p0 [hbm:s6], $0xF7A  }
0x23: {  	s9 =	sor.u32 $0xD0000000, s2;
	s6 =	simm.s32 $0x108;
	_ =	swait.ge @!p0 [sflag:s8], $0x0  }
0x24: {  	s3 =	sadd.s32 $0x88, s3;
	s6 =	simm.s32 @!p1 $0x1082;
	[sflag:s4] =	ssyncset.s32 $0xFFFFF086  }
0x25: {  	[simem:s6], [sflag:s4] =	dma.local [hbm:s3], $0xF7A  }
0x26: {  	[smem:$0x3F9B] =	sst s1;
	(tag) =	ssettag s2;
	_ =	strace s9  }
0x27: {  	s1 =	sld [smem:$0x3FAB]  }
0x28: {  	s2 =	sld [smem:$0x3FAC]  }
0x29: {  	s4 =	sld [smem:$0x3FAE]  }
0x2a: {  	p0 =	seq.s32 s5, $0x0;
	s5 =	sld [smem:$0x3FAF]  }
0x2b: {  	s6 =	sld [smem:$0x3FB0]  }
0x2c: {  	s7 =	sld [smem:$0x3FB1]  }
0x2d: {  	s3 =	simm.s32 $0x108;
	s8 =	sld [smem:$0x3FB2]  }
0x2e: {  	s3 =	simm.s32 @!p0 $0x1082;
	s9 =	sld [smem:$0x3FB3]  }
0x2f: {  	lr =	sadd.s32 s0, s3;
	s0 =	sld [smem:$0x3FAA]  }
0x30: {  	s3 =	sld [smem:$0x3FAD]  }
0x31: {  	[smem:$0x3FB6] =	sst s10  }
0x32: {  	s10 =	sld [smem:$0x3FB4];
	_ =	sdelay $0x3  }
0x33: {  	p0 =	seq.s32 s10, $0x1;
	s10 =	sld [smem:$0x3FB6];
	_ =	sdelay $0x3  }
0x34: {  	[smem:$0x3FB6] =	sst s10  }
0x35: {  	s10 =	sld [smem:$0x3FB5];
	_ =	sdelay $0x3  }
0x36: {  	p1 =	seq.s32 s10, $0x1;
	s10 =	sld [smem:$0x3FB6];
	_ =	sdelay $0x3  }
0x37: {  	[smem:$0x3FB6] =	sst s10  }
0x38: {  	s10 =	sld [smem:$0x3FB7]  }
0x39: {  	_ = 	snop;
	(pc) =	sbr.ind lr, $3  }
0x3a: {  	_ = 	snop  }
0x3b: {  	_ = 	snop  }
0x3c: {  	p2 =	seq.s32 s10, $0x1;
	s10 =	sld [smem:$0x3FB6]  }
0x3d: {  	_ =	shalt  }
0x3e: {  	_ =	shalt  }
0x3f: {  	_ =	shalt  }
0x40: {  	_ =	shalt  }
0x41: {  	_ =	shalt  }
0x42: {  	_ =	shalt  }
0x43: {  	_ =	shalt  }
0x44: {  	_ =	shalt  }
0x45: {  	_ =	shalt  }
0x46: {  	_ =	shalt  }
0x47: {  	_ =	shalt  }
0x48: {  	_ =	shalt  }
0x49: {  	_ =	shalt  }
0x4a: {  	_ =	shalt  }
0x4b: {  	_ =	shalt  }
0x4c: {  	_ =	shalt  }
0x4d: {  	_ =	shalt  }
0x4e: {  	_ =	shalt  }
0x4f: {  	_ =	shalt  }
0x50: {  	_ =	shalt  }
0x51: {  	_ =	shalt  }
0x52: {  	_ =	shalt  }
0x53: {  	_ =	shalt  }
0x54: {  	_ =	shalt  }
0x55: {  	_ =	shalt  }
0x56: {  	_ =	shalt  }
0x57: {  	_ =	shalt  }
0x58: {  	_ =	shalt  }
0x59: {  	_ =	shalt  }
0x5a: {  	_ =	shalt  }
0x5b: {  	_ =	shalt  }
0x5c: {  	_ =	shalt  }
0x5d: {  	_ =	shalt  }
0x5e: {  	_ =	shalt  }
0x5f: {  	_ =	shalt  }
0x60: {  	_ =	shalt  }
0x61: {  	_ =	shalt  }
0x62: {  	_ =	shalt  }
0x63: {  	_ =	shalt  }
0x64: {  	_ =	shalt  }
0x65: {  	_ =	shalt  }
0x66: {  	_ =	shalt  }
0x67: {  	_ =	shalt  }
0x68: {  	_ =	shalt  }
0x69: {  	_ =	shalt  }
0x6a: {  	_ =	shalt  }
0x6b: {  	_ =	shalt  }
0x6c: {  	_ =	shalt  }
0x6d: {  	_ =	shalt  }
0x6e: {  	_ =	shalt  }
0x6f: {  	_ =	shalt  }
0x70: {  	_ =	shalt  }
0x71: {  	_ =	shalt  }
0x72: {  	_ =	shalt  }
0x73: {  	_ =	shalt  }
0x74: {  	_ =	shalt  }
0x75: {  	_ =	shalt  }
0x76: {  	_ =	shalt  }
0x77: {  	_ =	shalt  }
0x78: {  	_ =	shalt  }
0x79: {  	_ =	shalt  }
0x7a: {  	_ =	shalt  }
0x7b: {  	_ =	shalt  }
0x7c: {  	_ =	shalt  }
0x7d: {  	_ =	shalt  }
0x7e: {  	_ =	shalt  }
0x7f: {  	_ =	shalt  }
0x80: {  	_ =	shalt  }
0x81: {  	_ =	shalt  }
0x82: {  	_ =	shalt  }
0x83: {  	_ =	shalt  }
0x84: {  	_ =	shalt  }
0x85: {  	_ =	shalt  }
0x86: {  	_ =	shalt  }
0x87: {  	_ =	shalt  }
.Lfunc_end0:
.L_simem_size_0:
called_computation.1_lowered:
.L_overlay_start_0:
0x88: {  	s2 =	sld [smem:$0x3FD9]  }
0x89: {  	s3 =	sld [smem:$0x3FFE];
	_ =	sdelay $0x1  }
0x8a: {  	s1 =	srdreg.scid  }
0x8b: {  	s0 =	sand.u32 $0x1, s1  }
0x8c: {  	s17 =	sshll.u32 s0, $0xA;
	s2 =	sadd.s32 s3, s2  }
0x8d: {  	s2 =	sadd.s32 s2, s17  }
0x8e: {  	[smem:$0x3FC2] =	sst s2  }
0x8f: {  	_ = 	snop  }
0x90: {  	s18 =	sld [smem:$0x3FD0];
	(tm) =	ssettm $0x1  }
0x91: {  	s19 =	sld [smem:$0x3FFB];
	_ =	sdelay $0x3  }
0x92: {  	_ =	strace s19  }
0x93: {  	s2 =	sld [smem:$0x3FFC];
	_ =	sdelay $0x3  }
0x94: {  	_ =	strace s2  }
0x95: {  	s2 =	sld [smem:$0x3FFD];
	_ =	sdelay $0x3  }
0x96: {  	_ =	strace s2  }
0x97: {  	_ =	strace $0x8FFFFFFF  }
0x98: {  	s20 =	sld [smem:$0x3FDB];
	_ =	sdelay $0x1  }
0x99: {  	s4 =	simm.s32 $_scs_section_size  }
0x9a: {  	s5 =	simm.s32 $_size__tile_overlayer_lowered;
	s6 =	simm.s32 $_tile_overlayer_lowered  }
0x9b: {  	s7 =	simm.s32 $0x1BFF;
	s21 =	sshll.u32 s6, $0x1;
	s4 =	sadd.s32 s4, s20  }
0x9c: {  	s22 =	simm.s32 $0x0;
	s5 =	sshll.u32 s5, $0x1;
	s6 =	sadd.s32 s21, s4  }
0x9d: {  	[timem:s22], [sflag:s7] =	dma.local [hbm:s6], s5  }
0x9e: {  	_ =	swait.ge [sflag:s7], s5  }
0x9f: {  	s5 =	ssub.s32 $0x0, s5;
	[sflag:s7] =	ssyncset.done $0x0  }
0xa0: {  	[sflag:s7] =	ssyncadd.s32 s5;
	_ =	sdelay $0x1  }
0xa1: {  	s23 =	simm.s32 $0x1B8B  }
0xa2: {  	_ =	swait.ge [sflag:s23], $0x1  }
0xa3: {  	[sflag:s23] =	ssyncset.done $0x0  }
0xa4: {  	[sflag:s23] =	ssyncadd.s32 $0xFFFFFFFF  }
0xa5: {  	s5 =	sld [smem:$0x0]  }
0xa6: {  	s6 =	sand.u32 $0xFFFFFFFE, s1  }
0xa7: {  	p0 =	sne.s32 s1, s6  }
0xa8: {  	s6 =	sshll.u32 @p0 s6, $0xE  }
0xa9: {  	s6 =	sadd.s32 @p0 $0x11B8D, s6;
	s7 =	sshll.u32 @p0 s5, $0x11  }
0xaa: {  	s6 =	sor.u32 @p0 s7, s6  }
0xab: {  	[sflag:s6] =	ssyncadd.remote.s32 @p0 $0x1;
	_ =	sdelay $0x1  }
0xac: {  	s6 =	simm.s32 @p0 $0x1B8D  }
0xad: {  	_ =	swait.eq @p0 [sflag:s6], $0x1  }
0xae: {  	[sflag:s6] =	ssyncadd.s32 @p0 $0xFFFFFFFF  }
0xaf: {  	s7 =	sshll.u32 @!p0 s1, $0xE  }
0xb0: {  	s7 =	sor.u32 @!p0 $0x4000, s7;
	s6 =	simm.s32 @!p0 $0x1B8D  }
0xb1: {  	s5 =	sshll.u32 @!p0 s5, $0x11;
	s7 =	sadd.s32 @!p0 $0x11B8D, s7;
	_ =	swait.eq @!p0 [sflag:s6], $0x1  }
0xb2: {  	s5 =	sor.u32 @!p0 s5, s7;
	[sflag:s6] =	ssyncadd.s32 @!p0 $0xFFFFFFFF  }
0xb3: {  	s25 =	simm.s32 $0x1B8E;
	s24 =	sld [smem:$0x3FFE];
	[sflag:s5] =	ssyncadd.remote.s32 @!p0 $0x1  }
0xb4: {  	s26 =	simm.s32 $execute0_lowered;
	[smem:$0x3FD2] =	sst s25  }
0xb5: {  	s6 =	sshll.u32 s26, $0x1;
	_ =	strace $0x8000004C;
	[dreg:$0x1] =	wrdreg $0xFFFFFFFF  }
0xb6: {  	s28 =	simm.s32 $_size_execute0_lowered;
	s4 =	sadd.s32 s4, s6;
	[dreg:$0x0] =	wrdreg $0x0  }
0xb7: {  	s6 =	sshll.u32 s28, $0x1;
	[dreg:$0x2] =	wrdreg s4  }
0xb8: {  	[dreg:$0x3] =	wrdreg s6  }
0xb9: {  	[dreg:$0x4] =	wrdreg $0xC0  }
0xba: {  	_ =	task [dreg:s22], $0x5FFFF  }
0xbb: {  	[dreg:$0x1] =	wrdreg $0xFFFFFFFF  }
0xbc: {  	[dreg:$0x0] =	wrdreg $0x60  }
0xbd: {  	[dreg:$0x2] =	wrdreg s24  }
0xbe: {  	[dreg:$0x3] =	wrdreg s18  }
0xbf: {  	[dreg:$0x4] =	wrdreg $0xD0000  }
0xc0: {  	[dreg:$0x5] =	wrdreg $0x9  }
0xc1: {  	_ =	task.clear_ibuf [dreg:s22], $0x6FFFF;
	_ =	strace $0x9000004C  }
0xc2: {  	s29 =	simm.s32 $0x9;
	_ =	strace $0x8000004E  }
0xc3: {  	_ =	swait.ge [sflag:s29], $0x1  }
0xc4: {  	[sflag:s29] =	ssyncadd.s32 $0xFFFFFFFF  }
0xc5: {  	_ =	strace $0x9000004E  }
0xc6: {  	_ =	sfence  }
0xc7: {  	s30 =	sld [smem:$0x0];
	_ =	sdelay $0x2  }
0xc8: {  	s31 =	sshll.u32 s1, $0xD;
	s1 =	sshrl.u32 s1, $0x2  }
0xc9: {  	s4 =	sand.u32 $0x4000, s31;
	s1 =	sadd.s32 s1, s30  }
0xca: {  	s0 =	sor.u32 s4, s0;
	s1 =	sshll.u32 s1, $0x11  }
0xcb: {  	s0 =	sor.u32 s1, s0  }
0xcc: {  	s0 =	sadd.s32 $0x8F2B, s0  }
0xcd: {  	[sflag:s0] =	ssyncadd.remote.s32 $0x1  }
0xce: {  	_ =	sfence.sel $0xFFFF  }
0xcf: {  	[dreg:$0x0] =	wrdreg $0xFFFFFFFF;
	(pc) =	sbr.abs _section_cstart, $3  }
0xd0: {  	[dreg:$0x1] =	wrdreg $0xFFFFFFFF  }
0xd1: {  	_ =	task.clear_ibuf [dreg:s22], $0x2FFFF;
	_ =	strace $0x9FFFFFFF  }
0xd2: {  	(tm) =	ssettm $0x7FFFFFFF  }
0xd3: {  	_ =	shalt  }
tec
execute0_lowered:
.L_overlay_start_1:
0x0: {  	(tag) =	ssettag $0x1  }
0x1: {  	s0 =	rddreg [dreg:$0x0]  }
0x2: {  	s1 =	rddreg [dreg:$0x1]  }
0x3: {  	s2 =	rddreg [dreg:$0x2]  }
0x4: {  	s4 =	srdreg.scid;
	s9 =	stileid.u32;
	s3 =	simm.s32 $0x0  }
0x5: {  	s14 =	simm.s32 $0x9;
	s15 =	simm.s32 $0x2800;
	s16 =	simm.s32 $0x5000  }
0x6: {  	s17 =	simm.s32 $0x80;
	s18 =	simm.s32 $0x7000;
	s20 =	simm.s32 $0x9000  }
0x7: {  	s22 =	simm.s32 $0xB000;
	s23 =	simm.s32 $0x1;
	s24 =	simm.s32 $0x2  }
0x8: {  	s29 =	simm.s32 $0x5;
	s31 =	simm.s32 $0x4;
	s21 =	simm.s32 $0x7  }
0x9: {  	s25 =	simm.s32 $0x8;
	s30 =	simm.s32 $0x0;
	s5 =	sand.u32 $0x1, s4  }
0xa: {  	s7 =	smul.u32 $0xA000, s9;
	[smem:$0x7FF] =	sst s3;
	s4 =	sshll.u32 s5, $0x4  }
0xb: {  	s6 =	smul.u32 $0xA0000, s5;
	_ =	strace $0x8000004D;
	s5 =	ssub.s32 $0x2, s5  }
0xc: {  	s8 =	sor.u32 s9, s4;
	s4 =	sadd.s32 $0x52000, s0;
	s9 =	smul.u32 $0x28000, s9  }
0xd: {  	s26 =	sshrl.u32 s5, $0x1;
	s8 =	smul.u32 $0x500, s8;
	s6 =	sadd.s32 s7, s6  }
0xe: {  	s13 =	ssub.s32 s5, s26;
	s7 =	sadd.s32 s7, s2;
	s26 =	simm.s32 $0x3  }
.Ltmp0:
0xf: {  	s6 =	sshrl.u32 s6, $0x3;
	s9 =	sshrl.u32 s9, $0x2;
	(pc) =	sbr.rel .LBB2_1-.Ltmp0, $4  }
0x10: {  	s13 =	smax.u32 s13, $0x1;
	s10 =	sadd.s32 s8, s0;
	s0 =	sadd.s32 s6, s0  }
0x11: {  	s6 =	sadd.s32 s1, s8;
	s28 =	sadd.s32 s9, s2;
	s1 =	simm.s32 $0x6  }
0x12: {  	s5 =	sadd.s32 $0xC000, s10;
	s8 =	sadd.s32 $0x2000, s28;
	s9 =	sadd.s32 $0x4000, s28  }
0x13: {  	v0 =	vimm.f32 $0.0e+00;
	s10 =	sadd.s32 $0x6000, s28;
	s11 =	sadd.s32 $0x8000, s28;
	s12 =	sadd.s32 $0x66000, s0  }
.LBB2_6:
0x14: {  	_ =	swait.ge [sflag:s31], $0x2000  }
0x15: {  	[sflag:s31] =	ssyncset.done $0x0  }
0x16: {  	s0 =	simm.s32 $0x4F80;
	[sflag:s31] =	ssyncadd.s32 $0xFFFFE000  }
0x17: {  	[spmem:s2] =	stream.indirect.scatter.add.f32 [tilespmem:s22], [sflag:$0x8], $0x40, s0, s17, $0xb8;
	[tilespmem:$0x17000] =	vst v63  }
0x18: {  	_ =	swait.ge [sflag:s29], $0x2000  }
0x19: {  	[sflag:s29] =	ssyncset.done $0x0  }
0x1a: {  	[sflag:s29] =	ssyncadd.s32 $0xFFFFE000  }
0x1b: {  	_ =	swait.ge [sflag:s1], $0x2000  }
0x1c: {  	[sflag:s1] =	ssyncset.done $0x0  }
0x1d: {  	[sflag:s1] =	ssyncadd.s32 $0xFFFFE000  }
0x1e: {  	_ =	swait.ge [sflag:s21], $0x2000  }
0x1f: {  	[sflag:s21] =	ssyncset.done $0x0  }
0x20: {  	[sflag:s21] =	ssyncadd.s32 $0xFFFFE000  }
0x21: {  	s28 =	stileid.u32;
	_ =	swait.ge [sflag:s25], $0x2000  }
0x22: {  	s19 =	sshrl.u32 s7, $0x3;
	s30 =	sadd.s32 $0x1, s30;
	[sflag:s25] =	ssyncset.done $0x0  }
0x23: {  	p0 =	sne.s32 s30, s13;
	s0 =	sshll.u32 s28, $0x6;
	[sflag:s25] =	ssyncadd.s32 $0xFFFFE000  }
.Ltmp1:
0x24: {  	s0 =	sor.u32 $0x1C09, s0;
	[bflag:$0x0] =	sbarrier.arrive $0xFFFF;
	(pc) =	sbr.rel @!p0 .LBB2_7-.Ltmp1, $4  }
0x25: {  	[hbm:s12], [sflag:s0] =	dma.local [spmem:s19], $0x1400  }
0x26: {  	_ =	swait.ge [sflag:s14], $0x1400  }
0x27: {  	[sflag:s14] =	ssyncset.done $0x0  }
0x28: {  	[sflag:s14] =	ssyncadd.s32 $0xFFFFEC00  }
.LBB2_1:
0x29: {  	[tilespmem:s3], [sflag:$0x9] =	stream.linear.gather [hbm4b:s5+s3], $0x2800, $0x38;
	[tilespmem:$0x17000] =	vst v63  }
0x2a: {  	_ =	swait.ge [sflag:s14], $0x2800  }
0x2b: {  	[sflag:s14] =	ssyncset.done $0x0  }
0x2c: {  	[sflag:s14] =	ssyncadd.s32 $0xFFFFD800  }
0x2d: {  	[tilespmem:s15], [sflag:$0x9] =	stream.linear.gather [hbm4b:s6+s3], $0x2800, $0x38;
	[tilespmem:$0x17000] =	vst v63  }
0x2e: {  	_ =	swait.ge [sflag:s14], $0x2800  }
0x2f: {  	[sflag:s14] =	ssyncset.done $0x0  }
0x30: {  	s0 =	simm.s32 $0x5040;
	[sflag:s14] =	ssyncadd.s32 $0xFFFFD800  }
0x31: {  	[tilespmem:s0+$0xFFFFFFC0] =	vst v0  }
0x32: {  	[tilespmem:s0+$0x30] =	vst v0  }
0x33: {  	[tilespmem:s0+$0x20] =	vst v0  }
0x34: {  	[tilespmem:s0+$0x10] =	vst v0  }
0x35: {  	[tilespmem:s0+$0x0] =	vst v0  }
0x36: {  	[tilespmem:s0+$0xFFFFFFF0] =	vst v0  }
0x37: {  	s19 =	simm.s32 $0x0;
	[tilespmem:s0+$0xFFFFFFE0] =	vst v0  }
.LBB2_2:
0x38: {  	s19 =	sadd.s32 $0x2, s19;
	[tilespmem:s0+$0xFFFFFFD0] =	vst v0;
	s0 =	sadd.s32 $0x80, s0  }
0x39: {  	[tilespmem:s0+$0xFFFFFFC0] =	vst v0;
	p0 =	slt.u32 s19, $0x7E  }
0x3a: {  	[tilespmem:s0+$0x30] =	vst v0  }
.Ltmp2:
0x3b: {  	[tilespmem:s0+$0x20] =	vst v0;
	(pc) =	sbr.rel @p0 .LBB2_2-.Ltmp2, $4  }
0x3c: {  	[tilespmem:s0+$0x10] =	vst v0  }
0x3d: {  	[tilespmem:s0+$0x0] =	vst v0  }
0x3e: {  	[tilespmem:s0+$0xFFFFFFF0] =	vst v0  }
0x3f: {  	[tilespmem:s0+$0xFFFFFFE0] =	vst v0  }
0x40: {  	[tilespmem:s0+$0xFFFFFFD0] =	vst v0  }
0x41: {  	[spmem:s7] =	stream.linear.scatter [tilespmem:s16], [sflag:$0x9], $0x2000, $0x38;
	[tilespmem:$0x17000] =	vst v63  }
0x42: {  	_ =	swait.ge [sflag:s14], $0x2000  }
0x43: {  	[sflag:s14] =	ssyncset.done $0x0  }
0x44: {  	[sflag:s14] =	ssyncadd.s32 $0xFFFFE000  }
0x45: {  	[spmem:s8] =	stream.linear.scatter [tilespmem:s16], [sflag:$0x9], $0x2000, $0x38;
	[tilespmem:$0x17000] =	vst v63  }
0x46: {  	_ =	swait.ge [sflag:s14], $0x2000  }
0x47: {  	[sflag:s14] =	ssyncset.done $0x0  }
0x48: {  	[sflag:s14] =	ssyncadd.s32 $0xFFFFE000  }
0x49: {  	[spmem:s9] =	stream.linear.scatter [tilespmem:s16], [sflag:$0x9], $0x2000, $0x38;
	[tilespmem:$0x17000] =	vst v63  }
0x4a: {  	_ =	swait.ge [sflag:s14], $0x2000  }
0x4b: {  	[sflag:s14] =	ssyncset.done $0x0  }
0x4c: {  	[sflag:s14] =	ssyncadd.s32 $0xFFFFE000  }
0x4d: {  	[spmem:s10] =	stream.linear.scatter [tilespmem:s16], [sflag:$0x9], $0x2000, $0x38;
	[tilespmem:$0x17000] =	vst v63  }
0x4e: {  	_ =	swait.ge [sflag:s14], $0x2000  }
0x4f: {  	[sflag:s14] =	ssyncset.done $0x0  }
0x50: {  	[sflag:s14] =	ssyncadd.s32 $0xFFFFE000  }
0x51: {  	[spmem:s11] =	stream.linear.scatter [tilespmem:s16], [sflag:$0x9], $0x2000, $0x38;
	[tilespmem:$0x17000] =	vst v63  }
0x52: {  	_ =	swait.ge [sflag:s14], $0x2000  }
0x53: {  	[sflag:s14] =	ssyncset.done $0x0  }
0x54: {  	s0 =	simm.s32 $0x0;
	[sflag:s14] =	ssyncadd.s32 $0xFFFFE000  }
0x55: {  	[tilespmem:s16], [sflag:$0x1] =	stream.indirect.gather [hbm4b:s4+s17], $0x40, s0, s17, $0xb8;
	[tilespmem:$0x17000] =	vst v63  }
0x56: {  	_ = 	snop  }
0x57: {  	[tilespmem:s18], [sflag:$0x2] =	stream.indirect.gather [hbm4b:s4+s17], $0x40, s17, s17, $0xb8;
	[tilespmem:$0x17000] =	vst v63  }
0x58: {  	s19 =	simm.s32 $0x100  }
0x59: {  	[tilespmem:s20], [sflag:$0x3] =	stream.indirect.gather [hbm4b:s4+s17], $0x40, s19, s17, $0xb8;
	[tilespmem:$0x17000] =	vst v63  }
0x5a: {  	s28 =	simm.s32 $0x180  }
0x5b: {  	[tilespmem:s22], [sflag:$0x4] =	stream.indirect.gather [hbm4b:s4+s17], $0x40, s28, s17, $0xb8;
	[tilespmem:$0x17000] =	vst v63  }
0x5c: {  	[bflag:$0x0] =	sbarrier.arrive $0xFFFF  }
0x5d: {  	_ =	swait.ge [sflag:s23], $0x2000  }
0x5e: {  	[sflag:s23] =	ssyncset.done $0x0  }
0x5f: {  	[sflag:s23] =	ssyncadd.s32 $0xFFFFE000  }
0x60: {  	[spmem:s2] =	stream.indirect.scatter.add.f32 [tilespmem:s16], [sflag:$0x5], $0x40, s15, s17, $0xb8;
	[tilespmem:$0x17000] =	vst v63  }
0x61: {  	_ =	swait.ge [sflag:s24], $0x2000  }
0x62: {  	[sflag:s24] =	ssyncset.done $0x0  }
0x63: {  	s28 =	simm.s32 $0x2880;
	[sflag:s24] =	ssyncadd.s32 $0xFFFFE000  }
0x64: {  	[spmem:s2] =	stream.indirect.scatter.add.f32 [tilespmem:s18], [sflag:$0x6], $0x40, s28, s17, $0xb8;
	[tilespmem:$0x17000] =	vst v63  }
0x65: {  	_ =	swait.ge [sflag:s26], $0x2000  }
0x66: {  	[sflag:s26] =	ssyncset.done $0x0  }
0x67: {  	s28 =	simm.s32 $0x2900;
	[sflag:s26] =	ssyncadd.s32 $0xFFFFE000  }
0x68: {  	[spmem:s2] =	stream.indirect.scatter.add.f32 [tilespmem:s20], [sflag:$0x7], $0x40, s28, s17, $0xb8;
	[tilespmem:$0x17000] =	vst v63  }
0x69: {  	_ =	swait.ge [sflag:s29], $0x2000  }
0x6a: {  	[sflag:s29] =	ssyncset.done $0x0  }
0x6b: {  	s28 =	simm.s32 $0x200;
	[sflag:s29] =	ssyncadd.s32 $0xFFFFE000  }
0x6c: {  	[tilespmem:s16], [sflag:$0x1] =	stream.indirect.gather [hbm4b:s4+s17], $0x40, s28, s17, $0xb8;
	[tilespmem:$0x17000] =	vst v63  }
0x6d: {  	_ =	swait.ge [sflag:s31], $0x2000  }
0x6e: {  	[sflag:s31] =	ssyncset.done $0x0  }
0x6f: {  	s28 =	simm.s32 $0x2980;
	[sflag:s31] =	ssyncadd.s32 $0xFFFFE000  }
0x70: {  	[spmem:s2] =	stream.indirect.scatter.add.f32 [tilespmem:s22], [sflag:$0x8], $0x40, s28, s17, $0xb8;
	[tilespmem:$0x17000] =	vst v63  }
0x71: {  	_ =	swait.ge [sflag:s1], $0x2000  }
0x72: {  	[sflag:s1] =	ssyncset.done $0x0  }
0x73: {  	s28 =	simm.s32 $0x280;
	[sflag:s1] =	ssyncadd.s32 $0xFFFFE000  }
0x74: {  	[tilespmem:s18], [sflag:$0x2] =	stream.indirect.gather [hbm4b:s4+s17], $0x40, s28, s17, $0xb8;
	[tilespmem:$0x17000] =	vst v63  }
.LBB2_4:
0x75: {  	_ =	swait.ge [sflag:s23], $0x2000  }
0x76: {  	s19 =	sshra.s32 s0, $0x2;
	[sflag:s23] =	ssyncset.done $0x0  }
0x77: {  	s28 =	sadd.s32 $0x2A00, s19;
	[sflag:s23] =	ssyncadd.s32 $0xFFFFE000  }
0x78: {  	[spmem:s2] =	stream.indirect.scatter.add.f32 [tilespmem:s16], [sflag:$0x5], $0x40, s28, s17, $0xb8;
	[tilespmem:$0x17000] =	vst v63  }
0x79: {  	_ =	swait.ge [sflag:s21], $0x2000  }
0x7a: {  	[sflag:s21] =	ssyncset.done $0x0  }
0x7b: {  	s28 =	sadd.s32 $0x300, s19;
	[sflag:s21] =	ssyncadd.s32 $0xFFFFE000  }
0x7c: {  	[tilespmem:s20], [sflag:$0x3] =	stream.indirect.gather [hbm4b:s4+s17], $0x40, s28, s17, $0xb8;
	[tilespmem:$0x17000] =	vst v63  }
0x7d: {  	_ =	swait.ge [sflag:s24], $0x2000  }
0x7e: {  	[sflag:s24] =	ssyncset.done $0x0  }
0x7f: {  	s28 =	sadd.s32 $0x2A80, s19;
	[sflag:s24] =	ssyncadd.s32 $0xFFFFE000  }
0x80: {  	[spmem:s2] =	stream.indirect.scatter.add.f32 [tilespmem:s18], [sflag:$0x6], $0x40, s28, s17, $0xb8;
	[tilespmem:$0x17000] =	vst v63  }
0x81: {  	_ =	swait.ge [sflag:s25], $0x2000  }
0x82: {  	[sflag:s25] =	ssyncset.done $0x0  }
0x83: {  	p0 =	seq.s32 s0, $0x9000;
	s28 =	sadd.s32 $0x380, s19;
	[sflag:s25] =	ssyncadd.s32 $0xFFFFE000  }
0x84: {  	[tilespmem:s22], [sflag:$0x4] =	stream.indirect.gather [hbm4b:s4+s17], $0x40, s28, s17, $0xb8;
	[tilespmem:$0x17000] =	vst v63  }
.Ltmp3:
0x85: {  	_ = 	snop;
	(pc) =	sbr.rel @p0 .LBB2_6-.Ltmp3, $4  }
0x86: {  	_ =	swait.ge [sflag:s26], $0x2000  }
0x87: {  	[sflag:s26] =	ssyncset.done $0x0  }
0x88: {  	s28 =	sadd.s32 $0x2B00, s19;
	[sflag:s26] =	ssyncadd.s32 $0xFFFFE000  }
0x89: {  	[spmem:s2] =	stream.indirect.scatter.add.f32 [tilespmem:s20], [sflag:$0x7], $0x40, s28, s17, $0xb8;
	[tilespmem:$0x17000] =	vst v63  }
0x8a: {  	_ =	swait.ge [sflag:s29], $0x2000  }
0x8b: {  	[sflag:s29] =	ssyncset.done $0x0  }
0x8c: {  	s28 =	sadd.s32 $0x400, s19;
	[sflag:s29] =	ssyncadd.s32 $0xFFFFE000  }
0x8d: {  	[tilespmem:s16], [sflag:$0x1] =	stream.indirect.gather [hbm4b:s4+s17], $0x40, s28, s17, $0xb8;
	[tilespmem:$0x17000] =	vst v63  }
0x8e: {  	_ =	swait.ge [sflag:s31], $0x2000  }
0x8f: {  	[sflag:s31] =	ssyncset.done $0x0  }
0x90: {  	s28 =	sadd.s32 $0x2B80, s19;
	[sflag:s31] =	ssyncadd.s32 $0xFFFFE000  }
0x91: {  	[spmem:s2] =	stream.indirect.scatter.add.f32 [tilespmem:s22], [sflag:$0x8], $0x40, s28, s17, $0xb8;
	[tilespmem:$0x17000] =	vst v63  }
.Ltmp4:
0x92: {  	_ = 	snop;
	(pc) =	sbr.rel .LBB2_4-.Ltmp4, $4  }
0x93: {  	_ =	swait.ge [sflag:s1], $0x2000  }
0x94: {  	[sflag:s1] =	ssyncset.done $0x0  }
0x95: {  	s0 =	sadd.s32 $0x800, s0;
	s28 =	sadd.s32 $0x480, s19;
	[sflag:s1] =	ssyncadd.s32 $0xFFFFE000  }
0x96: {  	[tilespmem:s18], [sflag:$0x2] =	stream.indirect.gather [hbm4b:s4+s17], $0x40, s28, s17, $0xb8;
	[tilespmem:$0x17000] =	vst v63  }
.LBB2_7:
0x97: {  	_ =	sfence.sel $0x180000  }
0x98: {  	[bflag:$0x0] =	sbarrier.arrive $0xFFFF  }
0x99: {  	_ =	strace $0x9000004D  }
0x9a: {  	s0 =	stileid.u32;
	[bflag:$0x2] =	sbarrier.arrive $0xFFFF  }
0x9b: {  	p0 =	sne.s32 s0, $0x0;
	s0 =	rddreg [dreg:$0x3]  }
0x9c: {  	s0 =	sadd.s32 @!p0 $0x100000, s0  }
0x9d: {  	[sflag:s0] =	ssyncadd.tile.s32 @!p0 $0x1;
	_ =	shalt  }
.Lfunc_end2:
_tile_overlayer_lowered:
.L_overlay_start_2:
0x9e: {  	(tag) =	ssettag $0x2  }
0x9f: {  	s0 =	rddreg [dreg:$0x0];
	s2 =	stileid.u32  }
0xa0: {  	s1 =	rddreg [dreg:$0x1];
	p0 =	sne.s32 s2, $0x0  }
0xa1: {  	s3 =	rddreg [dreg:$0x2];
	[bflag:$0x3] =	sbarrier.arrive $0xFFFF;
	s2 =	simm.s32 @!p0 $0x1C09  }
0xa2: {  	[timem:s3], [sflag:s2] =	dma.local @!p0 [hbm:s0], s1  }
0xa3: {  	s0 =	simm.s32 @!p0 $0x9  }
0xa4: {  	_ =	swait.ge @!p0 [sflag:s0], s1  }
0xa5: {  	s1 =	ssub.s32 @!p0 $0x0, s1;
	[sflag:s0] =	ssyncset.done @!p0 $0x0  }
0xa6: {  	[sflag:s0] =	ssyncadd.s32 @!p0 s1  }
0xa7: {  	[bflag:$0x3] =	sbarrier.arrive $0xFFFF  }
0xa8: {  	_ =	shalt  }

// kernel: kernel.15.cloned.1.call-start
scs
__scs_entry_jumppad:
0x0: {  	(pc) =	sbr.rel $0x88, $3  }
0x1: {  	(tag) =	ssettag $0x0;
	lr =	simm.s32 $0x1  }
0x2: {  	[smem:$0x3F9B] =	sst lr;
	_ =	strace $0xD0000000  }
0x3: {  	_ = 	snop  }
0x4: {  	_ = 	snop  }
0x5: {  	_ = 	snop  }
0x6: {  	_ = 	snop  }
0x7: {  	_ = 	snop  }
__scs_overlays_trampoline_lowered:
0x8: {  	[smem:$0x3FAA] =	sst s0  }
0x9: {  	[smem:$0x3FAB] =	sst s1  }
0xa: {  	[smem:$0x3FAC] =	sst s2  }
0xb: {  	[smem:$0x3FAD] =	sst s3  }
0xc: {  	[smem:$0x3FAE] =	sst s4  }
0xd: {  	[smem:$0x3FAF] =	sst s5  }
0xe: {  	[smem:$0x3FB0] =	sst s6  }
0xf: {  	[smem:$0x3FB1] =	sst s7  }
0x10: {  	[smem:$0x3FB2] =	sst s8  }
0x11: {  	[smem:$0x3FB3] =	sst s9;
	s0 =	simm.s32 @!p0 $0x0  }
0x12: {  	s1 =	sld [smem:$0x3F99];
	s0 =	simm.s32 @p0 $0x1  }
0x13: {  	[smem:$0x3FB4] =	sst s0;
	s0 =	simm.s32 @!p1 $0x0  }
0x14: {  	s2 =	sld [smem:$0x3F98];
	s0 =	simm.s32 @p1 $0x1  }
0x15: {  	[smem:$0x3FB5] =	sst s0;
	s0 =	simm.s32 @!p2 $0x0  }
0x16: {  	s3 =	sld [smem:$0x3FDB];
	s0 =	simm.s32 @p2 $0x1  }
0x17: {  	s4 =	simm.s32 $0x1BF5;
	[smem:$0x3FB7] =	sst s0  }
0x18: {  	s0 =	sld [smem:$0x3F9A];
	_ =	swait.ge [sflag:s4], $0x0  }
0x19: {  	s7 =	sld [smem:$0x3F9B]  }
0x1a: {  	s8 =	sadd.s32 $0xFFFFE003, lr  }
0x1b: {  	s9 =	sadd.s32 $0xFFFFFEF7, lr;
	s5 =	simm.s32 $0xFFFFFFFF;
	p2 =	slt.u32 s8, $0xFFFFF086  }
0x1c: {  	p1 =	slt.u32 s9, $0xF7A;
	s5 =	simm.s32 @!p2 $0x0  }
0x1d: {  	s5 =	simm.s32 @p1 $0x1;
	p0 =	seq.s32 s7, s2  }
0x1e: {  	s7 =	smul.u32 @!p0 $0xF7A, s2;
	p2 =	seq.s32 @!p0 s5, $0x0  }
0x1f: {  	s9 =	smul.u32 $0xF7A, s1;
	s8 =	simm.s32 @!p0 $0x1BF5;
	p2 =	por !p2, p0  }
0x20: {  	[sflag:s8] =	ssyncset.s32 @!p0 $0xFFFFF086;
	s6 =	sadd.s32 @!p0 s3, s7;
	s7 =	simm.s32 @!p0 $0x108  }
0x21: {  	s3 =	sadd.s32 s3, s9;
	s6 =	sadd.s32 @!p0 $0x88, s6;
	s7 =	simm.s32 @p2 $0x1082  }
0x22: {  	[simem:s7], [sflag:s8] =	dma.local @!p0 [hbm:s6], $0xF7A  }
0x23: {  	s9 =	sor.u32 $0xD0000000, s2;
	s6 =	simm.s32 $0x108;
	_ =	swait.ge @!p0 [sflag:s8], $0x0  }
0x24: {  	s3 =	sadd.s32 $0x88, s3;
	s6 =	simm.s32 @!p1 $0x1082;
	[sflag:s4] =	ssyncset.s32 $0xFFFFF086  }
0x25: {  	[simem:s6], [sflag:s4] =	dma.local [hbm:s3], $0xF7A  }
0x26: {  	[smem:$0x3F9B] =	sst s1;
	(tag) =	ssettag s2;
	_ =	strace s9  }
0x27: {  	s1 =	sld [smem:$0x3FAB]  }
0x28: {  	s2 =	sld [smem:$0x3FAC]  }
0x29: {  	s4 =	sld [smem:$0x3FAE]  }
0x2a: {  	p0 =	seq.s32 s5, $0x0;
	s5 =	sld [smem:$0x3FAF]  }
0x2b: {  	s6 =	sld [smem:$0x3FB0]  }
0x2c: {  	s7 =	sld [smem:$0x3FB1]  }
0x2d: {  	s3 =	simm.s32 $0x108;
	s8 =	sld [smem:$0x3FB2]  }
0x2e: {  	s3 =	simm.s32 @!p0 $0x1082;
	s9 =	sld [smem:$0x3FB3]  }
0x2f: {  	lr =	sadd.s32 s0, s3;
	s0 =	sld [smem:$0x3FAA]  }
0x30: {  	s3 =	sld [smem:$0x3FAD]  }
0x31: {  	[smem:$0x3FB6] =	sst s10  }
0x32: {  	s10 =	sld [smem:$0x3FB4];
	_ =	sdelay $0x3  }
0x33: {  	p0 =	seq.s32 s10, $0x1;
	s10 =	sld [smem:$0x3FB6];
	_ =	sdelay $0x3  }
0x34: {  	[smem:$0x3FB6] =	sst s10  }
0x35: {  	s10 =	sld [smem:$0x3FB5];
	_ =	sdelay $0x3  }
0x36: {  	p1 =	seq.s32 s10, $0x1;
	s10 =	sld [smem:$0x3FB6];
	_ =	sdelay $0x3  }
0x37: {  	[smem:$0x3FB6] =	sst s10  }
0x38: {  	s10 =	sld [smem:$0x3FB7]  }
0x39: {  	_ = 	snop;
	(pc) =	sbr.ind lr, $3  }
0x3a: {  	_ = 	snop  }
0x3b: {  	_ = 	snop  }
0x3c: {  	p2 =	seq.s32 s10, $0x1;
	s10 =	sld [smem:$0x3FB6]  }
0x3d: {  	_ =	shalt  }
0x3e: {  	_ =	shalt  }
0x3f: {  	_ =	shalt  }
0x40: {  	_ =	shalt  }
0x41: {  	_ =	shalt  }
0x42: {  	_ =	shalt  }
0x43: {  	_ =	shalt  }
0x44: {  	_ =	shalt  }
0x45: {  	_ =	shalt  }
0x46: {  	_ =	shalt  }
0x47: {  	_ =	shalt  }
0x48: {  	_ =	shalt  }
0x49: {  	_ =	shalt  }
0x4a: {  	_ =	shalt  }
0x4b: {  	_ =	shalt  }
0x4c: {  	_ =	shalt  }
0x4d: {  	_ =	shalt  }
0x4e: {  	_ =	shalt  }
0x4f: {  	_ =	shalt  }
0x50: {  	_ =	shalt  }
0x51: {  	_ =	shalt  }
0x52: {  	_ =	shalt  }
0x53: {  	_ =	shalt  }
0x54: {  	_ =	shalt  }
0x55: {  	_ =	shalt  }
0x56: {  	_ =	shalt  }
0x57: {  	_ =	shalt  }
0x58: {  	_ =	shalt  }
0x59: {  	_ =	shalt  }
0x5a: {  	_ =	shalt  }
0x5b: {  	_ =	shalt  }
0x5c: {  	_ =	shalt  }
0x5d: {  	_ =	shalt  }
0x5e: {  	_ =	shalt  }
0x5f: {  	_ =	shalt  }
0x60: {  	_ =	shalt  }
0x61: {  	_ =	shalt  }
0x62: {  	_ =	shalt  }
0x63: {  	_ =	shalt  }
0x64: {  	_ =	shalt  }
0x65: {  	_ =	shalt  }
0x66: {  	_ =	shalt  }
0x67: {  	_ =	shalt  }
0x68: {  	_ =	shalt  }
0x69: {  	_ =	shalt  }
0x6a: {  	_ =	shalt  }
0x6b: {  	_ =	shalt  }
0x6c: {  	_ =	shalt  }
0x6d: {  	_ =	shalt  }
0x6e: {  	_ =	shalt  }
0x6f: {  	_ =	shalt  }
0x70: {  	_ =	shalt  }
0x71: {  	_ =	shalt  }
0x72: {  	_ =	shalt  }
0x73: {  	_ =	shalt  }
0x74: {  	_ =	shalt  }
0x75: {  	_ =	shalt  }
0x76: {  	_ =	shalt  }
0x77: {  	_ =	shalt  }
0x78: {  	_ =	shalt  }
0x79: {  	_ =	shalt  }
0x7a: {  	_ =	shalt  }
0x7b: {  	_ =	shalt  }
0x7c: {  	_ =	shalt  }
0x7d: {  	_ =	shalt  }
0x7e: {  	_ =	shalt  }
0x7f: {  	_ =	shalt  }
0x80: {  	_ =	shalt  }
0x81: {  	_ =	shalt  }
0x82: {  	_ =	shalt  }
0x83: {  	_ =	shalt  }
0x84: {  	_ =	shalt  }
0x85: {  	_ =	shalt  }
0x86: {  	_ =	shalt  }
0x87: {  	_ =	shalt  }
.Lfunc_end0:
.L_simem_size_0:
called_computation.2_lowered:
.L_overlay_start_0:
0x88: {  	s2 =	sld [smem:$0x3FD9]  }
0x89: {  	s3 =	sld [smem:$0x3FFE];
	_ =	sdelay $0x1  }
0x8a: {  	s1 =	srdreg.scid  }
0x8b: {  	s0 =	sand.u32 $0x1, s1  }
0x8c: {  	s17 =	sshll.u32 s0, $0xA;
	s2 =	sadd.s32 s3, s2  }
0x8d: {  	s2 =	sadd.s32 s2, s17  }
0x8e: {  	[smem:$0x3FC2] =	sst s2  }
0x8f: {  	_ = 	snop  }
0x90: {  	s2 =	sld [smem:$0x3FD0];
	(tm) =	ssettm $0x1  }
0x91: {  	s18 =	sld [smem:$0x3FFB];
	_ =	sdelay $0x3  }
0x92: {  	_ =	strace s18  }
0x93: {  	s3 =	sld [smem:$0x3FFC];
	_ =	sdelay $0x3  }
0x94: {  	_ =	strace s3  }
0x95: {  	s3 =	sld [smem:$0x3FFD];
	_ =	sdelay $0x3  }
0x96: {  	_ =	strace s3  }
0x97: {  	_ =	strace $0x8FFFFFFF  }
0x98: {  	s19 =	sld [smem:$0x3FDB];
	_ =	sdelay $0x1  }
0x99: {  	s4 =	simm.s32 $_scs_section_size  }
0x9a: {  	s5 =	simm.s32 $_size__tile_overlayer_lowered;
	s6 =	simm.s32 $_tile_overlayer_lowered  }
0x9b: {  	s22 =	simm.s32 $0x1BFF;
	s21 =	sshll.u32 s6, $0x1;
	s3 =	sadd.s32 s4, s19  }
0x9c: {  	s7 =	simm.s32 $0x0;
	s20 =	sshll.u32 s5, $0x1;
	s5 =	sadd.s32 s21, s3  }
0x9d: {  	[timem:s7], [sflag:s22] =	dma.local [hbm:s5], s20  }
0x9e: {  	_ =	swait.ge [sflag:s22], s20  }
0x9f: {  	s4 =	ssub.s32 $0x0, s20;
	[sflag:s22] =	ssyncset.done $0x0  }
0xa0: {  	[sflag:s22] =	ssyncadd.s32 s4;
	_ =	sdelay $0x1  }
0xa1: {  	s23 =	simm.s32 $0x1B8B  }
0xa2: {  	_ =	swait.ge [sflag:s23], $0x1  }
0xa3: {  	[sflag:s23] =	ssyncset.done $0x0  }
0xa4: {  	s25 =	simm.s32 $0x1B8E;
	s24 =	sld [smem:$0x3FFE];
	[sflag:s23] =	ssyncadd.s32 $0xFFFFFFFF  }
0xa5: {  	s26 =	simm.s32 $execute0_lowered;
	[smem:$0x3FD2] =	sst s25  }
0xa6: {  	s5 =	sshll.u32 s26, $0x1;
	_ =	strace $0x80000049;
	[dreg:$0x1] =	wrdreg $0xFFFFFFFF  }
0xa7: {  	s28 =	simm.s32 $_size_execute0_lowered;
	s3 =	sadd.s32 s3, s5;
	[dreg:$0x0] =	wrdreg $0x0  }
0xa8: {  	s5 =	sshll.u32 s28, $0x1;
	[dreg:$0x2] =	wrdreg s3  }
0xa9: {  	[dreg:$0x3] =	wrdreg s5  }
0xaa: {  	[dreg:$0x4] =	wrdreg $0xC0  }
0xab: {  	_ =	task [dreg:s7], $0x5FFFF  }
0xac: {  	[dreg:$0x1] =	wrdreg $0xFFFFFFFF  }
0xad: {  	[dreg:$0x0] =	wrdreg $0x60  }
0xae: {  	[dreg:$0x2] =	wrdreg s24  }
0xaf: {  	[dreg:$0x3] =	wrdreg s2  }
0xb0: {  	[dreg:$0x4] =	wrdreg $0xD0000  }
0xb1: {  	[dreg:$0x5] =	wrdreg $0xA  }
0xb2: {  	_ =	task.clear_ibuf [dreg:s7], $0x6FFFF;
	_ =	strace $0x90000049  }
0xb3: {  	s29 =	simm.s32 $0xA;
	_ =	strace $0x8000004B  }
0xb4: {  	_ =	swait.ge [sflag:s29], $0x1  }
0xb5: {  	[sflag:s29] =	ssyncadd.s32 $0xFFFFFFFF  }
0xb6: {  	_ =	strace $0x9000004B  }
0xb7: {  	_ =	sfence  }
0xb8: {  	s30 =	sld [smem:$0x0];
	_ =	sdelay $0x2  }
0xb9: {  	s31 =	sshll.u32 s1, $0xD;
	s1 =	sshrl.u32 s1, $0x2  }
0xba: {  	s3 =	sand.u32 $0x4000, s31;
	s1 =	sadd.s32 s1, s30  }
0xbb: {  	s0 =	sor.u32 s3, s0;
	s1 =	sshll.u32 s1, $0x11  }
0xbc: {  	s0 =	sor.u32 s1, s0  }
0xbd: {  	s0 =	sadd.s32 $0x8F2B, s0  }
0xbe: {  	[sflag:s0] =	ssyncadd.remote.s32 $0x1  }
0xbf: {  	_ =	sfence.sel $0xFFFF  }
0xc0: {  	[dreg:$0x0] =	wrdreg $0xFFFFFFFF;
	(pc) =	sbr.abs _section_cstart, $3  }
0xc1: {  	[dreg:$0x1] =	wrdreg $0xFFFFFFFF  }
0xc2: {  	_ =	task.clear_ibuf [dreg:s7], $0x2FFFF;
	_ =	strace $0x9FFFFFFF  }
0xc3: {  	(tm) =	ssettm $0x7FFFFFFF  }
tec
execute0_lowered:
.L_overlay_start_1:
0x0: {  	(tag) =	ssettag $0x1  }
0x1: {  	s0 =	rddreg [dreg:$0x0]  }
0x2: {  	s1 =	rddreg [dreg:$0x1]  }
0x3: {  	s2 =	rddreg [dreg:$0x2]  }
0x4: {  	s4 =	srdreg.scid;
	s9 =	stileid.u32;
	s3 =	simm.s32 $0x0  }
0x5: {  	s14 =	simm.s32 $0x9;
	s15 =	simm.s32 $0x2800;
	s16 =	simm.s32 $0x5000  }
0x6: {  	s17 =	simm.s32 $0x80;
	s18 =	simm.s32 $0x7000;
	s20 =	simm.s32 $0x9000  }
0x7: {  	s22 =	simm.s32 $0xB000;
	s23 =	simm.s32 $0x1;
	s24 =	simm.s32 $0x2  }
0x8: {  	s29 =	simm.s32 $0x5;
	s31 =	simm.s32 $0x4;
	s21 =	simm.s32 $0x7  }
0x9: {  	s25 =	simm.s32 $0x8;
	s30 =	simm.s32 $0x0;
	s5 =	sand.u32 $0x1, s4  }
0xa: {  	s7 =	smul.u32 $0xA000, s9;
	[smem:$0x7FF] =	sst s3;
	s4 =	sshll.u32 s5, $0x4  }
0xb: {  	s6 =	smul.u32 $0xA0000, s5;
	_ =	strace $0x8000004A;
	s5 =	ssub.s32 $0x2, s5  }
0xc: {  	s8 =	sor.u32 s9, s4;
	s4 =	sadd.s32 $0x16000, s0;
	s9 =	smul.u32 $0x28000, s9  }
0xd: {  	s26 =	sshrl.u32 s5, $0x1;
	s8 =	smul.u32 $0x500, s8;
	s6 =	sadd.s32 s7, s6  }
0xe: {  	s13 =	ssub.s32 s5, s26;
	s7 =	sadd.s32 s7, s2;
	s26 =	simm.s32 $0x3  }
.Ltmp0:
0xf: {  	s6 =	sshrl.u32 s6, $0x3;
	s9 =	sshrl.u32 s9, $0x2;
	(pc) =	sbr.rel .LBB2_1-.Ltmp0, $4  }
0x10: {  	s13 =	smax.u32 s13, $0x1;
	s10 =	sadd.s32 s8, s0;
	s0 =	sadd.s32 s6, s0  }
0x11: {  	s6 =	sadd.s32 s1, s8;
	s28 =	sadd.s32 s9, s2;
	s1 =	simm.s32 $0x6  }
0x12: {  	s5 =	sadd.s32 $0xC000, s10;
	s8 =	sadd.s32 $0x2000, s28;
	s9 =	sadd.s32 $0x4000, s28  }
0x13: {  	v0 =	vimm.f32 $0.0e+00;
	s10 =	sadd.s32 $0x6000, s28;
	s11 =	sadd.s32 $0x8000, s28;
	s12 =	sadd.s32 $0x2A000, s0  }
.LBB2_6:
0x14: {  	_ =	swait.ge [sflag:s31], $0x2000  }
0x15: {  	[sflag:s31] =	ssyncset.done $0x0  }
0x16: {  	s0 =	simm.s32 $0x4F80;
	[sflag:s31] =	ssyncadd.s32 $0xFFFFE000  }
0x17: {  	[spmem:s2] =	stream.indirect.scatter.add.f32 [tilespmem:s22], [sflag:$0x8], $0x40, s0, s17, $0xb8;
	[tilespmem:$0x17000] =	vst v63  }
0x18: {  	_ =	swait.ge [sflag:s29], $0x2000  }
0x19: {  	[sflag:s29] =	ssyncset.done $0x0  }
0x1a: {  	[sflag:s29] =	ssyncadd.s32 $0xFFFFE000  }
0x1b: {  	_ =	swait.ge [sflag:s1], $0x2000  }
0x1c: {  	[sflag:s1] =	ssyncset.done $0x0  }
0x1d: {  	[sflag:s1] =	ssyncadd.s32 $0xFFFFE000  }
0x1e: {  	_ =	swait.ge [sflag:s21], $0x2000  }
0x1f: {  	[sflag:s21] =	ssyncset.done $0x0  }
0x20: {  	[sflag:s21] =	ssyncadd.s32 $0xFFFFE000  }
0x21: {  	s28 =	stileid.u32;
	_ =	swait.ge [sflag:s25], $0x2000  }
0x22: {  	s19 =	sshrl.u32 s7, $0x3;
	s30 =	sadd.s32 $0x1, s30;
	[sflag:s25] =	ssyncset.done $0x0  }
0x23: {  	p0 =	sne.s32 s30, s13;
	s0 =	sshll.u32 s28, $0x6;
	[sflag:s25] =	ssyncadd.s32 $0xFFFFE000  }
.Ltmp1:
0x24: {  	s0 =	sor.u32 $0x1C09, s0;
	[bflag:$0x0] =	sbarrier.arrive $0xFFFF;
	(pc) =	sbr.rel @!p0 .LBB2_7-.Ltmp1, $4  }
0x25: {  	[hbm:s12], [sflag:s0] =	dma.local [spmem:s19], $0x1400  }
0x26: {  	_ =	swait.ge [sflag:s14], $0x1400  }
0x27: {  	[sflag:s14] =	ssyncset.done $0x0  }
0x28: {  	[sflag:s14] =	ssyncadd.s32 $0xFFFFEC00  }
.LBB2_1:
0x29: {  	[tilespmem:s3], [sflag:$0x9] =	stream.linear.gather [hbm4b:s5+s3], $0x2800, $0x38;
	[tilespmem:$0x17000] =	vst v63  }
0x2a: {  	_ =	swait.ge [sflag:s14], $0x2800  }
0x2b: {  	[sflag:s14] =	ssyncset.done $0x0  }
0x2c: {  	[sflag:s14] =	ssyncadd.s32 $0xFFFFD800  }
0x2d: {  	[tilespmem:s15], [sflag:$0x9] =	stream.linear.gather [hbm4b:s6+s3], $0x2800, $0x38;
	[tilespmem:$0x17000] =	vst v63  }
0x2e: {  	_ =	swait.ge [sflag:s14], $0x2800  }
0x2f: {  	[sflag:s14] =	ssyncset.done $0x0  }
0x30: {  	s0 =	simm.s32 $0x5040;
	[sflag:s14] =	ssyncadd.s32 $0xFFFFD800  }
0x31: {  	[tilespmem:s0+$0xFFFFFFC0] =	vst v0  }
0x32: {  	[tilespmem:s0+$0x30] =	vst v0  }
0x33: {  	[tilespmem:s0+$0x20] =	vst v0  }
0x34: {  	[tilespmem:s0+$0x10] =	vst v0  }
0x35: {  	[tilespmem:s0+$0x0] =	vst v0  }
0x36: {  	[tilespmem:s0+$0xFFFFFFF0] =	vst v0  }
0x37: {  	s19 =	simm.s32 $0x0;
	[tilespmem:s0+$0xFFFFFFE0] =	vst v0  }
.LBB2_2:
0x38: {  	s19 =	sadd.s32 $0x2, s19;
	[tilespmem:s0+$0xFFFFFFD0] =	vst v0;
	s0 =	sadd.s32 $0x80, s0  }
0x39: {  	[tilespmem:s0+$0xFFFFFFC0] =	vst v0;
	p0 =	slt.u32 s19, $0x7E  }
0x3a: {  	[tilespmem:s0+$0x30] =	vst v0  }
.Ltmp2:
0x3b: {  	[tilespmem:s0+$0x20] =	vst v0;
	(pc) =	sbr.rel @p0 .LBB2_2-.Ltmp2, $4  }
0x3c: {  	[tilespmem:s0+$0x10] =	vst v0  }
0x3d: {  	[tilespmem:s0+$0x0] =	vst v0  }
0x3e: {  	[tilespmem:s0+$0xFFFFFFF0] =	vst v0  }
0x3f: {  	[tilespmem:s0+$0xFFFFFFE0] =	vst v0  }
0x40: {  	[tilespmem:s0+$0xFFFFFFD0] =	vst v0  }
0x41: {  	[spmem:s7] =	stream.linear.scatter [tilespmem:s16], [sflag:$0x9], $0x2000, $0x38;
	[tilespmem:$0x17000] =	vst v63  }
0x42: {  	_ =	swait.ge [sflag:s14], $0x2000  }
0x43: {  	[sflag:s14] =	ssyncset.done $0x0  }
0x44: {  	[sflag:s14] =	ssyncadd.s32 $0xFFFFE000  }
0x45: {  	[spmem:s8] =	stream.linear.scatter [tilespmem:s16], [sflag:$0x9], $0x2000, $0x38;
	[tilespmem:$0x17000] =	vst v63  }
0x46: {  	_ =	swait.ge [sflag:s14], $0x2000  }
0x47: {  	[sflag:s14] =	ssyncset.done $0x0  }
0x48: {  	[sflag:s14] =	ssyncadd.s32 $0xFFFFE000  }
0x49: {  	[spmem:s9] =	stream.linear.scatter [tilespmem:s16], [sflag:$0x9], $0x2000, $0x38;
	[tilespmem:$0x17000] =	vst v63  }
0x4a: {  	_ =	swait.ge [sflag:s14], $0x2000  }
0x4b: {  	[sflag:s14] =	ssyncset.done $0x0  }
0x4c: {  	[sflag:s14] =	ssyncadd.s32 $0xFFFFE000  }
0x4d: {  	[spmem:s10] =	stream.linear.scatter [tilespmem:s16], [sflag:$0x9], $0x2000, $0x38;
	[tilespmem:$0x17000] =	vst v63  }
0x4e: {  	_ =	swait.ge [sflag:s14], $0x2000  }
0x4f: {  	[sflag:s14] =	ssyncset.done $0x0  }
0x50: {  	[sflag:s14] =	ssyncadd.s32 $0xFFFFE000  }
0x51: {  	[spmem:s11] =	stream.linear.scatter [tilespmem:s16], [sflag:$0x9], $0x2000, $0x38;
	[tilespmem:$0x17000] =	vst v63  }
0x52: {  	_ =	swait.ge [sflag:s14], $0x2000  }
0x53: {  	[sflag:s14] =	ssyncset.done $0x0  }
0x54: {  	s0 =	simm.s32 $0x0;
	[sflag:s14] =	ssyncadd.s32 $0xFFFFE000  }
0x55: {  	[tilespmem:s16], [sflag:$0x1] =	stream.indirect.gather [hbm4b:s4+s17], $0x40, s0, s17, $0xb8;
	[tilespmem:$0x17000] =	vst v63  }
0x56: {  	_ = 	snop  }
0x57: {  	[tilespmem:s18], [sflag:$0x2] =	stream.indirect.gather [hbm4b:s4+s17], $0x40, s17, s17, $0xb8;
	[tilespmem:$0x17000] =	vst v63  }
0x58: {  	s19 =	simm.s32 $0x100  }
0x59: {  	[tilespmem:s20], [sflag:$0x3] =	stream.indirect.gather [hbm4b:s4+s17], $0x40, s19, s17, $0xb8;
	[tilespmem:$0x17000] =	vst v63  }
0x5a: {  	s28 =	simm.s32 $0x180  }
0x5b: {  	[tilespmem:s22], [sflag:$0x4] =	stream.indirect.gather [hbm4b:s4+s17], $0x40, s28, s17, $0xb8;
	[tilespmem:$0x17000] =	vst v63  }
0x5c: {  	[bflag:$0x0] =	sbarrier.arrive $0xFFFF  }
0x5d: {  	_ =	swait.ge [sflag:s23], $0x2000  }
0x5e: {  	[sflag:s23] =	ssyncset.done $0x0  }
0x5f: {  	[sflag:s23] =	ssyncadd.s32 $0xFFFFE000  }
0x60: {  	[spmem:s2] =	stream.indirect.scatter.add.f32 [tilespmem:s16], [sflag:$0x5], $0x40, s15, s17, $0xb8;
	[tilespmem:$0x17000] =	vst v63  }
0x61: {  	_ =	swait.ge [sflag:s24], $0x2000  }
0x62: {  	[sflag:s24] =	ssyncset.done $0x0  }
0x63: {  	s28 =	simm.s32 $0x2880;
	[sflag:s24] =	ssyncadd.s32 $0xFFFFE000  }
0x64: {  	[spmem:s2] =	stream.indirect.scatter.add.f32 [tilespmem:s18], [sflag:$0x6], $0x40, s28, s17, $0xb8;
	[tilespmem:$0x17000] =	vst v63  }
0x65: {  	_ =	swait.ge [sflag:s26], $0x2000  }
0x66: {  	[sflag:s26] =	ssyncset.done $0x0  }
0x67: {  	s28 =	simm.s32 $0x2900;
	[sflag:s26] =	ssyncadd.s32 $0xFFFFE000  }
0x68: {  	[spmem:s2] =	stream.indirect.scatter.add.f32 [tilespmem:s20], [sflag:$0x7], $0x40, s28, s17, $0xb8;
	[tilespmem:$0x17000] =	vst v63  }
0x69: {  	_ =	swait.ge [sflag:s29], $0x2000  }
0x6a: {  	[sflag:s29] =	ssyncset.done $0x0  }
0x6b: {  	s28 =	simm.s32 $0x200;
	[sflag:s29] =	ssyncadd.s32 $0xFFFFE000  }
0x6c: {  	[tilespmem:s16], [sflag:$0x1] =	stream.indirect.gather [hbm4b:s4+s17], $0x40, s28, s17, $0xb8;
	[tilespmem:$0x17000] =	vst v63  }
0x6d: {  	_ =	swait.ge [sflag:s31], $0x2000  }
0x6e: {  	[sflag:s31] =	ssyncset.done $0x0  }
0x6f: {  	s28 =	simm.s32 $0x2980;
	[sflag:s31] =	ssyncadd.s32 $0xFFFFE000  }
0x70: {  	[spmem:s2] =	stream.indirect.scatter.add.f32 [tilespmem:s22], [sflag:$0x8], $0x40, s28, s17, $0xb8;
	[tilespmem:$0x17000] =	vst v63  }
0x71: {  	_ =	swait.ge [sflag:s1], $0x2000  }
0x72: {  	[sflag:s1] =	ssyncset.done $0x0  }
0x73: {  	s28 =	simm.s32 $0x280;
	[sflag:s1] =	ssyncadd.s32 $0xFFFFE000  }
0x74: {  	[tilespmem:s18], [sflag:$0x2] =	stream.indirect.gather [hbm4b:s4+s17], $0x40, s28, s17, $0xb8;
	[tilespmem:$0x17000] =	vst v63  }
.LBB2_4:
0x75: {  	_ =	swait.ge [sflag:s23], $0x2000  }
0x76: {  	s19 =	sshra.s32 s0, $0x2;
	[sflag:s23] =	ssyncset.done $0x0  }
0x77: {  	s28 =	sadd.s32 $0x2A00, s19;
	[sflag:s23] =	ssyncadd.s32 $0xFFFFE000  }
0x78: {  	[spmem:s2] =	stream.indirect.scatter.add.f32 [tilespmem:s16], [sflag:$0x5], $0x40, s28, s17, $0xb8;
	[tilespmem:$0x17000] =	vst v63  }
0x79: {  	_ =	swait.ge [sflag:s21], $0x2000  }
0x7a: {  	[sflag:s21] =	ssyncset.done $0x0  }
0x7b: {  	s28 =	sadd.s32 $0x300, s19;
	[sflag:s21] =	ssyncadd.s32 $0xFFFFE000  }
0x7c: {  	[tilespmem:s20], [sflag:$0x3] =	stream.indirect.gather [hbm4b:s4+s17], $0x40, s28, s17, $0xb8;
	[tilespmem:$0x17000] =	vst v63  }
0x7d: {  	_ =	swait.ge [sflag:s24], $0x2000  }
0x7e: {  	[sflag:s24] =	ssyncset.done $0x0  }
0x7f: {  	s28 =	sadd.s32 $0x2A80, s19;
	[sflag:s24] =	ssyncadd.s32 $0xFFFFE000  }
0x80: {  	[spmem:s2] =	stream.indirect.scatter.add.f32 [tilespmem:s18], [sflag:$0x6], $0x40, s28, s17, $0xb8;
	[tilespmem:$0x17000] =	vst v63  }
0x81: {  	_ =	swait.ge [sflag:s25], $0x2000  }
0x82: {  	[sflag:s25] =	ssyncset.done $0x0  }
0x83: {  	p0 =	seq.s32 s0, $0x9000;
	s28 =	sadd.s32 $0x380, s19;
	[sflag:s25] =	ssyncadd.s32 $0xFFFFE000  }
0x84: {  	[tilespmem:s22], [sflag:$0x4] =	stream.indirect.gather [hbm4b:s4+s17], $0x40, s28, s17, $0xb8;
	[tilespmem:$0x17000] =	vst v63  }
.Ltmp3:
0x85: {  	_ = 	snop;
	(pc) =	sbr.rel @p0 .LBB2_6-.Ltmp3, $4  }
0x86: {  	_ =	swait.ge [sflag:s26], $0x2000  }
0x87: {  	[sflag:s26] =	ssyncset.done $0x0  }
0x88: {  	s28 =	sadd.s32 $0x2B00, s19;
	[sflag:s26] =	ssyncadd.s32 $0xFFFFE000  }
0x89: {  	[spmem:s2] =	stream.indirect.scatter.add.f32 [tilespmem:s20], [sflag:$0x7], $0x40, s28, s17, $0xb8;
	[tilespmem:$0x17000] =	vst v63  }
0x8a: {  	_ =	swait.ge [sflag:s29], $0x2000  }
0x8b: {  	[sflag:s29] =	ssyncset.done $0x0  }
0x8c: {  	s28 =	sadd.s32 $0x400, s19;
	[sflag:s29] =	ssyncadd.s32 $0xFFFFE000  }
0x8d: {  	[tilespmem:s16], [sflag:$0x1] =	stream.indirect.gather [hbm4b:s4+s17], $0x40, s28, s17, $0xb8;
	[tilespmem:$0x17000] =	vst v63  }
0x8e: {  	_ =	swait.ge [sflag:s31], $0x2000  }
0x8f: {  	[sflag:s31] =	ssyncset.done $0x0  }
0x90: {  	s28 =	sadd.s32 $0x2B80, s19;
	[sflag:s31] =	ssyncadd.s32 $0xFFFFE000  }
0x91: {  	[spmem:s2] =	stream.indirect.scatter.add.f32 [tilespmem:s22], [sflag:$0x8], $0x40, s28, s17, $0xb8;
	[tilespmem:$0x17000] =	vst v63  }
.Ltmp4:
0x92: {  	_ = 	snop;
	(pc) =	sbr.rel .LBB2_4-.Ltmp4, $4  }
0x93: {  	_ =	swait.ge [sflag:s1], $0x2000  }
0x94: {  	[sflag:s1] =	ssyncset.done $0x0  }
0x95: {  	s0 =	sadd.s32 $0x800, s0;
	s28 =	sadd.s32 $0x480, s19;
	[sflag:s1] =	ssyncadd.s32 $0xFFFFE000  }
0x96: {  	[tilespmem:s18], [sflag:$0x2] =	stream.indirect.gather [hbm4b:s4+s17], $0x40, s28, s17, $0xb8;
	[tilespmem:$0x17000] =	vst v63  }
.LBB2_7:
0x97: {  	_ =	sfence.sel $0x180000  }
0x98: {  	[bflag:$0x0] =	sbarrier.arrive $0xFFFF  }
0x99: {  	_ =	strace $0x9000004A  }
0x9a: {  	s0 =	stileid.u32;
	[bflag:$0x2] =	sbarrier.arrive $0xFFFF  }
0x9b: {  	p0 =	sne.s32 s0, $0x0;
	s0 =	rddreg [dreg:$0x3]  }
0x9c: {  	s0 =	sadd.s32 @!p0 $0x100000, s0  }
0x9d: {  	[sflag:s0] =	ssyncadd.tile.s32 @!p0 $0x1;
	_ =	shalt  }
.Lfunc_end2:
_tile_overlayer_lowered:
.L_overlay_start_2:
0x9e: {  	(tag) =	ssettag $0x2  }
0x9f: {  	s0 =	rddreg [dreg:$0x0];
	s2 =	stileid.u32  }
0xa0: {  	s1 =	rddreg [dreg:$0x1];
	p0 =	sne.s32 s2, $0x0  }
0xa1: {  	s3 =	rddreg [dreg:$0x2];
	[bflag:$0x3] =	sbarrier.arrive $0xFFFF;
	s2 =	simm.s32 @!p0 $0x1C09  }
0xa2: {  	[timem:s3], [sflag:s2] =	dma.local @!p0 [hbm:s0], s1  }
0xa3: {  	s0 =	simm.s32 @!p0 $0x9  }
0xa4: {  	_ =	swait.ge @!p0 [sflag:s0], s1  }
0xa5: {  	s1 =	ssub.s32 @!p0 $0x0, s1;
	[sflag:s0] =	ssyncset.done @!p0 $0x0  }
0xa6: {  	[sflag:s0] =	ssyncadd.s32 @!p0 s1  }
0xa7: {  	[bflag:$0x3] =	sbarrier.arrive $0xFFFF  }
0xa8: {  	_ =	shalt  }

// kernel: kernel.18.cloned.1.call-start
scs
__scs_entry_jumppad:
0x0: {  	(pc) =	sbr.rel $0x88, $3  }
0x1: {  	(tag) =	ssettag $0x0;
	lr =	simm.s32 $0x1  }
0x2: {  	[smem:$0x3F9B] =	sst lr;
	_ =	strace $0xD0000000  }
0x3: {  	_ = 	snop  }
0x4: {  	_ = 	snop  }
0x5: {  	_ = 	snop  }
0x6: {  	_ = 	snop  }
0x7: {  	_ = 	snop  }
__scs_overlays_trampoline_lowered:
0x8: {  	[smem:$0x3FAA] =	sst s0  }
0x9: {  	[smem:$0x3FAB] =	sst s1  }
0xa: {  	[smem:$0x3FAC] =	sst s2  }
0xb: {  	[smem:$0x3FAD] =	sst s3  }
0xc: {  	[smem:$0x3FAE] =	sst s4  }
0xd: {  	[smem:$0x3FAF] =	sst s5  }
0xe: {  	[smem:$0x3FB0] =	sst s6  }
0xf: {  	[smem:$0x3FB1] =	sst s7  }
0x10: {  	[smem:$0x3FB2] =	sst s8  }
0x11: {  	[smem:$0x3FB3] =	sst s9;
	s0 =	simm.s32 @!p0 $0x0  }
0x12: {  	s1 =	sld [smem:$0x3F99];
	s0 =	simm.s32 @p0 $0x1  }
0x13: {  	[smem:$0x3FB4] =	sst s0;
	s0 =	simm.s32 @!p1 $0x0  }
0x14: {  	s2 =	sld [smem:$0x3F98];
	s0 =	simm.s32 @p1 $0x1  }
0x15: {  	[smem:$0x3FB5] =	sst s0;
	s0 =	simm.s32 @!p2 $0x0  }
0x16: {  	s3 =	sld [smem:$0x3FDB];
	s0 =	simm.s32 @p2 $0x1  }
0x17: {  	s4 =	simm.s32 $0x1BF5;
	[smem:$0x3FB7] =	sst s0  }
0x18: {  	s0 =	sld [smem:$0x3F9A];
	_ =	swait.ge [sflag:s4], $0x0  }
0x19: {  	s7 =	sld [smem:$0x3F9B]  }
0x1a: {  	s8 =	sadd.s32 $0xFFFFE003, lr  }
0x1b: {  	s9 =	sadd.s32 $0xFFFFFEF7, lr;
	s5 =	simm.s32 $0xFFFFFFFF;
	p2 =	slt.u32 s8, $0xFFFFF086  }
0x1c: {  	p1 =	slt.u32 s9, $0xF7A;
	s5 =	simm.s32 @!p2 $0x0  }
0x1d: {  	s5 =	simm.s32 @p1 $0x1;
	p0 =	seq.s32 s7, s2  }
0x1e: {  	s7 =	smul.u32 @!p0 $0xF7A, s2;
	p2 =	seq.s32 @!p0 s5, $0x0  }
0x1f: {  	s9 =	smul.u32 $0xF7A, s1;
	s8 =	simm.s32 @!p0 $0x1BF5;
	p2 =	por !p2, p0  }
0x20: {  	[sflag:s8] =	ssyncset.s32 @!p0 $0xFFFFF086;
	s6 =	sadd.s32 @!p0 s3, s7;
	s7 =	simm.s32 @!p0 $0x108  }
0x21: {  	s3 =	sadd.s32 s3, s9;
	s6 =	sadd.s32 @!p0 $0x88, s6;
	s7 =	simm.s32 @p2 $0x1082  }
0x22: {  	[simem:s7], [sflag:s8] =	dma.local @!p0 [hbm:s6], $0xF7A  }
0x23: {  	s9 =	sor.u32 $0xD0000000, s2;
	s6 =	simm.s32 $0x108;
	_ =	swait.ge @!p0 [sflag:s8], $0x0  }
0x24: {  	s3 =	sadd.s32 $0x88, s3;
	s6 =	simm.s32 @!p1 $0x1082;
	[sflag:s4] =	ssyncset.s32 $0xFFFFF086  }
0x25: {  	[simem:s6], [sflag:s4] =	dma.local [hbm:s3], $0xF7A  }
0x26: {  	[smem:$0x3F9B] =	sst s1;
	(tag) =	ssettag s2;
	_ =	strace s9  }
0x27: {  	s1 =	sld [smem:$0x3FAB]  }
0x28: {  	s2 =	sld [smem:$0x3FAC]  }
0x29: {  	s4 =	sld [smem:$0x3FAE]  }
0x2a: {  	p0 =	seq.s32 s5, $0x0;
	s5 =	sld [smem:$0x3FAF]  }
0x2b: {  	s6 =	sld [smem:$0x3FB0]  }
0x2c: {  	s7 =	sld [smem:$0x3FB1]  }
0x2d: {  	s3 =	simm.s32 $0x108;
	s8 =	sld [smem:$0x3FB2]  }
0x2e: {  	s3 =	simm.s32 @!p0 $0x1082;
	s9 =	sld [smem:$0x3FB3]  }
0x2f: {  	lr =	sadd.s32 s0, s3;
	s0 =	sld [smem:$0x3FAA]  }
0x30: {  	s3 =	sld [smem:$0x3FAD]  }
0x31: {  	[smem:$0x3FB6] =	sst s10  }
0x32: {  	s10 =	sld [smem:$0x3FB4];
	_ =	sdelay $0x3  }
0x33: {  	p0 =	seq.s32 s10, $0x1;
	s10 =	sld [smem:$0x3FB6];
	_ =	sdelay $0x3  }
0x34: {  	[smem:$0x3FB6] =	sst s10  }
0x35: {  	s10 =	sld [smem:$0x3FB5];
	_ =	sdelay $0x3  }
0x36: {  	p1 =	seq.s32 s10, $0x1;
	s10 =	sld [smem:$0x3FB6];
	_ =	sdelay $0x3  }
0x37: {  	[smem:$0x3FB6] =	sst s10  }
0x38: {  	s10 =	sld [smem:$0x3FB7]  }
0x39: {  	_ = 	snop;
	(pc) =	sbr.ind lr, $3  }
0x3a: {  	_ = 	snop  }
0x3b: {  	_ = 	snop  }
0x3c: {  	p2 =	seq.s32 s10, $0x1;
	s10 =	sld [smem:$0x3FB6]  }
0x3d: {  	_ =	shalt  }
0x3e: {  	_ =	shalt  }
0x3f: {  	_ =	shalt  }
0x40: {  	_ =	shalt  }
0x41: {  	_ =	shalt  }
0x42: {  	_ =	shalt  }
0x43: {  	_ =	shalt  }
0x44: {  	_ =	shalt  }
0x45: {  	_ =	shalt  }
0x46: {  	_ =	shalt  }
0x47: {  	_ =	shalt  }
0x48: {  	_ =	shalt  }
0x49: {  	_ =	shalt  }
0x4a: {  	_ =	shalt  }
0x4b: {  	_ =	shalt  }
0x4c: {  	_ =	shalt  }
0x4d: {  	_ =	shalt  }
0x4e: {  	_ =	shalt  }
0x4f: {  	_ =	shalt  }
0x50: {  	_ =	shalt  }
0x51: {  	_ =	shalt  }
0x52: {  	_ =	shalt  }
0x53: {  	_ =	shalt  }
0x54: {  	_ =	shalt  }
0x55: {  	_ =	shalt  }
0x56: {  	_ =	shalt  }
0x57: {  	_ =	shalt  }
0x58: {  	_ =	shalt  }
0x59: {  	_ =	shalt  }
0x5a: {  	_ =	shalt  }
0x5b: {  	_ =	shalt  }
0x5c: {  	_ =	shalt  }
0x5d: {  	_ =	shalt  }
0x5e: {  	_ =	shalt  }
0x5f: {  	_ =	shalt  }
0x60: {  	_ =	shalt  }
0x61: {  	_ =	shalt  }
0x62: {  	_ =	shalt  }
0x63: {  	_ =	shalt  }
0x64: {  	_ =	shalt  }
0x65: {  	_ =	shalt  }
0x66: {  	_ =	shalt  }
0x67: {  	_ =	shalt  }
0x68: {  	_ =	shalt  }
0x69: {  	_ =	shalt  }
0x6a: {  	_ =	shalt  }
0x6b: {  	_ =	shalt  }
0x6c: {  	_ =	shalt  }
0x6d: {  	_ =	shalt  }
0x6e: {  	_ =	shalt  }
0x6f: {  	_ =	shalt  }
0x70: {  	_ =	shalt  }
0x71: {  	_ =	shalt  }
0x72: {  	_ =	shalt  }
0x73: {  	_ =	shalt  }
0x74: {  	_ =	shalt  }
0x75: {  	_ =	shalt  }
0x76: {  	_ =	shalt  }
0x77: {  	_ =	shalt  }
0x78: {  	_ =	shalt  }
0x79: {  	_ =	shalt  }
0x7a: {  	_ =	shalt  }
0x7b: {  	_ =	shalt  }
0x7c: {  	_ =	shalt  }
0x7d: {  	_ =	shalt  }
0x7e: {  	_ =	shalt  }
0x7f: {  	_ =	shalt  }
0x80: {  	_ =	shalt  }
0x81: {  	_ =	shalt  }
0x82: {  	_ =	shalt  }
0x83: {  	_ =	shalt  }
0x84: {  	_ =	shalt  }
0x85: {  	_ =	shalt  }
0x86: {  	_ =	shalt  }
0x87: {  	_ =	shalt  }
.Lfunc_end0:
.L_simem_size_0:
called_computation.3_lowered:
.L_overlay_start_0:
0x88: {  	s2 =	sld [smem:$0x3FD9]  }
0x89: {  	s3 =	sld [smem:$0x3FFE];
	_ =	sdelay $0x1  }
0x8a: {  	s1 =	srdreg.scid  }
0x8b: {  	s0 =	sand.u32 $0x1, s1  }
0x8c: {  	s17 =	sshll.u32 s0, $0xA;
	s2 =	sadd.s32 s3, s2  }
0x8d: {  	s2 =	sadd.s32 s2, s17  }
0x8e: {  	[smem:$0x3FC2] =	sst s2  }
0x8f: {  	_ = 	snop  }
0x90: {  	s2 =	sld [smem:$0x3FD0];
	(tm) =	ssettm $0x1  }
0x91: {  	s18 =	sld [smem:$0x3FFB];
	_ =	sdelay $0x3  }
0x92: {  	_ =	strace s18  }
0x93: {  	s3 =	sld [smem:$0x3FFC];
	_ =	sdelay $0x3  }
0x94: {  	_ =	strace s3  }
0x95: {  	s3 =	sld [smem:$0x3FFD];
	_ =	sdelay $0x3  }
0x96: {  	_ =	strace s3  }
0x97: {  	_ =	strace $0x8FFFFFFF  }
0x98: {  	s19 =	sld [smem:$0x3FDB];
	_ =	sdelay $0x1  }
0x99: {  	s4 =	simm.s32 $_scs_section_size  }
0x9a: {  	s5 =	simm.s32 $_size__tile_overlayer_lowered;
	s6 =	simm.s32 $_tile_overlayer_lowered  }
0x9b: {  	s22 =	simm.s32 $0x1BFF;
	s21 =	sshll.u32 s6, $0x1;
	s3 =	sadd.s32 s4, s19  }
0x9c: {  	s7 =	simm.s32 $0x0;
	s20 =	sshll.u32 s5, $0x1;
	s5 =	sadd.s32 s21, s3  }
0x9d: {  	[timem:s7], [sflag:s22] =	dma.local [hbm:s5], s20  }
0x9e: {  	_ =	swait.ge [sflag:s22], s20  }
0x9f: {  	s4 =	ssub.s32 $0x0, s20;
	[sflag:s22] =	ssyncset.done $0x0  }
0xa0: {  	[sflag:s22] =	ssyncadd.s32 s4;
	_ =	sdelay $0x1  }
0xa1: {  	s23 =	simm.s32 $0x1B8B  }
0xa2: {  	_ =	swait.ge [sflag:s23], $0x1  }
0xa3: {  	[sflag:s23] =	ssyncset.done $0x0  }
0xa4: {  	s25 =	simm.s32 $0x1B8E;
	s24 =	sld [smem:$0x3FFE];
	[sflag:s23] =	ssyncadd.s32 $0xFFFFFFFF  }
0xa5: {  	s26 =	simm.s32 $execute0_lowered;
	[smem:$0x3FD2] =	sst s25  }
0xa6: {  	s5 =	sshll.u32 s26, $0x1;
	_ =	strace $0x8000004F;
	[dreg:$0x1] =	wrdreg $0xFFFFFFFF  }
0xa7: {  	s28 =	simm.s32 $_size_execute0_lowered;
	s3 =	sadd.s32 s3, s5;
	[dreg:$0x0] =	wrdreg $0x0  }
0xa8: {  	s5 =	sshll.u32 s28, $0x1;
	[dreg:$0x2] =	wrdreg s3  }
0xa9: {  	[dreg:$0x3] =	wrdreg s5  }
0xaa: {  	[dreg:$0x4] =	wrdreg $0xC0  }
0xab: {  	_ =	task [dreg:s7], $0x5FFFF  }
0xac: {  	[dreg:$0x1] =	wrdreg $0xFFFFFFFF  }
0xad: {  	[dreg:$0x0] =	wrdreg $0x60  }
0xae: {  	[dreg:$0x2] =	wrdreg s24  }
0xaf: {  	[dreg:$0x3] =	wrdreg s2  }
0xb0: {  	[dreg:$0x4] =	wrdreg $0xD0000  }
0xb1: {  	[dreg:$0x5] =	wrdreg $0x9  }
0xb2: {  	_ =	task.clear_ibuf [dreg:s7], $0x6FFFF;
	_ =	strace $0x9000004F  }
0xb3: {  	s29 =	simm.s32 $0x9;
	_ =	strace $0x80000051  }
0xb4: {  	_ =	swait.ge [sflag:s29], $0x1  }
0xb5: {  	[sflag:s29] =	ssyncadd.s32 $0xFFFFFFFF  }
0xb6: {  	_ =	strace $0x90000051  }
0xb7: {  	_ =	sfence  }
0xb8: {  	s30 =	sld [smem:$0x0];
	_ =	sdelay $0x2  }
0xb9: {  	s31 =	sshll.u32 s1, $0xD;
	s1 =	sshrl.u32 s1, $0x2  }
0xba: {  	s3 =	sand.u32 $0x4000, s31;
	s1 =	sadd.s32 s1, s30  }
0xbb: {  	s0 =	sor.u32 s3, s0;
	s1 =	sshll.u32 s1, $0x11  }
0xbc: {  	s0 =	sor.u32 s1, s0  }
0xbd: {  	s0 =	sadd.s32 $0x8F2B, s0  }
0xbe: {  	[sflag:s0] =	ssyncadd.remote.s32 $0x1  }
0xbf: {  	_ =	sfence.sel $0xFFFF  }
0xc0: {  	[dreg:$0x0] =	wrdreg $0xFFFFFFFF;
	(pc) =	sbr.abs _section_cstart, $3  }
0xc1: {  	[dreg:$0x1] =	wrdreg $0xFFFFFFFF  }
0xc2: {  	_ =	task.clear_ibuf [dreg:s7], $0x2FFFF;
	_ =	strace $0x9FFFFFFF  }
0xc3: {  	(tm) =	ssettm $0x7FFFFFFF  }
tec
execute0_lowered:
.L_overlay_start_1:
0x0: {  	(tag) =	ssettag $0x1  }
0x1: {  	s0 =	rddreg [dreg:$0x0]  }
0x2: {  	s1 =	rddreg [dreg:$0x1]  }
0x3: {  	s2 =	rddreg [dreg:$0x2]  }
0x4: {  	s4 =	srdreg.scid;
	s9 =	stileid.u32;
	s3 =	simm.s32 $0x0  }
0x5: {  	s14 =	simm.s32 $0x9;
	s15 =	simm.s32 $0x2800;
	s16 =	simm.s32 $0x5000  }
0x6: {  	s17 =	simm.s32 $0x80;
	s18 =	simm.s32 $0x7000;
	s20 =	simm.s32 $0x9000  }
0x7: {  	s22 =	simm.s32 $0xB000;
	s23 =	simm.s32 $0x1;
	s24 =	simm.s32 $0x2  }
0x8: {  	s29 =	simm.s32 $0x5;
	s31 =	simm.s32 $0x4;
	s21 =	simm.s32 $0x7  }
0x9: {  	s25 =	simm.s32 $0x8;
	s30 =	simm.s32 $0x0;
	s5 =	sand.u32 $0x1, s4  }
0xa: {  	s7 =	smul.u32 $0xA000, s9;
	[smem:$0x7FF] =	sst s3;
	s4 =	sshll.u32 s5, $0x4  }
0xb: {  	s6 =	smul.u32 $0xA0000, s5;
	_ =	strace $0x80000050;
	s5 =	ssub.s32 $0x2, s5  }
0xc: {  	s8 =	sor.u32 s9, s4;
	s4 =	sadd.s32 $0x16000, s0;
	s9 =	smul.u32 $0x28000, s9  }
0xd: {  	s26 =	sshrl.u32 s5, $0x1;
	s8 =	smul.u32 $0x500, s8;
	s6 =	sadd.s32 s7, s6  }
0xe: {  	s13 =	ssub.s32 s5, s26;
	s7 =	sadd.s32 s7, s2;
	s26 =	simm.s32 $0x3  }
.Ltmp0:
0xf: {  	s6 =	sshrl.u32 s6, $0x3;
	s9 =	sshrl.u32 s9, $0x2;
	(pc) =	sbr.rel .LBB2_1-.Ltmp0, $4  }
0x10: {  	s13 =	smax.u32 s13, $0x1;
	s10 =	sadd.s32 s8, s0;
	s0 =	sadd.s32 s6, s0  }
0x11: {  	s6 =	sadd.s32 s1, s8;
	s28 =	sadd.s32 s9, s2;
	s1 =	simm.s32 $0x6  }
0x12: {  	s5 =	sadd.s32 $0xC000, s10;
	s8 =	sadd.s32 $0x2000, s28;
	s9 =	sadd.s32 $0x4000, s28  }
0x13: {  	v0 =	vimm.f32 $0.0e+00;
	s10 =	sadd.s32 $0x6000, s28;
	s11 =	sadd.s32 $0x8000, s28;
	s12 =	sadd.s32 $0x2A000, s0  }
.LBB2_6:
0x14: {  	_ =	swait.ge [sflag:s31], $0x2000  }
0x15: {  	[sflag:s31] =	ssyncset.done $0x0  }
0x16: {  	s0 =	simm.s32 $0x4F80;
	[sflag:s31] =	ssyncadd.s32 $0xFFFFE000  }
0x17: {  	[spmem:s2] =	stream.indirect.scatter.add.f32 [tilespmem:s22], [sflag:$0x8], $0x40, s0, s17, $0xb8;
	[tilespmem:$0x17000] =	vst v63  }
0x18: {  	_ =	swait.ge [sflag:s29], $0x2000  }
0x19: {  	[sflag:s29] =	ssyncset.done $0x0  }
0x1a: {  	[sflag:s29] =	ssyncadd.s32 $0xFFFFE000  }
0x1b: {  	_ =	swait.ge [sflag:s1], $0x2000  }
0x1c: {  	[sflag:s1] =	ssyncset.done $0x0  }
0x1d: {  	[sflag:s1] =	ssyncadd.s32 $0xFFFFE000  }
0x1e: {  	_ =	swait.ge [sflag:s21], $0x2000  }
0x1f: {  	[sflag:s21] =	ssyncset.done $0x0  }
0x20: {  	[sflag:s21] =	ssyncadd.s32 $0xFFFFE000  }
0x21: {  	s28 =	stileid.u32;
	_ =	swait.ge [sflag:s25], $0x2000  }
0x22: {  	s19 =	sshrl.u32 s7, $0x3;
	s30 =	sadd.s32 $0x1, s30;
	[sflag:s25] =	ssyncset.done $0x0  }
0x23: {  	p0 =	sne.s32 s30, s13;
	s0 =	sshll.u32 s28, $0x6;
	[sflag:s25] =	ssyncadd.s32 $0xFFFFE000  }
.Ltmp1:
0x24: {  	s0 =	sor.u32 $0x1C09, s0;
	[bflag:$0x0] =	sbarrier.arrive $0xFFFF;
	(pc) =	sbr.rel @!p0 .LBB2_7-.Ltmp1, $4  }
0x25: {  	[hbm:s12], [sflag:s0] =	dma.local [spmem:s19], $0x1400  }
0x26: {  	_ =	swait.ge [sflag:s14], $0x1400  }
0x27: {  	[sflag:s14] =	ssyncset.done $0x0  }
0x28: {  	[sflag:s14] =	ssyncadd.s32 $0xFFFFEC00  }
.LBB2_1:
0x29: {  	[tilespmem:s3], [sflag:$0x9] =	stream.linear.gather [hbm4b:s5+s3], $0x2800, $0x38;
	[tilespmem:$0x17000] =	vst v63  }
0x2a: {  	_ =	swait.ge [sflag:s14], $0x2800  }
0x2b: {  	[sflag:s14] =	ssyncset.done $0x0  }
0x2c: {  	[sflag:s14] =	ssyncadd.s32 $0xFFFFD800  }
0x2d: {  	[tilespmem:s15], [sflag:$0x9] =	stream.linear.gather [hbm4b:s6+s3], $0x2800, $0x38;
	[tilespmem:$0x17000] =	vst v63  }
0x2e: {  	_ =	swait.ge [sflag:s14], $0x2800  }
0x2f: {  	[sflag:s14] =	ssyncset.done $0x0  }
0x30: {  	s0 =	simm.s32 $0x5040;
	[sflag:s14] =	ssyncadd.s32 $0xFFFFD800  }
0x31: {  	[tilespmem:s0+$0xFFFFFFC0] =	vst v0  }
0x32: {  	[tilespmem:s0+$0x30] =	vst v0  }
0x33: {  	[tilespmem:s0+$0x20] =	vst v0  }
0x34: {  	[tilespmem:s0+$0x10] =	vst v0  }
0x35: {  	[tilespmem:s0+$0x0] =	vst v0  }
0x36: {  	[tilespmem:s0+$0xFFFFFFF0] =	vst v0  }
0x37: {  	s19 =	simm.s32 $0x0;
	[tilespmem:s0+$0xFFFFFFE0] =	vst v0  }
.LBB2_2:
0x38: {  	s19 =	sadd.s32 $0x2, s19;
	[tilespmem:s0+$0xFFFFFFD0] =	vst v0;
	s0 =	sadd.s32 $0x80, s0  }
0x39: {  	[tilespmem:s0+$0xFFFFFFC0] =	vst v0;
	p0 =	slt.u32 s19, $0x7E  }
0x3a: {  	[tilespmem:s0+$0x30] =	vst v0  }
.Ltmp2:
0x3b: {  	[tilespmem:s0+$0x20] =	vst v0;
	(pc) =	sbr.rel @p0 .LBB2_2-.Ltmp2, $4  }
0x3c: {  	[tilespmem:s0+$0x10] =	vst v0  }
0x3d: {  	[tilespmem:s0+$0x0] =	vst v0  }
0x3e: {  	[tilespmem:s0+$0xFFFFFFF0] =	vst v0  }
0x3f: {  	[tilespmem:s0+$0xFFFFFFE0] =	vst v0  }
0x40: {  	[tilespmem:s0+$0xFFFFFFD0] =	vst v0  }
0x41: {  	[spmem:s7] =	stream.linear.scatter [tilespmem:s16], [sflag:$0x9], $0x2000, $0x38;
	[tilespmem:$0x17000] =	vst v63  }
0x42: {  	_ =	swait.ge [sflag:s14], $0x2000  }
0x43: {  	[sflag:s14] =	ssyncset.done $0x0  }
0x44: {  	[sflag:s14] =	ssyncadd.s32 $0xFFFFE000  }
0x45: {  	[spmem:s8] =	stream.linear.scatter [tilespmem:s16], [sflag:$0x9], $0x2000, $0x38;
	[tilespmem:$0x17000] =	vst v63  }
0x46: {  	_ =	swait.ge [sflag:s14], $0x2000  }
0x47: {  	[sflag:s14] =	ssyncset.done $0x0  }
0x48: {  	[sflag:s14] =	ssyncadd.s32 $0xFFFFE000  }
0x49: {  	[spmem:s9] =	stream.linear.scatter [tilespmem:s16], [sflag:$0x9], $0x2000, $0x38;
	[tilespmem:$0x17000] =	vst v63  }
0x4a: {  	_ =	swait.ge [sflag:s14], $0x2000  }
0x4b: {  	[sflag:s14] =	ssyncset.done $0x0  }
0x4c: {  	[sflag:s14] =	ssyncadd.s32 $0xFFFFE000  }
0x4d: {  	[spmem:s10] =	stream.linear.scatter [tilespmem:s16], [sflag:$0x9], $0x2000, $0x38;
	[tilespmem:$0x17000] =	vst v63  }
0x4e: {  	_ =	swait.ge [sflag:s14], $0x2000  }
0x4f: {  	[sflag:s14] =	ssyncset.done $0x0  }
0x50: {  	[sflag:s14] =	ssyncadd.s32 $0xFFFFE000  }
0x51: {  	[spmem:s11] =	stream.linear.scatter [tilespmem:s16], [sflag:$0x9], $0x2000, $0x38;
	[tilespmem:$0x17000] =	vst v63  }
0x52: {  	_ =	swait.ge [sflag:s14], $0x2000  }
0x53: {  	[sflag:s14] =	ssyncset.done $0x0  }
0x54: {  	s0 =	simm.s32 $0x0;
	[sflag:s14] =	ssyncadd.s32 $0xFFFFE000  }
0x55: {  	[tilespmem:s16], [sflag:$0x1] =	stream.indirect.gather [hbm4b:s4+s17], $0x40, s0, s17, $0xb8;
	[tilespmem:$0x17000] =	vst v63  }
0x56: {  	_ = 	snop  }
0x57: {  	[tilespmem:s18], [sflag:$0x2] =	stream.indirect.gather [hbm4b:s4+s17], $0x40, s17, s17, $0xb8;
	[tilespmem:$0x17000] =	vst v63  }
0x58: {  	s19 =	simm.s32 $0x100  }
0x59: {  	[tilespmem:s20], [sflag:$0x3] =	stream.indirect.gather [hbm4b:s4+s17], $0x40, s19, s17, $0xb8;
	[tilespmem:$0x17000] =	vst v63  }
0x5a: {  	s28 =	simm.s32 $0x180  }
0x5b: {  	[tilespmem:s22], [sflag:$0x4] =	stream.indirect.gather [hbm4b:s4+s17], $0x40, s28, s17, $0xb8;
	[tilespmem:$0x17000] =	vst v63  }
0x5c: {  	[bflag:$0x0] =	sbarrier.arrive $0xFFFF  }
0x5d: {  	_ =	swait.ge [sflag:s23], $0x2000  }
0x5e: {  	[sflag:s23] =	ssyncset.done $0x0  }
0x5f: {  	[sflag:s23] =	ssyncadd.s32 $0xFFFFE000  }
0x60: {  	[spmem:s2] =	stream.indirect.scatter.add.f32 [tilespmem:s16], [sflag:$0x5], $0x40, s15, s17, $0xb8;
	[tilespmem:$0x17000] =	vst v63  }
0x61: {  	_ =	swait.ge [sflag:s24], $0x2000  }
0x62: {  	[sflag:s24] =	ssyncset.done $0x0  }
0x63: {  	s28 =	simm.s32 $0x2880;
	[sflag:s24] =	ssyncadd.s32 $0xFFFFE000  }
0x64: {  	[spmem:s2] =	stream.indirect.scatter.add.f32 [tilespmem:s18], [sflag:$0x6], $0x40, s28, s17, $0xb8;
	[tilespmem:$0x17000] =	vst v63  }
0x65: {  	_ =	swait.ge [sflag:s26], $0x2000  }
0x66: {  	[sflag:s26] =	ssyncset.done $0x0  }
0x67: {  	s28 =	simm.s32 $0x2900;
	[sflag:s26] =	ssyncadd.s32 $0xFFFFE000  }
0x68: {  	[spmem:s2] =	stream.indirect.scatter.add.f32 [tilespmem:s20], [sflag:$0x7], $0x40, s28, s17, $0xb8;
	[tilespmem:$0x17000] =	vst v63  }
0x69: {  	_ =	swait.ge [sflag:s29], $0x2000  }
0x6a: {  	[sflag:s29] =	ssyncset.done $0x0  }
0x6b: {  	s28 =	simm.s32 $0x200;
	[sflag:s29] =	ssyncadd.s32 $0xFFFFE000  }
0x6c: {  	[tilespmem:s16], [sflag:$0x1] =	stream.indirect.gather [hbm4b:s4+s17], $0x40, s28, s17, $0xb8;
	[tilespmem:$0x17000] =	vst v63  }
0x6d: {  	_ =	swait.ge [sflag:s31], $0x2000  }
0x6e: {  	[sflag:s31] =	ssyncset.done $0x0  }
0x6f: {  	s28 =	simm.s32 $0x2980;
	[sflag:s31] =	ssyncadd.s32 $0xFFFFE000  }
0x70: {  	[spmem:s2] =	stream.indirect.scatter.add.f32 [tilespmem:s22], [sflag:$0x8], $0x40, s28, s17, $0xb8;
	[tilespmem:$0x17000] =	vst v63  }
0x71: {  	_ =	swait.ge [sflag:s1], $0x2000  }
0x72: {  	[sflag:s1] =	ssyncset.done $0x0  }
0x73: {  	s28 =	simm.s32 $0x280;
	[sflag:s1] =	ssyncadd.s32 $0xFFFFE000  }
0x74: {  	[tilespmem:s18], [sflag:$0x2] =	stream.indirect.gather [hbm4b:s4+s17], $0x40, s28, s17, $0xb8;
	[tilespmem:$0x17000] =	vst v63  }
.LBB2_4:
0x75: {  	_ =	swait.ge [sflag:s23], $0x2000  }
0x76: {  	s19 =	sshra.s32 s0, $0x2;
	[sflag:s23] =	ssyncset.done $0x0  }
0x77: {  	s28 =	sadd.s32 $0x2A00, s19;
	[sflag:s23] =	ssyncadd.s32 $0xFFFFE000  }
0x78: {  	[spmem:s2] =	stream.indirect.scatter.add.f32 [tilespmem:s16], [sflag:$0x5], $0x40, s28, s17, $0xb8;
	[tilespmem:$0x17000] =	vst v63  }
0x79: {  	_ =	swait.ge [sflag:s21], $0x2000  }
0x7a: {  	[sflag:s21] =	ssyncset.done $0x0  }
0x7b: {  	s28 =	sadd.s32 $0x300, s19;
	[sflag:s21] =	ssyncadd.s32 $0xFFFFE000  }
0x7c: {  	[tilespmem:s20], [sflag:$0x3] =	stream.indirect.gather [hbm4b:s4+s17], $0x40, s28, s17, $0xb8;
	[tilespmem:$0x17000] =	vst v63  }
0x7d: {  	_ =	swait.ge [sflag:s24], $0x2000  }
0x7e: {  	[sflag:s24] =	ssyncset.done $0x0  }
0x7f: {  	s28 =	sadd.s32 $0x2A80, s19;
	[sflag:s24] =	ssyncadd.s32 $0xFFFFE000  }
0x80: {  	[spmem:s2] =	stream.indirect.scatter.add.f32 [tilespmem:s18], [sflag:$0x6], $0x40, s28, s17, $0xb8;
	[tilespmem:$0x17000] =	vst v63  }
0x81: {  	_ =	swait.ge [sflag:s25], $0x2000  }
0x82: {  	[sflag:s25] =	ssyncset.done $0x0  }
0x83: {  	p0 =	seq.s32 s0, $0x9000;
	s28 =	sadd.s32 $0x380, s19;
	[sflag:s25] =	ssyncadd.s32 $0xFFFFE000  }
0x84: {  	[tilespmem:s22], [sflag:$0x4] =	stream.indirect.gather [hbm4b:s4+s17], $0x40, s28, s17, $0xb8;
	[tilespmem:$0x17000] =	vst v63  }
.Ltmp3:
0x85: {  	_ = 	snop;
	(pc) =	sbr.rel @p0 .LBB2_6-.Ltmp3, $4  }
0x86: {  	_ =	swait.ge [sflag:s26], $0x2000  }
0x87: {  	[sflag:s26] =	ssyncset.done $0x0  }
0x88: {  	s28 =	sadd.s32 $0x2B00, s19;
	[sflag:s26] =	ssyncadd.s32 $0xFFFFE000  }
0x89: {  	[spmem:s2] =	stream.indirect.scatter.add.f32 [tilespmem:s20], [sflag:$0x7], $0x40, s28, s17, $0xb8;
	[tilespmem:$0x17000] =	vst v63  }
0x8a: {  	_ =	swait.ge [sflag:s29], $0x2000  }
0x8b: {  	[sflag:s29] =	ssyncset.done $0x0  }
0x8c: {  	s28 =	sadd.s32 $0x400, s19;
	[sflag:s29] =	ssyncadd.s32 $0xFFFFE000  }
0x8d: {  	[tilespmem:s16], [sflag:$0x1] =	stream.indirect.gather [hbm4b:s4+s17], $0x40, s28, s17, $0xb8;
	[tilespmem:$0x17000] =	vst v63  }
0x8e: {  	_ =	swait.ge [sflag:s31], $0x2000  }
0x8f: {  	[sflag:s31] =	ssyncset.done $0x0  }
0x90: {  	s28 =	sadd.s32 $0x2B80, s19;
	[sflag:s31] =	ssyncadd.s32 $0xFFFFE000  }
0x91: {  	[spmem:s2] =	stream.indirect.scatter.add.f32 [tilespmem:s22], [sflag:$0x8], $0x40, s28, s17, $0xb8;
	[tilespmem:$0x17000] =	vst v63  }
.Ltmp4:
0x92: {  	_ = 	snop;
	(pc) =	sbr.rel .LBB2_4-.Ltmp4, $4  }
0x93: {  	_ =	swait.ge [sflag:s1], $0x2000  }
0x94: {  	[sflag:s1] =	ssyncset.done $0x0  }
0x95: {  	s0 =	sadd.s32 $0x800, s0;
	s28 =	sadd.s32 $0x480, s19;
	[sflag:s1] =	ssyncadd.s32 $0xFFFFE000  }
0x96: {  	[tilespmem:s18], [sflag:$0x2] =	stream.indirect.gather [hbm4b:s4+s17], $0x40, s28, s17, $0xb8;
	[tilespmem:$0x17000] =	vst v63  }
.LBB2_7:
0x97: {  	_ =	sfence.sel $0x180000  }
0x98: {  	[bflag:$0x0] =	sbarrier.arrive $0xFFFF  }
0x99: {  	_ =	strace $0x90000050  }
0x9a: {  	s0 =	stileid.u32;
	[bflag:$0x2] =	sbarrier.arrive $0xFFFF  }
0x9b: {  	p0 =	sne.s32 s0, $0x0;
	s0 =	rddreg [dreg:$0x3]  }
0x9c: {  	s0 =	sadd.s32 @!p0 $0x100000, s0  }
0x9d: {  	[sflag:s0] =	ssyncadd.tile.s32 @!p0 $0x1;
	_ =	shalt  }
.Lfunc_end2:
_tile_overlayer_lowered:
.L_overlay_start_2:
0x9e: {  	(tag) =	ssettag $0x2  }
0x9f: {  	s0 =	rddreg [dreg:$0x0];
	s2 =	stileid.u32  }
0xa0: {  	s1 =	rddreg [dreg:$0x1];
	p0 =	sne.s32 s2, $0x0  }
0xa1: {  	s3 =	rddreg [dreg:$0x2];
	[bflag:$0x3] =	sbarrier.arrive $0xFFFF;
	s2 =	simm.s32 @!p0 $0x1C09  }
0xa2: {  	[timem:s3], [sflag:s2] =	dma.local @!p0 [hbm:s0], s1  }
0xa3: {  	s0 =	simm.s32 @!p0 $0x9  }
0xa4: {  	_ =	swait.ge @!p0 [sflag:s0], s1  }
0xa5: {  	s1 =	ssub.s32 @!p0 $0x0, s1;
	[sflag:s0] =	ssyncset.done @!p0 $0x0  }
0xa6: {  	[sflag:s0] =	ssyncadd.s32 @!p0 s1  }
0xa7: {  	[bflag:$0x3] =	sbarrier.arrive $0xFFFF  }
0xa8: {  	_ =	shalt  }

// kernel: kernel.9.cloned.1.call-start
scs
__scs_entry_jumppad:
0x0: {  	(pc) =	sbr.rel $0x88, $3  }
0x1: {  	(tag) =	ssettag $0x0;
	lr =	simm.s32 $0x1  }
0x2: {  	[smem:$0x3F9B] =	sst lr;
	_ =	strace $0xD0000000  }
0x3: {  	_ = 	snop  }
0x4: {  	_ = 	snop  }
0x5: {  	_ = 	snop  }
0x6: {  	_ = 	snop  }
0x7: {  	_ = 	snop  }
__scs_overlays_trampoline_lowered:
0x8: {  	[smem:$0x3FAA] =	sst s0  }
0x9: {  	[smem:$0x3FAB] =	sst s1  }
0xa: {  	[smem:$0x3FAC] =	sst s2  }
0xb: {  	[smem:$0x3FAD] =	sst s3  }
0xc: {  	[smem:$0x3FAE] =	sst s4  }
0xd: {  	[smem:$0x3FAF] =	sst s5  }
0xe: {  	[smem:$0x3FB0] =	sst s6  }
0xf: {  	[smem:$0x3FB1] =	sst s7  }
0x10: {  	[smem:$0x3FB2] =	sst s8  }
0x11: {  	[smem:$0x3FB3] =	sst s9;
	s0 =	simm.s32 @!p0 $0x0  }
0x12: {  	s1 =	sld [smem:$0x3F99];
	s0 =	simm.s32 @p0 $0x1  }
0x13: {  	[smem:$0x3FB4] =	sst s0;
	s0 =	simm.s32 @!p1 $0x0  }
0x14: {  	s2 =	sld [smem:$0x3F98];
	s0 =	simm.s32 @p1 $0x1  }
0x15: {  	[smem:$0x3FB5] =	sst s0;
	s0 =	simm.s32 @!p2 $0x0  }
0x16: {  	s3 =	sld [smem:$0x3FDB];
	s0 =	simm.s32 @p2 $0x1  }
0x17: {  	s4 =	simm.s32 $0x1BF5;
	[smem:$0x3FB7] =	sst s0  }
0x18: {  	s0 =	sld [smem:$0x3F9A];
	_ =	swait.ge [sflag:s4], $0x0  }
0x19: {  	s7 =	sld [smem:$0x3F9B]  }
0x1a: {  	s8 =	sadd.s32 $0xFFFFE003, lr  }
0x1b: {  	s9 =	sadd.s32 $0xFFFFFEF7, lr;
	s5 =	simm.s32 $0xFFFFFFFF;
	p2 =	slt.u32 s8, $0xFFFFF086  }
0x1c: {  	p1 =	slt.u32 s9, $0xF7A;
	s5 =	simm.s32 @!p2 $0x0  }
0x1d: {  	s5 =	simm.s32 @p1 $0x1;
	p0 =	seq.s32 s7, s2  }
0x1e: {  	s7 =	smul.u32 @!p0 $0xF7A, s2;
	p2 =	seq.s32 @!p0 s5, $0x0  }
0x1f: {  	s9 =	smul.u32 $0xF7A, s1;
	s8 =	simm.s32 @!p0 $0x1BF5;
	p2 =	por !p2, p0  }
0x20: {  	[sflag:s8] =	ssyncset.s32 @!p0 $0xFFFFF086;
	s6 =	sadd.s32 @!p0 s3, s7;
	s7 =	simm.s32 @!p0 $0x108  }
0x21: {  	s3 =	sadd.s32 s3, s9;
	s6 =	sadd.s32 @!p0 $0x88, s6;
	s7 =	simm.s32 @p2 $0x1082  }
0x22: {  	[simem:s7], [sflag:s8] =	dma.local @!p0 [hbm:s6], $0xF7A  }
0x23: {  	s9 =	sor.u32 $0xD0000000, s2;
	s6 =	simm.s32 $0x108;
	_ =	swait.ge @!p0 [sflag:s8], $0x0  }
0x24: {  	s3 =	sadd.s32 $0x88, s3;
	s6 =	simm.s32 @!p1 $0x1082;
	[sflag:s4] =	ssyncset.s32 $0xFFFFF086  }
0x25: {  	[simem:s6], [sflag:s4] =	dma.local [hbm:s3], $0xF7A  }
0x26: {  	[smem:$0x3F9B] =	sst s1;
	(tag) =	ssettag s2;
	_ =	strace s9  }
0x27: {  	s1 =	sld [smem:$0x3FAB]  }
0x28: {  	s2 =	sld [smem:$0x3FAC]  }
0x29: {  	s4 =	sld [smem:$0x3FAE]  }
0x2a: {  	p0 =	seq.s32 s5, $0x0;
	s5 =	sld [smem:$0x3FAF]  }
0x2b: {  	s6 =	sld [smem:$0x3FB0]  }
0x2c: {  	s7 =	sld [smem:$0x3FB1]  }
0x2d: {  	s3 =	simm.s32 $0x108;
	s8 =	sld [smem:$0x3FB2]  }
0x2e: {  	s3 =	simm.s32 @!p0 $0x1082;
	s9 =	sld [smem:$0x3FB3]  }
0x2f: {  	lr =	sadd.s32 s0, s3;
	s0 =	sld [smem:$0x3FAA]  }
0x30: {  	s3 =	sld [smem:$0x3FAD]  }
0x31: {  	[smem:$0x3FB6] =	sst s10  }
0x32: {  	s10 =	sld [smem:$0x3FB4];
	_ =	sdelay $0x3  }
0x33: {  	p0 =	seq.s32 s10, $0x1;
	s10 =	sld [smem:$0x3FB6];
	_ =	sdelay $0x3  }
0x34: {  	[smem:$0x3FB6] =	sst s10  }
0x35: {  	s10 =	sld [smem:$0x3FB5];
	_ =	sdelay $0x3  }
0x36: {  	p1 =	seq.s32 s10, $0x1;
	s10 =	sld [smem:$0x3FB6];
	_ =	sdelay $0x3  }
0x37: {  	[smem:$0x3FB6] =	sst s10  }
0x38: {  	s10 =	sld [smem:$0x3FB7]  }
0x39: {  	_ = 	snop;
	(pc) =	sbr.ind lr, $3  }
0x3a: {  	_ = 	snop  }
0x3b: {  	_ = 	snop  }
0x3c: {  	p2 =	seq.s32 s10, $0x1;
	s10 =	sld [smem:$0x3FB6]  }
0x3d: {  	_ =	shalt  }
0x3e: {  	_ =	shalt  }
0x3f: {  	_ =	shalt  }
0x40: {  	_ =	shalt  }
0x41: {  	_ =	shalt  }
0x42: {  	_ =	shalt  }
0x43: {  	_ =	shalt  }
0x44: {  	_ =	shalt  }
0x45: {  	_ =	shalt  }
0x46: {  	_ =	shalt  }
0x47: {  	_ =	shalt  }
0x48: {  	_ =	shalt  }
0x49: {  	_ =	shalt  }
0x4a: {  	_ =	shalt  }
0x4b: {  	_ =	shalt  }
0x4c: {  	_ =	shalt  }
0x4d: {  	_ =	shalt  }
0x4e: {  	_ =	shalt  }
0x4f: {  	_ =	shalt  }
0x50: {  	_ =	shalt  }
0x51: {  	_ =	shalt  }
0x52: {  	_ =	shalt  }
0x53: {  	_ =	shalt  }
0x54: {  	_ =	shalt  }
0x55: {  	_ =	shalt  }
0x56: {  	_ =	shalt  }
0x57: {  	_ =	shalt  }
0x58: {  	_ =	shalt  }
0x59: {  	_ =	shalt  }
0x5a: {  	_ =	shalt  }
0x5b: {  	_ =	shalt  }
0x5c: {  	_ =	shalt  }
0x5d: {  	_ =	shalt  }
0x5e: {  	_ =	shalt  }
0x5f: {  	_ =	shalt  }
0x60: {  	_ =	shalt  }
0x61: {  	_ =	shalt  }
0x62: {  	_ =	shalt  }
0x63: {  	_ =	shalt  }
0x64: {  	_ =	shalt  }
0x65: {  	_ =	shalt  }
0x66: {  	_ =	shalt  }
0x67: {  	_ =	shalt  }
0x68: {  	_ =	shalt  }
0x69: {  	_ =	shalt  }
0x6a: {  	_ =	shalt  }
0x6b: {  	_ =	shalt  }
0x6c: {  	_ =	shalt  }
0x6d: {  	_ =	shalt  }
0x6e: {  	_ =	shalt  }
0x6f: {  	_ =	shalt  }
0x70: {  	_ =	shalt  }
0x71: {  	_ =	shalt  }
0x72: {  	_ =	shalt  }
0x73: {  	_ =	shalt  }
0x74: {  	_ =	shalt  }
0x75: {  	_ =	shalt  }
0x76: {  	_ =	shalt  }
0x77: {  	_ =	shalt  }
0x78: {  	_ =	shalt  }
0x79: {  	_ =	shalt  }
0x7a: {  	_ =	shalt  }
0x7b: {  	_ =	shalt  }
0x7c: {  	_ =	shalt  }
0x7d: {  	_ =	shalt  }
0x7e: {  	_ =	shalt  }
0x7f: {  	_ =	shalt  }
0x80: {  	_ =	shalt  }
0x81: {  	_ =	shalt  }
0x82: {  	_ =	shalt  }
0x83: {  	_ =	shalt  }
0x84: {  	_ =	shalt  }
0x85: {  	_ =	shalt  }
0x86: {  	_ =	shalt  }
0x87: {  	_ =	shalt  }
.Lfunc_end0:
.L_simem_size_0:
called_computation_lowered:
.L_overlay_start_0:
0x88: {  	s2 =	sld [smem:$0x3FD9]  }
0x89: {  	s3 =	sld [smem:$0x3FFE];
	_ =	sdelay $0x1  }
0x8a: {  	s1 =	srdreg.scid  }
0x8b: {  	s0 =	sand.u32 $0x1, s1  }
0x8c: {  	s16 =	sshll.u32 s0, $0xA;
	s2 =	sadd.s32 s3, s2  }
0x8d: {  	s2 =	sadd.s32 s2, s16  }
0x8e: {  	[smem:$0x3FC2] =	sst s2  }
0x8f: {  	_ = 	snop  }
0x90: {  	(tm) =	ssettm $0x1  }
0x91: {  	s17 =	sld [smem:$0x3FFB];
	_ =	sdelay $0x3  }
0x92: {  	_ =	strace s17  }
0x93: {  	s2 =	sld [smem:$0x3FFC];
	_ =	sdelay $0x3  }
0x94: {  	_ =	strace s2  }
0x95: {  	s2 =	sld [smem:$0x3FFD];
	_ =	sdelay $0x3  }
0x96: {  	_ =	strace s2  }
0x97: {  	_ =	strace $0x8FFFFFFF  }
0x98: {  	s18 =	sld [smem:$0x3FDB];
	_ =	sdelay $0x1  }
0x99: {  	s19 =	simm.s32 $_scs_section_size  }
0x9a: {  	s4 =	simm.s32 $_size__tile_overlayer_lowered;
	s5 =	simm.s32 $_tile_overlayer_lowered  }
0x9b: {  	s22 =	simm.s32 $0x1BFF;
	s21 =	sshll.u32 s5, $0x1;
	s2 =	sadd.s32 s19, s18  }
0x9c: {  	s6 =	simm.s32 $0x0;
	s20 =	sshll.u32 s4, $0x1;
	s4 =	sadd.s32 s21, s2  }
0x9d: {  	[timem:s6], [sflag:s22] =	dma.local [hbm:s4], s20  }
0x9e: {  	_ =	swait.ge [sflag:s22], s20  }
0x9f: {  	s3 =	ssub.s32 $0x0, s20;
	[sflag:s22] =	ssyncset.done $0x0  }
0xa0: {  	[sflag:s22] =	ssyncadd.s32 s3;
	_ =	sdelay $0x1  }
0xa1: {  	s23 =	simm.s32 $0x1B8B  }
0xa2: {  	_ =	swait.ge [sflag:s23], $0x1  }
0xa3: {  	[sflag:s23] =	ssyncset.done $0x0  }
0xa4: {  	s25 =	simm.s32 $0x1B8E;
	s24 =	sld [smem:$0x3FFE];
	[sflag:s23] =	ssyncadd.s32 $0xFFFFFFFF  }
0xa5: {  	s26 =	simm.s32 $execute0_lowered;
	[smem:$0x3FD2] =	sst s25  }
0xa6: {  	s4 =	sshll.u32 s26, $0x1;
	_ =	strace $0x80000046;
	[dreg:$0x1] =	wrdreg $0xFFFFFFFF  }
0xa7: {  	s28 =	simm.s32 $_size_execute0_lowered;
	s2 =	sadd.s32 s2, s4;
	[dreg:$0x0] =	wrdreg $0x0  }
0xa8: {  	s4 =	sshll.u32 s28, $0x1;
	[dreg:$0x2] =	wrdreg s2  }
0xa9: {  	[dreg:$0x3] =	wrdreg s4  }
0xaa: {  	[dreg:$0x4] =	wrdreg $0xC0  }
0xab: {  	_ =	task [dreg:s6], $0x5FFFF  }
0xac: {  	[dreg:$0x1] =	wrdreg $0xFFFFFFFF  }
0xad: {  	[dreg:$0x0] =	wrdreg $0x60  }
0xae: {  	[dreg:$0x2] =	wrdreg s24  }
0xaf: {  	[dreg:$0x3] =	wrdreg $0x9  }
0xb0: {  	_ =	task.clear_ibuf [dreg:s6], $0x4FFFF;
	_ =	strace $0x90000046  }
0xb1: {  	s29 =	simm.s32 $0x9;
	_ =	strace $0x80000048  }
0xb2: {  	_ =	swait.ge [sflag:s29], $0x1  }
0xb3: {  	[sflag:s29] =	ssyncadd.s32 $0xFFFFFFFF  }
0xb4: {  	_ =	strace $0x90000048  }
0xb5: {  	_ =	sfence  }
0xb6: {  	s30 =	sld [smem:$0x0];
	_ =	sdelay $0x2  }
0xb7: {  	s31 =	sshll.u32 s1, $0xD;
	s1 =	sshrl.u32 s1, $0x2  }
0xb8: {  	s3 =	sand.u32 $0x4000, s31;
	s1 =	sadd.s32 s1, s30  }
0xb9: {  	s0 =	sor.u32 s3, s0;
	s1 =	sshll.u32 s1, $0x11  }
0xba: {  	s0 =	sor.u32 s1, s0  }
0xbb: {  	s0 =	sadd.s32 $0x8F2B, s0  }
0xbc: {  	[sflag:s0] =	ssyncadd.remote.s32 $0x1  }
0xbd: {  	_ =	sfence.sel $0xFFFF  }
0xbe: {  	[dreg:$0x0] =	wrdreg $0xFFFFFFFF;
	(pc) =	sbr.abs _section_cstart, $3  }
0xbf: {  	[dreg:$0x1] =	wrdreg $0xFFFFFFFF  }
0xc0: {  	_ =	task.clear_ibuf [dreg:s6], $0x2FFFF;
	_ =	strace $0x9FFFFFFF  }
0xc1: {  	(tm) =	ssettm $0x7FFFFFFF  }
tec
execute0_lowered:
.L_overlay_start_1:
0x0: {  	(tag) =	ssettag $0x1  }
0x1: {  	s1 =	srdreg.scid;
	s0 =	stileid.u32  }
0x2: {  	s4 =	rddreg [dreg:$0x0];
	s9 =	simm.s32 $0x400;
	s3 =	sand.u32 $0x1, s1  }
0x3: {  	s10 =	simm.s32 $0x0;
	s2 =	sshrl.u32 s0, $0x3;
	s5 =	smul.u32 $0x28000, s3  }
0x4: {  	s1 =	rddreg [dreg:$0x1];
	s8 =	sshll.u32 s0, $0x7;
	s6 =	smul.u32 $0x14000, s2  }
0x5: {  	s2 =	simm.s32 $0x0;
	s7 =	sshll.u32 s3, $0x4;
	s29 =	sand.u32 $0x380, s8  }
0x6: {  	s3 =	ssub.s32 $0x2, s3;
	s8 =	simm.s32 $0x80;
	s7 =	sor.u32 s0, s7  }
0x7: {  	[smem:$0x7FF] =	sst s2;
	s5 =	sadd.s32 s5, s6;
	s7 =	smul.u32 $0x500, s7  }
0x8: {  	s31 =	sshrl.u32 s3, $0x1;
	_ =	strace $0x80000047;
	s5 =	sor.u32 s29, s5  }
0x9: {  	s6 =	simm.s32 $0x1;
	s5 =	sshrl.u32 s5, $0x3;
	s30 =	sadd.s32 s7, s4  }
0xa: {  	s7 =	simm.s32 $0x2800;
	s4 =	sadd.s32 s5, s4;
	s5 =	ssub.s32 s3, s31  }
0xb: {  	v0 =	vimm.f32 $0.0e+00;
	v1 =	vimm.f32 $1.000000000e+00;
	s3 =	sadd.s32 $0x2000, s30;
	s4 =	sadd.s32 $0x16000, s4;
	s5 =	smax.u32 s5, $0x1  }
.LBB2_1:
0xc: {  	[tilespmem:s2], [sflag:$0x1] =	stream.linear.gather [hbm4b:s3+s2], $0x2800, $0x38;
	[tilespmem:$0x5000] =	vst v63  }
0xd: {  	_ =	swait.ge [sflag:s6], $0x2800  }
0xe: {  	[sflag:s6] =	ssyncset.done $0x0  }
0xf: {  	s11 =	simm.s32 $0x2820;
	[sflag:s6] =	ssyncadd.s32 $0xFFFFD800  }
0x10: {  	[tilespmem:s11+$0xFFFFFFE0] =	vst v0  }
0x11: {  	[tilespmem:s11+$0x10] =	vst v0  }
0x12: {  	s12 =	simm.s32 $0x0;
	[tilespmem:s11+$0x0] =	vst v0  }
.LBB2_2:
0x13: {  	s12 =	sadd.s32 $0x4, s12  }
0x14: {  	[tilespmem:s11+$0xFFFFFFF0] =	vst v0;
	s11 =	sadd.s32 $0x40, s11;
	p0 =	slt.u32 s12, $0x27C  }
.Ltmp0:
0x15: {  	[tilespmem:s11+$0xFFFFFFE0] =	vst v0;
	(pc) =	sbr.rel @p0 .LBB2_2-.Ltmp0, $3  }
0x16: {  	_ =	sdelay $0x1  }
0x17: {  	[tilespmem:s11+$0x10] =	vst v0  }
0x18: {  	[tilespmem:s11+$0x0] =	vst v0  }
0x19: {  	[tilespmem:s11+$0xFFFFFFF0] =	vst v0;
	s11 =	simm.s32 $0x0  }
.LBB2_4:
0x1a: {  	s12 =	sshra.s32 s11, $0x2  }
0x1b: {  	v2 =	vld [tilespmem:s12+$0x0];
	_ =	sdelay $0x7  }
0x1c: {  	[tilespmem:v2+s7+$0x0] =	vst.idx.add.f32.msk $0xffff, v1  }
0x1d: {  	v2 =	vld [tilespmem:s12+$0x10];
	_ =	sdelay $0x7  }
0x1e: {  	[tilespmem:v2+s7+$0x0] =	vst.idx.add.f32.msk $0xffff, v1  }
0x1f: {  	v2 =	vld [tilespmem:s12+$0x20];
	_ =	sdelay $0x7  }
0x20: {  	[tilespmem:v2+s7+$0x0] =	vst.idx.add.f32.msk $0xffff, v1  }
0x21: {  	v2 =	vld [tilespmem:s12+$0x30];
	_ =	sdelay $0x7  }
0x22: {  	[tilespmem:v2+s7+$0x0] =	vst.idx.add.f32.msk $0xffff, v1  }
0x23: {  	v2 =	vld [tilespmem:s12+$0x40];
	_ =	sdelay $0x7  }
0x24: {  	[tilespmem:v2+s7+$0x0] =	vst.idx.add.f32.msk $0xffff, v1  }
0x25: {  	v2 =	vld [tilespmem:s12+$0x50];
	_ =	sdelay $0x7  }
0x26: {  	[tilespmem:v2+s7+$0x0] =	vst.idx.add.f32.msk $0xffff, v1  }
0x27: {  	v2 =	vld [tilespmem:s12+$0x60];
	_ =	sdelay $0x7  }
0x28: {  	[tilespmem:v2+s7+$0x0] =	vst.idx.add.f32.msk $0xffff, v1  }
0x29: {  	v2 =	vld [tilespmem:s12+$0x70];
	_ =	sdelay $0x2  }
0x2a: {  	p0 =	sne.s32 s11, $0x9E00  }
.Ltmp1:
0x2b: {  	_ = 	snop;
	(pc) =	sbr.rel @p0 .LBB2_4-.Ltmp1, $2  }
0x2c: {  	_ =	sdelay $0x2  }
0x2d: {  	s11 =	sadd.s32 $0x200, s11;
	[tilespmem:v2+s7+$0x0] =	vst.idx.add.f32.msk $0xffff, v1  }
0x2e: {  	s10 =	sadd.s32 $0x1, s10  }
0x2f: {  	p0 =	sne.s32 s10, s5  }
.Ltmp2:
0x30: {  	_ = 	snop;
	(pc) =	sbr.rel @p0 .LBB2_1-.Ltmp2, $4  }
0x31: {  	[hbm4b:s4+s8] =	stream.strided.scatter [tilespmem:s7], [sflag:$0x1], $0x2800, s9, s8, $0x38;
	[tilespmem:$0x5000] =	vst v63  }
0x32: {  	_ =	swait.ge [sflag:s6], $0x2800  }
0x33: {  	[sflag:s6] =	ssyncset.done $0x0  }
0x34: {  	[sflag:s6] =	ssyncadd.s32 $0xFFFFD800  }
0x35: {  	_ =	sfence.sel $0x180000  }
0x36: {  	[bflag:$0x0] =	sbarrier.arrive $0xFFFF  }
0x37: {  	p0 =	sne.s32 s0, $0x0;
	_ =	strace $0x90000047  }
0x38: {  	s0 =	sadd.s32 @!p0 $0x100000, s1;
	[bflag:$0x2] =	sbarrier.arrive $0xFFFF  }
0x39: {  	[sflag:s0] =	ssyncadd.tile.s32 @!p0 $0x1;
	_ =	shalt  }
.Lfunc_end2:
_tile_overlayer_lowered:
.L_overlay_start_2:
0x3a: {  	(tag) =	ssettag $0x2  }
0x3b: {  	s0 =	rddreg [dreg:$0x0];
	s2 =	stileid.u32  }
0x3c: {  	s1 =	rddreg [dreg:$0x1];
	p0 =	sne.s32 s2, $0x0  }
0x3d: {  	s3 =	rddreg [dreg:$0x2];
	[bflag:$0x3] =	sbarrier.arrive $0xFFFF;
	s2 =	simm.s32 @!p0 $0x1C01  }
0x3e: {  	[timem:s3], [sflag:s2] =	dma.local @!p0 [hbm:s0], s1  }
0x3f: {  	s0 =	simm.s32 @!p0 $0x1  }
0x40: {  	_ =	swait.ge @!p0 [sflag:s0], s1  }
0x41: {  	s1 =	ssub.s32 @!p0 $0x0, s1;
	[sflag:s0] =	ssyncset.done @!p0 $0x0  }
0x42: {  	[sflag:s0] =	ssyncadd.s32 @!p0 s1  }
0x43: {  	[bflag:$0x3] =	sbarrier.arrive $0xFFFF  }
0x44: {  	_ =	shalt  }

</sc_bundles>
